<compile_context>
chip_gen: v7x
topology: tpu7x:2x2x1
jax: 0.10.2.dev20260603
libtpu: 0.0.44.dev20260713+nightly
codegen_flags: <defaults>
</compile_context>

<pallas_src>
import functools

import jax
import jax.numpy as jnp
from jax import lax
from jax.experimental import pallas as pl
from jax.experimental.pallas import tpu as pltpu
from jax.experimental.pallas import tpu_sc as plsc

N_NODES = 10000
D = 128
NC = 2
NS = 16
NW = NC * NS
CHUNK = 128
IGRP = 8
DP = D + 16
SRPT = 80
RPT = 640
N_PAD = NS * RPT

_mesh = plsc.VectorSubcoreMesh(core_axis_name="c", subcore_axis_name="s")



def _mm2_body(x_ref, wl_ref, wr_ref, b_ref, y_ref, r_ref):
    xb = x_ref[...]
    dn = (((1,), (1,)), ((), ()))
    y_ref[...] = lax.dot_general(xb, wl_ref[...], dn,
                                 preferred_element_type=jnp.float32)
    r_ref[...] = lax.dot_general(xb, wr_ref[...], dn,
                                 preferred_element_type=jnp.float32) + b_ref[...]


def _tc_premul(x, wl, wr, b):
    return pl.pallas_call(
        _mm2_body,
        out_shape=(jax.ShapeDtypeStruct(x.shape, jnp.float32),
                   jax.ShapeDtypeStruct(x.shape, jnp.float32)),
    )(x, wl, wr, b.reshape(1, D))


def _combine_body(acc_ref, r_ref, out_ref, *, relu):
    agg = acc_ref[0, :, :D] + acc_ref[1, :, :D]
    deg = acc_ref[0, :, D:D + 1] + acc_ref[1, :, D:D + 1]
    h = agg / jnp.maximum(deg, 1.0) + r_ref[...]
    out_ref[...] = jnp.maximum(h, 0.0) if relu else h


def _tc_combine(acc, r, relu):
    return pl.pallas_call(
        functools.partial(_combine_body, relu=relu),
        out_shape=jax.ShapeDtypeStruct(r.shape, jnp.float32),
    )(acc, r)



def _seg_body(n_chunks, y_hbm, src_hbm, dst_hbm, zacc_hbm, acc_out,
              src_v, dst_v, rows_v, stage_v, acc_sh):
    c = lax.axis_index("c")
    s = lax.axis_index("s")
    wid = c * NS + s
    row0 = s * RPT

    for t in range(RPT // SRPT):
        r = row0 + t * SRPT
        pltpu.sync_copy(zacc_hbm.at[pl.ds(r, SRPT)], stage_v)
        pltpu.sync_copy(stage_v, acc_sh.at[pl.ds(r, SRPT)])
    plsc.subcore_barrier()

    n_groups = n_chunks // IGRP

    def group(g, carry):
        pltpu.sync_copy(src_hbm.at[wid, pl.ds(g * IGRP, IGRP)], src_v)
        pltpu.sync_copy(dst_hbm.at[wid, pl.ds(g * IGRP, IGRP)], dst_v)
        for i in range(IGRP):
            pltpu.sync_copy(y_hbm.at[src_v.at[i]], rows_v)
            pltpu.sync_copy(rows_v, acc_sh.at[dst_v.at[i]], add=True)
        return carry

    lax.fori_loop(0, n_groups, group, 0)
    plsc.subcore_barrier()

    for t in range(RPT // SRPT):
        r = row0 + t * SRPT
        pltpu.sync_copy(acc_sh.at[pl.ds(r, SRPT)], stage_v)
        pltpu.sync_copy(stage_v, acc_out.at[c, pl.ds(r, SRPT)])


def _sc_segsum(y, src3, dst3, zacc):
    n_chunks = src3.shape[1]
    fn = pl.kernel(
        functools.partial(_seg_body, n_chunks),
        out_type=jax.ShapeDtypeStruct((NC, N_PAD, DP), jnp.float32),
        mesh=_mesh,
        compiler_params=pltpu.CompilerParams(use_tc_tiling_on_sc=False),
        scratch_types=(
            pltpu.VMEM((IGRP, CHUNK), jnp.int32),
            pltpu.VMEM((IGRP, CHUNK), jnp.int32),
            pltpu.VMEM((CHUNK, DP), jnp.float32),
            pltpu.VMEM((SRPT, DP), jnp.float32),
            pltpu.VMEM_SHARED((N_PAD, DP), jnp.float32),
        ),
    )
    return fn(y, src3, dst3, zacc)


def _dec_body(n_chunks, z_hbm, es_hbm, ed_hbm, out_hbm,
              es_v, ed_v, zs_v, zd_v, out_v):
    c = lax.axis_index("c")
    s = lax.axis_index("s")
    wid = c * NS + s
    pltpu.sync_copy(es_hbm.at[wid], es_v)
    pltpu.sync_copy(ed_hbm.at[wid], ed_v)
    lane = lax.iota(jnp.int32, 16)

    _gdn = lax.GatherDimensionNumbers(
        offset_dims=(), collapsed_slice_dims=(0,), start_index_map=(0,))

    def _perm(a, idx):
        return lax.gather(a, idx[:, None], _gdn, slice_sizes=(1,),
                          mode=lax.GatherScatterMode.PROMISE_IN_BOUNDS)

    def _combine(a, b, bit):
        m = (lane & bit) == 0
        pa = _perm(a, lane ^ bit)
        pb = _perm(b, lane ^ bit)
        return jnp.where(m, a, pb) + jnp.where(m, pa, b)

    def chunk(i, carry):
        pltpu.sync_copy(z_hbm.at[es_v.at[i]], zs_v)
        pltpu.sync_copy(z_hbm.at[ed_v.at[i]], zd_v)

        def group(g, carry2):
            vs = []
            for j in range(16):
                row = g * 16 + j
                acc = jnp.zeros((16,), jnp.float32)
                for k in range(D // 16):
                    acc = acc + (zs_v[row, pl.ds(k * 16, 16)]
                                 * zd_v[row, pl.ds(k * 16, 16)])
                vs.append(acc)
            for bit in (1, 2, 4, 8):
                vs = [_combine(vs[2 * t], vs[2 * t + 1], bit)
                      for t in range(len(vs) // 2)]
            out_v[i, pl.ds(g * 16, 16)] = vs[0]
            return carry2

        lax.fori_loop(0, CHUNK // 16, group, 0)
        return carry

    lax.fori_loop(0, n_chunks, chunk, 0)
    pltpu.sync_copy(out_v, out_hbm.at[wid])


def _sc_decode(z, es3, ed3):
    n_chunks = es3.shape[1]
    fn = pl.kernel(
        functools.partial(_dec_body, n_chunks),
        out_type=jax.ShapeDtypeStruct((NW, n_chunks, CHUNK), jnp.float32),
        mesh=_mesh,
        scratch_types=(
            pltpu.VMEM((n_chunks, CHUNK), jnp.int32),
            pltpu.VMEM((n_chunks, CHUNK), jnp.int32),
            pltpu.VMEM((CHUNK, D), jnp.float32),
            pltpu.VMEM((CHUNK, D), jnp.float32),
            pltpu.VMEM((n_chunks, CHUNK), jnp.float32),
        ),
    )
    return fn(z, es3, ed3)



def _pad_idx(idx, fill):
    e = idx.shape[0]
    e_pad = -(-e // (NW * CHUNK)) * (NW * CHUNK)
    n_chunks = e_pad // (NW * CHUNK)
    out = jnp.full((e_pad,), fill, jnp.int32).at[:e].set(idx.astype(jnp.int32))
    return out.reshape(NW, n_chunks, CHUNK)


def kernel(x, edge_index, edges, W1l, b1, W1r, W2l, b2, W2r):
    n, d = x.shape
    e = edge_index.shape[1]
    x_pad = jnp.zeros((N_PAD, d), jnp.float32).at[:n].set(x)

    src3 = _pad_idx(edge_index[0], 0)
    dst3 = _pad_idx(edge_index[1], N_NODES)
    es3 = _pad_idx(edges[:, 0], 0)
    ed3 = _pad_idx(edges[:, 1], 0)

    zacc = jnp.zeros((N_PAD, DP), jnp.float32)
    onecol = jnp.ones((N_PAD, DP - D), jnp.float32)

    y1, r1 = _tc_premul(x_pad, W1l, W1r, b1)
    acc1 = _sc_segsum(jnp.concatenate([y1, onecol], axis=1), src3, dst3, zacc)
    h = _tc_combine(acc1, r1, relu=True)

    y2, r2 = _tc_premul(h, W2l, W2r, b2)
    acc2 = _sc_segsum(jnp.concatenate([y2, onecol], axis=1), src3, dst3, zacc)
    z = _tc_combine(acc2, r2, relu=False)

    out3 = _sc_decode(z, es3, ed3)
    return out3.reshape(-1)[:e]

# --- scband reference (transcript-rebuilt; emitter-appended) ---
"""Pipeline reference for scband-simple-lp-55490977465141 (READ-ONLY COPY).

The authoritative reference and input builder live on the scoring server;
editing this copy changes nothing except your own understanding.
"""

import jax, jax.numpy as jnp
import numpy as np

N_NODES = 10000
N_EDGES = 320000
D_IN = 128
HIDDEN = 128

def setup_inputs(seed: int = 0) -> dict:
    key = jax.random.key(seed)
    ks = jax.random.split(key, 10)
    x = jax.random.normal(ks[0], (N_NODES, D_IN), dtype=jnp.float32)
    edge_index = jax.random.randint(ks[1], (2, N_EDGES), 0, N_NODES, dtype=jnp.int64 if jax.config.jax_enable_x64 else jnp.int32)
    edges = jax.random.randint(ks[2], (N_EDGES, 2), 0, N_NODES, dtype=jnp.int64 if jax.config.jax_enable_x64 else jnp.int32)
    # SAGEConv params: out = lin_l(mean_agg(x_src -> dst)) + lin_r(x)
    s1 = 1.0 / np.sqrt(D_IN)
    s2 = 1.0 / np.sqrt(HIDDEN)
    W1l = jax.random.uniform(ks[3], (HIDDEN, D_IN), minval=-s1, maxval=s1, dtype=jnp.float32)
    b1 = jax.random.uniform(ks[4], (HIDDEN,), minval=-s1, maxval=s1, dtype=jnp.float32)
    W1r = jax.random.uniform(ks[5], (HIDDEN, D_IN), minval=-s1, maxval=s1, dtype=jnp.float32)
    W2l = jax.random.uniform(ks[6], (HIDDEN, HIDDEN), minval=-s2, maxval=s2, dtype=jnp.float32)
    b2 = jax.random.uniform(ks[7], (HIDDEN,), minval=-s2, maxval=s2, dtype=jnp.float32)
    W2r = jax.random.uniform(ks[8], (HIDDEN, HIDDEN), minval=-s2, maxval=s2, dtype=jnp.float32)
    return {"x": x, "edge_index": edge_index, "edges": edges,
            "W1l": W1l, "b1": b1, "W1r": W1r,
            "W2l": W2l, "b2": b2, "W2r": W2r}

def _sage_conv(x, edge_index, Wl, b, Wr):
    src = edge_index[0]
    dst = edge_index[1]
    n = x.shape[0]
    msg = jnp.take(x, src, axis=0)                       # gather
    agg = jax.ops.segment_sum(msg, dst, num_segments=n)  # scatter-add
    deg = jax.ops.segment_sum(jnp.ones((msg.shape[0],), dtype=x.dtype), dst, num_segments=n)
    mean = agg / jnp.clip(deg, 1.0, None)[:, None]
    return mean @ Wl.T + b + x @ Wr.T

def reference(x, edge_index, edges, W1l, b1, W1r, W2l, b2, W2r):
    h = _sage_conv(x, edge_index, W1l, b1, W1r)
    h = jax.nn.relu(h)
    # dropout p=0.0 -> identity
    z = _sage_conv(h, edge_index, W2l, b2, W2r)
    src = edges[:, 0]
    dst = edges[:, 1]
    return (jnp.take(z, src, axis=0) * jnp.take(z, dst, axis=0)).sum(axis=-1)

if __name__ == "__main__":
    import jax
    _d = setup_inputs()
    print(jax.jit(kernel)(*tuple(_d.values())))

</pallas_src>

<mosaic_0001>
#map = affine_map<(d0, d1) -> (0, 0)>
#map1 = affine_map<(d0, d1) -> (0, 0, 0)>
module attributes {stable_mosaic.version = 14 : i64} {
  func.func @_seg_body(%arg0: i32, %arg1: i32, %arg2: memref<10240x144xf32, #tpu.memory_space<hbm>>, %arg3: memref<32x79x128xi32, #tpu.memory_space<hbm>>, %arg4: memref<32x79x128xi32, #tpu.memory_space<hbm>>, %arg5: memref<10240x144xf32, #tpu.memory_space<hbm>>, %arg6: memref<2x10240x144xf32, #tpu.memory_space<hbm>>, %arg7: memref<8x128xi32, #tpu.memory_space<vmem>>, %arg8: memref<8x128xi32, #tpu.memory_space<vmem>>, %arg9: memref<128x144xf32, #tpu.memory_space<vmem>>, %arg10: memref<80x144xf32, #tpu.memory_space<vmem>>, %arg11: memref<10240x144xf32, #tpu.memory_space<vmem_shared>>) attributes {dimension_semantics = [#tpu.dimension_semantics<core_parallel>, #tpu.dimension_semantics<subcore_parallel>], iteration_bounds = array<i64: 2, 16>, scalar_prefetch = 0 : i64, scratch_operands = 5 : i64, tpu.core_type = #tpu.core_type<sc_vector_subcore>, window_params = [{transform_indices = #map}, {transform_indices = #map1}, {transform_indices = #map1}, {transform_indices = #map}, {transform_indices = #map1}]} {
    %mul3A = arith.constant 16 : i32
    %mul3A_0 = arith.muli %arg0, %mul3A : i32
    %add3A = arith.addi %mul3A_0, %arg1 : i32
    %mul3A_1 = arith.constant 640 : i32
    %mul3A_2 = arith.muli %arg1, %mul3A_1 : i32
    %add3A_3 = arith.constant 0 : i32
    %add3A_4 = arith.addi %mul3A_2, %add3A_3 : i32
    "tpu.region"() ({
      %run_scoped3A = tpu.sem_alloc : memref<!tpu.dma_semaphore, #tpu.memory_space<semaphore_mem>>
      %dma_start3A = arith.constant 0 : i32
      %dma_start3A_41 = tpu.memref_slice %arg5[%add3A_4, %dma_start3A] : memref<10240x144xf32, #tpu.memory_space<hbm>> -> memref<80x144xf32, #tpu.memory_space<hbm>>
      %dma_start3A_42 = arith.constant 0 : i32
      %dma_start3A_43 = tpu.memref_slice %arg5[%add3A_4, %dma_start3A_42] : memref<10240x144xf32, #tpu.memory_space<hbm>> -> memref<80x144xf32, #tpu.memory_space<hbm>>
      tpu.enqueue_dma source(%dma_start3A_43 : memref<80x144xf32, #tpu.memory_space<hbm>>) target(%arg10 : memref<80x144xf32, #tpu.memory_space<vmem>>) target_semaphore(%run_scoped3A : memref<!tpu.dma_semaphore, #tpu.memory_space<semaphore_mem>>)
      %dma_wait3A = arith.constant 0 : i32
      %dma_wait3A_44 = tpu.memref_slice %arg5[%add3A_4, %dma_wait3A] : memref<10240x144xf32, #tpu.memory_space<hbm>> -> memref<80x144xf32, #tpu.memory_space<hbm>>
      %dma_wait3A_45 = arith.constant 0 : i32
      %dma_wait3A_46 = tpu.memref_slice %arg5[%add3A_4, %dma_wait3A_45] : memref<10240x144xf32, #tpu.memory_space<hbm>> -> memref<80x144xf32, #tpu.memory_space<hbm>>
      tpu.wait_dma2 semaphore(%run_scoped3A : memref<!tpu.dma_semaphore, #tpu.memory_space<semaphore_mem>>) src(%dma_wait3A_46 : memref<80x144xf32, #tpu.memory_space<hbm>>) dst(%arg10 : memref<80x144xf32, #tpu.memory_space<vmem>>)
      tpu.yield
    }) : () -> ()
    "tpu.region"() ({
      %run_scoped3A = tpu.sem_alloc : memref<!tpu.dma_semaphore, #tpu.memory_space<semaphore_mem>>
      %dma_start3A = arith.constant 0 : i32
      %dma_start3A_41 = tpu.memref_slice %arg11[%add3A_4, %dma_start3A] : memref<10240x144xf32, #tpu.memory_space<vmem_shared>> -> memref<80x144xf32, #tpu.memory_space<vmem_shared>>
      %dma_start3A_42 = arith.constant 0 : i32
      %dma_start3A_43 = tpu.memref_slice %arg11[%add3A_4, %dma_start3A_42] : memref<10240x144xf32, #tpu.memory_space<vmem_shared>> -> memref<80x144xf32, #tpu.memory_space<vmem_shared>>
      tpu.enqueue_dma source(%arg10 : memref<80x144xf32, #tpu.memory_space<vmem>>) target(%dma_start3A_43 : memref<80x144xf32, #tpu.memory_space<vmem_shared>>) target_semaphore(%run_scoped3A : memref<!tpu.dma_semaphore, #tpu.memory_space<semaphore_mem>>)
      %dma_wait3A = arith.constant 0 : i32
      %dma_wait3A_44 = tpu.memref_slice %arg11[%add3A_4, %dma_wait3A] : memref<10240x144xf32, #tpu.memory_space<vmem_shared>> -> memref<80x144xf32, #tpu.memory_space<vmem_shared>>
      %dma_wait3A_45 = arith.constant 0 : i32
      %dma_wait3A_46 = tpu.memref_slice %arg11[%add3A_4, %dma_wait3A_45] : memref<10240x144xf32, #tpu.memory_space<vmem_shared>> -> memref<80x144xf32, #tpu.memory_space<vmem_shared>>
      tpu.wait_dma2 semaphore(%run_scoped3A : memref<!tpu.dma_semaphore, #tpu.memory_space<semaphore_mem>>) src(%arg10 : memref<80x144xf32, #tpu.memory_space<vmem>>) dst(%dma_wait3A_46 : memref<80x144xf32, #tpu.memory_space<vmem_shared>>)
      tpu.yield
    }) : () -> ()
    %add3A_5 = arith.constant 80 : i32
    %add3A_6 = arith.addi %mul3A_2, %add3A_5 : i32
    "tpu.region"() ({
      %run_scoped3A = tpu.sem_alloc : memref<!tpu.dma_semaphore, #tpu.memory_space<semaphore_mem>>
      %dma_start3A = arith.constant 0 : i32
      %dma_start3A_41 = tpu.memref_slice %arg5[%add3A_6, %dma_start3A] : memref<10240x144xf32, #tpu.memory_space<hbm>> -> memref<80x144xf32, #tpu.memory_space<hbm>>
      %dma_start3A_42 = arith.constant 0 : i32
      %dma_start3A_43 = tpu.memref_slice %arg5[%add3A_6, %dma_start3A_42] : memref<10240x144xf32, #tpu.memory_space<hbm>> -> memref<80x144xf32, #tpu.memory_space<hbm>>
      tpu.enqueue_dma source(%dma_start3A_43 : memref<80x144xf32, #tpu.memory_space<hbm>>) target(%arg10 : memref<80x144xf32, #tpu.memory_space<vmem>>) target_semaphore(%run_scoped3A : memref<!tpu.dma_semaphore, #tpu.memory_space<semaphore_mem>>)
      %dma_wait3A = arith.constant 0 : i32
      %dma_wait3A_44 = tpu.memref_slice %arg5[%add3A_6, %dma_wait3A] : memref<10240x144xf32, #tpu.memory_space<hbm>> -> memref<80x144xf32, #tpu.memory_space<hbm>>
      %dma_wait3A_45 = arith.constant 0 : i32
      %dma_wait3A_46 = tpu.memref_slice %arg5[%add3A_6, %dma_wait3A_45] : memref<10240x144xf32, #tpu.memory_space<hbm>> -> memref<80x144xf32, #tpu.memory_space<hbm>>
      tpu.wait_dma2 semaphore(%run_scoped3A : memref<!tpu.dma_semaphore, #tpu.memory_space<semaphore_mem>>) src(%dma_wait3A_46 : memref<80x144xf32, #tpu.memory_space<hbm>>) dst(%arg10 : memref<80x144xf32, #tpu.memory_space<vmem>>)
      tpu.yield
    }) : () -> ()
    "tpu.region"() ({
      %run_scoped3A = tpu.sem_alloc : memref<!tpu.dma_semaphore, #tpu.memory_space<semaphore_mem>>
      %dma_start3A = arith.constant 0 : i32
      %dma_start3A_41 = tpu.memref_slice %arg11[%add3A_6, %dma_start3A] : memref<10240x144xf32, #tpu.memory_space<vmem_shared>> -> memref<80x144xf32, #tpu.memory_space<vmem_shared>>
      %dma_start3A_42 = arith.constant 0 : i32
      %dma_start3A_43 = tpu.memref_slice %arg11[%add3A_6, %dma_start3A_42] : memref<10240x144xf32, #tpu.memory_space<vmem_shared>> -> memref<80x144xf32, #tpu.memory_space<vmem_shared>>
      tpu.enqueue_dma source(%arg10 : memref<80x144xf32, #tpu.memory_space<vmem>>) target(%dma_start3A_43 : memref<80x144xf32, #tpu.memory_space<vmem_shared>>) target_semaphore(%run_scoped3A : memref<!tpu.dma_semaphore, #tpu.memory_space<semaphore_mem>>)
      %dma_wait3A = arith.constant 0 : i32
      %dma_wait3A_44 = tpu.memref_slice %arg11[%add3A_6, %dma_wait3A] : memref<10240x144xf32, #tpu.memory_space<vmem_shared>> -> memref<80x144xf32, #tpu.memory_space<vmem_shared>>
      %dma_wait3A_45 = arith.constant 0 : i32
      %dma_wait3A_46 = tpu.memref_slice %arg11[%add3A_6, %dma_wait3A_45] : memref<10240x144xf32, #tpu.memory_space<vmem_shared>> -> memref<80x144xf32, #tpu.memory_space<vmem_shared>>
      tpu.wait_dma2 semaphore(%run_scoped3A : memref<!tpu.dma_semaphore, #tpu.memory_space<semaphore_mem>>) src(%arg10 : memref<80x144xf32, #tpu.memory_space<vmem>>) dst(%dma_wait3A_46 : memref<80x144xf32, #tpu.memory_space<vmem_shared>>)
      tpu.yield
    }) : () -> ()
    %add3A_7 = arith.constant 160 : i32
    %add3A_8 = arith.addi %mul3A_2, %add3A_7 : i32
    "tpu.region"() ({
      %run_scoped3A = tpu.sem_alloc : memref<!tpu.dma_semaphore, #tpu.memory_space<semaphore_mem>>
      %dma_start3A = arith.constant 0 : i32
      %dma_start3A_41 = tpu.memref_slice %arg5[%add3A_8, %dma_start3A] : memref<10240x144xf32, #tpu.memory_space<hbm>> -> memref<80x144xf32, #tpu.memory_space<hbm>>
      %dma_start3A_42 = arith.constant 0 : i32
      %dma_start3A_43 = tpu.memref_slice %arg5[%add3A_8, %dma_start3A_42] : memref<10240x144xf32, #tpu.memory_space<hbm>> -> memref<80x144xf32, #tpu.memory_space<hbm>>
      tpu.enqueue_dma source(%dma_start3A_43 : memref<80x144xf32, #tpu.memory_space<hbm>>) target(%arg10 : memref<80x144xf32, #tpu.memory_space<vmem>>) target_semaphore(%run_scoped3A : memref<!tpu.dma_semaphore, #tpu.memory_space<semaphore_mem>>)
      %dma_wait3A = arith.constant 0 : i32
      %dma_wait3A_44 = tpu.memref_slice %arg5[%add3A_8, %dma_wait3A] : memref<10240x144xf32, #tpu.memory_space<hbm>> -> memref<80x144xf32, #tpu.memory_space<hbm>>
      %dma_wait3A_45 = arith.constant 0 : i32
      %dma_wait3A_46 = tpu.memref_slice %arg5[%add3A_8, %dma_wait3A_45] : memref<10240x144xf32, #tpu.memory_space<hbm>> -> memref<80x144xf32, #tpu.memory_space<hbm>>
      tpu.wait_dma2 semaphore(%run_scoped3A : memref<!tpu.dma_semaphore, #tpu.memory_space<semaphore_mem>>) src(%dma_wait3A_46 : memref<80x144xf32, #tpu.memory_space<hbm>>) dst(%arg10 : memref<80x144xf32, #tpu.memory_space<vmem>>)
      tpu.yield
    }) : () -> ()
    "tpu.region"() ({
      %run_scoped3A = tpu.sem_alloc : memref<!tpu.dma_semaphore, #tpu.memory_space<semaphore_mem>>
      %dma_start3A = arith.constant 0 : i32
      %dma_start3A_41 = tpu.memref_slice %arg11[%add3A_8, %dma_start3A] : memref<10240x144xf32, #tpu.memory_space<vmem_shared>> -> memref<80x144xf32, #tpu.memory_space<vmem_shared>>
      %dma_start3A_42 = arith.constant 0 : i32
      %dma_start3A_43 = tpu.memref_slice %arg11[%add3A_8, %dma_start3A_42] : memref<10240x144xf32, #tpu.memory_space<vmem_shared>> -> memref<80x144xf32, #tpu.memory_space<vmem_shared>>
      tpu.enqueue_dma source(%arg10 : memref<80x144xf32, #tpu.memory_space<vmem>>) target(%dma_start3A_43 : memref<80x144xf32, #tpu.memory_space<vmem_shared>>) target_semaphore(%run_scoped3A : memref<!tpu.dma_semaphore, #tpu.memory_space<semaphore_mem>>)
      %dma_wait3A = arith.constant 0 : i32
      %dma_wait3A_44 = tpu.memref_slice %arg11[%add3A_8, %dma_wait3A] : memref<10240x144xf32, #tpu.memory_space<vmem_shared>> -> memref<80x144xf32, #tpu.memory_space<vmem_shared>>
      %dma_wait3A_45 = arith.constant 0 : i32
      %dma_wait3A_46 = tpu.memref_slice %arg11[%add3A_8, %dma_wait3A_45] : memref<10240x144xf32, #tpu.memory_space<vmem_shared>> -> memref<80x144xf32, #tpu.memory_space<vmem_shared>>
      tpu.wait_dma2 semaphore(%run_scoped3A : memref<!tpu.dma_semaphore, #tpu.memory_space<semaphore_mem>>) src(%arg10 : memref<80x144xf32, #tpu.memory_space<vmem>>) dst(%dma_wait3A_46 : memref<80x144xf32, #tpu.memory_space<vmem_shared>>)
      tpu.yield
    }) : () -> ()
    %add3A_9 = arith.constant 240 : i32
    %add3A_10 = arith.addi %mul3A_2, %add3A_9 : i32
    "tpu.region"() ({
      %run_scoped3A = tpu.sem_alloc : memref<!tpu.dma_semaphore, #tpu.memory_space<semaphore_mem>>
      %dma_start3A = arith.constant 0 : i32
      %dma_start3A_41 = tpu.memref_slice %arg5[%add3A_10, %dma_start3A] : memref<10240x144xf32, #tpu.memory_space<hbm>> -> memref<80x144xf32, #tpu.memory_space<hbm>>
      %dma_start3A_42 = arith.constant 0 : i32
      %dma_start3A_43 = tpu.memref_slice %arg5[%add3A_10, %dma_start3A_42] : memref<10240x144xf32, #tpu.memory_space<hbm>> -> memref<80x144xf32, #tpu.memory_space<hbm>>
      tpu.enqueue_dma source(%dma_start3A_43 : memref<80x144xf32, #tpu.memory_space<hbm>>) target(%arg10 : memref<80x144xf32, #tpu.memory_space<vmem>>) target_semaphore(%run_scoped3A : memref<!tpu.dma_semaphore, #tpu.memory_space<semaphore_mem>>)
      %dma_wait3A = arith.constant 0 : i32
      %dma_wait3A_44 = tpu.memref_slice %arg5[%add3A_10, %dma_wait3A] : memref<10240x144xf32, #tpu.memory_space<hbm>> -> memref<80x144xf32, #tpu.memory_space<hbm>>
      %dma_wait3A_45 = arith.constant 0 : i32
      %dma_wait3A_46 = tpu.memref_slice %arg5[%add3A_10, %dma_wait3A_45] : memref<10240x144xf32, #tpu.memory_space<hbm>> -> memref<80x144xf32, #tpu.memory_space<hbm>>
      tpu.wait_dma2 semaphore(%run_scoped3A : memref<!tpu.dma_semaphore, #tpu.memory_space<semaphore_mem>>) src(%dma_wait3A_46 : memref<80x144xf32, #tpu.memory_space<hbm>>) dst(%arg10 : memref<80x144xf32, #tpu.memory_space<vmem>>)
      tpu.yield
    }) : () -> ()
    "tpu.region"() ({
      %run_scoped3A = tpu.sem_alloc : memref<!tpu.dma_semaphore, #tpu.memory_space<semaphore_mem>>
      %dma_start3A = arith.constant 0 : i32
      %dma_start3A_41 = tpu.memref_slice %arg11[%add3A_10, %dma_start3A] : memref<10240x144xf32, #tpu.memory_space<vmem_shared>> -> memref<80x144xf32, #tpu.memory_space<vmem_shared>>
      %dma_start3A_42 = arith.constant 0 : i32
      %dma_start3A_43 = tpu.memref_slice %arg11[%add3A_10, %dma_start3A_42] : memref<10240x144xf32, #tpu.memory_space<vmem_shared>> -> memref<80x144xf32, #tpu.memory_space<vmem_shared>>
      tpu.enqueue_dma source(%arg10 : memref<80x144xf32, #tpu.memory_space<vmem>>) target(%dma_start3A_43 : memref<80x144xf32, #tpu.memory_space<vmem_shared>>) target_semaphore(%run_scoped3A : memref<!tpu.dma_semaphore, #tpu.memory_space<semaphore_mem>>)
      %dma_wait3A = arith.constant 0 : i32
      %dma_wait3A_44 = tpu.memref_slice %arg11[%add3A_10, %dma_wait3A] : memref<10240x144xf32, #tpu.memory_space<vmem_shared>> -> memref<80x144xf32, #tpu.memory_space<vmem_shared>>
      %dma_wait3A_45 = arith.constant 0 : i32
      %dma_wait3A_46 = tpu.memref_slice %arg11[%add3A_10, %dma_wait3A_45] : memref<10240x144xf32, #tpu.memory_space<vmem_shared>> -> memref<80x144xf32, #tpu.memory_space<vmem_shared>>
      tpu.wait_dma2 semaphore(%run_scoped3A : memref<!tpu.dma_semaphore, #tpu.memory_space<semaphore_mem>>) src(%arg10 : memref<80x144xf32, #tpu.memory_space<vmem>>) dst(%dma_wait3A_46 : memref<80x144xf32, #tpu.memory_space<vmem_shared>>)
      tpu.yield
    }) : () -> ()
    %add3A_11 = arith.constant 320 : i32
    %add3A_12 = arith.addi %mul3A_2, %add3A_11 : i32
    "tpu.region"() ({
      %run_scoped3A = tpu.sem_alloc : memref<!tpu.dma_semaphore, #tpu.memory_space<semaphore_mem>>
      %dma_start3A = arith.constant 0 : i32
      %dma_start3A_41 = tpu.memref_slice %arg5[%add3A_12, %dma_start3A] : memref<10240x144xf32, #tpu.memory_space<hbm>> -> memref<80x144xf32, #tpu.memory_space<hbm>>
      %dma_start3A_42 = arith.constant 0 : i32
      %dma_start3A_43 = tpu.memref_slice %arg5[%add3A_12, %dma_start3A_42] : memref<10240x144xf32, #tpu.memory_space<hbm>> -> memref<80x144xf32, #tpu.memory_space<hbm>>
      tpu.enqueue_dma source(%dma_start3A_43 : memref<80x144xf32, #tpu.memory_space<hbm>>) target(%arg10 : memref<80x144xf32, #tpu.memory_space<vmem>>) target_semaphore(%run_scoped3A : memref<!tpu.dma_semaphore, #tpu.memory_space<semaphore_mem>>)
      %dma_wait3A = arith.constant 0 : i32
      %dma_wait3A_44 = tpu.memref_slice %arg5[%add3A_12, %dma_wait3A] : memref<10240x144xf32, #tpu.memory_space<hbm>> -> memref<80x144xf32, #tpu.memory_space<hbm>>
      %dma_wait3A_45 = arith.constant 0 : i32
      %dma_wait3A_46 = tpu.memref_slice %arg5[%add3A_12, %dma_wait3A_45] : memref<10240x144xf32, #tpu.memory_space<hbm>> -> memref<80x144xf32, #tpu.memory_space<hbm>>
      tpu.wait_dma2 semaphore(%run_scoped3A : memref<!tpu.dma_semaphore, #tpu.memory_space<semaphore_mem>>) src(%dma_wait3A_46 : memref<80x144xf32, #tpu.memory_space<hbm>>) dst(%arg10 : memref<80x144xf32, #tpu.memory_space<vmem>>)
      tpu.yield
    }) : () -> ()
    "tpu.region"() ({
      %run_scoped3A = tpu.sem_alloc : memref<!tpu.dma_semaphore, #tpu.memory_space<semaphore_mem>>
      %dma_start3A = arith.constant 0 : i32
      %dma_start3A_41 = tpu.memref_slice %arg11[%add3A_12, %dma_start3A] : memref<10240x144xf32, #tpu.memory_space<vmem_shared>> -> memref<80x144xf32, #tpu.memory_space<vmem_shared>>
      %dma_start3A_42 = arith.constant 0 : i32
      %dma_start3A_43 = tpu.memref_slice %arg11[%add3A_12, %dma_start3A_42] : memref<10240x144xf32, #tpu.memory_space<vmem_shared>> -> memref<80x144xf32, #tpu.memory_space<vmem_shared>>
      tpu.enqueue_dma source(%arg10 : memref<80x144xf32, #tpu.memory_space<vmem>>) target(%dma_start3A_43 : memref<80x144xf32, #tpu.memory_space<vmem_shared>>) target_semaphore(%run_scoped3A : memref<!tpu.dma_semaphore, #tpu.memory_space<semaphore_mem>>)
      %dma_wait3A = arith.constant 0 : i32
      %dma_wait3A_44 = tpu.memref_slice %arg11[%add3A_12, %dma_wait3A] : memref<10240x144xf32, #tpu.memory_space<vmem_shared>> -> memref<80x144xf32, #tpu.memory_space<vmem_shared>>
      %dma_wait3A_45 = arith.constant 0 : i32
      %dma_wait3A_46 = tpu.memref_slice %arg11[%add3A_12, %dma_wait3A_45] : memref<10240x144xf32, #tpu.memory_space<vmem_shared>> -> memref<80x144xf32, #tpu.memory_space<vmem_shared>>
      tpu.wait_dma2 semaphore(%run_scoped3A : memref<!tpu.dma_semaphore, #tpu.memory_space<semaphore_mem>>) src(%arg10 : memref<80x144xf32, #tpu.memory_space<vmem>>) dst(%dma_wait3A_46 : memref<80x144xf32, #tpu.memory_space<vmem_shared>>)
      tpu.yield
    }) : () -> ()
    %add3A_13 = arith.constant 400 : i32
    %add3A_14 = arith.addi %mul3A_2, %add3A_13 : i32
    "tpu.region"() ({
      %run_scoped3A = tpu.sem_alloc : memref<!tpu.dma_semaphore, #tpu.memory_space<semaphore_mem>>
      %dma_start3A = arith.constant 0 : i32
      %dma_start3A_41 = tpu.memref_slice %arg5[%add3A_14, %dma_start3A] : memref<10240x144xf32, #tpu.memory_space<hbm>> -> memref<80x144xf32, #tpu.memory_space<hbm>>
      %dma_start3A_42 = arith.constant 0 : i32
      %dma_start3A_43 = tpu.memref_slice %arg5[%add3A_14, %dma_start3A_42] : memref<10240x144xf32, #tpu.memory_space<hbm>> -> memref<80x144xf32, #tpu.memory_space<hbm>>
      tpu.enqueue_dma source(%dma_start3A_43 : memref<80x144xf32, #tpu.memory_space<hbm>>) target(%arg10 : memref<80x144xf32, #tpu.memory_space<vmem>>) target_semaphore(%run_scoped3A : memref<!tpu.dma_semaphore, #tpu.memory_space<semaphore_mem>>)
      %dma_wait3A = arith.constant 0 : i32
      %dma_wait3A_44 = tpu.memref_slice %arg5[%add3A_14, %dma_wait3A] : memref<10240x144xf32, #tpu.memory_space<hbm>> -> memref<80x144xf32, #tpu.memory_space<hbm>>
      %dma_wait3A_45 = arith.constant 0 : i32
      %dma_wait3A_46 = tpu.memref_slice %arg5[%add3A_14, %dma_wait3A_45] : memref<10240x144xf32, #tpu.memory_space<hbm>> -> memref<80x144xf32, #tpu.memory_space<hbm>>
      tpu.wait_dma2 semaphore(%run_scoped3A : memref<!tpu.dma_semaphore, #tpu.memory_space<semaphore_mem>>) src(%dma_wait3A_46 : memref<80x144xf32, #tpu.memory_space<hbm>>) dst(%arg10 : memref<80x144xf32, #tpu.memory_space<vmem>>)
      tpu.yield
    }) : () -> ()
    "tpu.region"() ({
      %run_scoped3A = tpu.sem_alloc : memref<!tpu.dma_semaphore, #tpu.memory_space<semaphore_mem>>
      %dma_start3A = arith.constant 0 : i32
      %dma_start3A_41 = tpu.memref_slice %arg11[%add3A_14, %dma_start3A] : memref<10240x144xf32, #tpu.memory_space<vmem_shared>> -> memref<80x144xf32, #tpu.memory_space<vmem_shared>>
      %dma_start3A_42 = arith.constant 0 : i32
      %dma_start3A_43 = tpu.memref_slice %arg11[%add3A_14, %dma_start3A_42] : memref<10240x144xf32, #tpu.memory_space<vmem_shared>> -> memref<80x144xf32, #tpu.memory_space<vmem_shared>>
      tpu.enqueue_dma source(%arg10 : memref<80x144xf32, #tpu.memory_space<vmem>>) target(%dma_start3A_43 : memref<80x144xf32, #tpu.memory_space<vmem_shared>>) target_semaphore(%run_scoped3A : memref<!tpu.dma_semaphore, #tpu.memory_space<semaphore_mem>>)
      %dma_wait3A = arith.constant 0 : i32
      %dma_wait3A_44 = tpu.memref_slice %arg11[%add3A_14, %dma_wait3A] : memref<10240x144xf32, #tpu.memory_space<vmem_shared>> -> memref<80x144xf32, #tpu.memory_space<vmem_shared>>
      %dma_wait3A_45 = arith.constant 0 : i32
      %dma_wait3A_46 = tpu.memref_slice %arg11[%add3A_14, %dma_wait3A_45] : memref<10240x144xf32, #tpu.memory_space<vmem_shared>> -> memref<80x144xf32, #tpu.memory_space<vmem_shared>>
      tpu.wait_dma2 semaphore(%run_scoped3A : memref<!tpu.dma_semaphore, #tpu.memory_space<semaphore_mem>>) src(%arg10 : memref<80x144xf32, #tpu.memory_space<vmem>>) dst(%dma_wait3A_46 : memref<80x144xf32, #tpu.memory_space<vmem_shared>>)
      tpu.yield
    }) : () -> ()
    %add3A_15 = arith.constant 480 : i32
    %add3A_16 = arith.addi %mul3A_2, %add3A_15 : i32
    "tpu.region"() ({
      %run_scoped3A = tpu.sem_alloc : memref<!tpu.dma_semaphore, #tpu.memory_space<semaphore_mem>>
      %dma_start3A = arith.constant 0 : i32
      %dma_start3A_41 = tpu.memref_slice %arg5[%add3A_16, %dma_start3A] : memref<10240x144xf32, #tpu.memory_space<hbm>> -> memref<80x144xf32, #tpu.memory_space<hbm>>
      %dma_start3A_42 = arith.constant 0 : i32
      %dma_start3A_43 = tpu.memref_slice %arg5[%add3A_16, %dma_start3A_42] : memref<10240x144xf32, #tpu.memory_space<hbm>> -> memref<80x144xf32, #tpu.memory_space<hbm>>
      tpu.enqueue_dma source(%dma_start3A_43 : memref<80x144xf32, #tpu.memory_space<hbm>>) target(%arg10 : memref<80x144xf32, #tpu.memory_space<vmem>>) target_semaphore(%run_scoped3A : memref<!tpu.dma_semaphore, #tpu.memory_space<semaphore_mem>>)
      %dma_wait3A = arith.constant 0 : i32
      %dma_wait3A_44 = tpu.memref_slice %arg5[%add3A_16, %dma_wait3A] : memref<10240x144xf32, #tpu.memory_space<hbm>> -> memref<80x144xf32, #tpu.memory_space<hbm>>
      %dma_wait3A_45 = arith.constant 0 : i32
      %dma_wait3A_46 = tpu.memref_slice %arg5[%add3A_16, %dma_wait3A_45] : memref<10240x144xf32, #tpu.memory_space<hbm>> -> memref<80x144xf32, #tpu.memory_space<hbm>>
      tpu.wait_dma2 semaphore(%run_scoped3A : memref<!tpu.dma_semaphore, #tpu.memory_space<semaphore_mem>>) src(%dma_wait3A_46 : memref<80x144xf32, #tpu.memory_space<hbm>>) dst(%arg10 : memref<80x144xf32, #tpu.memory_space<vmem>>)
      tpu.yield
    }) : () -> ()
    "tpu.region"() ({
      %run_scoped3A = tpu.sem_alloc : memref<!tpu.dma_semaphore, #tpu.memory_space<semaphore_mem>>
      %dma_start3A = arith.constant 0 : i32
      %dma_start3A_41 = tpu.memref_slice %arg11[%add3A_16, %dma_start3A] : memref<10240x144xf32, #tpu.memory_space<vmem_shared>> -> memref<80x144xf32, #tpu.memory_space<vmem_shared>>
      %dma_start3A_42 = arith.constant 0 : i32
      %dma_start3A_43 = tpu.memref_slice %arg11[%add3A_16, %dma_start3A_42] : memref<10240x144xf32, #tpu.memory_space<vmem_shared>> -> memref<80x144xf32, #tpu.memory_space<vmem_shared>>
      tpu.enqueue_dma source(%arg10 : memref<80x144xf32, #tpu.memory_space<vmem>>) target(%dma_start3A_43 : memref<80x144xf32, #tpu.memory_space<vmem_shared>>) target_semaphore(%run_scoped3A : memref<!tpu.dma_semaphore, #tpu.memory_space<semaphore_mem>>)
      %dma_wait3A = arith.constant 0 : i32
      %dma_wait3A_44 = tpu.memref_slice %arg11[%add3A_16, %dma_wait3A] : memref<10240x144xf32, #tpu.memory_space<vmem_shared>> -> memref<80x144xf32, #tpu.memory_space<vmem_shared>>
      %dma_wait3A_45 = arith.constant 0 : i32
      %dma_wait3A_46 = tpu.memref_slice %arg11[%add3A_16, %dma_wait3A_45] : memref<10240x144xf32, #tpu.memory_space<vmem_shared>> -> memref<80x144xf32, #tpu.memory_space<vmem_shared>>
      tpu.wait_dma2 semaphore(%run_scoped3A : memref<!tpu.dma_semaphore, #tpu.memory_space<semaphore_mem>>) src(%arg10 : memref<80x144xf32, #tpu.memory_space<vmem>>) dst(%dma_wait3A_46 : memref<80x144xf32, #tpu.memory_space<vmem_shared>>)
      tpu.yield
    }) : () -> ()
    %add3A_17 = arith.constant 560 : i32
    %add3A_18 = arith.addi %mul3A_2, %add3A_17 : i32
    "tpu.region"() ({
      %run_scoped3A = tpu.sem_alloc : memref<!tpu.dma_semaphore, #tpu.memory_space<semaphore_mem>>
      %dma_start3A = arith.constant 0 : i32
      %dma_start3A_41 = tpu.memref_slice %arg5[%add3A_18, %dma_start3A] : memref<10240x144xf32, #tpu.memory_space<hbm>> -> memref<80x144xf32, #tpu.memory_space<hbm>>
      %dma_start3A_42 = arith.constant 0 : i32
      %dma_start3A_43 = tpu.memref_slice %arg5[%add3A_18, %dma_start3A_42] : memref<10240x144xf32, #tpu.memory_space<hbm>> -> memref<80x144xf32, #tpu.memory_space<hbm>>
      tpu.enqueue_dma source(%dma_start3A_43 : memref<80x144xf32, #tpu.memory_space<hbm>>) target(%arg10 : memref<80x144xf32, #tpu.memory_space<vmem>>) target_semaphore(%run_scoped3A : memref<!tpu.dma_semaphore, #tpu.memory_space<semaphore_mem>>)
      %dma_wait3A = arith.constant 0 : i32
      %dma_wait3A_44 = tpu.memref_slice %arg5[%add3A_18, %dma_wait3A] : memref<10240x144xf32, #tpu.memory_space<hbm>> -> memref<80x144xf32, #tpu.memory_space<hbm>>
      %dma_wait3A_45 = arith.constant 0 : i32
      %dma_wait3A_46 = tpu.memref_slice %arg5[%add3A_18, %dma_wait3A_45] : memref<10240x144xf32, #tpu.memory_space<hbm>> -> memref<80x144xf32, #tpu.memory_space<hbm>>
      tpu.wait_dma2 semaphore(%run_scoped3A : memref<!tpu.dma_semaphore, #tpu.memory_space<semaphore_mem>>) src(%dma_wait3A_46 : memref<80x144xf32, #tpu.memory_space<hbm>>) dst(%arg10 : memref<80x144xf32, #tpu.memory_space<vmem>>)
      tpu.yield
    }) : () -> ()
    "tpu.region"() ({
      %run_scoped3A = tpu.sem_alloc : memref<!tpu.dma_semaphore, #tpu.memory_space<semaphore_mem>>
      %dma_start3A = arith.constant 0 : i32
      %dma_start3A_41 = tpu.memref_slice %arg11[%add3A_18, %dma_start3A] : memref<10240x144xf32, #tpu.memory_space<vmem_shared>> -> memref<80x144xf32, #tpu.memory_space<vmem_shared>>
      %dma_start3A_42 = arith.constant 0 : i32
      %dma_start3A_43 = tpu.memref_slice %arg11[%add3A_18, %dma_start3A_42] : memref<10240x144xf32, #tpu.memory_space<vmem_shared>> -> memref<80x144xf32, #tpu.memory_space<vmem_shared>>
      tpu.enqueue_dma source(%arg10 : memref<80x144xf32, #tpu.memory_space<vmem>>) target(%dma_start3A_43 : memref<80x144xf32, #tpu.memory_space<vmem_shared>>) target_semaphore(%run_scoped3A : memref<!tpu.dma_semaphore, #tpu.memory_space<semaphore_mem>>)
      %dma_wait3A = arith.constant 0 : i32
      %dma_wait3A_44 = tpu.memref_slice %arg11[%add3A_18, %dma_wait3A] : memref<10240x144xf32, #tpu.memory_space<vmem_shared>> -> memref<80x144xf32, #tpu.memory_space<vmem_shared>>
      %dma_wait3A_45 = arith.constant 0 : i32
      %dma_wait3A_46 = tpu.memref_slice %arg11[%add3A_18, %dma_wait3A_45] : memref<10240x144xf32, #tpu.memory_space<vmem_shared>> -> memref<80x144xf32, #tpu.memory_space<vmem_shared>>
      tpu.wait_dma2 semaphore(%run_scoped3A : memref<!tpu.dma_semaphore, #tpu.memory_space<semaphore_mem>>) src(%arg10 : memref<80x144xf32, #tpu.memory_space<vmem>>) dst(%dma_wait3A_46 : memref<80x144xf32, #tpu.memory_space<vmem_shared>>)
      tpu.yield
    }) : () -> ()
    %barrier3A = arith.constant 0 : index
    tpu.barrier barrier_id(%barrier3A)
    %scan3A = arith.constant 0 : i32
    %scan3A_19 = arith.constant 0 : i32
    %scan3A_20 = arith.constant 9 : i32
    %scan3A_21 = arith.addi %scan3A_19, %scan3A_20 : i32
    %scan3A_22 = arith.constant 1 : i32
    scf.for %scan3A_41 = %scan3A_19 to %scan3A_21 step %scan3A_22  : i32 {
      %mul3A_42 = arith.constant 8 : i32
      %mul3A_43 = arith.muli %scan3A_41, %mul3A_42 : i32
      "tpu.region"() ({
        %run_scoped3A_61 = tpu.sem_alloc : memref<!tpu.dma_semaphore, #tpu.memory_space<semaphore_mem>>
        %dma_start3A = arith.constant 0 : i32
        %dma_start3A_62 = tpu.memref_slice %arg3[%add3A, %mul3A_43, %dma_start3A] : memref<32x79x128xi32, #tpu.memory_space<hbm>> -> memref<1x8x128xi32, #tpu.memory_space<hbm>>
        %dma_start3A_63 = tpu.memref_squeeze %dma_start3A_62 : memref<1x8x128xi32, #tpu.memory_space<hbm>> -> memref<8x128xi32, #tpu.memory_space<hbm>>
        %dma_start3A_64 = arith.constant 0 : i32
        %dma_start3A_65 = tpu.memref_slice %arg3[%add3A, %mul3A_43, %dma_start3A_64] : memref<32x79x128xi32, #tpu.memory_space<hbm>> -> memref<1x8x128xi32, #tpu.memory_space<hbm>>
        %dma_start3A_66 = tpu.memref_squeeze %dma_start3A_65 : memref<1x8x128xi32, #tpu.memory_space<hbm>> -> memref<8x128xi32, #tpu.memory_space<hbm>>
        tpu.enqueue_dma source(%dma_start3A_66 : memref<8x128xi32, #tpu.memory_space<hbm>>) target(%arg7 : memref<8x128xi32, #tpu.memory_space<vmem>>) target_semaphore(%run_scoped3A_61 : memref<!tpu.dma_semaphore, #tpu.memory_space<semaphore_mem>>)
        %dma_wait3A = arith.constant 0 : i32
        %dma_wait3A_67 = tpu.memref_slice %arg3[%add3A, %mul3A_43, %dma_wait3A] : memref<32x79x128xi32, #tpu.memory_space<hbm>> -> memref<1x8x128xi32, #tpu.memory_space<hbm>>
        %dma_wait3A_68 = tpu.memref_squeeze %dma_wait3A_67 : memref<1x8x128xi32, #tpu.memory_space<hbm>> -> memref<8x128xi32, #tpu.memory_space<hbm>>
        %dma_wait3A_69 = arith.constant 0 : i32
        %dma_wait3A_70 = tpu.memref_slice %arg3[%add3A, %mul3A_43, %dma_wait3A_69] : memref<32x79x128xi32, #tpu.memory_space<hbm>> -> memref<1x8x128xi32, #tpu.memory_space<hbm>>
        %dma_wait3A_71 = tpu.memref_squeeze %dma_wait3A_70 : memref<1x8x128xi32, #tpu.memory_space<hbm>> -> memref<8x128xi32, #tpu.memory_space<hbm>>
        tpu.wait_dma2 semaphore(%run_scoped3A_61 : memref<!tpu.dma_semaphore, #tpu.memory_space<semaphore_mem>>) src(%dma_wait3A_71 : memref<8x128xi32, #tpu.memory_space<hbm>>) dst(%arg7 : memref<8x128xi32, #tpu.memory_space<vmem>>)
        tpu.yield
      }) : () -> ()
      %mul3A_44 = arith.constant 8 : i32
      %mul3A_45 = arith.muli %scan3A_41, %mul3A_44 : i32
      "tpu.region"() ({
        %run_scoped3A_61 = tpu.sem_alloc : memref<!tpu.dma_semaphore, #tpu.memory_space<semaphore_mem>>
        %dma_start3A = arith.constant 0 : i32
        %dma_start3A_62 = tpu.memref_slice %arg4[%add3A, %mul3A_45, %dma_start3A] : memref<32x79x128xi32, #tpu.memory_space<hbm>> -> memref<1x8x128xi32, #tpu.memory_space<hbm>>
        %dma_start3A_63 = tpu.memref_squeeze %dma_start3A_62 : memref<1x8x128xi32, #tpu.memory_space<hbm>> -> memref<8x128xi32, #tpu.memory_space<hbm>>
        %dma_start3A_64 = arith.constant 0 : i32
        %dma_start3A_65 = tpu.memref_slice %arg4[%add3A, %mul3A_45, %dma_start3A_64] : memref<32x79x128xi32, #tpu.memory_space<hbm>> -> memref<1x8x128xi32, #tpu.memory_space<hbm>>
        %dma_start3A_66 = tpu.memref_squeeze %dma_start3A_65 : memref<1x8x128xi32, #tpu.memory_space<hbm>> -> memref<8x128xi32, #tpu.memory_space<hbm>>
        tpu.enqueue_dma source(%dma_start3A_66 : memref<8x128xi32, #tpu.memory_space<hbm>>) target(%arg8 : memref<8x128xi32, #tpu.memory_space<vmem>>) target_semaphore(%run_scoped3A_61 : memref<!tpu.dma_semaphore, #tpu.memory_space<semaphore_mem>>)
        %dma_wait3A = arith.constant 0 : i32
        %dma_wait3A_67 = tpu.memref_slice %arg4[%add3A, %mul3A_45, %dma_wait3A] : memref<32x79x128xi32, #tpu.memory_space<hbm>> -> memref<1x8x128xi32, #tpu.memory_space<hbm>>
        %dma_wait3A_68 = tpu.memref_squeeze %dma_wait3A_67 : memref<1x8x128xi32, #tpu.memory_space<hbm>> -> memref<8x128xi32, #tpu.memory_space<hbm>>
        %dma_wait3A_69 = arith.constant 0 : i32
        %dma_wait3A_70 = tpu.memref_slice %arg4[%add3A, %mul3A_45, %dma_wait3A_69] : memref<32x79x128xi32, #tpu.memory_space<hbm>> -> memref<1x8x128xi32, #tpu.memory_space<hbm>>
        %dma_wait3A_71 = tpu.memref_squeeze %dma_wait3A_70 : memref<1x8x128xi32, #tpu.memory_space<hbm>> -> memref<8x128xi32, #tpu.memory_space<hbm>>
        tpu.wait_dma2 semaphore(%run_scoped3A_61 : memref<!tpu.dma_semaphore, #tpu.memory_space<semaphore_mem>>) src(%dma_wait3A_71 : memref<8x128xi32, #tpu.memory_space<hbm>>) dst(%arg8 : memref<8x128xi32, #tpu.memory_space<vmem>>)
        tpu.yield
      }) : () -> ()
      %run_scoped3A = arith.constant 0 : i32
      "tpu.region"() ({
        %run_scoped3A_61 = tpu.sem_alloc : memref<!tpu.dma_semaphore, #tpu.memory_space<semaphore_mem>>
        %dma_start3A = arith.constant 0 : i32
        %dma_start3A_62 = tpu.memref_slice %arg7[%run_scoped3A, %dma_start3A] : memref<8x128xi32, #tpu.memory_space<vmem>> -> memref<1x128xi32, #tpu.memory_space<vmem>>
        %dma_start3A_63 = tpu.memref_squeeze %dma_start3A_62 : memref<1x128xi32, #tpu.memory_space<vmem>> -> memref<128xi32, #tpu.memory_space<vmem>>
        %dma_start3A_64 = arith.constant 0 : i32
        %dma_start3A_65 = arith.constant 0 : i32
        %dma_start3A_66 = tpu.memref_slice %arg2[%dma_start3A_64, %dma_start3A_65] : memref<10240x144xf32, #tpu.memory_space<hbm>> -> memref<10240x144xf32, #tpu.memory_space<hbm>>
        tpu.enqueue_indirect_dma source(%dma_start3A_66 : memref<10240x144xf32, #tpu.memory_space<hbm>>) target(%arg9 : memref<128x144xf32, #tpu.memory_space<vmem>>) offsets(%dma_start3A_63 : memref<128xi32, #tpu.memory_space<vmem>>) semaphore(%run_scoped3A_61 : memref<!tpu.dma_semaphore, #tpu.memory_space<semaphore_mem>>)
        %dma_wait3A = arith.constant 0 : i32
        %dma_wait3A_67 = tpu.memref_slice %arg7[%run_scoped3A, %dma_wait3A] : memref<8x128xi32, #tpu.memory_space<vmem>> -> memref<1x128xi32, #tpu.memory_space<vmem>>
        %dma_wait3A_68 = tpu.memref_squeeze %dma_wait3A_67 : memref<1x128xi32, #tpu.memory_space<vmem>> -> memref<128xi32, #tpu.memory_space<vmem>>
        %dma_wait3A_69 = arith.constant 0 : i32
        %dma_wait3A_70 = arith.constant 0 : i32
        %dma_wait3A_71 = tpu.memref_slice %arg2[%dma_wait3A_69, %dma_wait3A_70] : memref<10240x144xf32, #tpu.memory_space<hbm>> -> memref<10240x144xf32, #tpu.memory_space<hbm>>
        tpu.wait_indirect_dma semaphore(%run_scoped3A_61 : memref<!tpu.dma_semaphore, #tpu.memory_space<semaphore_mem>>) src(%dma_wait3A_71 : memref<10240x144xf32, #tpu.memory_space<hbm>>) dst(%arg9 : memref<128x144xf32, #tpu.memory_space<vmem>>)
        tpu.yield
      }) : () -> ()
      %run_scoped3A_46 = arith.constant 0 : i32
      "tpu.region"() ({
        %run_scoped3A_61 = tpu.sem_alloc : memref<!tpu.dma_semaphore, #tpu.memory_space<semaphore_mem>>
        %dma_start3A = arith.constant 0 : i32
        %dma_start3A_62 = tpu.memref_slice %arg8[%run_scoped3A_46, %dma_start3A] : memref<8x128xi32, #tpu.memory_space<vmem>> -> memref<1x128xi32, #tpu.memory_space<vmem>>
        %dma_start3A_63 = tpu.memref_squeeze %dma_start3A_62 : memref<1x128xi32, #tpu.memory_space<vmem>> -> memref<128xi32, #tpu.memory_space<vmem>>
        %dma_start3A_64 = arith.constant 0 : i32
        %dma_start3A_65 = arith.constant 0 : i32
        %dma_start3A_66 = tpu.memref_slice %arg11[%dma_start3A_64, %dma_start3A_65] : memref<10240x144xf32, #tpu.memory_space<vmem_shared>> -> memref<10240x144xf32, #tpu.memory_space<vmem_shared>>
        tpu.enqueue_indirect_dma source(%arg9 : memref<128x144xf32, #tpu.memory_space<vmem>>) target(%dma_start3A_66 : memref<10240x144xf32, #tpu.memory_space<vmem_shared>>) offsets(%dma_start3A_63 : memref<128xi32, #tpu.memory_space<vmem>>) semaphore(%run_scoped3A_61 : memref<!tpu.dma_semaphore, #tpu.memory_space<semaphore_mem>>) {add = true}
        %dma_wait3A = arith.constant 0 : i32
        %dma_wait3A_67 = tpu.memref_slice %arg8[%run_scoped3A_46, %dma_wait3A] : memref<8x128xi32, #tpu.memory_space<vmem>> -> memref<1x128xi32, #tpu.memory_space<vmem>>
        %dma_wait3A_68 = tpu.memref_squeeze %dma_wait3A_67 : memref<1x128xi32, #tpu.memory_space<vmem>> -> memref<128xi32, #tpu.memory_space<vmem>>
        %dma_wait3A_69 = arith.constant 0 : i32
        %dma_wait3A_70 = arith.constant 0 : i32
        %dma_wait3A_71 = tpu.memref_slice %arg11[%dma_wait3A_69, %dma_wait3A_70] : memref<10240x144xf32, #tpu.memory_space<vmem_shared>> -> memref<10240x144xf32, #tpu.memory_space<vmem_shared>>
        tpu.wait_indirect_dma semaphore(%run_scoped3A_61 : memref<!tpu.dma_semaphore, #tpu.memory_space<semaphore_mem>>) src(%arg9 : memref<128x144xf32, #tpu.memory_space<vmem>>) dst(%dma_wait3A_71 : memref<10240x144xf32, #tpu.memory_space<vmem_shared>>)
        tpu.yield
      }) : () -> ()
      %run_scoped3A_47 = arith.constant 1 : i32
      "tpu.region"() ({
        %run_scoped3A_61 = tpu.sem_alloc : memref<!tpu.dma_semaphore, #tpu.memory_space<semaphore_mem>>
        %dma_start3A = arith.constant 0 : i32
        %dma_start3A_62 = tpu.memref_slice %arg7[%run_scoped3A_47, %dma_start3A] : memref<8x128xi32, #tpu.memory_space<vmem>> -> memref<1x128xi32, #tpu.memory_space<vmem>>
        %dma_start3A_63 = tpu.memref_squeeze %dma_start3A_62 : memref<1x128xi32, #tpu.memory_space<vmem>> -> memref<128xi32, #tpu.memory_space<vmem>>
        %dma_start3A_64 = arith.constant 0 : i32
        %dma_start3A_65 = arith.constant 0 : i32
        %dma_start3A_66 = tpu.memref_slice %arg2[%dma_start3A_64, %dma_start3A_65] : memref<10240x144xf32, #tpu.memory_space<hbm>> -> memref<10240x144xf32, #tpu.memory_space<hbm>>
        tpu.enqueue_indirect_dma source(%dma_start3A_66 : memref<10240x144xf32, #tpu.memory_space<hbm>>) target(%arg9 : memref<128x144xf32, #tpu.memory_space<vmem>>) offsets(%dma_start3A_63 : memref<128xi32, #tpu.memory_space<vmem>>) semaphore(%run_scoped3A_61 : memref<!tpu.dma_semaphore, #tpu.memory_space<semaphore_mem>>)
        %dma_wait3A = arith.constant 0 : i32
        %dma_wait3A_67 = tpu.memref_slice %arg7[%run_scoped3A_47, %dma_wait3A] : memref<8x128xi32, #tpu.memory_space<vmem>> -> memref<1x128xi32, #tpu.memory_space<vmem>>
        %dma_wait3A_68 = tpu.memref_squeeze %dma_wait3A_67 : memref<1x128xi32, #tpu.memory_space<vmem>> -> memref<128xi32, #tpu.memory_space<vmem>>
        %dma_wait3A_69 = arith.constant 0 : i32
        %dma_wait3A_70 = arith.constant 0 : i32
        %dma_wait3A_71 = tpu.memref_slice %arg2[%dma_wait3A_69, %dma_wait3A_70] : memref<10240x144xf32, #tpu.memory_space<hbm>> -> memref<10240x144xf32, #tpu.memory_space<hbm>>
        tpu.wait_indirect_dma semaphore(%run_scoped3A_61 : memref<!tpu.dma_semaphore, #tpu.memory_space<semaphore_mem>>) src(%dma_wait3A_71 : memref<10240x144xf32, #tpu.memory_space<hbm>>) dst(%arg9 : memref<128x144xf32, #tpu.memory_space<vmem>>)
        tpu.yield
      }) : () -> ()
      %run_scoped3A_48 = arith.constant 1 : i32
      "tpu.region"() ({
        %run_scoped3A_61 = tpu.sem_alloc : memref<!tpu.dma_semaphore, #tpu.memory_space<semaphore_mem>>
        %dma_start3A = arith.constant 0 : i32
        %dma_start3A_62 = tpu.memref_slice %arg8[%run_scoped3A_48, %dma_start3A] : memref<8x128xi32, #tpu.memory_space<vmem>> -> memref<1x128xi32, #tpu.memory_space<vmem>>
        %dma_start3A_63 = tpu.memref_squeeze %dma_start3A_62 : memref<1x128xi32, #tpu.memory_space<vmem>> -> memref<128xi32, #tpu.memory_space<vmem>>
        %dma_start3A_64 = arith.constant 0 : i32
        %dma_start3A_65 = arith.constant 0 : i32
        %dma_start3A_66 = tpu.memref_slice %arg11[%dma_start3A_64, %dma_start3A_65] : memref<10240x144xf32, #tpu.memory_space<vmem_shared>> -> memref<10240x144xf32, #tpu.memory_space<vmem_shared>>
        tpu.enqueue_indirect_dma source(%arg9 : memref<128x144xf32, #tpu.memory_space<vmem>>) target(%dma_start3A_66 : memref<10240x144xf32, #tpu.memory_space<vmem_shared>>) offsets(%dma_start3A_63 : memref<128xi32, #tpu.memory_space<vmem>>) semaphore(%run_scoped3A_61 : memref<!tpu.dma_semaphore, #tpu.memory_space<semaphore_mem>>) {add = true}
        %dma_wait3A = arith.constant 0 : i32
        %dma_wait3A_67 = tpu.memref_slice %arg8[%run_scoped3A_48, %dma_wait3A] : memref<8x128xi32, #tpu.memory_space<vmem>> -> memref<1x128xi32, #tpu.memory_space<vmem>>
        %dma_wait3A_68 = tpu.memref_squeeze %dma_wait3A_67 : memref<1x128xi32, #tpu.memory_space<vmem>> -> memref<128xi32, #tpu.memory_space<vmem>>
        %dma_wait3A_69 = arith.constant 0 : i32
        %dma_wait3A_70 = arith.constant 0 : i32
        %dma_wait3A_71 = tpu.memref_slice %arg11[%dma_wait3A_69, %dma_wait3A_70] : memref<10240x144xf32, #tpu.memory_space<vmem_shared>> -> memref<10240x144xf32, #tpu.memory_space<vmem_shared>>
        tpu.wait_indirect_dma semaphore(%run_scoped3A_61 : memref<!tpu.dma_semaphore, #tpu.memory_space<semaphore_mem>>) src(%arg9 : memref<128x144xf32, #tpu.memory_space<vmem>>) dst(%dma_wait3A_71 : memref<10240x144xf32, #tpu.memory_space<vmem_shared>>)
        tpu.yield
      }) : () -> ()
      %run_scoped3A_49 = arith.constant 2 : i32
      "tpu.region"() ({
        %run_scoped3A_61 = tpu.sem_alloc : memref<!tpu.dma_semaphore, #tpu.memory_space<semaphore_mem>>
        %dma_start3A = arith.constant 0 : i32
        %dma_start3A_62 = tpu.memref_slice %arg7[%run_scoped3A_49, %dma_start3A] : memref<8x128xi32, #tpu.memory_space<vmem>> -> memref<1x128xi32, #tpu.memory_space<vmem>>
        %dma_start3A_63 = tpu.memref_squeeze %dma_start3A_62 : memref<1x128xi32, #tpu.memory_space<vmem>> -> memref<128xi32, #tpu.memory_space<vmem>>
        %dma_start3A_64 = arith.constant 0 : i32
        %dma_start3A_65 = arith.constant 0 : i32
        %dma_start3A_66 = tpu.memref_slice %arg2[%dma_start3A_64, %dma_start3A_65] : memref<10240x144xf32, #tpu.memory_space<hbm>> -> memref<10240x144xf32, #tpu.memory_space<hbm>>
        tpu.enqueue_indirect_dma source(%dma_start3A_66 : memref<10240x144xf32, #tpu.memory_space<hbm>>) target(%arg9 : memref<128x144xf32, #tpu.memory_space<vmem>>) offsets(%dma_start3A_63 : memref<128xi32, #tpu.memory_space<vmem>>) semaphore(%run_scoped3A_61 : memref<!tpu.dma_semaphore, #tpu.memory_space<semaphore_mem>>)
        %dma_wait3A = arith.constant 0 : i32
        %dma_wait3A_67 = tpu.memref_slice %arg7[%run_scoped3A_49, %dma_wait3A] : memref<8x128xi32, #tpu.memory_space<vmem>> -> memref<1x128xi32, #tpu.memory_space<vmem>>
        %dma_wait3A_68 = tpu.memref_squeeze %dma_wait3A_67 : memref<1x128xi32, #tpu.memory_space<vmem>> -> memref<128xi32, #tpu.memory_space<vmem>>
        %dma_wait3A_69 = arith.constant 0 : i32
        %dma_wait3A_70 = arith.constant 0 : i32
        %dma_wait3A_71 = tpu.memref_slice %arg2[%dma_wait3A_69, %dma_wait3A_70] : memref<10240x144xf32, #tpu.memory_space<hbm>> -> memref<10240x144xf32, #tpu.memory_space<hbm>>
        tpu.wait_indirect_dma semaphore(%run_scoped3A_61 : memref<!tpu.dma_semaphore, #tpu.memory_space<semaphore_mem>>) src(%dma_wait3A_71 : memref<10240x144xf32, #tpu.memory_space<hbm>>) dst(%arg9 : memref<128x144xf32, #tpu.memory_space<vmem>>)
        tpu.yield
      }) : () -> ()
      %run_scoped3A_50 = arith.constant 2 : i32
      "tpu.region"() ({
        %run_scoped3A_61 = tpu.sem_alloc : memref<!tpu.dma_semaphore, #tpu.memory_space<semaphore_mem>>
        %dma_start3A = arith.constant 0 : i32
        %dma_start3A_62 = tpu.memref_slice %arg8[%run_scoped3A_50, %dma_start3A] : memref<8x128xi32, #tpu.memory_space<vmem>> -> memref<1x128xi32, #tpu.memory_space<vmem>>
        %dma_start3A_63 = tpu.memref_squeeze %dma_start3A_62 : memref<1x128xi32, #tpu.memory_space<vmem>> -> memref<128xi32, #tpu.memory_space<vmem>>
        %dma_start3A_64 = arith.constant 0 : i32
        %dma_start3A_65 = arith.constant 0 : i32
        %dma_start3A_66 = tpu.memref_slice %arg11[%dma_start3A_64, %dma_start3A_65] : memref<10240x144xf32, #tpu.memory_space<vmem_shared>> -> memref<10240x144xf32, #tpu.memory_space<vmem_shared>>
        tpu.enqueue_indirect_dma source(%arg9 : memref<128x144xf32, #tpu.memory_space<vmem>>) target(%dma_start3A_66 : memref<10240x144xf32, #tpu.memory_space<vmem_shared>>) offsets(%dma_start3A_63 : memref<128xi32, #tpu.memory_space<vmem>>) semaphore(%run_scoped3A_61 : memref<!tpu.dma_semaphore, #tpu.memory_space<semaphore_mem>>) {add = true}
        %dma_wait3A = arith.constant 0 : i32
        %dma_wait3A_67 = tpu.memref_slice %arg8[%run_scoped3A_50, %dma_wait3A] : memref<8x128xi32, #tpu.memory_space<vmem>> -> memref<1x128xi32, #tpu.memory_space<vmem>>
        %dma_wait3A_68 = tpu.memref_squeeze %dma_wait3A_67 : memref<1x128xi32, #tpu.memory_space<vmem>> -> memref<128xi32, #tpu.memory_space<vmem>>
        %dma_wait3A_69 = arith.constant 0 : i32
        %dma_wait3A_70 = arith.constant 0 : i32
        %dma_wait3A_71 = tpu.memref_slice %arg11[%dma_wait3A_69, %dma_wait3A_70] : memref<10240x144xf32, #tpu.memory_space<vmem_shared>> -> memref<10240x144xf32, #tpu.memory_space<vmem_shared>>
        tpu.wait_indirect_dma semaphore(%run_scoped3A_61 : memref<!tpu.dma_semaphore, #tpu.memory_space<semaphore_mem>>) src(%arg9 : memref<128x144xf32, #tpu.memory_space<vmem>>) dst(%dma_wait3A_71 : memref<10240x144xf32, #tpu.memory_space<vmem_shared>>)
        tpu.yield
      }) : () -> ()
      %run_scoped3A_51 = arith.constant 3 : i32
      "tpu.region"() ({
        %run_scoped3A_61 = tpu.sem_alloc : memref<!tpu.dma_semaphore, #tpu.memory_space<semaphore_mem>>
        %dma_start3A = arith.constant 0 : i32
        %dma_start3A_62 = tpu.memref_slice %arg7[%run_scoped3A_51, %dma_start3A] : memref<8x128xi32, #tpu.memory_space<vmem>> -> memref<1x128xi32, #tpu.memory_space<vmem>>
        %dma_start3A_63 = tpu.memref_squeeze %dma_start3A_62 : memref<1x128xi32, #tpu.memory_space<vmem>> -> memref<128xi32, #tpu.memory_space<vmem>>
        %dma_start3A_64 = arith.constant 0 : i32
        %dma_start3A_65 = arith.constant 0 : i32
        %dma_start3A_66 = tpu.memref_slice %arg2[%dma_start3A_64, %dma_start3A_65] : memref<10240x144xf32, #tpu.memory_space<hbm>> -> memref<10240x144xf32, #tpu.memory_space<hbm>>
        tpu.enqueue_indirect_dma source(%dma_start3A_66 : memref<10240x144xf32, #tpu.memory_space<hbm>>) target(%arg9 : memref<128x144xf32, #tpu.memory_space<vmem>>) offsets(%dma_start3A_63 : memref<128xi32, #tpu.memory_space<vmem>>) semaphore(%run_scoped3A_61 : memref<!tpu.dma_semaphore, #tpu.memory_space<semaphore_mem>>)
        %dma_wait3A = arith.constant 0 : i32
        %dma_wait3A_67 = tpu.memref_slice %arg7[%run_scoped3A_51, %dma_wait3A] : memref<8x128xi32, #tpu.memory_space<vmem>> -> memref<1x128xi32, #tpu.memory_space<vmem>>
        %dma_wait3A_68 = tpu.memref_squeeze %dma_wait3A_67 : memref<1x128xi32, #tpu.memory_space<vmem>> -> memref<128xi32, #tpu.memory_space<vmem>>
        %dma_wait3A_69 = arith.constant 0 : i32
        %dma_wait3A_70 = arith.constant 0 : i32
        %dma_wait3A_71 = tpu.memref_slice %arg2[%dma_wait3A_69, %dma_wait3A_70] : memref<10240x144xf32, #tpu.memory_space<hbm>> -> memref<10240x144xf32, #tpu.memory_space<hbm>>
        tpu.wait_indirect_dma semaphore(%run_scoped3A_61 : memref<!tpu.dma_semaphore, #tpu.memory_space<semaphore_mem>>) src(%dma_wait3A_71 : memref<10240x144xf32, #tpu.memory_space<hbm>>) dst(%arg9 : memref<128x144xf32, #tpu.memory_space<vmem>>)
        tpu.yield
      }) : () -> ()
      %run_scoped3A_52 = arith.constant 3 : i32
      "tpu.region"() ({
        %run_scoped3A_61 = tpu.sem_alloc : memref<!tpu.dma_semaphore, #tpu.memory_space<semaphore_mem>>
        %dma_start3A = arith.constant 0 : i32
        %dma_start3A_62 = tpu.memref_slice %arg8[%run_scoped3A_52, %dma_start3A] : memref<8x128xi32, #tpu.memory_space<vmem>> -> memref<1x128xi32, #tpu.memory_space<vmem>>
        %dma_start3A_63 = tpu.memref_squeeze %dma_start3A_62 : memref<1x128xi32, #tpu.memory_space<vmem>> -> memref<128xi32, #tpu.memory_space<vmem>>
        %dma_start3A_64 = arith.constant 0 : i32
        %dma_start3A_65 = arith.constant 0 : i32
        %dma_start3A_66 = tpu.memref_slice %arg11[%dma_start3A_64, %dma_start3A_65] : memref<10240x144xf32, #tpu.memory_space<vmem_shared>> -> memref<10240x144xf32, #tpu.memory_space<vmem_shared>>
        tpu.enqueue_indirect_dma source(%arg9 : memref<128x144xf32, #tpu.memory_space<vmem>>) target(%dma_start3A_66 : memref<10240x144xf32, #tpu.memory_space<vmem_shared>>) offsets(%dma_start3A_63 : memref<128xi32, #tpu.memory_space<vmem>>) semaphore(%run_scoped3A_61 : memref<!tpu.dma_semaphore, #tpu.memory_space<semaphore_mem>>) {add = true}
        %dma_wait3A = arith.constant 0 : i32
        %dma_wait3A_67 = tpu.memref_slice %arg8[%run_scoped3A_52, %dma_wait3A] : memref<8x128xi32, #tpu.memory_space<vmem>> -> memref<1x128xi32, #tpu.memory_space<vmem>>
        %dma_wait3A_68 = tpu.memref_squeeze %dma_wait3A_67 : memref<1x128xi32, #tpu.memory_space<vmem>> -> memref<128xi32, #tpu.memory_space<vmem>>
        %dma_wait3A_69 = arith.constant 0 : i32
        %dma_wait3A_70 = arith.constant 0 : i32
        %dma_wait3A_71 = tpu.memref_slice %arg11[%dma_wait3A_69, %dma_wait3A_70] : memref<10240x144xf32, #tpu.memory_space<vmem_shared>> -> memref<10240x144xf32, #tpu.memory_space<vmem_shared>>
        tpu.wait_indirect_dma semaphore(%run_scoped3A_61 : memref<!tpu.dma_semaphore, #tpu.memory_space<semaphore_mem>>) src(%arg9 : memref<128x144xf32, #tpu.memory_space<vmem>>) dst(%dma_wait3A_71 : memref<10240x144xf32, #tpu.memory_space<vmem_shared>>)
        tpu.yield
      }) : () -> ()
      %run_scoped3A_53 = arith.constant 4 : i32
      "tpu.region"() ({
        %run_scoped3A_61 = tpu.sem_alloc : memref<!tpu.dma_semaphore, #tpu.memory_space<semaphore_mem>>
        %dma_start3A = arith.constant 0 : i32
        %dma_start3A_62 = tpu.memref_slice %arg7[%run_scoped3A_53, %dma_start3A] : memref<8x128xi32, #tpu.memory_space<vmem>> -> memref<1x128xi32, #tpu.memory_space<vmem>>
        %dma_start3A_63 = tpu.memref_squeeze %dma_start3A_62 : memref<1x128xi32, #tpu.memory_space<vmem>> -> memref<128xi32, #tpu.memory_space<vmem>>
        %dma_start3A_64 = arith.constant 0 : i32
        %dma_start3A_65 = arith.constant 0 : i32
        %dma_start3A_66 = tpu.memref_slice %arg2[%dma_start3A_64, %dma_start3A_65] : memref<10240x144xf32, #tpu.memory_space<hbm>> -> memref<10240x144xf32, #tpu.memory_space<hbm>>
        tpu.enqueue_indirect_dma source(%dma_start3A_66 : memref<10240x144xf32, #tpu.memory_space<hbm>>) target(%arg9 : memref<128x144xf32, #tpu.memory_space<vmem>>) offsets(%dma_start3A_63 : memref<128xi32, #tpu.memory_space<vmem>>) semaphore(%run_scoped3A_61 : memref<!tpu.dma_semaphore, #tpu.memory_space<semaphore_mem>>)
        %dma_wait3A = arith.constant 0 : i32
        %dma_wait3A_67 = tpu.memref_slice %arg7[%run_scoped3A_53, %dma_wait3A] : memref<8x128xi32, #tpu.memory_space<vmem>> -> memref<1x128xi32, #tpu.memory_space<vmem>>
        %dma_wait3A_68 = tpu.memref_squeeze %dma_wait3A_67 : memref<1x128xi32, #tpu.memory_space<vmem>> -> memref<128xi32, #tpu.memory_space<vmem>>
        %dma_wait3A_69 = arith.constant 0 : i32
        %dma_wait3A_70 = arith.constant 0 : i32
        %dma_wait3A_71 = tpu.memref_slice %arg2[%dma_wait3A_69, %dma_wait3A_70] : memref<10240x144xf32, #tpu.memory_space<hbm>> -> memref<10240x144xf32, #tpu.memory_space<hbm>>
        tpu.wait_indirect_dma semaphore(%run_scoped3A_61 : memref<!tpu.dma_semaphore, #tpu.memory_space<semaphore_mem>>) src(%dma_wait3A_71 : memref<10240x144xf32, #tpu.memory_space<hbm>>) dst(%arg9 : memref<128x144xf32, #tpu.memory_space<vmem>>)
        tpu.yield
      }) : () -> ()
      %run_scoped3A_54 = arith.constant 4 : i32
      "tpu.region"() ({
        %run_scoped3A_61 = tpu.sem_alloc : memref<!tpu.dma_semaphore, #tpu.memory_space<semaphore_mem>>
        %dma_start3A = arith.constant 0 : i32
        %dma_start3A_62 = tpu.memref_slice %arg8[%run_scoped3A_54, %dma_start3A] : memref<8x128xi32, #tpu.memory_space<vmem>> -> memref<1x128xi32, #tpu.memory_space<vmem>>
        %dma_start3A_63 = tpu.memref_squeeze %dma_start3A_62 : memref<1x128xi32, #tpu.memory_space<vmem>> -> memref<128xi32, #tpu.memory_space<vmem>>
        %dma_start3A_64 = arith.constant 0 : i32
        %dma_start3A_65 = arith.constant 0 : i32
        %dma_start3A_66 = tpu.memref_slice %arg11[%dma_start3A_64, %dma_start3A_65] : memref<10240x144xf32, #tpu.memory_space<vmem_shared>> -> memref<10240x144xf32, #tpu.memory_space<vmem_shared>>
        tpu.enqueue_indirect_dma source(%arg9 : memref<128x144xf32, #tpu.memory_space<vmem>>) target(%dma_start3A_66 : memref<10240x144xf32, #tpu.memory_space<vmem_shared>>) offsets(%dma_start3A_63 : memref<128xi32, #tpu.memory_space<vmem>>) semaphore(%run_scoped3A_61 : memref<!tpu.dma_semaphore, #tpu.memory_space<semaphore_mem>>) {add = true}
        %dma_wait3A = arith.constant 0 : i32
        %dma_wait3A_67 = tpu.memref_slice %arg8[%run_scoped3A_54, %dma_wait3A] : memref<8x128xi32, #tpu.memory_space<vmem>> -> memref<1x128xi32, #tpu.memory_space<vmem>>
        %dma_wait3A_68 = tpu.memref_squeeze %dma_wait3A_67 : memref<1x128xi32, #tpu.memory_space<vmem>> -> memref<128xi32, #tpu.memory_space<vmem>>
        %dma_wait3A_69 = arith.constant 0 : i32
        %dma_wait3A_70 = arith.constant 0 : i32
        %dma_wait3A_71 = tpu.memref_slice %arg11[%dma_wait3A_69, %dma_wait3A_70] : memref<10240x144xf32, #tpu.memory_space<vmem_shared>> -> memref<10240x144xf32, #tpu.memory_space<vmem_shared>>
        tpu.wait_indirect_dma semaphore(%run_scoped3A_61 : memref<!tpu.dma_semaphore, #tpu.memory_space<semaphore_mem>>) src(%arg9 : memref<128x144xf32, #tpu.memory_space<vmem>>) dst(%dma_wait3A_71 : memref<10240x144xf32, #tpu.memory_space<vmem_shared>>)
        tpu.yield
      }) : () -> ()
      %run_scoped3A_55 = arith.constant 5 : i32
      "tpu.region"() ({
        %run_scoped3A_61 = tpu.sem_alloc : memref<!tpu.dma_semaphore, #tpu.memory_space<semaphore_mem>>
        %dma_start3A = arith.constant 0 : i32
        %dma_start3A_62 = tpu.memref_slice %arg7[%run_scoped3A_55, %dma_start3A] : memref<8x128xi32, #tpu.memory_space<vmem>> -> memref<1x128xi32, #tpu.memory_space<vmem>>
        %dma_start3A_63 = tpu.memref_squeeze %dma_start3A_62 : memref<1x128xi32, #tpu.memory_space<vmem>> -> memref<128xi32, #tpu.memory_space<vmem>>
        %dma_start3A_64 = arith.constant 0 : i32
        %dma_start3A_65 = arith.constant 0 : i32
        %dma_start3A_66 = tpu.memref_slice %arg2[%dma_start3A_64, %dma_start3A_65] : memref<10240x144xf32, #tpu.memory_space<hbm>> -> memref<10240x144xf32, #tpu.memory_space<hbm>>
        tpu.enqueue_indirect_dma source(%dma_start3A_66 : memref<10240x144xf32, #tpu.memory_space<hbm>>) target(%arg9 : memref<128x144xf32, #tpu.memory_space<vmem>>) offsets(%dma_start3A_63 : memref<128xi32, #tpu.memory_space<vmem>>) semaphore(%run_scoped3A_61 : memref<!tpu.dma_semaphore, #tpu.memory_space<semaphore_mem>>)
        %dma_wait3A = arith.constant 0 : i32
        %dma_wait3A_67 = tpu.memref_slice %arg7[%run_scoped3A_55, %dma_wait3A] : memref<8x128xi32, #tpu.memory_space<vmem>> -> memref<1x128xi32, #tpu.memory_space<vmem>>
        %dma_wait3A_68 = tpu.memref_squeeze %dma_wait3A_67 : memref<1x128xi32, #tpu.memory_space<vmem>> -> memref<128xi32, #tpu.memory_space<vmem>>
        %dma_wait3A_69 = arith.constant 0 : i32
        %dma_wait3A_70 = arith.constant 0 : i32
        %dma_wait3A_71 = tpu.memref_slice %arg2[%dma_wait3A_69, %dma_wait3A_70] : memref<10240x144xf32, #tpu.memory_space<hbm>> -> memref<10240x144xf32, #tpu.memory_space<hbm>>
        tpu.wait_indirect_dma semaphore(%run_scoped3A_61 : memref<!tpu.dma_semaphore, #tpu.memory_space<semaphore_mem>>) src(%dma_wait3A_71 : memref<10240x144xf32, #tpu.memory_space<hbm>>) dst(%arg9 : memref<128x144xf32, #tpu.memory_space<vmem>>)
        tpu.yield
      }) : () -> ()
      %run_scoped3A_56 = arith.constant 5 : i32
      "tpu.region"() ({
        %run_scoped3A_61 = tpu.sem_alloc : memref<!tpu.dma_semaphore, #tpu.memory_space<semaphore_mem>>
        %dma_start3A = arith.constant 0 : i32
        %dma_start3A_62 = tpu.memref_slice %arg8[%run_scoped3A_56, %dma_start3A] : memref<8x128xi32, #tpu.memory_space<vmem>> -> memref<1x128xi32, #tpu.memory_space<vmem>>
        %dma_start3A_63 = tpu.memref_squeeze %dma_start3A_62 : memref<1x128xi32, #tpu.memory_space<vmem>> -> memref<128xi32, #tpu.memory_space<vmem>>
        %dma_start3A_64 = arith.constant 0 : i32
        %dma_start3A_65 = arith.constant 0 : i32
        %dma_start3A_66 = tpu.memref_slice %arg11[%dma_start3A_64, %dma_start3A_65] : memref<10240x144xf32, #tpu.memory_space<vmem_shared>> -> memref<10240x144xf32, #tpu.memory_space<vmem_shared>>
        tpu.enqueue_indirect_dma source(%arg9 : memref<128x144xf32, #tpu.memory_space<vmem>>) target(%dma_start3A_66 : memref<10240x144xf32, #tpu.memory_space<vmem_shared>>) offsets(%dma_start3A_63 : memref<128xi32, #tpu.memory_space<vmem>>) semaphore(%run_scoped3A_61 : memref<!tpu.dma_semaphore, #tpu.memory_space<semaphore_mem>>) {add = true}
        %dma_wait3A = arith.constant 0 : i32
        %dma_wait3A_67 = tpu.memref_slice %arg8[%run_scoped3A_56, %dma_wait3A] : memref<8x128xi32, #tpu.memory_space<vmem>> -> memref<1x128xi32, #tpu.memory_space<vmem>>
        %dma_wait3A_68 = tpu.memref_squeeze %dma_wait3A_67 : memref<1x128xi32, #tpu.memory_space<vmem>> -> memref<128xi32, #tpu.memory_space<vmem>>
        %dma_wait3A_69 = arith.constant 0 : i32
        %dma_wait3A_70 = arith.constant 0 : i32
        %dma_wait3A_71 = tpu.memref_slice %arg11[%dma_wait3A_69, %dma_wait3A_70] : memref<10240x144xf32, #tpu.memory_space<vmem_shared>> -> memref<10240x144xf32, #tpu.memory_space<vmem_shared>>
        tpu.wait_indirect_dma semaphore(%run_scoped3A_61 : memref<!tpu.dma_semaphore, #tpu.memory_space<semaphore_mem>>) src(%arg9 : memref<128x144xf32, #tpu.memory_space<vmem>>) dst(%dma_wait3A_71 : memref<10240x144xf32, #tpu.memory_space<vmem_shared>>)
        tpu.yield
      }) : () -> ()
      %run_scoped3A_57 = arith.constant 6 : i32
      "tpu.region"() ({
        %run_scoped3A_61 = tpu.sem_alloc : memref<!tpu.dma_semaphore, #tpu.memory_space<semaphore_mem>>
        %dma_start3A = arith.constant 0 : i32
        %dma_start3A_62 = tpu.memref_slice %arg7[%run_scoped3A_57, %dma_start3A] : memref<8x128xi32, #tpu.memory_space<vmem>> -> memref<1x128xi32, #tpu.memory_space<vmem>>
        %dma_start3A_63 = tpu.memref_squeeze %dma_start3A_62 : memref<1x128xi32, #tpu.memory_space<vmem>> -> memref<128xi32, #tpu.memory_space<vmem>>
        %dma_start3A_64 = arith.constant 0 : i32
        %dma_start3A_65 = arith.constant 0 : i32
        %dma_start3A_66 = tpu.memref_slice %arg2[%dma_start3A_64, %dma_start3A_65] : memref<10240x144xf32, #tpu.memory_space<hbm>> -> memref<10240x144xf32, #tpu.memory_space<hbm>>
        tpu.enqueue_indirect_dma source(%dma_start3A_66 : memref<10240x144xf32, #tpu.memory_space<hbm>>) target(%arg9 : memref<128x144xf32, #tpu.memory_space<vmem>>) offsets(%dma_start3A_63 : memref<128xi32, #tpu.memory_space<vmem>>) semaphore(%run_scoped3A_61 : memref<!tpu.dma_semaphore, #tpu.memory_space<semaphore_mem>>)
        %dma_wait3A = arith.constant 0 : i32
        %dma_wait3A_67 = tpu.memref_slice %arg7[%run_scoped3A_57, %dma_wait3A] : memref<8x128xi32, #tpu.memory_space<vmem>> -> memref<1x128xi32, #tpu.memory_space<vmem>>
        %dma_wait3A_68 = tpu.memref_squeeze %dma_wait3A_67 : memref<1x128xi32, #tpu.memory_space<vmem>> -> memref<128xi32, #tpu.memory_space<vmem>>
        %dma_wait3A_69 = arith.constant 0 : i32
        %dma_wait3A_70 = arith.constant 0 : i32
        %dma_wait3A_71 = tpu.memref_slice %arg2[%dma_wait3A_69, %dma_wait3A_70] : memref<10240x144xf32, #tpu.memory_space<hbm>> -> memref<10240x144xf32, #tpu.memory_space<hbm>>
        tpu.wait_indirect_dma semaphore(%run_scoped3A_61 : memref<!tpu.dma_semaphore, #tpu.memory_space<semaphore_mem>>) src(%dma_wait3A_71 : memref<10240x144xf32, #tpu.memory_space<hbm>>) dst(%arg9 : memref<128x144xf32, #tpu.memory_space<vmem>>)
        tpu.yield
      }) : () -> ()
      %run_scoped3A_58 = arith.constant 6 : i32
      "tpu.region"() ({
        %run_scoped3A_61 = tpu.sem_alloc : memref<!tpu.dma_semaphore, #tpu.memory_space<semaphore_mem>>
        %dma_start3A = arith.constant 0 : i32
        %dma_start3A_62 = tpu.memref_slice %arg8[%run_scoped3A_58, %dma_start3A] : memref<8x128xi32, #tpu.memory_space<vmem>> -> memref<1x128xi32, #tpu.memory_space<vmem>>
        %dma_start3A_63 = tpu.memref_squeeze %dma_start3A_62 : memref<1x128xi32, #tpu.memory_space<vmem>> -> memref<128xi32, #tpu.memory_space<vmem>>
        %dma_start3A_64 = arith.constant 0 : i32
        %dma_start3A_65 = arith.constant 0 : i32
        %dma_start3A_66 = tpu.memref_slice %arg11[%dma_start3A_64, %dma_start3A_65] : memref<10240x144xf32, #tpu.memory_space<vmem_shared>> -> memref<10240x144xf32, #tpu.memory_space<vmem_shared>>
        tpu.enqueue_indirect_dma source(%arg9 : memref<128x144xf32, #tpu.memory_space<vmem>>) target(%dma_start3A_66 : memref<10240x144xf32, #tpu.memory_space<vmem_shared>>) offsets(%dma_start3A_63 : memref<128xi32, #tpu.memory_space<vmem>>) semaphore(%run_scoped3A_61 : memref<!tpu.dma_semaphore, #tpu.memory_space<semaphore_mem>>) {add = true}
        %dma_wait3A = arith.constant 0 : i32
        %dma_wait3A_67 = tpu.memref_slice %arg8[%run_scoped3A_58, %dma_wait3A] : memref<8x128xi32, #tpu.memory_space<vmem>> -> memref<1x128xi32, #tpu.memory_space<vmem>>
        %dma_wait3A_68 = tpu.memref_squeeze %dma_wait3A_67 : memref<1x128xi32, #tpu.memory_space<vmem>> -> memref<128xi32, #tpu.memory_space<vmem>>
        %dma_wait3A_69 = arith.constant 0 : i32
        %dma_wait3A_70 = arith.constant 0 : i32
        %dma_wait3A_71 = tpu.memref_slice %arg11[%dma_wait3A_69, %dma_wait3A_70] : memref<10240x144xf32, #tpu.memory_space<vmem_shared>> -> memref<10240x144xf32, #tpu.memory_space<vmem_shared>>
        tpu.wait_indirect_dma semaphore(%run_scoped3A_61 : memref<!tpu.dma_semaphore, #tpu.memory_space<semaphore_mem>>) src(%arg9 : memref<128x144xf32, #tpu.memory_space<vmem>>) dst(%dma_wait3A_71 : memref<10240x144xf32, #tpu.memory_space<vmem_shared>>)
        tpu.yield
      }) : () -> ()
      %run_scoped3A_59 = arith.constant 7 : i32
      "tpu.region"() ({
        %run_scoped3A_61 = tpu.sem_alloc : memref<!tpu.dma_semaphore, #tpu.memory_space<semaphore_mem>>
        %dma_start3A = arith.constant 0 : i32
        %dma_start3A_62 = tpu.memref_slice %arg7[%run_scoped3A_59, %dma_start3A] : memref<8x128xi32, #tpu.memory_space<vmem>> -> memref<1x128xi32, #tpu.memory_space<vmem>>
        %dma_start3A_63 = tpu.memref_squeeze %dma_start3A_62 : memref<1x128xi32, #tpu.memory_space<vmem>> -> memref<128xi32, #tpu.memory_space<vmem>>
        %dma_start3A_64 = arith.constant 0 : i32
        %dma_start3A_65 = arith.constant 0 : i32
        %dma_start3A_66 = tpu.memref_slice %arg2[%dma_start3A_64, %dma_start3A_65] : memref<10240x144xf32, #tpu.memory_space<hbm>> -> memref<10240x144xf32, #tpu.memory_space<hbm>>
        tpu.enqueue_indirect_dma source(%dma_start3A_66 : memref<10240x144xf32, #tpu.memory_space<hbm>>) target(%arg9 : memref<128x144xf32, #tpu.memory_space<vmem>>) offsets(%dma_start3A_63 : memref<128xi32, #tpu.memory_space<vmem>>) semaphore(%run_scoped3A_61 : memref<!tpu.dma_semaphore, #tpu.memory_space<semaphore_mem>>)
        %dma_wait3A = arith.constant 0 : i32
        %dma_wait3A_67 = tpu.memref_slice %arg7[%run_scoped3A_59, %dma_wait3A] : memref<8x128xi32, #tpu.memory_space<vmem>> -> memref<1x128xi32, #tpu.memory_space<vmem>>
        %dma_wait3A_68 = tpu.memref_squeeze %dma_wait3A_67 : memref<1x128xi32, #tpu.memory_space<vmem>> -> memref<128xi32, #tpu.memory_space<vmem>>
        %dma_wait3A_69 = arith.constant 0 : i32
        %dma_wait3A_70 = arith.constant 0 : i32
        %dma_wait3A_71 = tpu.memref_slice %arg2[%dma_wait3A_69, %dma_wait3A_70] : memref<10240x144xf32, #tpu.memory_space<hbm>> -> memref<10240x144xf32, #tpu.memory_space<hbm>>
        tpu.wait_indirect_dma semaphore(%run_scoped3A_61 : memref<!tpu.dma_semaphore, #tpu.memory_space<semaphore_mem>>) src(%dma_wait3A_71 : memref<10240x144xf32, #tpu.memory_space<hbm>>) dst(%arg9 : memref<128x144xf32, #tpu.memory_space<vmem>>)
        tpu.yield
      }) : () -> ()
      %run_scoped3A_60 = arith.constant 7 : i32
      "tpu.region"() ({
        %run_scoped3A_61 = tpu.sem_alloc : memref<!tpu.dma_semaphore, #tpu.memory_space<semaphore_mem>>
        %dma_start3A = arith.constant 0 : i32
        %dma_start3A_62 = tpu.memref_slice %arg8[%run_scoped3A_60, %dma_start3A] : memref<8x128xi32, #tpu.memory_space<vmem>> -> memref<1x128xi32, #tpu.memory_space<vmem>>
        %dma_start3A_63 = tpu.memref_squeeze %dma_start3A_62 : memref<1x128xi32, #tpu.memory_space<vmem>> -> memref<128xi32, #tpu.memory_space<vmem>>
        %dma_start3A_64 = arith.constant 0 : i32
        %dma_start3A_65 = arith.constant 0 : i32
        %dma_start3A_66 = tpu.memref_slice %arg11[%dma_start3A_64, %dma_start3A_65] : memref<10240x144xf32, #tpu.memory_space<vmem_shared>> -> memref<10240x144xf32, #tpu.memory_space<vmem_shared>>
        tpu.enqueue_indirect_dma source(%arg9 : memref<128x144xf32, #tpu.memory_space<vmem>>) target(%dma_start3A_66 : memref<10240x144xf32, #tpu.memory_space<vmem_shared>>) offsets(%dma_start3A_63 : memref<128xi32, #tpu.memory_space<vmem>>) semaphore(%run_scoped3A_61 : memref<!tpu.dma_semaphore, #tpu.memory_space<semaphore_mem>>) {add = true}
        %dma_wait3A = arith.constant 0 : i32
        %dma_wait3A_67 = tpu.memref_slice %arg8[%run_scoped3A_60, %dma_wait3A] : memref<8x128xi32, #tpu.memory_space<vmem>> -> memref<1x128xi32, #tpu.memory_space<vmem>>
        %dma_wait3A_68 = tpu.memref_squeeze %dma_wait3A_67 : memref<1x128xi32, #tpu.memory_space<vmem>> -> memref<128xi32, #tpu.memory_space<vmem>>
        %dma_wait3A_69 = arith.constant 0 : i32
        %dma_wait3A_70 = arith.constant 0 : i32
        %dma_wait3A_71 = tpu.memref_slice %arg11[%dma_wait3A_69, %dma_wait3A_70] : memref<10240x144xf32, #tpu.memory_space<vmem_shared>> -> memref<10240x144xf32, #tpu.memory_space<vmem_shared>>
        tpu.wait_indirect_dma semaphore(%run_scoped3A_61 : memref<!tpu.dma_semaphore, #tpu.memory_space<semaphore_mem>>) src(%arg9 : memref<128x144xf32, #tpu.memory_space<vmem>>) dst(%dma_wait3A_71 : memref<10240x144xf32, #tpu.memory_space<vmem_shared>>)
        tpu.yield
      }) : () -> ()
    }
    %scan3A_23 = arith.constant 9 : i32
    %barrier3A_24 = arith.constant 0 : index
    tpu.barrier barrier_id(%barrier3A_24)
    %add3A_25 = arith.constant 0 : i32
    %add3A_26 = arith.addi %mul3A_2, %add3A_25 : i32
    "tpu.region"() ({
      %run_scoped3A = tpu.sem_alloc : memref<!tpu.dma_semaphore, #tpu.memory_space<semaphore_mem>>
      %dma_start3A = arith.constant 0 : i32
      %dma_start3A_41 = tpu.memref_slice %arg11[%add3A_26, %dma_start3A] : memref<10240x144xf32, #tpu.memory_space<vmem_shared>> -> memref<80x144xf32, #tpu.memory_space<vmem_shared>>
      %dma_start3A_42 = arith.constant 0 : i32
      %dma_start3A_43 = tpu.memref_slice %arg11[%add3A_26, %dma_start3A_42] : memref<10240x144xf32, #tpu.memory_space<vmem_shared>> -> memref<80x144xf32, #tpu.memory_space<vmem_shared>>
      tpu.enqueue_dma source(%dma_start3A_43 : memref<80x144xf32, #tpu.memory_space<vmem_shared>>) target(%arg10 : memref<80x144xf32, #tpu.memory_space<vmem>>) target_semaphore(%run_scoped3A : memref<!tpu.dma_semaphore, #tpu.memory_space<semaphore_mem>>)
      %dma_wait3A = arith.constant 0 : i32
      %dma_wait3A_44 = tpu.memref_slice %arg11[%add3A_26, %dma_wait3A] : memref<10240x144xf32, #tpu.memory_space<vmem_shared>> -> memref<80x144xf32, #tpu.memory_space<vmem_shared>>
      %dma_wait3A_45 = arith.constant 0 : i32
      %dma_wait3A_46 = tpu.memref_slice %arg11[%add3A_26, %dma_wait3A_45] : memref<10240x144xf32, #tpu.memory_space<vmem_shared>> -> memref<80x144xf32, #tpu.memory_space<vmem_shared>>
      tpu.wait_dma2 semaphore(%run_scoped3A : memref<!tpu.dma_semaphore, #tpu.memory_space<semaphore_mem>>) src(%dma_wait3A_46 : memref<80x144xf32, #tpu.memory_space<vmem_shared>>) dst(%arg10 : memref<80x144xf32, #tpu.memory_space<vmem>>)
      tpu.yield
    }) : () -> ()
    "tpu.region"() ({
      %run_scoped3A = tpu.sem_alloc : memref<!tpu.dma_semaphore, #tpu.memory_space<semaphore_mem>>
      %dma_start3A = arith.constant 0 : i32
      %dma_start3A_41 = tpu.memref_slice %arg6[%arg0, %add3A_26, %dma_start3A] : memref<2x10240x144xf32, #tpu.memory_space<hbm>> -> memref<1x80x144xf32, #tpu.memory_space<hbm>>
      %dma_start3A_42 = tpu.memref_squeeze %dma_start3A_41 : memref<1x80x144xf32, #tpu.memory_space<hbm>> -> memref<80x144xf32, #tpu.memory_space<hbm>>
      %dma_start3A_43 = arith.constant 0 : i32
      %dma_start3A_44 = tpu.memref_slice %arg6[%arg0, %add3A_26, %dma_start3A_43] : memref<2x10240x144xf32, #tpu.memory_space<hbm>> -> memref<1x80x144xf32, #tpu.memory_space<hbm>>
      %dma_start3A_45 = tpu.memref_squeeze %dma_start3A_44 : memref<1x80x144xf32, #tpu.memory_space<hbm>> -> memref<80x144xf32, #tpu.memory_space<hbm>>
      tpu.enqueue_dma source(%arg10 : memref<80x144xf32, #tpu.memory_space<vmem>>) target(%dma_start3A_45 : memref<80x144xf32, #tpu.memory_space<hbm>>) target_semaphore(%run_scoped3A : memref<!tpu.dma_semaphore, #tpu.memory_space<semaphore_mem>>)
      %dma_wait3A = arith.constant 0 : i32
      %dma_wait3A_46 = tpu.memref_slice %arg6[%arg0, %add3A_26, %dma_wait3A] : memref<2x10240x144xf32, #tpu.memory_space<hbm>> -> memref<1x80x144xf32, #tpu.memory_space<hbm>>
      %dma_wait3A_47 = tpu.memref_squeeze %dma_wait3A_46 : memref<1x80x144xf32, #tpu.memory_space<hbm>> -> memref<80x144xf32, #tpu.memory_space<hbm>>
      %dma_wait3A_48 = arith.constant 0 : i32
      %dma_wait3A_49 = tpu.memref_slice %arg6[%arg0, %add3A_26, %dma_wait3A_48] : memref<2x10240x144xf32, #tpu.memory_space<hbm>> -> memref<1x80x144xf32, #tpu.memory_space<hbm>>
      %dma_wait3A_50 = tpu.memref_squeeze %dma_wait3A_49 : memref<1x80x144xf32, #tpu.memory_space<hbm>> -> memref<80x144xf32, #tpu.memory_space<hbm>>
      tpu.wait_dma2 semaphore(%run_scoped3A : memref<!tpu.dma_semaphore, #tpu.memory_space<semaphore_mem>>) src(%arg10 : memref<80x144xf32, #tpu.memory_space<vmem>>) dst(%dma_wait3A_50 : memref<80x144xf32, #tpu.memory_space<hbm>>)
      tpu.yield
    }) : () -> ()
    %add3A_27 = arith.constant 80 : i32
    %add3A_28 = arith.addi %mul3A_2, %add3A_27 : i32
    "tpu.region"() ({
      %run_scoped3A = tpu.sem_alloc : memref<!tpu.dma_semaphore, #tpu.memory_space<semaphore_mem>>
      %dma_start3A = arith.constant 0 : i32
      %dma_start3A_41 = tpu.memref_slice %arg11[%add3A_28, %dma_start3A] : memref<10240x144xf32, #tpu.memory_space<vmem_shared>> -> memref<80x144xf32, #tpu.memory_space<vmem_shared>>
      %dma_start3A_42 = arith.constant 0 : i32
      %dma_start3A_43 = tpu.memref_slice %arg11[%add3A_28, %dma_start3A_42] : memref<10240x144xf32, #tpu.memory_space<vmem_shared>> -> memref<80x144xf32, #tpu.memory_space<vmem_shared>>
      tpu.enqueue_dma source(%dma_start3A_43 : memref<80x144xf32, #tpu.memory_space<vmem_shared>>) target(%arg10 : memref<80x144xf32, #tpu.memory_space<vmem>>) target_semaphore(%run_scoped3A : memref<!tpu.dma_semaphore, #tpu.memory_space<semaphore_mem>>)
      %dma_wait3A = arith.constant 0 : i32
      %dma_wait3A_44 = tpu.memref_slice %arg11[%add3A_28, %dma_wait3A] : memref<10240x144xf32, #tpu.memory_space<vmem_shared>> -> memref<80x144xf32, #tpu.memory_space<vmem_shared>>
      %dma_wait3A_45 = arith.constant 0 : i32
      %dma_wait3A_46 = tpu.memref_slice %arg11[%add3A_28, %dma_wait3A_45] : memref<10240x144xf32, #tpu.memory_space<vmem_shared>> -> memref<80x144xf32, #tpu.memory_space<vmem_shared>>
      tpu.wait_dma2 semaphore(%run_scoped3A : memref<!tpu.dma_semaphore, #tpu.memory_space<semaphore_mem>>) src(%dma_wait3A_46 : memref<80x144xf32, #tpu.memory_space<vmem_shared>>) dst(%arg10 : memref<80x144xf32, #tpu.memory_space<vmem>>)
      tpu.yield
    }) : () -> ()
    "tpu.region"() ({
      %run_scoped3A = tpu.sem_alloc : memref<!tpu.dma_semaphore, #tpu.memory_space<semaphore_mem>>
      %dma_start3A = arith.constant 0 : i32
      %dma_start3A_41 = tpu.memref_slice %arg6[%arg0, %add3A_28, %dma_start3A] : memref<2x10240x144xf32, #tpu.memory_space<hbm>> -> memref<1x80x144xf32, #tpu.memory_space<hbm>>
      %dma_start3A_42 = tpu.memref_squeeze %dma_start3A_41 : memref<1x80x144xf32, #tpu.memory_space<hbm>> -> memref<80x144xf32, #tpu.memory_space<hbm>>
      %dma_start3A_43 = arith.constant 0 : i32
      %dma_start3A_44 = tpu.memref_slice %arg6[%arg0, %add3A_28, %dma_start3A_43] : memref<2x10240x144xf32, #tpu.memory_space<hbm>> -> memref<1x80x144xf32, #tpu.memory_space<hbm>>
      %dma_start3A_45 = tpu.memref_squeeze %dma_start3A_44 : memref<1x80x144xf32, #tpu.memory_space<hbm>> -> memref<80x144xf32, #tpu.memory_space<hbm>>
      tpu.enqueue_dma source(%arg10 : memref<80x144xf32, #tpu.memory_space<vmem>>) target(%dma_start3A_45 : memref<80x144xf32, #tpu.memory_space<hbm>>) target_semaphore(%run_scoped3A : memref<!tpu.dma_semaphore, #tpu.memory_space<semaphore_mem>>)
      %dma_wait3A = arith.constant 0 : i32
      %dma_wait3A_46 = tpu.memref_slice %arg6[%arg0, %add3A_28, %dma_wait3A] : memref<2x10240x144xf32, #tpu.memory_space<hbm>> -> memref<1x80x144xf32, #tpu.memory_space<hbm>>
      %dma_wait3A_47 = tpu.memref_squeeze %dma_wait3A_46 : memref<1x80x144xf32, #tpu.memory_space<hbm>> -> memref<80x144xf32, #tpu.memory_space<hbm>>
      %dma_wait3A_48 = arith.constant 0 : i32
      %dma_wait3A_49 = tpu.memref_slice %arg6[%arg0, %add3A_28, %dma_wait3A_48] : memref<2x10240x144xf32, #tpu.memory_space<hbm>> -> memref<1x80x144xf32, #tpu.memory_space<hbm>>
      %dma_wait3A_50 = tpu.memref_squeeze %dma_wait3A_49 : memref<1x80x144xf32, #tpu.memory_space<hbm>> -> memref<80x144xf32, #tpu.memory_space<hbm>>
      tpu.wait_dma2 semaphore(%run_scoped3A : memref<!tpu.dma_semaphore, #tpu.memory_space<semaphore_mem>>) src(%arg10 : memref<80x144xf32, #tpu.memory_space<vmem>>) dst(%dma_wait3A_50 : memref<80x144xf32, #tpu.memory_space<hbm>>)
      tpu.yield
    }) : () -> ()
    %add3A_29 = arith.constant 160 : i32
    %add3A_30 = arith.addi %mul3A_2, %add3A_29 : i32
    "tpu.region"() ({
      %run_scoped3A = tpu.sem_alloc : memref<!tpu.dma_semaphore, #tpu.memory_space<semaphore_mem>>
      %dma_start3A = arith.constant 0 : i32
      %dma_start3A_41 = tpu.memref_slice %arg11[%add3A_30, %dma_start3A] : memref<10240x144xf32, #tpu.memory_space<vmem_shared>> -> memref<80x144xf32, #tpu.memory_space<vmem_shared>>
      %dma_start3A_42 = arith.constant 0 : i32
      %dma_start3A_43 = tpu.memref_slice %arg11[%add3A_30, %dma_start3A_42] : memref<10240x144xf32, #tpu.memory_space<vmem_shared>> -> memref<80x144xf32, #tpu.memory_space<vmem_shared>>
      tpu.enqueue_dma source(%dma_start3A_43 : memref<80x144xf32, #tpu.memory_space<vmem_shared>>) target(%arg10 : memref<80x144xf32, #tpu.memory_space<vmem>>) target_semaphore(%run_scoped3A : memref<!tpu.dma_semaphore, #tpu.memory_space<semaphore_mem>>)
      %dma_wait3A = arith.constant 0 : i32
      %dma_wait3A_44 = tpu.memref_slice %arg11[%add3A_30, %dma_wait3A] : memref<10240x144xf32, #tpu.memory_space<vmem_shared>> -> memref<80x144xf32, #tpu.memory_space<vmem_shared>>
      %dma_wait3A_45 = arith.constant 0 : i32
      %dma_wait3A_46 = tpu.memref_slice %arg11[%add3A_30, %dma_wait3A_45] : memref<10240x144xf32, #tpu.memory_space<vmem_shared>> -> memref<80x144xf32, #tpu.memory_space<vmem_shared>>
      tpu.wait_dma2 semaphore(%run_scoped3A : memref<!tpu.dma_semaphore, #tpu.memory_space<semaphore_mem>>) src(%dma_wait3A_46 : memref<80x144xf32, #tpu.memory_space<vmem_shared>>) dst(%arg10 : memref<80x144xf32, #tpu.memory_space<vmem>>)
      tpu.yield
    }) : () -> ()
    "tpu.region"() ({
      %run_scoped3A = tpu.sem_alloc : memref<!tpu.dma_semaphore, #tpu.memory_space<semaphore_mem>>
      %dma_start3A = arith.constant 0 : i32
      %dma_start3A_41 = tpu.memref_slice %arg6[%arg0, %add3A_30, %dma_start3A] : memref<2x10240x144xf32, #tpu.memory_space<hbm>> -> memref<1x80x144xf32, #tpu.memory_space<hbm>>
      %dma_start3A_42 = tpu.memref_squeeze %dma_start3A_41 : memref<1x80x144xf32, #tpu.memory_space<hbm>> -> memref<80x144xf32, #tpu.memory_space<hbm>>
      %dma_start3A_43 = arith.constant 0 : i32
      %dma_start3A_44 = tpu.memref_slice %arg6[%arg0, %add3A_30, %dma_start3A_43] : memref<2x10240x144xf32, #tpu.memory_space<hbm>> -> memref<1x80x144xf32, #tpu.memory_space<hbm>>
      %dma_start3A_45 = tpu.memref_squeeze %dma_start3A_44 : memref<1x80x144xf32, #tpu.memory_space<hbm>> -> memref<80x144xf32, #tpu.memory_space<hbm>>
      tpu.enqueue_dma source(%arg10 : memref<80x144xf32, #tpu.memory_space<vmem>>) target(%dma_start3A_45 : memref<80x144xf32, #tpu.memory_space<hbm>>) target_semaphore(%run_scoped3A : memref<!tpu.dma_semaphore, #tpu.memory_space<semaphore_mem>>)
      %dma_wait3A = arith.constant 0 : i32
      %dma_wait3A_46 = tpu.memref_slice %arg6[%arg0, %add3A_30, %dma_wait3A] : memref<2x10240x144xf32, #tpu.memory_space<hbm>> -> memref<1x80x144xf32, #tpu.memory_space<hbm>>
      %dma_wait3A_47 = tpu.memref_squeeze %dma_wait3A_46 : memref<1x80x144xf32, #tpu.memory_space<hbm>> -> memref<80x144xf32, #tpu.memory_space<hbm>>
      %dma_wait3A_48 = arith.constant 0 : i32
      %dma_wait3A_49 = tpu.memref_slice %arg6[%arg0, %add3A_30, %dma_wait3A_48] : memref<2x10240x144xf32, #tpu.memory_space<hbm>> -> memref<1x80x144xf32, #tpu.memory_space<hbm>>
      %dma_wait3A_50 = tpu.memref_squeeze %dma_wait3A_49 : memref<1x80x144xf32, #tpu.memory_space<hbm>> -> memref<80x144xf32, #tpu.memory_space<hbm>>
      tpu.wait_dma2 semaphore(%run_scoped3A : memref<!tpu.dma_semaphore, #tpu.memory_space<semaphore_mem>>) src(%arg10 : memref<80x144xf32, #tpu.memory_space<vmem>>) dst(%dma_wait3A_50 : memref<80x144xf32, #tpu.memory_space<hbm>>)
      tpu.yield
    }) : () -> ()
    %add3A_31 = arith.constant 240 : i32
    %add3A_32 = arith.addi %mul3A_2, %add3A_31 : i32
    "tpu.region"() ({
      %run_scoped3A = tpu.sem_alloc : memref<!tpu.dma_semaphore, #tpu.memory_space<semaphore_mem>>
      %dma_start3A = arith.constant 0 : i32
      %dma_start3A_41 = tpu.memref_slice %arg11[%add3A_32, %dma_start3A] : memref<10240x144xf32, #tpu.memory_space<vmem_shared>> -> memref<80x144xf32, #tpu.memory_space<vmem_shared>>
      %dma_start3A_42 = arith.constant 0 : i32
      %dma_start3A_43 = tpu.memref_slice %arg11[%add3A_32, %dma_start3A_42] : memref<10240x144xf32, #tpu.memory_space<vmem_shared>> -> memref<80x144xf32, #tpu.memory_space<vmem_shared>>
      tpu.enqueue_dma source(%dma_start3A_43 : memref<80x144xf32, #tpu.memory_space<vmem_shared>>) target(%arg10 : memref<80x144xf32, #tpu.memory_space<vmem>>) target_semaphore(%run_scoped3A : memref<!tpu.dma_semaphore, #tpu.memory_space<semaphore_mem>>)
      %dma_wait3A = arith.constant 0 : i32
      %dma_wait3A_44 = tpu.memref_slice %arg11[%add3A_32, %dma_wait3A] : memref<10240x144xf32, #tpu.memory_space<vmem_shared>> -> memref<80x144xf32, #tpu.memory_space<vmem_shared>>
      %dma_wait3A_45 = arith.constant 0 : i32
      %dma_wait3A_46 = tpu.memref_slice %arg11[%add3A_32, %dma_wait3A_45] : memref<10240x144xf32, #tpu.memory_space<vmem_shared>> -> memref<80x144xf32, #tpu.memory_space<vmem_shared>>
      tpu.wait_dma2 semaphore(%run_scoped3A : memref<!tpu.dma_semaphore, #tpu.memory_space<semaphore_mem>>) src(%dma_wait3A_46 : memref<80x144xf32, #tpu.memory_space<vmem_shared>>) dst(%arg10 : memref<80x144xf32, #tpu.memory_space<vmem>>)
      tpu.yield
    }) : () -> ()
    "tpu.region"() ({
      %run_scoped3A = tpu.sem_alloc : memref<!tpu.dma_semaphore, #tpu.memory_space<semaphore_mem>>
      %dma_start3A = arith.constant 0 : i32
      %dma_start3A_41 = tpu.memref_slice %arg6[%arg0, %add3A_32, %dma_start3A] : memref<2x10240x144xf32, #tpu.memory_space<hbm>> -> memref<1x80x144xf32, #tpu.memory_space<hbm>>
      %dma_start3A_42 = tpu.memref_squeeze %dma_start3A_41 : memref<1x80x144xf32, #tpu.memory_space<hbm>> -> memref<80x144xf32, #tpu.memory_space<hbm>>
      %dma_start3A_43 = arith.constant 0 : i32
      %dma_start3A_44 = tpu.memref_slice %arg6[%arg0, %add3A_32, %dma_start3A_43] : memref<2x10240x144xf32, #tpu.memory_space<hbm>> -> memref<1x80x144xf32, #tpu.memory_space<hbm>>
      %dma_start3A_45 = tpu.memref_squeeze %dma_start3A_44 : memref<1x80x144xf32, #tpu.memory_space<hbm>> -> memref<80x144xf32, #tpu.memory_space<hbm>>
      tpu.enqueue_dma source(%arg10 : memref<80x144xf32, #tpu.memory_space<vmem>>) target(%dma_start3A_45 : memref<80x144xf32, #tpu.memory_space<hbm>>) target_semaphore(%run_scoped3A : memref<!tpu.dma_semaphore, #tpu.memory_space<semaphore_mem>>)
      %dma_wait3A = arith.constant 0 : i32
      %dma_wait3A_46 = tpu.memref_slice %arg6[%arg0, %add3A_32, %dma_wait3A] : memref<2x10240x144xf32, #tpu.memory_space<hbm>> -> memref<1x80x144xf32, #tpu.memory_space<hbm>>
      %dma_wait3A_47 = tpu.memref_squeeze %dma_wait3A_46 : memref<1x80x144xf32, #tpu.memory_space<hbm>> -> memref<80x144xf32, #tpu.memory_space<hbm>>
      %dma_wait3A_48 = arith.constant 0 : i32
      %dma_wait3A_49 = tpu.memref_slice %arg6[%arg0, %add3A_32, %dma_wait3A_48] : memref<2x10240x144xf32, #tpu.memory_space<hbm>> -> memref<1x80x144xf32, #tpu.memory_space<hbm>>
      %dma_wait3A_50 = tpu.memref_squeeze %dma_wait3A_49 : memref<1x80x144xf32, #tpu.memory_space<hbm>> -> memref<80x144xf32, #tpu.memory_space<hbm>>
      tpu.wait_dma2 semaphore(%run_scoped3A : memref<!tpu.dma_semaphore, #tpu.memory_space<semaphore_mem>>) src(%arg10 : memref<80x144xf32, #tpu.memory_space<vmem>>) dst(%dma_wait3A_50 : memref<80x144xf32, #tpu.memory_space<hbm>>)
      tpu.yield
    }) : () -> ()
    %add3A_33 = arith.constant 320 : i32
    %add3A_34 = arith.addi %mul3A_2, %add3A_33 : i32
    "tpu.region"() ({
      %run_scoped3A = tpu.sem_alloc : memref<!tpu.dma_semaphore, #tpu.memory_space<semaphore_mem>>
      %dma_start3A = arith.constant 0 : i32
      %dma_start3A_41 = tpu.memref_slice %arg11[%add3A_34, %dma_start3A] : memref<10240x144xf32, #tpu.memory_space<vmem_shared>> -> memref<80x144xf32, #tpu.memory_space<vmem_shared>>
      %dma_start3A_42 = arith.constant 0 : i32
      %dma_start3A_43 = tpu.memref_slice %arg11[%add3A_34, %dma_start3A_42] : memref<10240x144xf32, #tpu.memory_space<vmem_shared>> -> memref<80x144xf32, #tpu.memory_space<vmem_shared>>
      tpu.enqueue_dma source(%dma_start3A_43 : memref<80x144xf32, #tpu.memory_space<vmem_shared>>) target(%arg10 : memref<80x144xf32, #tpu.memory_space<vmem>>) target_semaphore(%run_scoped3A : memref<!tpu.dma_semaphore, #tpu.memory_space<semaphore_mem>>)
      %dma_wait3A = arith.constant 0 : i32
      %dma_wait3A_44 = tpu.memref_slice %arg11[%add3A_34, %dma_wait3A] : memref<10240x144xf32, #tpu.memory_space<vmem_shared>> -> memref<80x144xf32, #tpu.memory_space<vmem_shared>>
      %dma_wait3A_45 = arith.constant 0 : i32
      %dma_wait3A_46 = tpu.memref_slice %arg11[%add3A_34, %dma_wait3A_45] : memref<10240x144xf32, #tpu.memory_space<vmem_shared>> -> memref<80x144xf32, #tpu.memory_space<vmem_shared>>
      tpu.wait_dma2 semaphore(%run_scoped3A : memref<!tpu.dma_semaphore, #tpu.memory_space<semaphore_mem>>) src(%dma_wait3A_46 : memref<80x144xf32, #tpu.memory_space<vmem_shared>>) dst(%arg10 : memref<80x144xf32, #tpu.memory_space<vmem>>)
      tpu.yield
    }) : () -> ()
    "tpu.region"() ({
      %run_scoped3A = tpu.sem_alloc : memref<!tpu.dma_semaphore, #tpu.memory_space<semaphore_mem>>
      %dma_start3A = arith.constant 0 : i32
      %dma_start3A_41 = tpu.memref_slice %arg6[%arg0, %add3A_34, %dma_start3A] : memref<2x10240x144xf32, #tpu.memory_space<hbm>> -> memref<1x80x144xf32, #tpu.memory_space<hbm>>
      %dma_start3A_42 = tpu.memref_squeeze %dma_start3A_41 : memref<1x80x144xf32, #tpu.memory_space<hbm>> -> memref<80x144xf32, #tpu.memory_space<hbm>>
      %dma_start3A_43 = arith.constant 0 : i32
      %dma_start3A_44 = tpu.memref_slice %arg6[%arg0, %add3A_34, %dma_start3A_43] : memref<2x10240x144xf32, #tpu.memory_space<hbm>> -> memref<1x80x144xf32, #tpu.memory_space<hbm>>
      %dma_start3A_45 = tpu.memref_squeeze %dma_start3A_44 : memref<1x80x144xf32, #tpu.memory_space<hbm>> -> memref<80x144xf32, #tpu.memory_space<hbm>>
      tpu.enqueue_dma source(%arg10 : memref<80x144xf32, #tpu.memory_space<vmem>>) target(%dma_start3A_45 : memref<80x144xf32, #tpu.memory_space<hbm>>) target_semaphore(%run_scoped3A : memref<!tpu.dma_semaphore, #tpu.memory_space<semaphore_mem>>)
      %dma_wait3A = arith.constant 0 : i32
      %dma_wait3A_46 = tpu.memref_slice %arg6[%arg0, %add3A_34, %dma_wait3A] : memref<2x10240x144xf32, #tpu.memory_space<hbm>> -> memref<1x80x144xf32, #tpu.memory_space<hbm>>
      %dma_wait3A_47 = tpu.memref_squeeze %dma_wait3A_46 : memref<1x80x144xf32, #tpu.memory_space<hbm>> -> memref<80x144xf32, #tpu.memory_space<hbm>>
      %dma_wait3A_48 = arith.constant 0 : i32
      %dma_wait3A_49 = tpu.memref_slice %arg6[%arg0, %add3A_34, %dma_wait3A_48] : memref<2x10240x144xf32, #tpu.memory_space<hbm>> -> memref<1x80x144xf32, #tpu.memory_space<hbm>>
      %dma_wait3A_50 = tpu.memref_squeeze %dma_wait3A_49 : memref<1x80x144xf32, #tpu.memory_space<hbm>> -> memref<80x144xf32, #tpu.memory_space<hbm>>
      tpu.wait_dma2 semaphore(%run_scoped3A : memref<!tpu.dma_semaphore, #tpu.memory_space<semaphore_mem>>) src(%arg10 : memref<80x144xf32, #tpu.memory_space<vmem>>) dst(%dma_wait3A_50 : memref<80x144xf32, #tpu.memory_space<hbm>>)
      tpu.yield
    }) : () -> ()
    %add3A_35 = arith.constant 400 : i32
    %add3A_36 = arith.addi %mul3A_2, %add3A_35 : i32
    "tpu.region"() ({
      %run_scoped3A = tpu.sem_alloc : memref<!tpu.dma_semaphore, #tpu.memory_space<semaphore_mem>>
      %dma_start3A = arith.constant 0 : i32
      %dma_start3A_41 = tpu.memref_slice %arg11[%add3A_36, %dma_start3A] : memref<10240x144xf32, #tpu.memory_space<vmem_shared>> -> memref<80x144xf32, #tpu.memory_space<vmem_shared>>
      %dma_start3A_42 = arith.constant 0 : i32
      %dma_start3A_43 = tpu.memref_slice %arg11[%add3A_36, %dma_start3A_42] : memref<10240x144xf32, #tpu.memory_space<vmem_shared>> -> memref<80x144xf32, #tpu.memory_space<vmem_shared>>
      tpu.enqueue_dma source(%dma_start3A_43 : memref<80x144xf32, #tpu.memory_space<vmem_shared>>) target(%arg10 : memref<80x144xf32, #tpu.memory_space<vmem>>) target_semaphore(%run_scoped3A : memref<!tpu.dma_semaphore, #tpu.memory_space<semaphore_mem>>)
      %dma_wait3A = arith.constant 0 : i32
      %dma_wait3A_44 = tpu.memref_slice %arg11[%add3A_36, %dma_wait3A] : memref<10240x144xf32, #tpu.memory_space<vmem_shared>> -> memref<80x144xf32, #tpu.memory_space<vmem_shared>>
      %dma_wait3A_45 = arith.constant 0 : i32
      %dma_wait3A_46 = tpu.memref_slice %arg11[%add3A_36, %dma_wait3A_45] : memref<10240x144xf32, #tpu.memory_space<vmem_shared>> -> memref<80x144xf32, #tpu.memory_space<vmem_shared>>
      tpu.wait_dma2 semaphore(%run_scoped3A : memref<!tpu.dma_semaphore, #tpu.memory_space<semaphore_mem>>) src(%dma_wait3A_46 : memref<80x144xf32, #tpu.memory_space<vmem_shared>>) dst(%arg10 : memref<80x144xf32, #tpu.memory_space<vmem>>)
      tpu.yield
    }) : () -> ()
    "tpu.region"() ({
      %run_scoped3A = tpu.sem_alloc : memref<!tpu.dma_semaphore, #tpu.memory_space<semaphore_mem>>
      %dma_start3A = arith.constant 0 : i32
      %dma_start3A_41 = tpu.memref_slice %arg6[%arg0, %add3A_36, %dma_start3A] : memref<2x10240x144xf32, #tpu.memory_space<hbm>> -> memref<1x80x144xf32, #tpu.memory_space<hbm>>
      %dma_start3A_42 = tpu.memref_squeeze %dma_start3A_41 : memref<1x80x144xf32, #tpu.memory_space<hbm>> -> memref<80x144xf32, #tpu.memory_space<hbm>>
      %dma_start3A_43 = arith.constant 0 : i32
      %dma_start3A_44 = tpu.memref_slice %arg6[%arg0, %add3A_36, %dma_start3A_43] : memref<2x10240x144xf32, #tpu.memory_space<hbm>> -> memref<1x80x144xf32, #tpu.memory_space<hbm>>
      %dma_start3A_45 = tpu.memref_squeeze %dma_start3A_44 : memref<1x80x144xf32, #tpu.memory_space<hbm>> -> memref<80x144xf32, #tpu.memory_space<hbm>>
      tpu.enqueue_dma source(%arg10 : memref<80x144xf32, #tpu.memory_space<vmem>>) target(%dma_start3A_45 : memref<80x144xf32, #tpu.memory_space<hbm>>) target_semaphore(%run_scoped3A : memref<!tpu.dma_semaphore, #tpu.memory_space<semaphore_mem>>)
      %dma_wait3A = arith.constant 0 : i32
      %dma_wait3A_46 = tpu.memref_slice %arg6[%arg0, %add3A_36, %dma_wait3A] : memref<2x10240x144xf32, #tpu.memory_space<hbm>> -> memref<1x80x144xf32, #tpu.memory_space<hbm>>
      %dma_wait3A_47 = tpu.memref_squeeze %dma_wait3A_46 : memref<1x80x144xf32, #tpu.memory_space<hbm>> -> memref<80x144xf32, #tpu.memory_space<hbm>>
      %dma_wait3A_48 = arith.constant 0 : i32
      %dma_wait3A_49 = tpu.memref_slice %arg6[%arg0, %add3A_36, %dma_wait3A_48] : memref<2x10240x144xf32, #tpu.memory_space<hbm>> -> memref<1x80x144xf32, #tpu.memory_space<hbm>>
      %dma_wait3A_50 = tpu.memref_squeeze %dma_wait3A_49 : memref<1x80x144xf32, #tpu.memory_space<hbm>> -> memref<80x144xf32, #tpu.memory_space<hbm>>
      tpu.wait_dma2 semaphore(%run_scoped3A : memref<!tpu.dma_semaphore, #tpu.memory_space<semaphore_mem>>) src(%arg10 : memref<80x144xf32, #tpu.memory_space<vmem>>) dst(%dma_wait3A_50 : memref<80x144xf32, #tpu.memory_space<hbm>>)
      tpu.yield
    }) : () -> ()
    %add3A_37 = arith.constant 480 : i32
    %add3A_38 = arith.addi %mul3A_2, %add3A_37 : i32
    "tpu.region"() ({
      %run_scoped3A = tpu.sem_alloc : memref<!tpu.dma_semaphore, #tpu.memory_space<semaphore_mem>>
      %dma_start3A = arith.constant 0 : i32
      %dma_start3A_41 = tpu.memref_slice %arg11[%add3A_38, %dma_start3A] : memref<10240x144xf32, #tpu.memory_space<vmem_shared>> -> memref<80x144xf32, #tpu.memory_space<vmem_shared>>
      %dma_start3A_42 = arith.constant 0 : i32
      %dma_start3A_43 = tpu.memref_slice %arg11[%add3A_38, %dma_start3A_42] : memref<10240x144xf32, #tpu.memory_space<vmem_shared>> -> memref<80x144xf32, #tpu.memory_space<vmem_shared>>
      tpu.enqueue_dma source(%dma_start3A_43 : memref<80x144xf32, #tpu.memory_space<vmem_shared>>) target(%arg10 : memref<80x144xf32, #tpu.memory_space<vmem>>) target_semaphore(%run_scoped3A : memref<!tpu.dma_semaphore, #tpu.memory_space<semaphore_mem>>)
      %dma_wait3A = arith.constant 0 : i32
      %dma_wait3A_44 = tpu.memref_slice %arg11[%add3A_38, %dma_wait3A] : memref<10240x144xf32, #tpu.memory_space<vmem_shared>> -> memref<80x144xf32, #tpu.memory_space<vmem_shared>>
      %dma_wait3A_45 = arith.constant 0 : i32
      %dma_wait3A_46 = tpu.memref_slice %arg11[%add3A_38, %dma_wait3A_45] : memref<10240x144xf32, #tpu.memory_space<vmem_shared>> -> memref<80x144xf32, #tpu.memory_space<vmem_shared>>
      tpu.wait_dma2 semaphore(%run_scoped3A : memref<!tpu.dma_semaphore, #tpu.memory_space<semaphore_mem>>) src(%dma_wait3A_46 : memref<80x144xf32, #tpu.memory_space<vmem_shared>>) dst(%arg10 : memref<80x144xf32, #tpu.memory_space<vmem>>)
      tpu.yield
    }) : () -> ()
    "tpu.region"() ({
      %run_scoped3A = tpu.sem_alloc : memref<!tpu.dma_semaphore, #tpu.memory_space<semaphore_mem>>
      %dma_start3A = arith.constant 0 : i32
      %dma_start3A_41 = tpu.memref_slice %arg6[%arg0, %add3A_38, %dma_start3A] : memref<2x10240x144xf32, #tpu.memory_space<hbm>> -> memref<1x80x144xf32, #tpu.memory_space<hbm>>
      %dma_start3A_42 = tpu.memref_squeeze %dma_start3A_41 : memref<1x80x144xf32, #tpu.memory_space<hbm>> -> memref<80x144xf32, #tpu.memory_space<hbm>>
      %dma_start3A_43 = arith.constant 0 : i32
      %dma_start3A_44 = tpu.memref_slice %arg6[%arg0, %add3A_38, %dma_start3A_43] : memref<2x10240x144xf32, #tpu.memory_space<hbm>> -> memref<1x80x144xf32, #tpu.memory_space<hbm>>
      %dma_start3A_45 = tpu.memref_squeeze %dma_start3A_44 : memref<1x80x144xf32, #tpu.memory_space<hbm>> -> memref<80x144xf32, #tpu.memory_space<hbm>>
      tpu.enqueue_dma source(%arg10 : memref<80x144xf32, #tpu.memory_space<vmem>>) target(%dma_start3A_45 : memref<80x144xf32, #tpu.memory_space<hbm>>) target_semaphore(%run_scoped3A : memref<!tpu.dma_semaphore, #tpu.memory_space<semaphore_mem>>)
      %dma_wait3A = arith.constant 0 : i32
      %dma_wait3A_46 = tpu.memref_slice %arg6[%arg0, %add3A_38, %dma_wait3A] : memref<2x10240x144xf32, #tpu.memory_space<hbm>> -> memref<1x80x144xf32, #tpu.memory_space<hbm>>
      %dma_wait3A_47 = tpu.memref_squeeze %dma_wait3A_46 : memref<1x80x144xf32, #tpu.memory_space<hbm>> -> memref<80x144xf32, #tpu.memory_space<hbm>>
      %dma_wait3A_48 = arith.constant 0 : i32
      %dma_wait3A_49 = tpu.memref_slice %arg6[%arg0, %add3A_38, %dma_wait3A_48] : memref<2x10240x144xf32, #tpu.memory_space<hbm>> -> memref<1x80x144xf32, #tpu.memory_space<hbm>>
      %dma_wait3A_50 = tpu.memref_squeeze %dma_wait3A_49 : memref<1x80x144xf32, #tpu.memory_space<hbm>> -> memref<80x144xf32, #tpu.memory_space<hbm>>
      tpu.wait_dma2 semaphore(%run_scoped3A : memref<!tpu.dma_semaphore, #tpu.memory_space<semaphore_mem>>) src(%arg10 : memref<80x144xf32, #tpu.memory_space<vmem>>) dst(%dma_wait3A_50 : memref<80x144xf32, #tpu.memory_space<hbm>>)
      tpu.yield
    }) : () -> ()
    %add3A_39 = arith.constant 560 : i32
    %add3A_40 = arith.addi %mul3A_2, %add3A_39 : i32
    "tpu.region"() ({
      %run_scoped3A = tpu.sem_alloc : memref<!tpu.dma_semaphore, #tpu.memory_space<semaphore_mem>>
      %dma_start3A = arith.constant 0 : i32
      %dma_start3A_41 = tpu.memref_slice %arg11[%add3A_40, %dma_start3A] : memref<10240x144xf32, #tpu.memory_space<vmem_shared>> -> memref<80x144xf32, #tpu.memory_space<vmem_shared>>
      %dma_start3A_42 = arith.constant 0 : i32
      %dma_start3A_43 = tpu.memref_slice %arg11[%add3A_40, %dma_start3A_42] : memref<10240x144xf32, #tpu.memory_space<vmem_shared>> -> memref<80x144xf32, #tpu.memory_space<vmem_shared>>
      tpu.enqueue_dma source(%dma_start3A_43 : memref<80x144xf32, #tpu.memory_space<vmem_shared>>) target(%arg10 : memref<80x144xf32, #tpu.memory_space<vmem>>) target_semaphore(%run_scoped3A : memref<!tpu.dma_semaphore, #tpu.memory_space<semaphore_mem>>)
      %dma_wait3A = arith.constant 0 : i32
      %dma_wait3A_44 = tpu.memref_slice %arg11[%add3A_40, %dma_wait3A] : memref<10240x144xf32, #tpu.memory_space<vmem_shared>> -> memref<80x144xf32, #tpu.memory_space<vmem_shared>>
      %dma_wait3A_45 = arith.constant 0 : i32
      %dma_wait3A_46 = tpu.memref_slice %arg11[%add3A_40, %dma_wait3A_45] : memref<10240x144xf32, #tpu.memory_space<vmem_shared>> -> memref<80x144xf32, #tpu.memory_space<vmem_shared>>
      tpu.wait_dma2 semaphore(%run_scoped3A : memref<!tpu.dma_semaphore, #tpu.memory_space<semaphore_mem>>) src(%dma_wait3A_46 : memref<80x144xf32, #tpu.memory_space<vmem_shared>>) dst(%arg10 : memref<80x144xf32, #tpu.memory_space<vmem>>)
      tpu.yield
    }) : () -> ()
    "tpu.region"() ({
      %run_scoped3A = tpu.sem_alloc : memref<!tpu.dma_semaphore, #tpu.memory_space<semaphore_mem>>
      %dma_start3A = arith.constant 0 : i32
      %dma_start3A_41 = tpu.memref_slice %arg6[%arg0, %add3A_40, %dma_start3A] : memref<2x10240x144xf32, #tpu.memory_space<hbm>> -> memref<1x80x144xf32, #tpu.memory_space<hbm>>
      %dma_start3A_42 = tpu.memref_squeeze %dma_start3A_41 : memref<1x80x144xf32, #tpu.memory_space<hbm>> -> memref<80x144xf32, #tpu.memory_space<hbm>>
      %dma_start3A_43 = arith.constant 0 : i32
      %dma_start3A_44 = tpu.memref_slice %arg6[%arg0, %add3A_40, %dma_start3A_43] : memref<2x10240x144xf32, #tpu.memory_space<hbm>> -> memref<1x80x144xf32, #tpu.memory_space<hbm>>
      %dma_start3A_45 = tpu.memref_squeeze %dma_start3A_44 : memref<1x80x144xf32, #tpu.memory_space<hbm>> -> memref<80x144xf32, #tpu.memory_space<hbm>>
      tpu.enqueue_dma source(%arg10 : memref<80x144xf32, #tpu.memory_space<vmem>>) target(%dma_start3A_45 : memref<80x144xf32, #tpu.memory_space<hbm>>) target_semaphore(%run_scoped3A : memref<!tpu.dma_semaphore, #tpu.memory_space<semaphore_mem>>)
      %dma_wait3A = arith.constant 0 : i32
      %dma_wait3A_46 = tpu.memref_slice %arg6[%arg0, %add3A_40, %dma_wait3A] : memref<2x10240x144xf32, #tpu.memory_space<hbm>> -> memref<1x80x144xf32, #tpu.memory_space<hbm>>
      %dma_wait3A_47 = tpu.memref_squeeze %dma_wait3A_46 : memref<1x80x144xf32, #tpu.memory_space<hbm>> -> memref<80x144xf32, #tpu.memory_space<hbm>>
      %dma_wait3A_48 = arith.constant 0 : i32
      %dma_wait3A_49 = tpu.memref_slice %arg6[%arg0, %add3A_40, %dma_wait3A_48] : memref<2x10240x144xf32, #tpu.memory_space<hbm>> -> memref<1x80x144xf32, #tpu.memory_space<hbm>>
      %dma_wait3A_50 = tpu.memref_squeeze %dma_wait3A_49 : memref<1x80x144xf32, #tpu.memory_space<hbm>> -> memref<80x144xf32, #tpu.memory_space<hbm>>
      tpu.wait_dma2 semaphore(%run_scoped3A : memref<!tpu.dma_semaphore, #tpu.memory_space<semaphore_mem>>) src(%arg10 : memref<80x144xf32, #tpu.memory_space<vmem>>) dst(%dma_wait3A_50 : memref<80x144xf32, #tpu.memory_space<hbm>>)
      tpu.yield
    }) : () -> ()
    return
  }
}

#map = affine_map<(d0, d1) -> (0, 0)>
#map1 = affine_map<(d0, d1) -> (0, 0, 0)>
module attributes {stable_mosaic.version = 14 : i64} {
  func.func @_dec_body(%arg0: i32, %arg1: i32, %arg2: memref<10240x128xf32, #tpu.memory_space<hbm>>, %arg3: memref<32x79x128xi32, #tpu.memory_space<hbm>>, %arg4: memref<32x79x128xi32, #tpu.memory_space<hbm>>, %arg5: memref<32x79x128xf32, #tpu.memory_space<hbm>>, %arg6: memref<79x128xi32, #tpu.memory_space<vmem>>, %arg7: memref<79x128xi32, #tpu.memory_space<vmem>>, %arg8: memref<128x128xf32, #tpu.memory_space<vmem>>, %arg9: memref<128x128xf32, #tpu.memory_space<vmem>>, %arg10: memref<79x128xf32, #tpu.memory_space<vmem>>) attributes {dimension_semantics = [#tpu.dimension_semantics<core_parallel>, #tpu.dimension_semantics<subcore_parallel>], iteration_bounds = array<i64: 2, 16>, scalar_prefetch = 0 : i64, scratch_operands = 5 : i64, tpu.core_type = #tpu.core_type<sc_vector_subcore>, window_params = [{transform_indices = #map}, {transform_indices = #map1}, {transform_indices = #map1}, {transform_indices = #map1}]} {
    %mul3A = arith.constant 16 : i32
    %mul3A_0 = arith.muli %arg0, %mul3A : i32
    %add3A = arith.addi %mul3A_0, %arg1 : i32
    "tpu.region"() ({
      %run_scoped3A = tpu.sem_alloc : memref<!tpu.dma_semaphore, #tpu.memory_space<semaphore_mem>>
      %dma_start3A = arith.constant 0 : i32
      %dma_start3A_6 = arith.constant 0 : i32
      %dma_start3A_7 = tpu.memref_slice %arg3[%add3A, %dma_start3A, %dma_start3A_6] : memref<32x79x128xi32, #tpu.memory_space<hbm>> -> memref<1x79x128xi32, #tpu.memory_space<hbm>>
      %dma_start3A_8 = tpu.memref_squeeze %dma_start3A_7 : memref<1x79x128xi32, #tpu.memory_space<hbm>> -> memref<79x128xi32, #tpu.memory_space<hbm>>
      %dma_start3A_9 = arith.constant 0 : i32
      %dma_start3A_10 = arith.constant 0 : i32
      %dma_start3A_11 = tpu.memref_slice %arg3[%add3A, %dma_start3A_9, %dma_start3A_10] : memref<32x79x128xi32, #tpu.memory_space<hbm>> -> memref<1x79x128xi32, #tpu.memory_space<hbm>>
      %dma_start3A_12 = tpu.memref_squeeze %dma_start3A_11 : memref<1x79x128xi32, #tpu.memory_space<hbm>> -> memref<79x128xi32, #tpu.memory_space<hbm>>
      tpu.enqueue_dma source(%dma_start3A_12 : memref<79x128xi32, #tpu.memory_space<hbm>>) target(%arg6 : memref<79x128xi32, #tpu.memory_space<vmem>>) target_semaphore(%run_scoped3A : memref<!tpu.dma_semaphore, #tpu.memory_space<semaphore_mem>>)
      %dma_wait3A = arith.constant 0 : i32
      %dma_wait3A_13 = arith.constant 0 : i32
      %dma_wait3A_14 = tpu.memref_slice %arg3[%add3A, %dma_wait3A, %dma_wait3A_13] : memref<32x79x128xi32, #tpu.memory_space<hbm>> -> memref<1x79x128xi32, #tpu.memory_space<hbm>>
      %dma_wait3A_15 = tpu.memref_squeeze %dma_wait3A_14 : memref<1x79x128xi32, #tpu.memory_space<hbm>> -> memref<79x128xi32, #tpu.memory_space<hbm>>
      %dma_wait3A_16 = arith.constant 0 : i32
      %dma_wait3A_17 = arith.constant 0 : i32
      %dma_wait3A_18 = tpu.memref_slice %arg3[%add3A, %dma_wait3A_16, %dma_wait3A_17] : memref<32x79x128xi32, #tpu.memory_space<hbm>> -> memref<1x79x128xi32, #tpu.memory_space<hbm>>
      %dma_wait3A_19 = tpu.memref_squeeze %dma_wait3A_18 : memref<1x79x128xi32, #tpu.memory_space<hbm>> -> memref<79x128xi32, #tpu.memory_space<hbm>>
      tpu.wait_dma2 semaphore(%run_scoped3A : memref<!tpu.dma_semaphore, #tpu.memory_space<semaphore_mem>>) src(%dma_wait3A_19 : memref<79x128xi32, #tpu.memory_space<hbm>>) dst(%arg6 : memref<79x128xi32, #tpu.memory_space<vmem>>)
      tpu.yield
    }) : () -> ()
    "tpu.region"() ({
      %run_scoped3A = tpu.sem_alloc : memref<!tpu.dma_semaphore, #tpu.memory_space<semaphore_mem>>
      %dma_start3A = arith.constant 0 : i32
      %dma_start3A_6 = arith.constant 0 : i32
      %dma_start3A_7 = tpu.memref_slice %arg4[%add3A, %dma_start3A, %dma_start3A_6] : memref<32x79x128xi32, #tpu.memory_space<hbm>> -> memref<1x79x128xi32, #tpu.memory_space<hbm>>
      %dma_start3A_8 = tpu.memref_squeeze %dma_start3A_7 : memref<1x79x128xi32, #tpu.memory_space<hbm>> -> memref<79x128xi32, #tpu.memory_space<hbm>>
      %dma_start3A_9 = arith.constant 0 : i32
      %dma_start3A_10 = arith.constant 0 : i32
      %dma_start3A_11 = tpu.memref_slice %arg4[%add3A, %dma_start3A_9, %dma_start3A_10] : memref<32x79x128xi32, #tpu.memory_space<hbm>> -> memref<1x79x128xi32, #tpu.memory_space<hbm>>
      %dma_start3A_12 = tpu.memref_squeeze %dma_start3A_11 : memref<1x79x128xi32, #tpu.memory_space<hbm>> -> memref<79x128xi32, #tpu.memory_space<hbm>>
      tpu.enqueue_dma source(%dma_start3A_12 : memref<79x128xi32, #tpu.memory_space<hbm>>) target(%arg7 : memref<79x128xi32, #tpu.memory_space<vmem>>) target_semaphore(%run_scoped3A : memref<!tpu.dma_semaphore, #tpu.memory_space<semaphore_mem>>)
      %dma_wait3A = arith.constant 0 : i32
      %dma_wait3A_13 = arith.constant 0 : i32
      %dma_wait3A_14 = tpu.memref_slice %arg4[%add3A, %dma_wait3A, %dma_wait3A_13] : memref<32x79x128xi32, #tpu.memory_space<hbm>> -> memref<1x79x128xi32, #tpu.memory_space<hbm>>
      %dma_wait3A_15 = tpu.memref_squeeze %dma_wait3A_14 : memref<1x79x128xi32, #tpu.memory_space<hbm>> -> memref<79x128xi32, #tpu.memory_space<hbm>>
      %dma_wait3A_16 = arith.constant 0 : i32
      %dma_wait3A_17 = arith.constant 0 : i32
      %dma_wait3A_18 = tpu.memref_slice %arg4[%add3A, %dma_wait3A_16, %dma_wait3A_17] : memref<32x79x128xi32, #tpu.memory_space<hbm>> -> memref<1x79x128xi32, #tpu.memory_space<hbm>>
      %dma_wait3A_19 = tpu.memref_squeeze %dma_wait3A_18 : memref<1x79x128xi32, #tpu.memory_space<hbm>> -> memref<79x128xi32, #tpu.memory_space<hbm>>
      tpu.wait_dma2 semaphore(%run_scoped3A : memref<!tpu.dma_semaphore, #tpu.memory_space<semaphore_mem>>) src(%dma_wait3A_19 : memref<79x128xi32, #tpu.memory_space<hbm>>) dst(%arg7 : memref<79x128xi32, #tpu.memory_space<vmem>>)
      tpu.yield
    }) : () -> ()
    %iota3A = tpu.iota {dimensions = array<i32: 0>} : vector<16xi32>
    %scan3A = arith.constant 0 : i32
    %scan3A_1 = arith.constant 0 : i32
    %scan3A_2 = arith.constant 79 : i32
    %scan3A_3 = arith.addi %scan3A_1, %scan3A_2 : i32
    %scan3A_4 = arith.constant 1 : i32
    scf.for %scan3A_6 = %scan3A_1 to %scan3A_3 step %scan3A_4  : i32 {
      "tpu.region"() ({
        %run_scoped3A = tpu.sem_alloc : memref<!tpu.dma_semaphore, #tpu.memory_space<semaphore_mem>>
        %dma_start3A = arith.constant 0 : i32
        %dma_start3A_13 = tpu.memref_slice %arg6[%scan3A_6, %dma_start3A] : memref<79x128xi32, #tpu.memory_space<vmem>> -> memref<1x128xi32, #tpu.memory_space<vmem>>
        %dma_start3A_14 = tpu.memref_squeeze %dma_start3A_13 : memref<1x128xi32, #tpu.memory_space<vmem>> -> memref<128xi32, #tpu.memory_space<vmem>>
        %dma_start3A_15 = arith.constant 0 : i32
        %dma_start3A_16 = arith.constant 0 : i32
        %dma_start3A_17 = tpu.memref_slice %arg2[%dma_start3A_15, %dma_start3A_16] : memref<10240x128xf32, #tpu.memory_space<hbm>> -> memref<10240x128xf32, #tpu.memory_space<hbm>>
        tpu.enqueue_indirect_dma source(%dma_start3A_17 : memref<10240x128xf32, #tpu.memory_space<hbm>>) target(%arg8 : memref<128x128xf32, #tpu.memory_space<vmem>>) offsets(%dma_start3A_14 : memref<128xi32, #tpu.memory_space<vmem>>) semaphore(%run_scoped3A : memref<!tpu.dma_semaphore, #tpu.memory_space<semaphore_mem>>)
        %dma_wait3A = arith.constant 0 : i32
        %dma_wait3A_18 = tpu.memref_slice %arg6[%scan3A_6, %dma_wait3A] : memref<79x128xi32, #tpu.memory_space<vmem>> -> memref<1x128xi32, #tpu.memory_space<vmem>>
        %dma_wait3A_19 = tpu.memref_squeeze %dma_wait3A_18 : memref<1x128xi32, #tpu.memory_space<vmem>> -> memref<128xi32, #tpu.memory_space<vmem>>
        %dma_wait3A_20 = arith.constant 0 : i32
        %dma_wait3A_21 = arith.constant 0 : i32
        %dma_wait3A_22 = tpu.memref_slice %arg2[%dma_wait3A_20, %dma_wait3A_21] : memref<10240x128xf32, #tpu.memory_space<hbm>> -> memref<10240x128xf32, #tpu.memory_space<hbm>>
        tpu.wait_indirect_dma semaphore(%run_scoped3A : memref<!tpu.dma_semaphore, #tpu.memory_space<semaphore_mem>>) src(%dma_wait3A_22 : memref<10240x128xf32, #tpu.memory_space<hbm>>) dst(%arg8 : memref<128x128xf32, #tpu.memory_space<vmem>>)
        tpu.yield
      }) : () -> ()
      "tpu.region"() ({
        %run_scoped3A = tpu.sem_alloc : memref<!tpu.dma_semaphore, #tpu.memory_space<semaphore_mem>>
        %dma_start3A = arith.constant 0 : i32
        %dma_start3A_13 = tpu.memref_slice %arg7[%scan3A_6, %dma_start3A] : memref<79x128xi32, #tpu.memory_space<vmem>> -> memref<1x128xi32, #tpu.memory_space<vmem>>
        %dma_start3A_14 = tpu.memref_squeeze %dma_start3A_13 : memref<1x128xi32, #tpu.memory_space<vmem>> -> memref<128xi32, #tpu.memory_space<vmem>>
        %dma_start3A_15 = arith.constant 0 : i32
        %dma_start3A_16 = arith.constant 0 : i32
        %dma_start3A_17 = tpu.memref_slice %arg2[%dma_start3A_15, %dma_start3A_16] : memref<10240x128xf32, #tpu.memory_space<hbm>> -> memref<10240x128xf32, #tpu.memory_space<hbm>>
        tpu.enqueue_indirect_dma source(%dma_start3A_17 : memref<10240x128xf32, #tpu.memory_space<hbm>>) target(%arg9 : memref<128x128xf32, #tpu.memory_space<vmem>>) offsets(%dma_start3A_14 : memref<128xi32, #tpu.memory_space<vmem>>) semaphore(%run_scoped3A : memref<!tpu.dma_semaphore, #tpu.memory_space<semaphore_mem>>)
        %dma_wait3A = arith.constant 0 : i32
        %dma_wait3A_18 = tpu.memref_slice %arg7[%scan3A_6, %dma_wait3A] : memref<79x128xi32, #tpu.memory_space<vmem>> -> memref<1x128xi32, #tpu.memory_space<vmem>>
        %dma_wait3A_19 = tpu.memref_squeeze %dma_wait3A_18 : memref<1x128xi32, #tpu.memory_space<vmem>> -> memref<128xi32, #tpu.memory_space<vmem>>
        %dma_wait3A_20 = arith.constant 0 : i32
        %dma_wait3A_21 = arith.constant 0 : i32
        %dma_wait3A_22 = tpu.memref_slice %arg2[%dma_wait3A_20, %dma_wait3A_21] : memref<10240x128xf32, #tpu.memory_space<hbm>> -> memref<10240x128xf32, #tpu.memory_space<hbm>>
        tpu.wait_indirect_dma semaphore(%run_scoped3A : memref<!tpu.dma_semaphore, #tpu.memory_space<semaphore_mem>>) src(%dma_wait3A_22 : memref<10240x128xf32, #tpu.memory_space<hbm>>) dst(%arg9 : memref<128x128xf32, #tpu.memory_space<vmem>>)
        tpu.yield
      }) : () -> ()
      %scan3A_7 = arith.constant 0 : i32
      %scan3A_8 = arith.constant 0 : i32
      %scan3A_9 = arith.constant 8 : i32
      %scan3A_10 = arith.addi %scan3A_8, %scan3A_9 : i32
      %scan3A_11 = arith.constant 1 : i32
      scf.for %scan3A_13 = %scan3A_8 to %scan3A_10 step %scan3A_11  : i32 {
        %mul3A_14 = arith.constant 16 : i32
        %mul3A_15 = arith.muli %scan3A_13, %mul3A_14 : i32
        %add3A_16 = arith.constant 0 : i32
        %add3A_17 = arith.addi %mul3A_15, %add3A_16 : i32
        %broadcast_in_dim3A = arith.constant 0.000000e+00 : f32
        %broadcast_in_dim3A_18 = vector.broadcast %broadcast_in_dim3A : f32 to vector<16xf32>
        %get3A = arith.index_cast %add3A_17 : i32 to index
        %get3A_19 = arith.constant 0 : index
        %get3A_20 = tpu.vector_load %arg8[%get3A, %get3A_19] {strides = array<i32>} : memref<128x128xf32, #tpu.memory_space<vmem>>, vector<1x16xf32>,
        %get3A_21 = vector.shape_cast %get3A_20 : vector<1x16xf32> to vector<16xf32>
        %get3A_22 = arith.index_cast %add3A_17 : i32 to index
        %get3A_23 = arith.constant 0 : index
        %get3A_24 = tpu.vector_load %arg9[%get3A_22, %get3A_23] {strides = array<i32>} : memref<128x128xf32, #tpu.memory_space<vmem>>, vector<1x16xf32>,
        %get3A_25 = vector.shape_cast %get3A_24 : vector<1x16xf32> to vector<16xf32>
        %mul3A_26 = arith.mulf %get3A_21, %get3A_25 : vector<16xf32>
        %add3A_27 = arith.addf %broadcast_in_dim3A_18, %mul3A_26 : vector<16xf32>
        %get3A_28 = arith.index_cast %add3A_17 : i32 to index
        %get3A_29 = arith.constant 16 : index
        %get3A_30 = tpu.vector_load %arg8[%get3A_28, %get3A_29] {strides = array<i32>} : memref<128x128xf32, #tpu.memory_space<vmem>>, vector<1x16xf32>,
        %get3A_31 = vector.shape_cast %get3A_30 : vector<1x16xf32> to vector<16xf32>
        %get3A_32 = arith.index_cast %add3A_17 : i32 to index
        %get3A_33 = arith.constant 16 : index
        %get3A_34 = tpu.vector_load %arg9[%get3A_32, %get3A_33] {strides = array<i32>} : memref<128x128xf32, #tpu.memory_space<vmem>>, vector<1x16xf32>,
        %get3A_35 = vector.shape_cast %get3A_34 : vector<1x16xf32> to vector<16xf32>
        %mul3A_36 = arith.mulf %get3A_31, %get3A_35 : vector<16xf32>
        %add3A_37 = arith.addf %add3A_27, %mul3A_36 : vector<16xf32>
        %get3A_38 = arith.index_cast %add3A_17 : i32 to index
        %get3A_39 = arith.constant 32 : index
        %get3A_40 = tpu.vector_load %arg8[%get3A_38, %get3A_39] {strides = array<i32>} : memref<128x128xf32, #tpu.memory_space<vmem>>, vector<1x16xf32>,
        %get3A_41 = vector.shape_cast %get3A_40 : vector<1x16xf32> to vector<16xf32>
        %get3A_42 = arith.index_cast %add3A_17 : i32 to index
        %get3A_43 = arith.constant 32 : index
        %get3A_44 = tpu.vector_load %arg9[%get3A_42, %get3A_43] {strides = array<i32>} : memref<128x128xf32, #tpu.memory_space<vmem>>, vector<1x16xf32>,
        %get3A_45 = vector.shape_cast %get3A_44 : vector<1x16xf32> to vector<16xf32>
        %mul3A_46 = arith.mulf %get3A_41, %get3A_45 : vector<16xf32>
        %add3A_47 = arith.addf %add3A_37, %mul3A_46 : vector<16xf32>
        %get3A_48 = arith.index_cast %add3A_17 : i32 to index
        %get3A_49 = arith.constant 48 : index
        %get3A_50 = tpu.vector_load %arg8[%get3A_48, %get3A_49] {strides = array<i32>} : memref<128x128xf32, #tpu.memory_space<vmem>>, vector<1x16xf32>,
        %get3A_51 = vector.shape_cast %get3A_50 : vector<1x16xf32> to vector<16xf32>
        %get3A_52 = arith.index_cast %add3A_17 : i32 to index
        %get3A_53 = arith.constant 48 : index
        %get3A_54 = tpu.vector_load %arg9[%get3A_52, %get3A_53] {strides = array<i32>} : memref<128x128xf32, #tpu.memory_space<vmem>>, vector<1x16xf32>,
        %get3A_55 = vector.shape_cast %get3A_54 : vector<1x16xf32> to vector<16xf32>
        %mul3A_56 = arith.mulf %get3A_51, %get3A_55 : vector<16xf32>
        %add3A_57 = arith.addf %add3A_47, %mul3A_56 : vector<16xf32>
        %get3A_58 = arith.index_cast %add3A_17 : i32 to index
        %get3A_59 = arith.constant 64 : index
        %get3A_60 = tpu.vector_load %arg8[%get3A_58, %get3A_59] {strides = array<i32>} : memref<128x128xf32, #tpu.memory_space<vmem>>, vector<1x16xf32>,
        %get3A_61 = vector.shape_cast %get3A_60 : vector<1x16xf32> to vector<16xf32>
        %get3A_62 = arith.index_cast %add3A_17 : i32 to index
        %get3A_63 = arith.constant 64 : index
        %get3A_64 = tpu.vector_load %arg9[%get3A_62, %get3A_63] {strides = array<i32>} : memref<128x128xf32, #tpu.memory_space<vmem>>, vector<1x16xf32>,
        %get3A_65 = vector.shape_cast %get3A_64 : vector<1x16xf32> to vector<16xf32>
        %mul3A_66 = arith.mulf %get3A_61, %get3A_65 : vector<16xf32>
        %add3A_67 = arith.addf %add3A_57, %mul3A_66 : vector<16xf32>
        %get3A_68 = arith.index_cast %add3A_17 : i32 to index
        %get3A_69 = arith.constant 80 : index
        %get3A_70 = tpu.vector_load %arg8[%get3A_68, %get3A_69] {strides = array<i32>} : memref<128x128xf32, #tpu.memory_space<vmem>>, vector<1x16xf32>,
        %get3A_71 = vector.shape_cast %get3A_70 : vector<1x16xf32> to vector<16xf32>
        %get3A_72 = arith.index_cast %add3A_17 : i32 to index
        %get3A_73 = arith.constant 80 : index
        %get3A_74 = tpu.vector_load %arg9[%get3A_72, %get3A_73] {strides = array<i32>} : memref<128x128xf32, #tpu.memory_space<vmem>>, vector<1x16xf32>,
        %get3A_75 = vector.shape_cast %get3A_74 : vector<1x16xf32> to vector<16xf32>
        %mul3A_76 = arith.mulf %get3A_71, %get3A_75 : vector<16xf32>
        %add3A_77 = arith.addf %add3A_67, %mul3A_76 : vector<16xf32>
        %get3A_78 = arith.index_cast %add3A_17 : i32 to index
        %get3A_79 = arith.constant 96 : index
        %get3A_80 = tpu.vector_load %arg8[%get3A_78, %get3A_79] {strides = array<i32>} : memref<128x128xf32, #tpu.memory_space<vmem>>, vector<1x16xf32>,
        %get3A_81 = vector.shape_cast %get3A_80 : vector<1x16xf32> to vector<16xf32>
        %get3A_82 = arith.index_cast %add3A_17 : i32 to index
        %get3A_83 = arith.constant 96 : index
        %get3A_84 = tpu.vector_load %arg9[%get3A_82, %get3A_83] {strides = array<i32>} : memref<128x128xf32, #tpu.memory_space<vmem>>, vector<1x16xf32>,
        %get3A_85 = vector.shape_cast %get3A_84 : vector<1x16xf32> to vector<16xf32>
        %mul3A_86 = arith.mulf %get3A_81, %get3A_85 : vector<16xf32>
        %add3A_87 = arith.addf %add3A_77, %mul3A_86 : vector<16xf32>
        %get3A_88 = arith.index_cast %add3A_17 : i32 to index
        %get3A_89 = arith.constant 112 : index
        %get3A_90 = tpu.vector_load %arg8[%get3A_88, %get3A_89] {strides = array<i32>} : memref<128x128xf32, #tpu.memory_space<vmem>>, vector<1x16xf32>,
        %get3A_91 = vector.shape_cast %get3A_90 : vector<1x16xf32> to vector<16xf32>
        %get3A_92 = arith.index_cast %add3A_17 : i32 to index
        %get3A_93 = arith.constant 112 : index
        %get3A_94 = tpu.vector_load %arg9[%get3A_92, %get3A_93] {strides = array<i32>} : memref<128x128xf32, #tpu.memory_space<vmem>>, vector<1x16xf32>,
        %get3A_95 = vector.shape_cast %get3A_94 : vector<1x16xf32> to vector<16xf32>
        %mul3A_96 = arith.mulf %get3A_91, %get3A_95 : vector<16xf32>
        %add3A_97 = arith.addf %add3A_87, %mul3A_96 : vector<16xf32>
        %mul3A_98 = arith.constant 16 : i32
        %mul3A_99 = arith.muli %scan3A_13, %mul3A_98 : i32
        %add3A_100 = arith.constant 1 : i32
        %add3A_101 = arith.addi %mul3A_99, %add3A_100 : i32
        %broadcast_in_dim3A_102 = arith.constant 0.000000e+00 : f32
        %broadcast_in_dim3A_103 = vector.broadcast %broadcast_in_dim3A_102 : f32 to vector<16xf32>
        %get3A_104 = arith.index_cast %add3A_101 : i32 to index
        %get3A_105 = arith.constant 0 : index
        %get3A_106 = tpu.vector_load %arg8[%get3A_104, %get3A_105] {strides = array<i32>} : memref<128x128xf32, #tpu.memory_space<vmem>>, vector<1x16xf32>,
        %get3A_107 = vector.shape_cast %get3A_106 : vector<1x16xf32> to vector<16xf32>
        %get3A_108 = arith.index_cast %add3A_101 : i32 to index
        %get3A_109 = arith.constant 0 : index
        %get3A_110 = tpu.vector_load %arg9[%get3A_108, %get3A_109] {strides = array<i32>} : memref<128x128xf32, #tpu.memory_space<vmem>>, vector<1x16xf32>,
        %get3A_111 = vector.shape_cast %get3A_110 : vector<1x16xf32> to vector<16xf32>
        %mul3A_112 = arith.mulf %get3A_107, %get3A_111 : vector<16xf32>
        %add3A_113 = arith.addf %broadcast_in_dim3A_103, %mul3A_112 : vector<16xf32>
        %get3A_114 = arith.index_cast %add3A_101 : i32 to index
        %get3A_115 = arith.constant 16 : index
        %get3A_116 = tpu.vector_load %arg8[%get3A_114, %get3A_115] {strides = array<i32>} : memref<128x128xf32, #tpu.memory_space<vmem>>, vector<1x16xf32>,
        %get3A_117 = vector.shape_cast %get3A_116 : vector<1x16xf32> to vector<16xf32>
        %get3A_118 = arith.index_cast %add3A_101 : i32 to index
        %get3A_119 = arith.constant 16 : index
        %get3A_120 = tpu.vector_load %arg9[%get3A_118, %get3A_119] {strides = array<i32>} : memref<128x128xf32, #tpu.memory_space<vmem>>, vector<1x16xf32>,
        %get3A_121 = vector.shape_cast %get3A_120 : vector<1x16xf32> to vector<16xf32>
        %mul3A_122 = arith.mulf %get3A_117, %get3A_121 : vector<16xf32>
        %add3A_123 = arith.addf %add3A_113, %mul3A_122 : vector<16xf32>
        %get3A_124 = arith.index_cast %add3A_101 : i32 to index
        %get3A_125 = arith.constant 32 : index
        %get3A_126 = tpu.vector_load %arg8[%get3A_124, %get3A_125] {strides = array<i32>} : memref<128x128xf32, #tpu.memory_space<vmem>>, vector<1x16xf32>,
        %get3A_127 = vector.shape_cast %get3A_126 : vector<1x16xf32> to vector<16xf32>
        %get3A_128 = arith.index_cast %add3A_101 : i32 to index
        %get3A_129 = arith.constant 32 : index
        %get3A_130 = tpu.vector_load %arg9[%get3A_128, %get3A_129] {strides = array<i32>} : memref<128x128xf32, #tpu.memory_space<vmem>>, vector<1x16xf32>,
        %get3A_131 = vector.shape_cast %get3A_130 : vector<1x16xf32> to vector<16xf32>
        %mul3A_132 = arith.mulf %get3A_127, %get3A_131 : vector<16xf32>
        %add3A_133 = arith.addf %add3A_123, %mul3A_132 : vector<16xf32>
        %get3A_134 = arith.index_cast %add3A_101 : i32 to index
        %get3A_135 = arith.constant 48 : index
        %get3A_136 = tpu.vector_load %arg8[%get3A_134, %get3A_135] {strides = array<i32>} : memref<128x128xf32, #tpu.memory_space<vmem>>, vector<1x16xf32>,
        %get3A_137 = vector.shape_cast %get3A_136 : vector<1x16xf32> to vector<16xf32>
        %get3A_138 = arith.index_cast %add3A_101 : i32 to index
        %get3A_139 = arith.constant 48 : index
        %get3A_140 = tpu.vector_load %arg9[%get3A_138, %get3A_139] {strides = array<i32>} : memref<128x128xf32, #tpu.memory_space<vmem>>, vector<1x16xf32>,
        %get3A_141 = vector.shape_cast %get3A_140 : vector<1x16xf32> to vector<16xf32>
        %mul3A_142 = arith.mulf %get3A_137, %get3A_141 : vector<16xf32>
        %add3A_143 = arith.addf %add3A_133, %mul3A_142 : vector<16xf32>
        %get3A_144 = arith.index_cast %add3A_101 : i32 to index
        %get3A_145 = arith.constant 64 : index
        %get3A_146 = tpu.vector_load %arg8[%get3A_144, %get3A_145] {strides = array<i32>} : memref<128x128xf32, #tpu.memory_space<vmem>>, vector<1x16xf32>,
        %get3A_147 = vector.shape_cast %get3A_146 : vector<1x16xf32> to vector<16xf32>
        %get3A_148 = arith.index_cast %add3A_101 : i32 to index
        %get3A_149 = arith.constant 64 : index
        %get3A_150 = tpu.vector_load %arg9[%get3A_148, %get3A_149] {strides = array<i32>} : memref<128x128xf32, #tpu.memory_space<vmem>>, vector<1x16xf32>,
        %get3A_151 = vector.shape_cast %get3A_150 : vector<1x16xf32> to vector<16xf32>
        %mul3A_152 = arith.mulf %get3A_147, %get3A_151 : vector<16xf32>
        %add3A_153 = arith.addf %add3A_143, %mul3A_152 : vector<16xf32>
        %get3A_154 = arith.index_cast %add3A_101 : i32 to index
        %get3A_155 = arith.constant 80 : index
        %get3A_156 = tpu.vector_load %arg8[%get3A_154, %get3A_155] {strides = array<i32>} : memref<128x128xf32, #tpu.memory_space<vmem>>, vector<1x16xf32>,
        %get3A_157 = vector.shape_cast %get3A_156 : vector<1x16xf32> to vector<16xf32>
        %get3A_158 = arith.index_cast %add3A_101 : i32 to index
        %get3A_159 = arith.constant 80 : index
        %get3A_160 = tpu.vector_load %arg9[%get3A_158, %get3A_159] {strides = array<i32>} : memref<128x128xf32, #tpu.memory_space<vmem>>, vector<1x16xf32>,
        %get3A_161 = vector.shape_cast %get3A_160 : vector<1x16xf32> to vector<16xf32>
        %mul3A_162 = arith.mulf %get3A_157, %get3A_161 : vector<16xf32>
        %add3A_163 = arith.addf %add3A_153, %mul3A_162 : vector<16xf32>
        %get3A_164 = arith.index_cast %add3A_101 : i32 to index
        %get3A_165 = arith.constant 96 : index
        %get3A_166 = tpu.vector_load %arg8[%get3A_164, %get3A_165] {strides = array<i32>} : memref<128x128xf32, #tpu.memory_space<vmem>>, vector<1x16xf32>,
        %get3A_167 = vector.shape_cast %get3A_166 : vector<1x16xf32> to vector<16xf32>
        %get3A_168 = arith.index_cast %add3A_101 : i32 to index
        %get3A_169 = arith.constant 96 : index
        %get3A_170 = tpu.vector_load %arg9[%get3A_168, %get3A_169] {strides = array<i32>} : memref<128x128xf32, #tpu.memory_space<vmem>>, vector<1x16xf32>,
        %get3A_171 = vector.shape_cast %get3A_170 : vector<1x16xf32> to vector<16xf32>
        %mul3A_172 = arith.mulf %get3A_167, %get3A_171 : vector<16xf32>
        %add3A_173 = arith.addf %add3A_163, %mul3A_172 : vector<16xf32>
        %get3A_174 = arith.index_cast %add3A_101 : i32 to index
        %get3A_175 = arith.constant 112 : index
        %get3A_176 = tpu.vector_load %arg8[%get3A_174, %get3A_175] {strides = array<i32>} : memref<128x128xf32, #tpu.memory_space<vmem>>, vector<1x16xf32>,
        %get3A_177 = vector.shape_cast %get3A_176 : vector<1x16xf32> to vector<16xf32>
        %get3A_178 = arith.index_cast %add3A_101 : i32 to index
        %get3A_179 = arith.constant 112 : index
        %get3A_180 = tpu.vector_load %arg9[%get3A_178, %get3A_179] {strides = array<i32>} : memref<128x128xf32, #tpu.memory_space<vmem>>, vector<1x16xf32>,
        %get3A_181 = vector.shape_cast %get3A_180 : vector<1x16xf32> to vector<16xf32>
        %mul3A_182 = arith.mulf %get3A_177, %get3A_181 : vector<16xf32>
        %add3A_183 = arith.addf %add3A_173, %mul3A_182 : vector<16xf32>
        %mul3A_184 = arith.constant 16 : i32
        %mul3A_185 = arith.muli %scan3A_13, %mul3A_184 : i32
        %add3A_186 = arith.constant 2 : i32
        %add3A_187 = arith.addi %mul3A_185, %add3A_186 : i32
        %broadcast_in_dim3A_188 = arith.constant 0.000000e+00 : f32
        %broadcast_in_dim3A_189 = vector.broadcast %broadcast_in_dim3A_188 : f32 to vector<16xf32>
        %get3A_190 = arith.index_cast %add3A_187 : i32 to index
        %get3A_191 = arith.constant 0 : index
        %get3A_192 = tpu.vector_load %arg8[%get3A_190, %get3A_191] {strides = array<i32>} : memref<128x128xf32, #tpu.memory_space<vmem>>, vector<1x16xf32>,
        %get3A_193 = vector.shape_cast %get3A_192 : vector<1x16xf32> to vector<16xf32>
        %get3A_194 = arith.index_cast %add3A_187 : i32 to index
        %get3A_195 = arith.constant 0 : index
        %get3A_196 = tpu.vector_load %arg9[%get3A_194, %get3A_195] {strides = array<i32>} : memref<128x128xf32, #tpu.memory_space<vmem>>, vector<1x16xf32>,
        %get3A_197 = vector.shape_cast %get3A_196 : vector<1x16xf32> to vector<16xf32>
        %mul3A_198 = arith.mulf %get3A_193, %get3A_197 : vector<16xf32>
        %add3A_199 = arith.addf %broadcast_in_dim3A_189, %mul3A_198 : vector<16xf32>
        %get3A_200 = arith.index_cast %add3A_187 : i32 to index
        %get3A_201 = arith.constant 16 : index
        %get3A_202 = tpu.vector_load %arg8[%get3A_200, %get3A_201] {strides = array<i32>} : memref<128x128xf32, #tpu.memory_space<vmem>>, vector<1x16xf32>,
        %get3A_203 = vector.shape_cast %get3A_202 : vector<1x16xf32> to vector<16xf32>
        %get3A_204 = arith.index_cast %add3A_187 : i32 to index
        %get3A_205 = arith.constant 16 : index
        %get3A_206 = tpu.vector_load %arg9[%get3A_204, %get3A_205] {strides = array<i32>} : memref<128x128xf32, #tpu.memory_space<vmem>>, vector<1x16xf32>,
        %get3A_207 = vector.shape_cast %get3A_206 : vector<1x16xf32> to vector<16xf32>
        %mul3A_208 = arith.mulf %get3A_203, %get3A_207 : vector<16xf32>
        %add3A_209 = arith.addf %add3A_199, %mul3A_208 : vector<16xf32>
        %get3A_210 = arith.index_cast %add3A_187 : i32 to index
        %get3A_211 = arith.constant 32 : index
        %get3A_212 = tpu.vector_load %arg8[%get3A_210, %get3A_211] {strides = array<i32>} : memref<128x128xf32, #tpu.memory_space<vmem>>, vector<1x16xf32>,
        %get3A_213 = vector.shape_cast %get3A_212 : vector<1x16xf32> to vector<16xf32>
        %get3A_214 = arith.index_cast %add3A_187 : i32 to index
        %get3A_215 = arith.constant 32 : index
        %get3A_216 = tpu.vector_load %arg9[%get3A_214, %get3A_215] {strides = array<i32>} : memref<128x128xf32, #tpu.memory_space<vmem>>, vector<1x16xf32>,
        %get3A_217 = vector.shape_cast %get3A_216 : vector<1x16xf32> to vector<16xf32>
        %mul3A_218 = arith.mulf %get3A_213, %get3A_217 : vector<16xf32>
        %add3A_219 = arith.addf %add3A_209, %mul3A_218 : vector<16xf32>
        %get3A_220 = arith.index_cast %add3A_187 : i32 to index
        %get3A_221 = arith.constant 48 : index
        %get3A_222 = tpu.vector_load %arg8[%get3A_220, %get3A_221] {strides = array<i32>} : memref<128x128xf32, #tpu.memory_space<vmem>>, vector<1x16xf32>,
        %get3A_223 = vector.shape_cast %get3A_222 : vector<1x16xf32> to vector<16xf32>
        %get3A_224 = arith.index_cast %add3A_187 : i32 to index
        %get3A_225 = arith.constant 48 : index
        %get3A_226 = tpu.vector_load %arg9[%get3A_224, %get3A_225] {strides = array<i32>} : memref<128x128xf32, #tpu.memory_space<vmem>>, vector<1x16xf32>,
        %get3A_227 = vector.shape_cast %get3A_226 : vector<1x16xf32> to vector<16xf32>
        %mul3A_228 = arith.mulf %get3A_223, %get3A_227 : vector<16xf32>
        %add3A_229 = arith.addf %add3A_219, %mul3A_228 : vector<16xf32>
        %get3A_230 = arith.index_cast %add3A_187 : i32 to index
        %get3A_231 = arith.constant 64 : index
        %get3A_232 = tpu.vector_load %arg8[%get3A_230, %get3A_231] {strides = array<i32>} : memref<128x128xf32, #tpu.memory_space<vmem>>, vector<1x16xf32>,
        %get3A_233 = vector.shape_cast %get3A_232 : vector<1x16xf32> to vector<16xf32>
        %get3A_234 = arith.index_cast %add3A_187 : i32 to index
        %get3A_235 = arith.constant 64 : index
        %get3A_236 = tpu.vector_load %arg9[%get3A_234, %get3A_235] {strides = array<i32>} : memref<128x128xf32, #tpu.memory_space<vmem>>, vector<1x16xf32>,
        %get3A_237 = vector.shape_cast %get3A_236 : vector<1x16xf32> to vector<16xf32>
        %mul3A_238 = arith.mulf %get3A_233, %get3A_237 : vector<16xf32>
        %add3A_239 = arith.addf %add3A_229, %mul3A_238 : vector<16xf32>
        %get3A_240 = arith.index_cast %add3A_187 : i32 to index
        %get3A_241 = arith.constant 80 : index
        %get3A_242 = tpu.vector_load %arg8[%get3A_240, %get3A_241] {strides = array<i32>} : memref<128x128xf32, #tpu.memory_space<vmem>>, vector<1x16xf32>,
        %get3A_243 = vector.shape_cast %get3A_242 : vector<1x16xf32> to vector<16xf32>
        %get3A_244 = arith.index_cast %add3A_187 : i32 to index
        %get3A_245 = arith.constant 80 : index
        %get3A_246 = tpu.vector_load %arg9[%get3A_244, %get3A_245] {strides = array<i32>} : memref<128x128xf32, #tpu.memory_space<vmem>>, vector<1x16xf32>,
        %get3A_247 = vector.shape_cast %get3A_246 : vector<1x16xf32> to vector<16xf32>
        %mul3A_248 = arith.mulf %get3A_243, %get3A_247 : vector<16xf32>
        %add3A_249 = arith.addf %add3A_239, %mul3A_248 : vector<16xf32>
        %get3A_250 = arith.index_cast %add3A_187 : i32 to index
        %get3A_251 = arith.constant 96 : index
        %get3A_252 = tpu.vector_load %arg8[%get3A_250, %get3A_251] {strides = array<i32>} : memref<128x128xf32, #tpu.memory_space<vmem>>, vector<1x16xf32>,
        %get3A_253 = vector.shape_cast %get3A_252 : vector<1x16xf32> to vector<16xf32>
        %get3A_254 = arith.index_cast %add3A_187 : i32 to index
        %get3A_255 = arith.constant 96 : index
        %get3A_256 = tpu.vector_load %arg9[%get3A_254, %get3A_255] {strides = array<i32>} : memref<128x128xf32, #tpu.memory_space<vmem>>, vector<1x16xf32>,
        %get3A_257 = vector.shape_cast %get3A_256 : vector<1x16xf32> to vector<16xf32>
        %mul3A_258 = arith.mulf %get3A_253, %get3A_257 : vector<16xf32>
        %add3A_259 = arith.addf %add3A_249, %mul3A_258 : vector<16xf32>
        %get3A_260 = arith.index_cast %add3A_187 : i32 to index
        %get3A_261 = arith.constant 112 : index
        %get3A_262 = tpu.vector_load %arg8[%get3A_260, %get3A_261] {strides = array<i32>} : memref<128x128xf32, #tpu.memory_space<vmem>>, vector<1x16xf32>,
        %get3A_263 = vector.shape_cast %get3A_262 : vector<1x16xf32> to vector<16xf32>
        %get3A_264 = arith.index_cast %add3A_187 : i32 to index
        %get3A_265 = arith.constant 112 : index
        %get3A_266 = tpu.vector_load %arg9[%get3A_264, %get3A_265] {strides = array<i32>} : memref<128x128xf32, #tpu.memory_space<vmem>>, vector<1x16xf32>,
        %get3A_267 = vector.shape_cast %get3A_266 : vector<1x16xf32> to vector<16xf32>
        %mul3A_268 = arith.mulf %get3A_263, %get3A_267 : vector<16xf32>
        %add3A_269 = arith.addf %add3A_259, %mul3A_268 : vector<16xf32>
        %mul3A_270 = arith.constant 16 : i32
        %mul3A_271 = arith.muli %scan3A_13, %mul3A_270 : i32
        %add3A_272 = arith.constant 3 : i32
        %add3A_273 = arith.addi %mul3A_271, %add3A_272 : i32
        %broadcast_in_dim3A_274 = arith.constant 0.000000e+00 : f32
        %broadcast_in_dim3A_275 = vector.broadcast %broadcast_in_dim3A_274 : f32 to vector<16xf32>
        %get3A_276 = arith.index_cast %add3A_273 : i32 to index
        %get3A_277 = arith.constant 0 : index
        %get3A_278 = tpu.vector_load %arg8[%get3A_276, %get3A_277] {strides = array<i32>} : memref<128x128xf32, #tpu.memory_space<vmem>>, vector<1x16xf32>,
        %get3A_279 = vector.shape_cast %get3A_278 : vector<1x16xf32> to vector<16xf32>
        %get3A_280 = arith.index_cast %add3A_273 : i32 to index
        %get3A_281 = arith.constant 0 : index
        %get3A_282 = tpu.vector_load %arg9[%get3A_280, %get3A_281] {strides = array<i32>} : memref<128x128xf32, #tpu.memory_space<vmem>>, vector<1x16xf32>,
        %get3A_283 = vector.shape_cast %get3A_282 : vector<1x16xf32> to vector<16xf32>
        %mul3A_284 = arith.mulf %get3A_279, %get3A_283 : vector<16xf32>
        %add3A_285 = arith.addf %broadcast_in_dim3A_275, %mul3A_284 : vector<16xf32>
        %get3A_286 = arith.index_cast %add3A_273 : i32 to index
        %get3A_287 = arith.constant 16 : index
        %get3A_288 = tpu.vector_load %arg8[%get3A_286, %get3A_287] {strides = array<i32>} : memref<128x128xf32, #tpu.memory_space<vmem>>, vector<1x16xf32>,
        %get3A_289 = vector.shape_cast %get3A_288 : vector<1x16xf32> to vector<16xf32>
        %get3A_290 = arith.index_cast %add3A_273 : i32 to index
        %get3A_291 = arith.constant 16 : index
        %get3A_292 = tpu.vector_load %arg9[%get3A_290, %get3A_291] {strides = array<i32>} : memref<128x128xf32, #tpu.memory_space<vmem>>, vector<1x16xf32>,
        %get3A_293 = vector.shape_cast %get3A_292 : vector<1x16xf32> to vector<16xf32>
        %mul3A_294 = arith.mulf %get3A_289, %get3A_293 : vector<16xf32>
        %add3A_295 = arith.addf %add3A_285, %mul3A_294 : vector<16xf32>
        %get3A_296 = arith.index_cast %add3A_273 : i32 to index
        %get3A_297 = arith.constant 32 : index
        %get3A_298 = tpu.vector_load %arg8[%get3A_296, %get3A_297] {strides = array<i32>} : memref<128x128xf32, #tpu.memory_space<vmem>>, vector<1x16xf32>,
        %get3A_299 = vector.shape_cast %get3A_298 : vector<1x16xf32> to vector<16xf32>
        %get3A_300 = arith.index_cast %add3A_273 : i32 to index
        %get3A_301 = arith.constant 32 : index
        %get3A_302 = tpu.vector_load %arg9[%get3A_300, %get3A_301] {strides = array<i32>} : memref<128x128xf32, #tpu.memory_space<vmem>>, vector<1x16xf32>,
        %get3A_303 = vector.shape_cast %get3A_302 : vector<1x16xf32> to vector<16xf32>
        %mul3A_304 = arith.mulf %get3A_299, %get3A_303 : vector<16xf32>
        %add3A_305 = arith.addf %add3A_295, %mul3A_304 : vector<16xf32>
        %get3A_306 = arith.index_cast %add3A_273 : i32 to index
        %get3A_307 = arith.constant 48 : index
        %get3A_308 = tpu.vector_load %arg8[%get3A_306, %get3A_307] {strides = array<i32>} : memref<128x128xf32, #tpu.memory_space<vmem>>, vector<1x16xf32>,
        %get3A_309 = vector.shape_cast %get3A_308 : vector<1x16xf32> to vector<16xf32>
        %get3A_310 = arith.index_cast %add3A_273 : i32 to index
        %get3A_311 = arith.constant 48 : index
        %get3A_312 = tpu.vector_load %arg9[%get3A_310, %get3A_311] {strides = array<i32>} : memref<128x128xf32, #tpu.memory_space<vmem>>, vector<1x16xf32>,
        %get3A_313 = vector.shape_cast %get3A_312 : vector<1x16xf32> to vector<16xf32>
        %mul3A_314 = arith.mulf %get3A_309, %get3A_313 : vector<16xf32>
        %add3A_315 = arith.addf %add3A_305, %mul3A_314 : vector<16xf32>
        %get3A_316 = arith.index_cast %add3A_273 : i32 to index
        %get3A_317 = arith.constant 64 : index
        %get3A_318 = tpu.vector_load %arg8[%get3A_316, %get3A_317] {strides = array<i32>} : memref<128x128xf32, #tpu.memory_space<vmem>>, vector<1x16xf32>,
        %get3A_319 = vector.shape_cast %get3A_318 : vector<1x16xf32> to vector<16xf32>
        %get3A_320 = arith.index_cast %add3A_273 : i32 to index
        %get3A_321 = arith.constant 64 : index
        %get3A_322 = tpu.vector_load %arg9[%get3A_320, %get3A_321] {strides = array<i32>} : memref<128x128xf32, #tpu.memory_space<vmem>>, vector<1x16xf32>,
        %get3A_323 = vector.shape_cast %get3A_322 : vector<1x16xf32> to vector<16xf32>
        %mul3A_324 = arith.mulf %get3A_319, %get3A_323 : vector<16xf32>
        %add3A_325 = arith.addf %add3A_315, %mul3A_324 : vector<16xf32>
        %get3A_326 = arith.index_cast %add3A_273 : i32 to index
        %get3A_327 = arith.constant 80 : index
        %get3A_328 = tpu.vector_load %arg8[%get3A_326, %get3A_327] {strides = array<i32>} : memref<128x128xf32, #tpu.memory_space<vmem>>, vector<1x16xf32>,
        %get3A_329 = vector.shape_cast %get3A_328 : vector<1x16xf32> to vector<16xf32>
        %get3A_330 = arith.index_cast %add3A_273 : i32 to index
        %get3A_331 = arith.constant 80 : index
        %get3A_332 = tpu.vector_load %arg9[%get3A_330, %get3A_331] {strides = array<i32>} : memref<128x128xf32, #tpu.memory_space<vmem>>, vector<1x16xf32>,
        %get3A_333 = vector.shape_cast %get3A_332 : vector<1x16xf32> to vector<16xf32>
        %mul3A_334 = arith.mulf %get3A_329, %get3A_333 : vector<16xf32>
        %add3A_335 = arith.addf %add3A_325, %mul3A_334 : vector<16xf32>
        %get3A_336 = arith.index_cast %add3A_273 : i32 to index
        %get3A_337 = arith.constant 96 : index
        %get3A_338 = tpu.vector_load %arg8[%get3A_336, %get3A_337] {strides = array<i32>} : memref<128x128xf32, #tpu.memory_space<vmem>>, vector<1x16xf32>,
        %get3A_339 = vector.shape_cast %get3A_338 : vector<1x16xf32> to vector<16xf32>
        %get3A_340 = arith.index_cast %add3A_273 : i32 to index
        %get3A_341 = arith.constant 96 : index
        %get3A_342 = tpu.vector_load %arg9[%get3A_340, %get3A_341] {strides = array<i32>} : memref<128x128xf32, #tpu.memory_space<vmem>>, vector<1x16xf32>,
        %get3A_343 = vector.shape_cast %get3A_342 : vector<1x16xf32> to vector<16xf32>
        %mul3A_344 = arith.mulf %get3A_339, %get3A_343 : vector<16xf32>
        %add3A_345 = arith.addf %add3A_335, %mul3A_344 : vector<16xf32>
        %get3A_346 = arith.index_cast %add3A_273 : i32 to index
        %get3A_347 = arith.constant 112 : index
        %get3A_348 = tpu.vector_load %arg8[%get3A_346, %get3A_347] {strides = array<i32>} : memref<128x128xf32, #tpu.memory_space<vmem>>, vector<1x16xf32>,
        %get3A_349 = vector.shape_cast %get3A_348 : vector<1x16xf32> to vector<16xf32>
        %get3A_350 = arith.index_cast %add3A_273 : i32 to index
        %get3A_351 = arith.constant 112 : index
        %get3A_352 = tpu.vector_load %arg9[%get3A_350, %get3A_351] {strides = array<i32>} : memref<128x128xf32, #tpu.memory_space<vmem>>, vector<1x16xf32>,
        %get3A_353 = vector.shape_cast %get3A_352 : vector<1x16xf32> to vector<16xf32>
        %mul3A_354 = arith.mulf %get3A_349, %get3A_353 : vector<16xf32>
        %add3A_355 = arith.addf %add3A_345, %mul3A_354 : vector<16xf32>
        %mul3A_356 = arith.constant 16 : i32
        %mul3A_357 = arith.muli %scan3A_13, %mul3A_356 : i32
        %add3A_358 = arith.constant 4 : i32
        %add3A_359 = arith.addi %mul3A_357, %add3A_358 : i32
        %broadcast_in_dim3A_360 = arith.constant 0.000000e+00 : f32
        %broadcast_in_dim3A_361 = vector.broadcast %broadcast_in_dim3A_360 : f32 to vector<16xf32>
        %get3A_362 = arith.index_cast %add3A_359 : i32 to index
        %get3A_363 = arith.constant 0 : index
        %get3A_364 = tpu.vector_load %arg8[%get3A_362, %get3A_363] {strides = array<i32>} : memref<128x128xf32, #tpu.memory_space<vmem>>, vector<1x16xf32>,
        %get3A_365 = vector.shape_cast %get3A_364 : vector<1x16xf32> to vector<16xf32>
        %get3A_366 = arith.index_cast %add3A_359 : i32 to index
        %get3A_367 = arith.constant 0 : index
        %get3A_368 = tpu.vector_load %arg9[%get3A_366, %get3A_367] {strides = array<i32>} : memref<128x128xf32, #tpu.memory_space<vmem>>, vector<1x16xf32>,
        %get3A_369 = vector.shape_cast %get3A_368 : vector<1x16xf32> to vector<16xf32>
        %mul3A_370 = arith.mulf %get3A_365, %get3A_369 : vector<16xf32>
        %add3A_371 = arith.addf %broadcast_in_dim3A_361, %mul3A_370 : vector<16xf32>
        %get3A_372 = arith.index_cast %add3A_359 : i32 to index
        %get3A_373 = arith.constant 16 : index
        %get3A_374 = tpu.vector_load %arg8[%get3A_372, %get3A_373] {strides = array<i32>} : memref<128x128xf32, #tpu.memory_space<vmem>>, vector<1x16xf32>,
        %get3A_375 = vector.shape_cast %get3A_374 : vector<1x16xf32> to vector<16xf32>
        %get3A_376 = arith.index_cast %add3A_359 : i32 to index
        %get3A_377 = arith.constant 16 : index
        %get3A_378 = tpu.vector_load %arg9[%get3A_376, %get3A_377] {strides = array<i32>} : memref<128x128xf32, #tpu.memory_space<vmem>>, vector<1x16xf32>,
        %get3A_379 = vector.shape_cast %get3A_378 : vector<1x16xf32> to vector<16xf32>
        %mul3A_380 = arith.mulf %get3A_375, %get3A_379 : vector<16xf32>
        %add3A_381 = arith.addf %add3A_371, %mul3A_380 : vector<16xf32>
        %get3A_382 = arith.index_cast %add3A_359 : i32 to index
        %get3A_383 = arith.constant 32 : index
        %get3A_384 = tpu.vector_load %arg8[%get3A_382, %get3A_383] {strides = array<i32>} : memref<128x128xf32, #tpu.memory_space<vmem>>, vector<1x16xf32>,
        %get3A_385 = vector.shape_cast %get3A_384 : vector<1x16xf32> to vector<16xf32>
        %get3A_386 = arith.index_cast %add3A_359 : i32 to index
        %get3A_387 = arith.constant 32 : index
        %get3A_388 = tpu.vector_load %arg9[%get3A_386, %get3A_387] {strides = array<i32>} : memref<128x128xf32, #tpu.memory_space<vmem>>, vector<1x16xf32>,
        %get3A_389 = vector.shape_cast %get3A_388 : vector<1x16xf32> to vector<16xf32>
        %mul3A_390 = arith.mulf %get3A_385, %get3A_389 : vector<16xf32>
        %add3A_391 = arith.addf %add3A_381, %mul3A_390 : vector<16xf32>
        %get3A_392 = arith.index_cast %add3A_359 : i32 to index
        %get3A_393 = arith.constant 48 : index
        %get3A_394 = tpu.vector_load %arg8[%get3A_392, %get3A_393] {strides = array<i32>} : memref<128x128xf32, #tpu.memory_space<vmem>>, vector<1x16xf32>,
        %get3A_395 = vector.shape_cast %get3A_394 : vector<1x16xf32> to vector<16xf32>
        %get3A_396 = arith.index_cast %add3A_359 : i32 to index
        %get3A_397 = arith.constant 48 : index
        %get3A_398 = tpu.vector_load %arg9[%get3A_396, %get3A_397] {strides = array<i32>} : memref<128x128xf32, #tpu.memory_space<vmem>>, vector<1x16xf32>,
        %get3A_399 = vector.shape_cast %get3A_398 : vector<1x16xf32> to vector<16xf32>
        %mul3A_400 = arith.mulf %get3A_395, %get3A_399 : vector<16xf32>
        %add3A_401 = arith.addf %add3A_391, %mul3A_400 : vector<16xf32>
        %get3A_402 = arith.index_cast %add3A_359 : i32 to index
        %get3A_403 = arith.constant 64 : index
        %get3A_404 = tpu.vector_load %arg8[%get3A_402, %get3A_403] {strides = array<i32>} : memref<128x128xf32, #tpu.memory_space<vmem>>, vector<1x16xf32>,
        %get3A_405 = vector.shape_cast %get3A_404 : vector<1x16xf32> to vector<16xf32>
        %get3A_406 = arith.index_cast %add3A_359 : i32 to index
        %get3A_407 = arith.constant 64 : index
        %get3A_408 = tpu.vector_load %arg9[%get3A_406, %get3A_407] {strides = array<i32>} : memref<128x128xf32, #tpu.memory_space<vmem>>, vector<1x16xf32>,
        %get3A_409 = vector.shape_cast %get3A_408 : vector<1x16xf32> to vector<16xf32>
        %mul3A_410 = arith.mulf %get3A_405, %get3A_409 : vector<16xf32>
        %add3A_411 = arith.addf %add3A_401, %mul3A_410 : vector<16xf32>
        %get3A_412 = arith.index_cast %add3A_359 : i32 to index
        %get3A_413 = arith.constant 80 : index
        %get3A_414 = tpu.vector_load %arg8[%get3A_412, %get3A_413] {strides = array<i32>} : memref<128x128xf32, #tpu.memory_space<vmem>>, vector<1x16xf32>,
        %get3A_415 = vector.shape_cast %get3A_414 : vector<1x16xf32> to vector<16xf32>
        %get3A_416 = arith.index_cast %add3A_359 : i32 to index
        %get3A_417 = arith.constant 80 : index
        %get3A_418 = tpu.vector_load %arg9[%get3A_416, %get3A_417] {strides = array<i32>} : memref<128x128xf32, #tpu.memory_space<vmem>>, vector<1x16xf32>,
        %get3A_419 = vector.shape_cast %get3A_418 : vector<1x16xf32> to vector<16xf32>
        %mul3A_420 = arith.mulf %get3A_415, %get3A_419 : vector<16xf32>
        %add3A_421 = arith.addf %add3A_411, %mul3A_420 : vector<16xf32>
        %get3A_422 = arith.index_cast %add3A_359 : i32 to index
        %get3A_423 = arith.constant 96 : index
        %get3A_424 = tpu.vector_load %arg8[%get3A_422, %get3A_423] {strides = array<i32>} : memref<128x128xf32, #tpu.memory_space<vmem>>, vector<1x16xf32>,
        %get3A_425 = vector.shape_cast %get3A_424 : vector<1x16xf32> to vector<16xf32>
        %get3A_426 = arith.index_cast %add3A_359 : i32 to index
        %get3A_427 = arith.constant 96 : index
        %get3A_428 = tpu.vector_load %arg9[%get3A_426, %get3A_427] {strides = array<i32>} : memref<128x128xf32, #tpu.memory_space<vmem>>, vector<1x16xf32>,
        %get3A_429 = vector.shape_cast %get3A_428 : vector<1x16xf32> to vector<16xf32>
        %mul3A_430 = arith.mulf %get3A_425, %get3A_429 : vector<16xf32>
        %add3A_431 = arith.addf %add3A_421, %mul3A_430 : vector<16xf32>
        %get3A_432 = arith.index_cast %add3A_359 : i32 to index
        %get3A_433 = arith.constant 112 : index
        %get3A_434 = tpu.vector_load %arg8[%get3A_432, %get3A_433] {strides = array<i32>} : memref<128x128xf32, #tpu.memory_space<vmem>>, vector<1x16xf32>,
        %get3A_435 = vector.shape_cast %get3A_434 : vector<1x16xf32> to vector<16xf32>
        %get3A_436 = arith.index_cast %add3A_359 : i32 to index
        %get3A_437 = arith.constant 112 : index
        %get3A_438 = tpu.vector_load %arg9[%get3A_436, %get3A_437] {strides = array<i32>} : memref<128x128xf32, #tpu.memory_space<vmem>>, vector<1x16xf32>,
        %get3A_439 = vector.shape_cast %get3A_438 : vector<1x16xf32> to vector<16xf32>
        %mul3A_440 = arith.mulf %get3A_435, %get3A_439 : vector<16xf32>
        %add3A_441 = arith.addf %add3A_431, %mul3A_440 : vector<16xf32>
        %mul3A_442 = arith.constant 16 : i32
        %mul3A_443 = arith.muli %scan3A_13, %mul3A_442 : i32
        %add3A_444 = arith.constant 5 : i32
        %add3A_445 = arith.addi %mul3A_443, %add3A_444 : i32
        %broadcast_in_dim3A_446 = arith.constant 0.000000e+00 : f32
        %broadcast_in_dim3A_447 = vector.broadcast %broadcast_in_dim3A_446 : f32 to vector<16xf32>
        %get3A_448 = arith.index_cast %add3A_445 : i32 to index
        %get3A_449 = arith.constant 0 : index
        %get3A_450 = tpu.vector_load %arg8[%get3A_448, %get3A_449] {strides = array<i32>} : memref<128x128xf32, #tpu.memory_space<vmem>>, vector<1x16xf32>,
        %get3A_451 = vector.shape_cast %get3A_450 : vector<1x16xf32> to vector<16xf32>
        %get3A_452 = arith.index_cast %add3A_445 : i32 to index
        %get3A_453 = arith.constant 0 : index
        %get3A_454 = tpu.vector_load %arg9[%get3A_452, %get3A_453] {strides = array<i32>} : memref<128x128xf32, #tpu.memory_space<vmem>>, vector<1x16xf32>,
        %get3A_455 = vector.shape_cast %get3A_454 : vector<1x16xf32> to vector<16xf32>
        %mul3A_456 = arith.mulf %get3A_451, %get3A_455 : vector<16xf32>
        %add3A_457 = arith.addf %broadcast_in_dim3A_447, %mul3A_456 : vector<16xf32>
        %get3A_458 = arith.index_cast %add3A_445 : i32 to index
        %get3A_459 = arith.constant 16 : index
        %get3A_460 = tpu.vector_load %arg8[%get3A_458, %get3A_459] {strides = array<i32>} : memref<128x128xf32, #tpu.memory_space<vmem>>, vector<1x16xf32>,
        %get3A_461 = vector.shape_cast %get3A_460 : vector<1x16xf32> to vector<16xf32>
        %get3A_462 = arith.index_cast %add3A_445 : i32 to index
        %get3A_463 = arith.constant 16 : index
        %get3A_464 = tpu.vector_load %arg9[%get3A_462, %get3A_463] {strides = array<i32>} : memref<128x128xf32, #tpu.memory_space<vmem>>, vector<1x16xf32>,
        %get3A_465 = vector.shape_cast %get3A_464 : vector<1x16xf32> to vector<16xf32>
        %mul3A_466 = arith.mulf %get3A_461, %get3A_465 : vector<16xf32>
        %add3A_467 = arith.addf %add3A_457, %mul3A_466 : vector<16xf32>
        %get3A_468 = arith.index_cast %add3A_445 : i32 to index
        %get3A_469 = arith.constant 32 : index
        %get3A_470 = tpu.vector_load %arg8[%get3A_468, %get3A_469] {strides = array<i32>} : memref<128x128xf32, #tpu.memory_space<vmem>>, vector<1x16xf32>,
        %get3A_471 = vector.shape_cast %get3A_470 : vector<1x16xf32> to vector<16xf32>
        %get3A_472 = arith.index_cast %add3A_445 : i32 to index
        %get3A_473 = arith.constant 32 : index
        %get3A_474 = tpu.vector_load %arg9[%get3A_472, %get3A_473] {strides = array<i32>} : memref<128x128xf32, #tpu.memory_space<vmem>>, vector<1x16xf32>,
        %get3A_475 = vector.shape_cast %get3A_474 : vector<1x16xf32> to vector<16xf32>
        %mul3A_476 = arith.mulf %get3A_471, %get3A_475 : vector<16xf32>
        %add3A_477 = arith.addf %add3A_467, %mul3A_476 : vector<16xf32>
        %get3A_478 = arith.index_cast %add3A_445 : i32 to index
        %get3A_479 = arith.constant 48 : index
        %get3A_480 = tpu.vector_load %arg8[%get3A_478, %get3A_479] {strides = array<i32>} : memref<128x128xf32, #tpu.memory_space<vmem>>, vector<1x16xf32>,
        %get3A_481 = vector.shape_cast %get3A_480 : vector<1x16xf32> to vector<16xf32>
        %get3A_482 = arith.index_cast %add3A_445 : i32 to index
        %get3A_483 = arith.constant 48 : index
        %get3A_484 = tpu.vector_load %arg9[%get3A_482, %get3A_483] {strides = array<i32>} : memref<128x128xf32, #tpu.memory_space<vmem>>, vector<1x16xf32>,
        %get3A_485 = vector.shape_cast %get3A_484 : vector<1x16xf32> to vector<16xf32>
        %mul3A_486 = arith.mulf %get3A_481, %get3A_485 : vector<16xf32>
        %add3A_487 = arith.addf %add3A_477, %mul3A_486 : vector<16xf32>
        %get3A_488 = arith.index_cast %add3A_445 : i32 to index
        %get3A_489 = arith.constant 64 : index
        %get3A_490 = tpu.vector_load %arg8[%get3A_488, %get3A_489] {strides = array<i32>} : memref<128x128xf32, #tpu.memory_space<vmem>>, vector<1x16xf32>,
        %get3A_491 = vector.shape_cast %get3A_490 : vector<1x16xf32> to vector<16xf32>
        %get3A_492 = arith.index_cast %add3A_445 : i32 to index
        %get3A_493 = arith.constant 64 : index
        %get3A_494 = tpu.vector_load %arg9[%get3A_492, %get3A_493] {strides = array<i32>} : memref<128x128xf32, #tpu.memory_space<vmem>>, vector<1x16xf32>,
        %get3A_495 = vector.shape_cast %get3A_494 : vector<1x16xf32> to vector<16xf32>
        %mul3A_496 = arith.mulf %get3A_491, %get3A_495 : vector<16xf32>
        %add3A_497 = arith.addf %add3A_487, %mul3A_496 : vector<16xf32>
        %get3A_498 = arith.index_cast %add3A_445 : i32 to index
        %get3A_499 = arith.constant 80 : index
        %get3A_500 = tpu.vector_load %arg8[%get3A_498, %get3A_499] {strides = array<i32>} : memref<128x128xf32, #tpu.memory_space<vmem>>, vector<1x16xf32>,
        %get3A_501 = vector.shape_cast %get3A_500 : vector<1x16xf32> to vector<16xf32>
        %get3A_502 = arith.index_cast %add3A_445 : i32 to index
        %get3A_503 = arith.constant 80 : index
        %get3A_504 = tpu.vector_load %arg9[%get3A_502, %get3A_503] {strides = array<i32>} : memref<128x128xf32, #tpu.memory_space<vmem>>, vector<1x16xf32>,
        %get3A_505 = vector.shape_cast %get3A_504 : vector<1x16xf32> to vector<16xf32>
        %mul3A_506 = arith.mulf %get3A_501, %get3A_505 : vector<16xf32>
        %add3A_507 = arith.addf %add3A_497, %mul3A_506 : vector<16xf32>
        %get3A_508 = arith.index_cast %add3A_445 : i32 to index
        %get3A_509 = arith.constant 96 : index
        %get3A_510 = tpu.vector_load %arg8[%get3A_508, %get3A_509] {strides = array<i32>} : memref<128x128xf32, #tpu.memory_space<vmem>>, vector<1x16xf32>,
        %get3A_511 = vector.shape_cast %get3A_510 : vector<1x16xf32> to vector<16xf32>
        %get3A_512 = arith.index_cast %add3A_445 : i32 to index
        %get3A_513 = arith.constant 96 : index
        %get3A_514 = tpu.vector_load %arg9[%get3A_512, %get3A_513] {strides = array<i32>} : memref<128x128xf32, #tpu.memory_space<vmem>>, vector<1x16xf32>,
        %get3A_515 = vector.shape_cast %get3A_514 : vector<1x16xf32> to vector<16xf32>
        %mul3A_516 = arith.mulf %get3A_511, %get3A_515 : vector<16xf32>
        %add3A_517 = arith.addf %add3A_507, %mul3A_516 : vector<16xf32>
        %get3A_518 = arith.index_cast %add3A_445 : i32 to index
        %get3A_519 = arith.constant 112 : index
        %get3A_520 = tpu.vector_load %arg8[%get3A_518, %get3A_519] {strides = array<i32>} : memref<128x128xf32, #tpu.memory_space<vmem>>, vector<1x16xf32>,
        %get3A_521 = vector.shape_cast %get3A_520 : vector<1x16xf32> to vector<16xf32>
        %get3A_522 = arith.index_cast %add3A_445 : i32 to index
        %get3A_523 = arith.constant 112 : index
        %get3A_524 = tpu.vector_load %arg9[%get3A_522, %get3A_523] {strides = array<i32>} : memref<128x128xf32, #tpu.memory_space<vmem>>, vector<1x16xf32>,
        %get3A_525 = vector.shape_cast %get3A_524 : vector<1x16xf32> to vector<16xf32>
        %mul3A_526 = arith.mulf %get3A_521, %get3A_525 : vector<16xf32>
        %add3A_527 = arith.addf %add3A_517, %mul3A_526 : vector<16xf32>
        %mul3A_528 = arith.constant 16 : i32
        %mul3A_529 = arith.muli %scan3A_13, %mul3A_528 : i32
        %add3A_530 = arith.constant 6 : i32
        %add3A_531 = arith.addi %mul3A_529, %add3A_530 : i32
        %broadcast_in_dim3A_532 = arith.constant 0.000000e+00 : f32
        %broadcast_in_dim3A_533 = vector.broadcast %broadcast_in_dim3A_532 : f32 to vector<16xf32>
        %get3A_534 = arith.index_cast %add3A_531 : i32 to index
        %get3A_535 = arith.constant 0 : index
        %get3A_536 = tpu.vector_load %arg8[%get3A_534, %get3A_535] {strides = array<i32>} : memref<128x128xf32, #tpu.memory_space<vmem>>, vector<1x16xf32>,
        %get3A_537 = vector.shape_cast %get3A_536 : vector<1x16xf32> to vector<16xf32>
        %get3A_538 = arith.index_cast %add3A_531 : i32 to index
        %get3A_539 = arith.constant 0 : index
        %get3A_540 = tpu.vector_load %arg9[%get3A_538, %get3A_539] {strides = array<i32>} : memref<128x128xf32, #tpu.memory_space<vmem>>, vector<1x16xf32>,
        %get3A_541 = vector.shape_cast %get3A_540 : vector<1x16xf32> to vector<16xf32>
        %mul3A_542 = arith.mulf %get3A_537, %get3A_541 : vector<16xf32>
        %add3A_543 = arith.addf %broadcast_in_dim3A_533, %mul3A_542 : vector<16xf32>
        %get3A_544 = arith.index_cast %add3A_531 : i32 to index
        %get3A_545 = arith.constant 16 : index
        %get3A_546 = tpu.vector_load %arg8[%get3A_544, %get3A_545] {strides = array<i32>} : memref<128x128xf32, #tpu.memory_space<vmem>>, vector<1x16xf32>,
        %get3A_547 = vector.shape_cast %get3A_546 : vector<1x16xf32> to vector<16xf32>
        %get3A_548 = arith.index_cast %add3A_531 : i32 to index
        %get3A_549 = arith.constant 16 : index
        %get3A_550 = tpu.vector_load %arg9[%get3A_548, %get3A_549] {strides = array<i32>} : memref<128x128xf32, #tpu.memory_space<vmem>>, vector<1x16xf32>,
        %get3A_551 = vector.shape_cast %get3A_550 : vector<1x16xf32> to vector<16xf32>
        %mul3A_552 = arith.mulf %get3A_547, %get3A_551 : vector<16xf32>
        %add3A_553 = arith.addf %add3A_543, %mul3A_552 : vector<16xf32>
        %get3A_554 = arith.index_cast %add3A_531 : i32 to index
        %get3A_555 = arith.constant 32 : index
        %get3A_556 = tpu.vector_load %arg8[%get3A_554, %get3A_555] {strides = array<i32>} : memref<128x128xf32, #tpu.memory_space<vmem>>, vector<1x16xf32>,
        %get3A_557 = vector.shape_cast %get3A_556 : vector<1x16xf32> to vector<16xf32>
        %get3A_558 = arith.index_cast %add3A_531 : i32 to index
        %get3A_559 = arith.constant 32 : index
        %get3A_560 = tpu.vector_load %arg9[%get3A_558, %get3A_559] {strides = array<i32>} : memref<128x128xf32, #tpu.memory_space<vmem>>, vector<1x16xf32>,
        %get3A_561 = vector.shape_cast %get3A_560 : vector<1x16xf32> to vector<16xf32>
        %mul3A_562 = arith.mulf %get3A_557, %get3A_561 : vector<16xf32>
        %add3A_563 = arith.addf %add3A_553, %mul3A_562 : vector<16xf32>
        %get3A_564 = arith.index_cast %add3A_531 : i32 to index
        %get3A_565 = arith.constant 48 : index
        %get3A_566 = tpu.vector_load %arg8[%get3A_564, %get3A_565] {strides = array<i32>} : memref<128x128xf32, #tpu.memory_space<vmem>>, vector<1x16xf32>,
        %get3A_567 = vector.shape_cast %get3A_566 : vector<1x16xf32> to vector<16xf32>
        %get3A_568 = arith.index_cast %add3A_531 : i32 to index
        %get3A_569 = arith.constant 48 : index
        %get3A_570 = tpu.vector_load %arg9[%get3A_568, %get3A_569] {strides = array<i32>} : memref<128x128xf32, #tpu.memory_space<vmem>>, vector<1x16xf32>,
        %get3A_571 = vector.shape_cast %get3A_570 : vector<1x16xf32> to vector<16xf32>
        %mul3A_572 = arith.mulf %get3A_567, %get3A_571 : vector<16xf32>
        %add3A_573 = arith.addf %add3A_563, %mul3A_572 : vector<16xf32>
        %get3A_574 = arith.index_cast %add3A_531 : i32 to index
        %get3A_575 = arith.constant 64 : index
        %get3A_576 = tpu.vector_load %arg8[%get3A_574, %get3A_575] {strides = array<i32>} : memref<128x128xf32, #tpu.memory_space<vmem>>, vector<1x16xf32>,
        %get3A_577 = vector.shape_cast %get3A_576 : vector<1x16xf32> to vector<16xf32>
        %get3A_578 = arith.index_cast %add3A_531 : i32 to index
        %get3A_579 = arith.constant 64 : index
        %get3A_580 = tpu.vector_load %arg9[%get3A_578, %get3A_579] {strides = array<i32>} : memref<128x128xf32, #tpu.memory_space<vmem>>, vector<1x16xf32>,
        %get3A_581 = vector.shape_cast %get3A_580 : vector<1x16xf32> to vector<16xf32>
        %mul3A_582 = arith.mulf %get3A_577, %get3A_581 : vector<16xf32>
        %add3A_583 = arith.addf %add3A_573, %mul3A_582 : vector<16xf32>
        %get3A_584 = arith.index_cast %add3A_531 : i32 to index
        %get3A_585 = arith.constant 80 : index
        %get3A_586 = tpu.vector_load %arg8[%get3A_584, %get3A_585] {strides = array<i32>} : memref<128x128xf32, #tpu.memory_space<vmem>>, vector<1x16xf32>,
        %get3A_587 = vector.shape_cast %get3A_586 : vector<1x16xf32> to vector<16xf32>
        %get3A_588 = arith.index_cast %add3A_531 : i32 to index
        %get3A_589 = arith.constant 80 : index
        %get3A_590 = tpu.vector_load %arg9[%get3A_588, %get3A_589] {strides = array<i32>} : memref<128x128xf32, #tpu.memory_space<vmem>>, vector<1x16xf32>,
        %get3A_591 = vector.shape_cast %get3A_590 : vector<1x16xf32> to vector<16xf32>
        %mul3A_592 = arith.mulf %get3A_587, %get3A_591 : vector<16xf32>
        %add3A_593 = arith.addf %add3A_583, %mul3A_592 : vector<16xf32>
        %get3A_594 = arith.index_cast %add3A_531 : i32 to index
        %get3A_595 = arith.constant 96 : index
        %get3A_596 = tpu.vector_load %arg8[%get3A_594, %get3A_595] {strides = array<i32>} : memref<128x128xf32, #tpu.memory_space<vmem>>, vector<1x16xf32>,
        %get3A_597 = vector.shape_cast %get3A_596 : vector<1x16xf32> to vector<16xf32>
        %get3A_598 = arith.index_cast %add3A_531 : i32 to index
        %get3A_599 = arith.constant 96 : index
        %get3A_600 = tpu.vector_load %arg9[%get3A_598, %get3A_599] {strides = array<i32>} : memref<128x128xf32, #tpu.memory_space<vmem>>, vector<1x16xf32>,
        %get3A_601 = vector.shape_cast %get3A_600 : vector<1x16xf32> to vector<16xf32>
        %mul3A_602 = arith.mulf %get3A_597, %get3A_601 : vector<16xf32>
        %add3A_603 = arith.addf %add3A_593, %mul3A_602 : vector<16xf32>
        %get3A_604 = arith.index_cast %add3A_531 : i32 to index
        %get3A_605 = arith.constant 112 : index
        %get3A_606 = tpu.vector_load %arg8[%get3A_604, %get3A_605] {strides = array<i32>} : memref<128x128xf32, #tpu.memory_space<vmem>>, vector<1x16xf32>,
        %get3A_607 = vector.shape_cast %get3A_606 : vector<1x16xf32> to vector<16xf32>
        %get3A_608 = arith.index_cast %add3A_531 : i32 to index
        %get3A_609 = arith.constant 112 : index
        %get3A_610 = tpu.vector_load %arg9[%get3A_608, %get3A_609] {strides = array<i32>} : memref<128x128xf32, #tpu.memory_space<vmem>>, vector<1x16xf32>,
        %get3A_611 = vector.shape_cast %get3A_610 : vector<1x16xf32> to vector<16xf32>
        %mul3A_612 = arith.mulf %get3A_607, %get3A_611 : vector<16xf32>
        %add3A_613 = arith.addf %add3A_603, %mul3A_612 : vector<16xf32>
        %mul3A_614 = arith.constant 16 : i32
        %mul3A_615 = arith.muli %scan3A_13, %mul3A_614 : i32
        %add3A_616 = arith.constant 7 : i32
        %add3A_617 = arith.addi %mul3A_615, %add3A_616 : i32
        %broadcast_in_dim3A_618 = arith.constant 0.000000e+00 : f32
        %broadcast_in_dim3A_619 = vector.broadcast %broadcast_in_dim3A_618 : f32 to vector<16xf32>
        %get3A_620 = arith.index_cast %add3A_617 : i32 to index
        %get3A_621 = arith.constant 0 : index
        %get3A_622 = tpu.vector_load %arg8[%get3A_620, %get3A_621] {strides = array<i32>} : memref<128x128xf32, #tpu.memory_space<vmem>>, vector<1x16xf32>,
        %get3A_623 = vector.shape_cast %get3A_622 : vector<1x16xf32> to vector<16xf32>
        %get3A_624 = arith.index_cast %add3A_617 : i32 to index
        %get3A_625 = arith.constant 0 : index
        %get3A_626 = tpu.vector_load %arg9[%get3A_624, %get3A_625] {strides = array<i32>} : memref<128x128xf32, #tpu.memory_space<vmem>>, vector<1x16xf32>,
        %get3A_627 = vector.shape_cast %get3A_626 : vector<1x16xf32> to vector<16xf32>
        %mul3A_628 = arith.mulf %get3A_623, %get3A_627 : vector<16xf32>
        %add3A_629 = arith.addf %broadcast_in_dim3A_619, %mul3A_628 : vector<16xf32>
        %get3A_630 = arith.index_cast %add3A_617 : i32 to index
        %get3A_631 = arith.constant 16 : index
        %get3A_632 = tpu.vector_load %arg8[%get3A_630, %get3A_631] {strides = array<i32>} : memref<128x128xf32, #tpu.memory_space<vmem>>, vector<1x16xf32>,
        %get3A_633 = vector.shape_cast %get3A_632 : vector<1x16xf32> to vector<16xf32>
        %get3A_634 = arith.index_cast %add3A_617 : i32 to index
        %get3A_635 = arith.constant 16 : index
        %get3A_636 = tpu.vector_load %arg9[%get3A_634, %get3A_635] {strides = array<i32>} : memref<128x128xf32, #tpu.memory_space<vmem>>, vector<1x16xf32>,
        %get3A_637 = vector.shape_cast %get3A_636 : vector<1x16xf32> to vector<16xf32>
        %mul3A_638 = arith.mulf %get3A_633, %get3A_637 : vector<16xf32>
        %add3A_639 = arith.addf %add3A_629, %mul3A_638 : vector<16xf32>
        %get3A_640 = arith.index_cast %add3A_617 : i32 to index
        %get3A_641 = arith.constant 32 : index
        %get3A_642 = tpu.vector_load %arg8[%get3A_640, %get3A_641] {strides = array<i32>} : memref<128x128xf32, #tpu.memory_space<vmem>>, vector<1x16xf32>,
        %get3A_643 = vector.shape_cast %get3A_642 : vector<1x16xf32> to vector<16xf32>
        %get3A_644 = arith.index_cast %add3A_617 : i32 to index
        %get3A_645 = arith.constant 32 : index
        %get3A_646 = tpu.vector_load %arg9[%get3A_644, %get3A_645] {strides = array<i32>} : memref<128x128xf32, #tpu.memory_space<vmem>>, vector<1x16xf32>,
        %get3A_647 = vector.shape_cast %get3A_646 : vector<1x16xf32> to vector<16xf32>
        %mul3A_648 = arith.mulf %get3A_643, %get3A_647 : vector<16xf32>
        %add3A_649 = arith.addf %add3A_639, %mul3A_648 : vector<16xf32>
        %get3A_650 = arith.index_cast %add3A_617 : i32 to index
        %get3A_651 = arith.constant 48 : index
        %get3A_652 = tpu.vector_load %arg8[%get3A_650, %get3A_651] {strides = array<i32>} : memref<128x128xf32, #tpu.memory_space<vmem>>, vector<1x16xf32>,
        %get3A_653 = vector.shape_cast %get3A_652 : vector<1x16xf32> to vector<16xf32>
        %get3A_654 = arith.index_cast %add3A_617 : i32 to index
        %get3A_655 = arith.constant 48 : index
        %get3A_656 = tpu.vector_load %arg9[%get3A_654, %get3A_655] {strides = array<i32>} : memref<128x128xf32, #tpu.memory_space<vmem>>, vector<1x16xf32>,
        %get3A_657 = vector.shape_cast %get3A_656 : vector<1x16xf32> to vector<16xf32>
        %mul3A_658 = arith.mulf %get3A_653, %get3A_657 : vector<16xf32>
        %add3A_659 = arith.addf %add3A_649, %mul3A_658 : vector<16xf32>
        %get3A_660 = arith.index_cast %add3A_617 : i32 to index
        %get3A_661 = arith.constant 64 : index
        %get3A_662 = tpu.vector_load %arg8[%get3A_660, %get3A_661] {strides = array<i32>} : memref<128x128xf32, #tpu.memory_space<vmem>>, vector<1x16xf32>,
        %get3A_663 = vector.shape_cast %get3A_662 : vector<1x16xf32> to vector<16xf32>
        %get3A_664 = arith.index_cast %add3A_617 : i32 to index
        %get3A_665 = arith.constant 64 : index
        %get3A_666 = tpu.vector_load %arg9[%get3A_664, %get3A_665] {strides = array<i32>} : memref<128x128xf32, #tpu.memory_space<vmem>>, vector<1x16xf32>,
        %get3A_667 = vector.shape_cast %get3A_666 : vector<1x16xf32> to vector<16xf32>
        %mul3A_668 = arith.mulf %get3A_663, %get3A_667 : vector<16xf32>
        %add3A_669 = arith.addf %add3A_659, %mul3A_668 : vector<16xf32>
        %get3A_670 = arith.index_cast %add3A_617 : i32 to index
        %get3A_671 = arith.constant 80 : index
        %get3A_672 = tpu.vector_load %arg8[%get3A_670, %get3A_671] {strides = array<i32>} : memref<128x128xf32, #tpu.memory_space<vmem>>, vector<1x16xf32>,
        %get3A_673 = vector.shape_cast %get3A_672 : vector<1x16xf32> to vector<16xf32>
        %get3A_674 = arith.index_cast %add3A_617 : i32 to index
        %get3A_675 = arith.constant 80 : index
        %get3A_676 = tpu.vector_load %arg9[%get3A_674, %get3A_675] {strides = array<i32>} : memref<128x128xf32, #tpu.memory_space<vmem>>, vector<1x16xf32>,
        %get3A_677 = vector.shape_cast %get3A_676 : vector<1x16xf32> to vector<16xf32>
        %mul3A_678 = arith.mulf %get3A_673, %get3A_677 : vector<16xf32>
        %add3A_679 = arith.addf %add3A_669, %mul3A_678 : vector<16xf32>
        %get3A_680 = arith.index_cast %add3A_617 : i32 to index
        %get3A_681 = arith.constant 96 : index
        %get3A_682 = tpu.vector_load %arg8[%get3A_680, %get3A_681] {strides = array<i32>} : memref<128x128xf32, #tpu.memory_space<vmem>>, vector<1x16xf32>,
        %get3A_683 = vector.shape_cast %get3A_682 : vector<1x16xf32> to vector<16xf32>
        %get3A_684 = arith.index_cast %add3A_617 : i32 to index
        %get3A_685 = arith.constant 96 : index
        %get3A_686 = tpu.vector_load %arg9[%get3A_684, %get3A_685] {strides = array<i32>} : memref<128x128xf32, #tpu.memory_space<vmem>>, vector<1x16xf32>,
        %get3A_687 = vector.shape_cast %get3A_686 : vector<1x16xf32> to vector<16xf32>
        %mul3A_688 = arith.mulf %get3A_683, %get3A_687 : vector<16xf32>
        %add3A_689 = arith.addf %add3A_679, %mul3A_688 : vector<16xf32>
        %get3A_690 = arith.index_cast %add3A_617 : i32 to index
        %get3A_691 = arith.constant 112 : index
        %get3A_692 = tpu.vector_load %arg8[%get3A_690, %get3A_691] {strides = array<i32>} : memref<128x128xf32, #tpu.memory_space<vmem>>, vector<1x16xf32>,
        %get3A_693 = vector.shape_cast %get3A_692 : vector<1x16xf32> to vector<16xf32>
        %get3A_694 = arith.index_cast %add3A_617 : i32 to index
        %get3A_695 = arith.constant 112 : index
        %get3A_696 = tpu.vector_load %arg9[%get3A_694, %get3A_695] {strides = array<i32>} : memref<128x128xf32, #tpu.memory_space<vmem>>, vector<1x16xf32>,
        %get3A_697 = vector.shape_cast %get3A_696 : vector<1x16xf32> to vector<16xf32>
        %mul3A_698 = arith.mulf %get3A_693, %get3A_697 : vector<16xf32>
        %add3A_699 = arith.addf %add3A_689, %mul3A_698 : vector<16xf32>
        %mul3A_700 = arith.constant 16 : i32
        %mul3A_701 = arith.muli %scan3A_13, %mul3A_700 : i32
        %add3A_702 = arith.constant 8 : i32
        %add3A_703 = arith.addi %mul3A_701, %add3A_702 : i32
        %broadcast_in_dim3A_704 = arith.constant 0.000000e+00 : f32
        %broadcast_in_dim3A_705 = vector.broadcast %broadcast_in_dim3A_704 : f32 to vector<16xf32>
        %get3A_706 = arith.index_cast %add3A_703 : i32 to index
        %get3A_707 = arith.constant 0 : index
        %get3A_708 = tpu.vector_load %arg8[%get3A_706, %get3A_707] {strides = array<i32>} : memref<128x128xf32, #tpu.memory_space<vmem>>, vector<1x16xf32>,
        %get3A_709 = vector.shape_cast %get3A_708 : vector<1x16xf32> to vector<16xf32>
        %get3A_710 = arith.index_cast %add3A_703 : i32 to index
        %get3A_711 = arith.constant 0 : index
        %get3A_712 = tpu.vector_load %arg9[%get3A_710, %get3A_711] {strides = array<i32>} : memref<128x128xf32, #tpu.memory_space<vmem>>, vector<1x16xf32>,
        %get3A_713 = vector.shape_cast %get3A_712 : vector<1x16xf32> to vector<16xf32>
        %mul3A_714 = arith.mulf %get3A_709, %get3A_713 : vector<16xf32>
        %add3A_715 = arith.addf %broadcast_in_dim3A_705, %mul3A_714 : vector<16xf32>
        %get3A_716 = arith.index_cast %add3A_703 : i32 to index
        %get3A_717 = arith.constant 16 : index
        %get3A_718 = tpu.vector_load %arg8[%get3A_716, %get3A_717] {strides = array<i32>} : memref<128x128xf32, #tpu.memory_space<vmem>>, vector<1x16xf32>,
        %get3A_719 = vector.shape_cast %get3A_718 : vector<1x16xf32> to vector<16xf32>
        %get3A_720 = arith.index_cast %add3A_703 : i32 to index
        %get3A_721 = arith.constant 16 : index
        %get3A_722 = tpu.vector_load %arg9[%get3A_720, %get3A_721] {strides = array<i32>} : memref<128x128xf32, #tpu.memory_space<vmem>>, vector<1x16xf32>,
        %get3A_723 = vector.shape_cast %get3A_722 : vector<1x16xf32> to vector<16xf32>
        %mul3A_724 = arith.mulf %get3A_719, %get3A_723 : vector<16xf32>
        %add3A_725 = arith.addf %add3A_715, %mul3A_724 : vector<16xf32>
        %get3A_726 = arith.index_cast %add3A_703 : i32 to index
        %get3A_727 = arith.constant 32 : index
        %get3A_728 = tpu.vector_load %arg8[%get3A_726, %get3A_727] {strides = array<i32>} : memref<128x128xf32, #tpu.memory_space<vmem>>, vector<1x16xf32>,
        %get3A_729 = vector.shape_cast %get3A_728 : vector<1x16xf32> to vector<16xf32>
        %get3A_730 = arith.index_cast %add3A_703 : i32 to index
        %get3A_731 = arith.constant 32 : index
        %get3A_732 = tpu.vector_load %arg9[%get3A_730, %get3A_731] {strides = array<i32>} : memref<128x128xf32, #tpu.memory_space<vmem>>, vector<1x16xf32>,
        %get3A_733 = vector.shape_cast %get3A_732 : vector<1x16xf32> to vector<16xf32>
        %mul3A_734 = arith.mulf %get3A_729, %get3A_733 : vector<16xf32>
        %add3A_735 = arith.addf %add3A_725, %mul3A_734 : vector<16xf32>
        %get3A_736 = arith.index_cast %add3A_703 : i32 to index
        %get3A_737 = arith.constant 48 : index
        %get3A_738 = tpu.vector_load %arg8[%get3A_736, %get3A_737] {strides = array<i32>} : memref<128x128xf32, #tpu.memory_space<vmem>>, vector<1x16xf32>,
        %get3A_739 = vector.shape_cast %get3A_738 : vector<1x16xf32> to vector<16xf32>
        %get3A_740 = arith.index_cast %add3A_703 : i32 to index
        %get3A_741 = arith.constant 48 : index
        %get3A_742 = tpu.vector_load %arg9[%get3A_740, %get3A_741] {strides = array<i32>} : memref<128x128xf32, #tpu.memory_space<vmem>>, vector<1x16xf32>,
        %get3A_743 = vector.shape_cast %get3A_742 : vector<1x16xf32> to vector<16xf32>
        %mul3A_744 = arith.mulf %get3A_739, %get3A_743 : vector<16xf32>
        %add3A_745 = arith.addf %add3A_735, %mul3A_744 : vector<16xf32>
        %get3A_746 = arith.index_cast %add3A_703 : i32 to index
        %get3A_747 = arith.constant 64 : index
        %get3A_748 = tpu.vector_load %arg8[%get3A_746, %get3A_747] {strides = array<i32>} : memref<128x128xf32, #tpu.memory_space<vmem>>, vector<1x16xf32>,
        %get3A_749 = vector.shape_cast %get3A_748 : vector<1x16xf32> to vector<16xf32>
        %get3A_750 = arith.index_cast %add3A_703 : i32 to index
        %get3A_751 = arith.constant 64 : index
        %get3A_752 = tpu.vector_load %arg9[%get3A_750, %get3A_751] {strides = array<i32>} : memref<128x128xf32, #tpu.memory_space<vmem>>, vector<1x16xf32>,
        %get3A_753 = vector.shape_cast %get3A_752 : vector<1x16xf32> to vector<16xf32>
        %mul3A_754 = arith.mulf %get3A_749, %get3A_753 : vector<16xf32>
        %add3A_755 = arith.addf %add3A_745, %mul3A_754 : vector<16xf32>
        %get3A_756 = arith.index_cast %add3A_703 : i32 to index
        %get3A_757 = arith.constant 80 : index
        %get3A_758 = tpu.vector_load %arg8[%get3A_756, %get3A_757] {strides = array<i32>} : memref<128x128xf32, #tpu.memory_space<vmem>>, vector<1x16xf32>,
        %get3A_759 = vector.shape_cast %get3A_758 : vector<1x16xf32> to vector<16xf32>
        %get3A_760 = arith.index_cast %add3A_703 : i32 to index
        %get3A_761 = arith.constant 80 : index
        %get3A_762 = tpu.vector_load %arg9[%get3A_760, %get3A_761] {strides = array<i32>} : memref<128x128xf32, #tpu.memory_space<vmem>>, vector<1x16xf32>,
        %get3A_763 = vector.shape_cast %get3A_762 : vector<1x16xf32> to vector<16xf32>
        %mul3A_764 = arith.mulf %get3A_759, %get3A_763 : vector<16xf32>
        %add3A_765 = arith.addf %add3A_755, %mul3A_764 : vector<16xf32>
        %get3A_766 = arith.index_cast %add3A_703 : i32 to index
        %get3A_767 = arith.constant 96 : index
        %get3A_768 = tpu.vector_load %arg8[%get3A_766, %get3A_767] {strides = array<i32>} : memref<128x128xf32, #tpu.memory_space<vmem>>, vector<1x16xf32>,
        %get3A_769 = vector.shape_cast %get3A_768 : vector<1x16xf32> to vector<16xf32>
        %get3A_770 = arith.index_cast %add3A_703 : i32 to index
        %get3A_771 = arith.constant 96 : index
        %get3A_772 = tpu.vector_load %arg9[%get3A_770, %get3A_771] {strides = array<i32>} : memref<128x128xf32, #tpu.memory_space<vmem>>, vector<1x16xf32>,
        %get3A_773 = vector.shape_cast %get3A_772 : vector<1x16xf32> to vector<16xf32>
        %mul3A_774 = arith.mulf %get3A_769, %get3A_773 : vector<16xf32>
        %add3A_775 = arith.addf %add3A_765, %mul3A_774 : vector<16xf32>
        %get3A_776 = arith.index_cast %add3A_703 : i32 to index
        %get3A_777 = arith.constant 112 : index
        %get3A_778 = tpu.vector_load %arg8[%get3A_776, %get3A_777] {strides = array<i32>} : memref<128x128xf32, #tpu.memory_space<vmem>>, vector<1x16xf32>,
        %get3A_779 = vector.shape_cast %get3A_778 : vector<1x16xf32> to vector<16xf32>
        %get3A_780 = arith.index_cast %add3A_703 : i32 to index
        %get3A_781 = arith.constant 112 : index
        %get3A_782 = tpu.vector_load %arg9[%get3A_780, %get3A_781] {strides = array<i32>} : memref<128x128xf32, #tpu.memory_space<vmem>>, vector<1x16xf32>,
        %get3A_783 = vector.shape_cast %get3A_782 : vector<1x16xf32> to vector<16xf32>
        %mul3A_784 = arith.mulf %get3A_779, %get3A_783 : vector<16xf32>
        %add3A_785 = arith.addf %add3A_775, %mul3A_784 : vector<16xf32>
        %mul3A_786 = arith.constant 16 : i32
        %mul3A_787 = arith.muli %scan3A_13, %mul3A_786 : i32
        %add3A_788 = arith.constant 9 : i32
        %add3A_789 = arith.addi %mul3A_787, %add3A_788 : i32
        %broadcast_in_dim3A_790 = arith.constant 0.000000e+00 : f32
        %broadcast_in_dim3A_791 = vector.broadcast %broadcast_in_dim3A_790 : f32 to vector<16xf32>
        %get3A_792 = arith.index_cast %add3A_789 : i32 to index
        %get3A_793 = arith.constant 0 : index
        %get3A_794 = tpu.vector_load %arg8[%get3A_792, %get3A_793] {strides = array<i32>} : memref<128x128xf32, #tpu.memory_space<vmem>>, vector<1x16xf32>,
        %get3A_795 = vector.shape_cast %get3A_794 : vector<1x16xf32> to vector<16xf32>
        %get3A_796 = arith.index_cast %add3A_789 : i32 to index
        %get3A_797 = arith.constant 0 : index
        %get3A_798 = tpu.vector_load %arg9[%get3A_796, %get3A_797] {strides = array<i32>} : memref<128x128xf32, #tpu.memory_space<vmem>>, vector<1x16xf32>,
        %get3A_799 = vector.shape_cast %get3A_798 : vector<1x16xf32> to vector<16xf32>
        %mul3A_800 = arith.mulf %get3A_795, %get3A_799 : vector<16xf32>
        %add3A_801 = arith.addf %broadcast_in_dim3A_791, %mul3A_800 : vector<16xf32>
        %get3A_802 = arith.index_cast %add3A_789 : i32 to index
        %get3A_803 = arith.constant 16 : index
        %get3A_804 = tpu.vector_load %arg8[%get3A_802, %get3A_803] {strides = array<i32>} : memref<128x128xf32, #tpu.memory_space<vmem>>, vector<1x16xf32>,
        %get3A_805 = vector.shape_cast %get3A_804 : vector<1x16xf32> to vector<16xf32>
        %get3A_806 = arith.index_cast %add3A_789 : i32 to index
        %get3A_807 = arith.constant 16 : index
        %get3A_808 = tpu.vector_load %arg9[%get3A_806, %get3A_807] {strides = array<i32>} : memref<128x128xf32, #tpu.memory_space<vmem>>, vector<1x16xf32>,
        %get3A_809 = vector.shape_cast %get3A_808 : vector<1x16xf32> to vector<16xf32>
        %mul3A_810 = arith.mulf %get3A_805, %get3A_809 : vector<16xf32>
        %add3A_811 = arith.addf %add3A_801, %mul3A_810 : vector<16xf32>
        %get3A_812 = arith.index_cast %add3A_789 : i32 to index
        %get3A_813 = arith.constant 32 : index
        %get3A_814 = tpu.vector_load %arg8[%get3A_812, %get3A_813] {strides = array<i32>} : memref<128x128xf32, #tpu.memory_space<vmem>>, vector<1x16xf32>,
        %get3A_815 = vector.shape_cast %get3A_814 : vector<1x16xf32> to vector<16xf32>
        %get3A_816 = arith.index_cast %add3A_789 : i32 to index
        %get3A_817 = arith.constant 32 : index
        %get3A_818 = tpu.vector_load %arg9[%get3A_816, %get3A_817] {strides = array<i32>} : memref<128x128xf32, #tpu.memory_space<vmem>>, vector<1x16xf32>,
        %get3A_819 = vector.shape_cast %get3A_818 : vector<1x16xf32> to vector<16xf32>
        %mul3A_820 = arith.mulf %get3A_815, %get3A_819 : vector<16xf32>
        %add3A_821 = arith.addf %add3A_811, %mul3A_820 : vector<16xf32>
        %get3A_822 = arith.index_cast %add3A_789 : i32 to index
        %get3A_823 = arith.constant 48 : index
        %get3A_824 = tpu.vector_load %arg8[%get3A_822, %get3A_823] {strides = array<i32>} : memref<128x128xf32, #tpu.memory_space<vmem>>, vector<1x16xf32>,
        %get3A_825 = vector.shape_cast %get3A_824 : vector<1x16xf32> to vector<16xf32>
        %get3A_826 = arith.index_cast %add3A_789 : i32 to index
        %get3A_827 = arith.constant 48 : index
        %get3A_828 = tpu.vector_load %arg9[%get3A_826, %get3A_827] {strides = array<i32>} : memref<128x128xf32, #tpu.memory_space<vmem>>, vector<1x16xf32>,
        %get3A_829 = vector.shape_cast %get3A_828 : vector<1x16xf32> to vector<16xf32>
        %mul3A_830 = arith.mulf %get3A_825, %get3A_829 : vector<16xf32>
        %add3A_831 = arith.addf %add3A_821, %mul3A_830 : vector<16xf32>
        %get3A_832 = arith.index_cast %add3A_789 : i32 to index
        %get3A_833 = arith.constant 64 : index
        %get3A_834 = tpu.vector_load %arg8[%get3A_832, %get3A_833] {strides = array<i32>} : memref<128x128xf32, #tpu.memory_space<vmem>>, vector<1x16xf32>,
        %get3A_835 = vector.shape_cast %get3A_834 : vector<1x16xf32> to vector<16xf32>
        %get3A_836 = arith.index_cast %add3A_789 : i32 to index
        %get3A_837 = arith.constant 64 : index
        %get3A_838 = tpu.vector_load %arg9[%get3A_836, %get3A_837] {strides = array<i32>} : memref<128x128xf32, #tpu.memory_space<vmem>>, vector<1x16xf32>,
        %get3A_839 = vector.shape_cast %get3A_838 : vector<1x16xf32> to vector<16xf32>
        %mul3A_840 = arith.mulf %get3A_835, %get3A_839 : vector<16xf32>
        %add3A_841 = arith.addf %add3A_831, %mul3A_840 : vector<16xf32>
        %get3A_842 = arith.index_cast %add3A_789 : i32 to index
        %get3A_843 = arith.constant 80 : index
        %get3A_844 = tpu.vector_load %arg8[%get3A_842, %get3A_843] {strides = array<i32>} : memref<128x128xf32, #tpu.memory_space<vmem>>, vector<1x16xf32>,
        %get3A_845 = vector.shape_cast %get3A_844 : vector<1x16xf32> to vector<16xf32>
        %get3A_846 = arith.index_cast %add3A_789 : i32 to index
        %get3A_847 = arith.constant 80 : index
        %get3A_848 = tpu.vector_load %arg9[%get3A_846, %get3A_847] {strides = array<i32>} : memref<128x128xf32, #tpu.memory_space<vmem>>, vector<1x16xf32>,
        %get3A_849 = vector.shape_cast %get3A_848 : vector<1x16xf32> to vector<16xf32>
        %mul3A_850 = arith.mulf %get3A_845, %get3A_849 : vector<16xf32>
        %add3A_851 = arith.addf %add3A_841, %mul3A_850 : vector<16xf32>
        %get3A_852 = arith.index_cast %add3A_789 : i32 to index
        %get3A_853 = arith.constant 96 : index
        %get3A_854 = tpu.vector_load %arg8[%get3A_852, %get3A_853] {strides = array<i32>} : memref<128x128xf32, #tpu.memory_space<vmem>>, vector<1x16xf32>,
        %get3A_855 = vector.shape_cast %get3A_854 : vector<1x16xf32> to vector<16xf32>
        %get3A_856 = arith.index_cast %add3A_789 : i32 to index
        %get3A_857 = arith.constant 96 : index
        %get3A_858 = tpu.vector_load %arg9[%get3A_856, %get3A_857] {strides = array<i32>} : memref<128x128xf32, #tpu.memory_space<vmem>>, vector<1x16xf32>,
        %get3A_859 = vector.shape_cast %get3A_858 : vector<1x16xf32> to vector<16xf32>
        %mul3A_860 = arith.mulf %get3A_855, %get3A_859 : vector<16xf32>
        %add3A_861 = arith.addf %add3A_851, %mul3A_860 : vector<16xf32>
        %get3A_862 = arith.index_cast %add3A_789 : i32 to index
        %get3A_863 = arith.constant 112 : index
        %get3A_864 = tpu.vector_load %arg8[%get3A_862, %get3A_863] {strides = array<i32>} : memref<128x128xf32, #tpu.memory_space<vmem>>, vector<1x16xf32>,
        %get3A_865 = vector.shape_cast %get3A_864 : vector<1x16xf32> to vector<16xf32>
        %get3A_866 = arith.index_cast %add3A_789 : i32 to index
        %get3A_867 = arith.constant 112 : index
        %get3A_868 = tpu.vector_load %arg9[%get3A_866, %get3A_867] {strides = array<i32>} : memref<128x128xf32, #tpu.memory_space<vmem>>, vector<1x16xf32>,
        %get3A_869 = vector.shape_cast %get3A_868 : vector<1x16xf32> to vector<16xf32>
        %mul3A_870 = arith.mulf %get3A_865, %get3A_869 : vector<16xf32>
        %add3A_871 = arith.addf %add3A_861, %mul3A_870 : vector<16xf32>
        %mul3A_872 = arith.constant 16 : i32
        %mul3A_873 = arith.muli %scan3A_13, %mul3A_872 : i32
        %add3A_874 = arith.constant 10 : i32
        %add3A_875 = arith.addi %mul3A_873, %add3A_874 : i32
        %broadcast_in_dim3A_876 = arith.constant 0.000000e+00 : f32
        %broadcast_in_dim3A_877 = vector.broadcast %broadcast_in_dim3A_876 : f32 to vector<16xf32>
        %get3A_878 = arith.index_cast %add3A_875 : i32 to index
        %get3A_879 = arith.constant 0 : index
        %get3A_880 = tpu.vector_load %arg8[%get3A_878, %get3A_879] {strides = array<i32>} : memref<128x128xf32, #tpu.memory_space<vmem>>, vector<1x16xf32>,
        %get3A_881 = vector.shape_cast %get3A_880 : vector<1x16xf32> to vector<16xf32>
        %get3A_882 = arith.index_cast %add3A_875 : i32 to index
        %get3A_883 = arith.constant 0 : index
        %get3A_884 = tpu.vector_load %arg9[%get3A_882, %get3A_883] {strides = array<i32>} : memref<128x128xf32, #tpu.memory_space<vmem>>, vector<1x16xf32>,
        %get3A_885 = vector.shape_cast %get3A_884 : vector<1x16xf32> to vector<16xf32>
        %mul3A_886 = arith.mulf %get3A_881, %get3A_885 : vector<16xf32>
        %add3A_887 = arith.addf %broadcast_in_dim3A_877, %mul3A_886 : vector<16xf32>
        %get3A_888 = arith.index_cast %add3A_875 : i32 to index
        %get3A_889 = arith.constant 16 : index
        %get3A_890 = tpu.vector_load %arg8[%get3A_888, %get3A_889] {strides = array<i32>} : memref<128x128xf32, #tpu.memory_space<vmem>>, vector<1x16xf32>,
        %get3A_891 = vector.shape_cast %get3A_890 : vector<1x16xf32> to vector<16xf32>
        %get3A_892 = arith.index_cast %add3A_875 : i32 to index
        %get3A_893 = arith.constant 16 : index
        %get3A_894 = tpu.vector_load %arg9[%get3A_892, %get3A_893] {strides = array<i32>} : memref<128x128xf32, #tpu.memory_space<vmem>>, vector<1x16xf32>,
        %get3A_895 = vector.shape_cast %get3A_894 : vector<1x16xf32> to vector<16xf32>
        %mul3A_896 = arith.mulf %get3A_891, %get3A_895 : vector<16xf32>
        %add3A_897 = arith.addf %add3A_887, %mul3A_896 : vector<16xf32>
        %get3A_898 = arith.index_cast %add3A_875 : i32 to index
        %get3A_899 = arith.constant 32 : index
        %get3A_900 = tpu.vector_load %arg8[%get3A_898, %get3A_899] {strides = array<i32>} : memref<128x128xf32, #tpu.memory_space<vmem>>, vector<1x16xf32>,
        %get3A_901 = vector.shape_cast %get3A_900 : vector<1x16xf32> to vector<16xf32>
        %get3A_902 = arith.index_cast %add3A_875 : i32 to index
        %get3A_903 = arith.constant 32 : index
        %get3A_904 = tpu.vector_load %arg9[%get3A_902, %get3A_903] {strides = array<i32>} : memref<128x128xf32, #tpu.memory_space<vmem>>, vector<1x16xf32>,
        %get3A_905 = vector.shape_cast %get3A_904 : vector<1x16xf32> to vector<16xf32>
        %mul3A_906 = arith.mulf %get3A_901, %get3A_905 : vector<16xf32>
        %add3A_907 = arith.addf %add3A_897, %mul3A_906 : vector<16xf32>
        %get3A_908 = arith.index_cast %add3A_875 : i32 to index
        %get3A_909 = arith.constant 48 : index
        %get3A_910 = tpu.vector_load %arg8[%get3A_908, %get3A_909] {strides = array<i32>} : memref<128x128xf32, #tpu.memory_space<vmem>>, vector<1x16xf32>,
        %get3A_911 = vector.shape_cast %get3A_910 : vector<1x16xf32> to vector<16xf32>
        %get3A_912 = arith.index_cast %add3A_875 : i32 to index
        %get3A_913 = arith.constant 48 : index
        %get3A_914 = tpu.vector_load %arg9[%get3A_912, %get3A_913] {strides = array<i32>} : memref<128x128xf32, #tpu.memory_space<vmem>>, vector<1x16xf32>,
        %get3A_915 = vector.shape_cast %get3A_914 : vector<1x16xf32> to vector<16xf32>
        %mul3A_916 = arith.mulf %get3A_911, %get3A_915 : vector<16xf32>
        %add3A_917 = arith.addf %add3A_907, %mul3A_916 : vector<16xf32>
        %get3A_918 = arith.index_cast %add3A_875 : i32 to index
        %get3A_919 = arith.constant 64 : index
        %get3A_920 = tpu.vector_load %arg8[%get3A_918, %get3A_919] {strides = array<i32>} : memref<128x128xf32, #tpu.memory_space<vmem>>, vector<1x16xf32>,
        %get3A_921 = vector.shape_cast %get3A_920 : vector<1x16xf32> to vector<16xf32>
        %get3A_922 = arith.index_cast %add3A_875 : i32 to index
        %get3A_923 = arith.constant 64 : index
        %get3A_924 = tpu.vector_load %arg9[%get3A_922, %get3A_923] {strides = array<i32>} : memref<128x128xf32, #tpu.memory_space<vmem>>, vector<1x16xf32>,
        %get3A_925 = vector.shape_cast %get3A_924 : vector<1x16xf32> to vector<16xf32>
        %mul3A_926 = arith.mulf %get3A_921, %get3A_925 : vector<16xf32>
        %add3A_927 = arith.addf %add3A_917, %mul3A_926 : vector<16xf32>
        %get3A_928 = arith.index_cast %add3A_875 : i32 to index
        %get3A_929 = arith.constant 80 : index
        %get3A_930 = tpu.vector_load %arg8[%get3A_928, %get3A_929] {strides = array<i32>} : memref<128x128xf32, #tpu.memory_space<vmem>>, vector<1x16xf32>,
        %get3A_931 = vector.shape_cast %get3A_930 : vector<1x16xf32> to vector<16xf32>
        %get3A_932 = arith.index_cast %add3A_875 : i32 to index
        %get3A_933 = arith.constant 80 : index
        %get3A_934 = tpu.vector_load %arg9[%get3A_932, %get3A_933] {strides = array<i32>} : memref<128x128xf32, #tpu.memory_space<vmem>>, vector<1x16xf32>,
        %get3A_935 = vector.shape_cast %get3A_934 : vector<1x16xf32> to vector<16xf32>
        %mul3A_936 = arith.mulf %get3A_931, %get3A_935 : vector<16xf32>
        %add3A_937 = arith.addf %add3A_927, %mul3A_936 : vector<16xf32>
        %get3A_938 = arith.index_cast %add3A_875 : i32 to index
        %get3A_939 = arith.constant 96 : index
        %get3A_940 = tpu.vector_load %arg8[%get3A_938, %get3A_939] {strides = array<i32>} : memref<128x128xf32, #tpu.memory_space<vmem>>, vector<1x16xf32>,
        %get3A_941 = vector.shape_cast %get3A_940 : vector<1x16xf32> to vector<16xf32>
        %get3A_942 = arith.index_cast %add3A_875 : i32 to index
        %get3A_943 = arith.constant 96 : index
        %get3A_944 = tpu.vector_load %arg9[%get3A_942, %get3A_943] {strides = array<i32>} : memref<128x128xf32, #tpu.memory_space<vmem>>, vector<1x16xf32>,
        %get3A_945 = vector.shape_cast %get3A_944 : vector<1x16xf32> to vector<16xf32>
        %mul3A_946 = arith.mulf %get3A_941, %get3A_945 : vector<16xf32>
        %add3A_947 = arith.addf %add3A_937, %mul3A_946 : vector<16xf32>
        %get3A_948 = arith.index_cast %add3A_875 : i32 to index
        %get3A_949 = arith.constant 112 : index
        %get3A_950 = tpu.vector_load %arg8[%get3A_948, %get3A_949] {strides = array<i32>} : memref<128x128xf32, #tpu.memory_space<vmem>>, vector<1x16xf32>,
        %get3A_951 = vector.shape_cast %get3A_950 : vector<1x16xf32> to vector<16xf32>
        %get3A_952 = arith.index_cast %add3A_875 : i32 to index
        %get3A_953 = arith.constant 112 : index
        %get3A_954 = tpu.vector_load %arg9[%get3A_952, %get3A_953] {strides = array<i32>} : memref<128x128xf32, #tpu.memory_space<vmem>>, vector<1x16xf32>,
        %get3A_955 = vector.shape_cast %get3A_954 : vector<1x16xf32> to vector<16xf32>
        %mul3A_956 = arith.mulf %get3A_951, %get3A_955 : vector<16xf32>
        %add3A_957 = arith.addf %add3A_947, %mul3A_956 : vector<16xf32>
        %mul3A_958 = arith.constant 16 : i32
        %mul3A_959 = arith.muli %scan3A_13, %mul3A_958 : i32
        %add3A_960 = arith.constant 11 : i32
        %add3A_961 = arith.addi %mul3A_959, %add3A_960 : i32
        %broadcast_in_dim3A_962 = arith.constant 0.000000e+00 : f32
        %broadcast_in_dim3A_963 = vector.broadcast %broadcast_in_dim3A_962 : f32 to vector<16xf32>
        %get3A_964 = arith.index_cast %add3A_961 : i32 to index
        %get3A_965 = arith.constant 0 : index
        %get3A_966 = tpu.vector_load %arg8[%get3A_964, %get3A_965] {strides = array<i32>} : memref<128x128xf32, #tpu.memory_space<vmem>>, vector<1x16xf32>,
        %get3A_967 = vector.shape_cast %get3A_966 : vector<1x16xf32> to vector<16xf32>
        %get3A_968 = arith.index_cast %add3A_961 : i32 to index
        %get3A_969 = arith.constant 0 : index
        %get3A_970 = tpu.vector_load %arg9[%get3A_968, %get3A_969] {strides = array<i32>} : memref<128x128xf32, #tpu.memory_space<vmem>>, vector<1x16xf32>,
        %get3A_971 = vector.shape_cast %get3A_970 : vector<1x16xf32> to vector<16xf32>
        %mul3A_972 = arith.mulf %get3A_967, %get3A_971 : vector<16xf32>
        %add3A_973 = arith.addf %broadcast_in_dim3A_963, %mul3A_972 : vector<16xf32>
        %get3A_974 = arith.index_cast %add3A_961 : i32 to index
        %get3A_975 = arith.constant 16 : index
        %get3A_976 = tpu.vector_load %arg8[%get3A_974, %get3A_975] {strides = array<i32>} : memref<128x128xf32, #tpu.memory_space<vmem>>, vector<1x16xf32>,
        %get3A_977 = vector.shape_cast %get3A_976 : vector<1x16xf32> to vector<16xf32>
        %get3A_978 = arith.index_cast %add3A_961 : i32 to index
        %get3A_979 = arith.constant 16 : index
        %get3A_980 = tpu.vector_load %arg9[%get3A_978, %get3A_979] {strides = array<i32>} : memref<128x128xf32, #tpu.memory_space<vmem>>, vector<1x16xf32>,
        %get3A_981 = vector.shape_cast %get3A_980 : vector<1x16xf32> to vector<16xf32>
        %mul3A_982 = arith.mulf %get3A_977, %get3A_981 : vector<16xf32>
        %add3A_983 = arith.addf %add3A_973, %mul3A_982 : vector<16xf32>
        %get3A_984 = arith.index_cast %add3A_961 : i32 to index
        %get3A_985 = arith.constant 32 : index
        %get3A_986 = tpu.vector_load %arg8[%get3A_984, %get3A_985] {strides = array<i32>} : memref<128x128xf32, #tpu.memory_space<vmem>>, vector<1x16xf32>,
        %get3A_987 = vector.shape_cast %get3A_986 : vector<1x16xf32> to vector<16xf32>
        %get3A_988 = arith.index_cast %add3A_961 : i32 to index
        %get3A_989 = arith.constant 32 : index
        %get3A_990 = tpu.vector_load %arg9[%get3A_988, %get3A_989] {strides = array<i32>} : memref<128x128xf32, #tpu.memory_space<vmem>>, vector<1x16xf32>,
        %get3A_991 = vector.shape_cast %get3A_990 : vector<1x16xf32> to vector<16xf32>
        %mul3A_992 = arith.mulf %get3A_987, %get3A_991 : vector<16xf32>
        %add3A_993 = arith.addf %add3A_983, %mul3A_992 : vector<16xf32>
        %get3A_994 = arith.index_cast %add3A_961 : i32 to index
        %get3A_995 = arith.constant 48 : index
        %get3A_996 = tpu.vector_load %arg8[%get3A_994, %get3A_995] {strides = array<i32>} : memref<128x128xf32, #tpu.memory_space<vmem>>, vector<1x16xf32>,
        %get3A_997 = vector.shape_cast %get3A_996 : vector<1x16xf32> to vector<16xf32>
        %get3A_998 = arith.index_cast %add3A_961 : i32 to index
        %get3A_999 = arith.constant 48 : index
        %get3A_1000 = tpu.vector_load %arg9[%get3A_998, %get3A_999] {strides = array<i32>} : memref<128x128xf32, #tpu.memory_space<vmem>>, vector<1x16xf32>,
        %get3A_1001 = vector.shape_cast %get3A_1000 : vector<1x16xf32> to vector<16xf32>
        %mul3A_1002 = arith.mulf %get3A_997, %get3A_1001 : vector<16xf32>
        %add3A_1003 = arith.addf %add3A_993, %mul3A_1002 : vector<16xf32>
        %get3A_1004 = arith.index_cast %add3A_961 : i32 to index
        %get3A_1005 = arith.constant 64 : index
        %get3A_1006 = tpu.vector_load %arg8[%get3A_1004, %get3A_1005] {strides = array<i32>} : memref<128x128xf32, #tpu.memory_space<vmem>>, vector<1x16xf32>,
        %get3A_1007 = vector.shape_cast %get3A_1006 : vector<1x16xf32> to vector<16xf32>
        %get3A_1008 = arith.index_cast %add3A_961 : i32 to index
        %get3A_1009 = arith.constant 64 : index
        %get3A_1010 = tpu.vector_load %arg9[%get3A_1008, %get3A_1009] {strides = array<i32>} : memref<128x128xf32, #tpu.memory_space<vmem>>, vector<1x16xf32>,
        %get3A_1011 = vector.shape_cast %get3A_1010 : vector<1x16xf32> to vector<16xf32>
        %mul3A_1012 = arith.mulf %get3A_1007, %get3A_1011 : vector<16xf32>
        %add3A_1013 = arith.addf %add3A_1003, %mul3A_1012 : vector<16xf32>
        %get3A_1014 = arith.index_cast %add3A_961 : i32 to index
        %get3A_1015 = arith.constant 80 : index
        %get3A_1016 = tpu.vector_load %arg8[%get3A_1014, %get3A_1015] {strides = array<i32>} : memref<128x128xf32, #tpu.memory_space<vmem>>, vector<1x16xf32>,
        %get3A_1017 = vector.shape_cast %get3A_1016 : vector<1x16xf32> to vector<16xf32>
        %get3A_1018 = arith.index_cast %add3A_961 : i32 to index
        %get3A_1019 = arith.constant 80 : index
        %get3A_1020 = tpu.vector_load %arg9[%get3A_1018, %get3A_1019] {strides = array<i32>} : memref<128x128xf32, #tpu.memory_space<vmem>>, vector<1x16xf32>,
        %get3A_1021 = vector.shape_cast %get3A_1020 : vector<1x16xf32> to vector<16xf32>
        %mul3A_1022 = arith.mulf %get3A_1017, %get3A_1021 : vector<16xf32>
        %add3A_1023 = arith.addf %add3A_1013, %mul3A_1022 : vector<16xf32>
        %get3A_1024 = arith.index_cast %add3A_961 : i32 to index
        %get3A_1025 = arith.constant 96 : index
        %get3A_1026 = tpu.vector_load %arg8[%get3A_1024, %get3A_1025] {strides = array<i32>} : memref<128x128xf32, #tpu.memory_space<vmem>>, vector<1x16xf32>,
        %get3A_1027 = vector.shape_cast %get3A_1026 : vector<1x16xf32> to vector<16xf32>
        %get3A_1028 = arith.index_cast %add3A_961 : i32 to index
        %get3A_1029 = arith.constant 96 : index
        %get3A_1030 = tpu.vector_load %arg9[%get3A_1028, %get3A_1029] {strides = array<i32>} : memref<128x128xf32, #tpu.memory_space<vmem>>, vector<1x16xf32>,
        %get3A_1031 = vector.shape_cast %get3A_1030 : vector<1x16xf32> to vector<16xf32>
        %mul3A_1032 = arith.mulf %get3A_1027, %get3A_1031 : vector<16xf32>
        %add3A_1033 = arith.addf %add3A_1023, %mul3A_1032 : vector<16xf32>
        %get3A_1034 = arith.index_cast %add3A_961 : i32 to index
        %get3A_1035 = arith.constant 112 : index
        %get3A_1036 = tpu.vector_load %arg8[%get3A_1034, %get3A_1035] {strides = array<i32>} : memref<128x128xf32, #tpu.memory_space<vmem>>, vector<1x16xf32>,
        %get3A_1037 = vector.shape_cast %get3A_1036 : vector<1x16xf32> to vector<16xf32>
        %get3A_1038 = arith.index_cast %add3A_961 : i32 to index
        %get3A_1039 = arith.constant 112 : index
        %get3A_1040 = tpu.vector_load %arg9[%get3A_1038, %get3A_1039] {strides = array<i32>} : memref<128x128xf32, #tpu.memory_space<vmem>>, vector<1x16xf32>,
        %get3A_1041 = vector.shape_cast %get3A_1040 : vector<1x16xf32> to vector<16xf32>
        %mul3A_1042 = arith.mulf %get3A_1037, %get3A_1041 : vector<16xf32>
        %add3A_1043 = arith.addf %add3A_1033, %mul3A_1042 : vector<16xf32>
        %mul3A_1044 = arith.constant 16 : i32
        %mul3A_1045 = arith.muli %scan3A_13, %mul3A_1044 : i32
        %add3A_1046 = arith.constant 12 : i32
        %add3A_1047 = arith.addi %mul3A_1045, %add3A_1046 : i32
        %broadcast_in_dim3A_1048 = arith.constant 0.000000e+00 : f32
        %broadcast_in_dim3A_1049 = vector.broadcast %broadcast_in_dim3A_1048 : f32 to vector<16xf32>
        %get3A_1050 = arith.index_cast %add3A_1047 : i32 to index
        %get3A_1051 = arith.constant 0 : index
        %get3A_1052 = tpu.vector_load %arg8[%get3A_1050, %get3A_1051] {strides = array<i32>} : memref<128x128xf32, #tpu.memory_space<vmem>>, vector<1x16xf32>,
        %get3A_1053 = vector.shape_cast %get3A_1052 : vector<1x16xf32> to vector<16xf32>
        %get3A_1054 = arith.index_cast %add3A_1047 : i32 to index
        %get3A_1055 = arith.constant 0 : index
        %get3A_1056 = tpu.vector_load %arg9[%get3A_1054, %get3A_1055] {strides = array<i32>} : memref<128x128xf32, #tpu.memory_space<vmem>>, vector<1x16xf32>,
        %get3A_1057 = vector.shape_cast %get3A_1056 : vector<1x16xf32> to vector<16xf32>
        %mul3A_1058 = arith.mulf %get3A_1053, %get3A_1057 : vector<16xf32>
        %add3A_1059 = arith.addf %broadcast_in_dim3A_1049, %mul3A_1058 : vector<16xf32>
        %get3A_1060 = arith.index_cast %add3A_1047 : i32 to index
        %get3A_1061 = arith.constant 16 : index
        %get3A_1062 = tpu.vector_load %arg8[%get3A_1060, %get3A_1061] {strides = array<i32>} : memref<128x128xf32, #tpu.memory_space<vmem>>, vector<1x16xf32>,
        %get3A_1063 = vector.shape_cast %get3A_1062 : vector<1x16xf32> to vector<16xf32>
        %get3A_1064 = arith.index_cast %add3A_1047 : i32 to index
        %get3A_1065 = arith.constant 16 : index
        %get3A_1066 = tpu.vector_load %arg9[%get3A_1064, %get3A_1065] {strides = array<i32>} : memref<128x128xf32, #tpu.memory_space<vmem>>, vector<1x16xf32>,
        %get3A_1067 = vector.shape_cast %get3A_1066 : vector<1x16xf32> to vector<16xf32>
        %mul3A_1068 = arith.mulf %get3A_1063, %get3A_1067 : vector<16xf32>
        %add3A_1069 = arith.addf %add3A_1059, %mul3A_1068 : vector<16xf32>
        %get3A_1070 = arith.index_cast %add3A_1047 : i32 to index
        %get3A_1071 = arith.constant 32 : index
        %get3A_1072 = tpu.vector_load %arg8[%get3A_1070, %get3A_1071] {strides = array<i32>} : memref<128x128xf32, #tpu.memory_space<vmem>>, vector<1x16xf32>,
        %get3A_1073 = vector.shape_cast %get3A_1072 : vector<1x16xf32> to vector<16xf32>
        %get3A_1074 = arith.index_cast %add3A_1047 : i32 to index
        %get3A_1075 = arith.constant 32 : index
        %get3A_1076 = tpu.vector_load %arg9[%get3A_1074, %get3A_1075] {strides = array<i32>} : memref<128x128xf32, #tpu.memory_space<vmem>>, vector<1x16xf32>,
        %get3A_1077 = vector.shape_cast %get3A_1076 : vector<1x16xf32> to vector<16xf32>
        %mul3A_1078 = arith.mulf %get3A_1073, %get3A_1077 : vector<16xf32>
        %add3A_1079 = arith.addf %add3A_1069, %mul3A_1078 : vector<16xf32>
        %get3A_1080 = arith.index_cast %add3A_1047 : i32 to index
        %get3A_1081 = arith.constant 48 : index
        %get3A_1082 = tpu.vector_load %arg8[%get3A_1080, %get3A_1081] {strides = array<i32>} : memref<128x128xf32, #tpu.memory_space<vmem>>, vector<1x16xf32>,
        %get3A_1083 = vector.shape_cast %get3A_1082 : vector<1x16xf32> to vector<16xf32>
        %get3A_1084 = arith.index_cast %add3A_1047 : i32 to index
        %get3A_1085 = arith.constant 48 : index
        %get3A_1086 = tpu.vector_load %arg9[%get3A_1084, %get3A_1085] {strides = array<i32>} : memref<128x128xf32, #tpu.memory_space<vmem>>, vector<1x16xf32>,
        %get3A_1087 = vector.shape_cast %get3A_1086 : vector<1x16xf32> to vector<16xf32>
        %mul3A_1088 = arith.mulf %get3A_1083, %get3A_1087 : vector<16xf32>
        %add3A_1089 = arith.addf %add3A_1079, %mul3A_1088 : vector<16xf32>
        %get3A_1090 = arith.index_cast %add3A_1047 : i32 to index
        %get3A_1091 = arith.constant 64 : index
        %get3A_1092 = tpu.vector_load %arg8[%get3A_1090, %get3A_1091] {strides = array<i32>} : memref<128x128xf32, #tpu.memory_space<vmem>>, vector<1x16xf32>,
        %get3A_1093 = vector.shape_cast %get3A_1092 : vector<1x16xf32> to vector<16xf32>
        %get3A_1094 = arith.index_cast %add3A_1047 : i32 to index
        %get3A_1095 = arith.constant 64 : index
        %get3A_1096 = tpu.vector_load %arg9[%get3A_1094, %get3A_1095] {strides = array<i32>} : memref<128x128xf32, #tpu.memory_space<vmem>>, vector<1x16xf32>,
        %get3A_1097 = vector.shape_cast %get3A_1096 : vector<1x16xf32> to vector<16xf32>
        %mul3A_1098 = arith.mulf %get3A_1093, %get3A_1097 : vector<16xf32>
        %add3A_1099 = arith.addf %add3A_1089, %mul3A_1098 : vector<16xf32>
        %get3A_1100 = arith.index_cast %add3A_1047 : i32 to index
        %get3A_1101 = arith.constant 80 : index
        %get3A_1102 = tpu.vector_load %arg8[%get3A_1100, %get3A_1101] {strides = array<i32>} : memref<128x128xf32, #tpu.memory_space<vmem>>, vector<1x16xf32>,
        %get3A_1103 = vector.shape_cast %get3A_1102 : vector<1x16xf32> to vector<16xf32>
        %get3A_1104 = arith.index_cast %add3A_1047 : i32 to index
        %get3A_1105 = arith.constant 80 : index
        %get3A_1106 = tpu.vector_load %arg9[%get3A_1104, %get3A_1105] {strides = array<i32>} : memref<128x128xf32, #tpu.memory_space<vmem>>, vector<1x16xf32>,
        %get3A_1107 = vector.shape_cast %get3A_1106 : vector<1x16xf32> to vector<16xf32>
        %mul3A_1108 = arith.mulf %get3A_1103, %get3A_1107 : vector<16xf32>
        %add3A_1109 = arith.addf %add3A_1099, %mul3A_1108 : vector<16xf32>
        %get3A_1110 = arith.index_cast %add3A_1047 : i32 to index
        %get3A_1111 = arith.constant 96 : index
        %get3A_1112 = tpu.vector_load %arg8[%get3A_1110, %get3A_1111] {strides = array<i32>} : memref<128x128xf32, #tpu.memory_space<vmem>>, vector<1x16xf32>,
        %get3A_1113 = vector.shape_cast %get3A_1112 : vector<1x16xf32> to vector<16xf32>
        %get3A_1114 = arith.index_cast %add3A_1047 : i32 to index
        %get3A_1115 = arith.constant 96 : index
        %get3A_1116 = tpu.vector_load %arg9[%get3A_1114, %get3A_1115] {strides = array<i32>} : memref<128x128xf32, #tpu.memory_space<vmem>>, vector<1x16xf32>,
        %get3A_1117 = vector.shape_cast %get3A_1116 : vector<1x16xf32> to vector<16xf32>
        %mul3A_1118 = arith.mulf %get3A_1113, %get3A_1117 : vector<16xf32>
        %add3A_1119 = arith.addf %add3A_1109, %mul3A_1118 : vector<16xf32>
        %get3A_1120 = arith.index_cast %add3A_1047 : i32 to index
        %get3A_1121 = arith.constant 112 : index
        %get3A_1122 = tpu.vector_load %arg8[%get3A_1120, %get3A_1121] {strides = array<i32>} : memref<128x128xf32, #tpu.memory_space<vmem>>, vector<1x16xf32>,
        %get3A_1123 = vector.shape_cast %get3A_1122 : vector<1x16xf32> to vector<16xf32>
        %get3A_1124 = arith.index_cast %add3A_1047 : i32 to index
        %get3A_1125 = arith.constant 112 : index
        %get3A_1126 = tpu.vector_load %arg9[%get3A_1124, %get3A_1125] {strides = array<i32>} : memref<128x128xf32, #tpu.memory_space<vmem>>, vector<1x16xf32>,
        %get3A_1127 = vector.shape_cast %get3A_1126 : vector<1x16xf32> to vector<16xf32>
        %mul3A_1128 = arith.mulf %get3A_1123, %get3A_1127 : vector<16xf32>
        %add3A_1129 = arith.addf %add3A_1119, %mul3A_1128 : vector<16xf32>
        %mul3A_1130 = arith.constant 16 : i32
        %mul3A_1131 = arith.muli %scan3A_13, %mul3A_1130 : i32
        %add3A_1132 = arith.constant 13 : i32
        %add3A_1133 = arith.addi %mul3A_1131, %add3A_1132 : i32
        %broadcast_in_dim3A_1134 = arith.constant 0.000000e+00 : f32
        %broadcast_in_dim3A_1135 = vector.broadcast %broadcast_in_dim3A_1134 : f32 to vector<16xf32>
        %get3A_1136 = arith.index_cast %add3A_1133 : i32 to index
        %get3A_1137 = arith.constant 0 : index
        %get3A_1138 = tpu.vector_load %arg8[%get3A_1136, %get3A_1137] {strides = array<i32>} : memref<128x128xf32, #tpu.memory_space<vmem>>, vector<1x16xf32>,
        %get3A_1139 = vector.shape_cast %get3A_1138 : vector<1x16xf32> to vector<16xf32>
        %get3A_1140 = arith.index_cast %add3A_1133 : i32 to index
        %get3A_1141 = arith.constant 0 : index
        %get3A_1142 = tpu.vector_load %arg9[%get3A_1140, %get3A_1141] {strides = array<i32>} : memref<128x128xf32, #tpu.memory_space<vmem>>, vector<1x16xf32>,
        %get3A_1143 = vector.shape_cast %get3A_1142 : vector<1x16xf32> to vector<16xf32>
        %mul3A_1144 = arith.mulf %get3A_1139, %get3A_1143 : vector<16xf32>
        %add3A_1145 = arith.addf %broadcast_in_dim3A_1135, %mul3A_1144 : vector<16xf32>
        %get3A_1146 = arith.index_cast %add3A_1133 : i32 to index
        %get3A_1147 = arith.constant 16 : index
        %get3A_1148 = tpu.vector_load %arg8[%get3A_1146, %get3A_1147] {strides = array<i32>} : memref<128x128xf32, #tpu.memory_space<vmem>>, vector<1x16xf32>,
        %get3A_1149 = vector.shape_cast %get3A_1148 : vector<1x16xf32> to vector<16xf32>
        %get3A_1150 = arith.index_cast %add3A_1133 : i32 to index
        %get3A_1151 = arith.constant 16 : index
        %get3A_1152 = tpu.vector_load %arg9[%get3A_1150, %get3A_1151] {strides = array<i32>} : memref<128x128xf32, #tpu.memory_space<vmem>>, vector<1x16xf32>,
        %get3A_1153 = vector.shape_cast %get3A_1152 : vector<1x16xf32> to vector<16xf32>
        %mul3A_1154 = arith.mulf %get3A_1149, %get3A_1153 : vector<16xf32>
        %add3A_1155 = arith.addf %add3A_1145, %mul3A_1154 : vector<16xf32>
        %get3A_1156 = arith.index_cast %add3A_1133 : i32 to index
        %get3A_1157 = arith.constant 32 : index
        %get3A_1158 = tpu.vector_load %arg8[%get3A_1156, %get3A_1157] {strides = array<i32>} : memref<128x128xf32, #tpu.memory_space<vmem>>, vector<1x16xf32>,
        %get3A_1159 = vector.shape_cast %get3A_1158 : vector<1x16xf32> to vector<16xf32>
        %get3A_1160 = arith.index_cast %add3A_1133 : i32 to index
        %get3A_1161 = arith.constant 32 : index
        %get3A_1162 = tpu.vector_load %arg9[%get3A_1160, %get3A_1161] {strides = array<i32>} : memref<128x128xf32, #tpu.memory_space<vmem>>, vector<1x16xf32>,
        %get3A_1163 = vector.shape_cast %get3A_1162 : vector<1x16xf32> to vector<16xf32>
        %mul3A_1164 = arith.mulf %get3A_1159, %get3A_1163 : vector<16xf32>
        %add3A_1165 = arith.addf %add3A_1155, %mul3A_1164 : vector<16xf32>
        %get3A_1166 = arith.index_cast %add3A_1133 : i32 to index
        %get3A_1167 = arith.constant 48 : index
        %get3A_1168 = tpu.vector_load %arg8[%get3A_1166, %get3A_1167] {strides = array<i32>} : memref<128x128xf32, #tpu.memory_space<vmem>>, vector<1x16xf32>,
        %get3A_1169 = vector.shape_cast %get3A_1168 : vector<1x16xf32> to vector<16xf32>
        %get3A_1170 = arith.index_cast %add3A_1133 : i32 to index
        %get3A_1171 = arith.constant 48 : index
        %get3A_1172 = tpu.vector_load %arg9[%get3A_1170, %get3A_1171] {strides = array<i32>} : memref<128x128xf32, #tpu.memory_space<vmem>>, vector<1x16xf32>,
        %get3A_1173 = vector.shape_cast %get3A_1172 : vector<1x16xf32> to vector<16xf32>
        %mul3A_1174 = arith.mulf %get3A_1169, %get3A_1173 : vector<16xf32>
        %add3A_1175 = arith.addf %add3A_1165, %mul3A_1174 : vector<16xf32>
        %get3A_1176 = arith.index_cast %add3A_1133 : i32 to index
        %get3A_1177 = arith.constant 64 : index
        %get3A_1178 = tpu.vector_load %arg8[%get3A_1176, %get3A_1177] {strides = array<i32>} : memref<128x128xf32, #tpu.memory_space<vmem>>, vector<1x16xf32>,
        %get3A_1179 = vector.shape_cast %get3A_1178 : vector<1x16xf32> to vector<16xf32>
        %get3A_1180 = arith.index_cast %add3A_1133 : i32 to index
        %get3A_1181 = arith.constant 64 : index
        %get3A_1182 = tpu.vector_load %arg9[%get3A_1180, %get3A_1181] {strides = array<i32>} : memref<128x128xf32, #tpu.memory_space<vmem>>, vector<1x16xf32>,
        %get3A_1183 = vector.shape_cast %get3A_1182 : vector<1x16xf32> to vector<16xf32>
        %mul3A_1184 = arith.mulf %get3A_1179, %get3A_1183 : vector<16xf32>
        %add3A_1185 = arith.addf %add3A_1175, %mul3A_1184 : vector<16xf32>
        %get3A_1186 = arith.index_cast %add3A_1133 : i32 to index
        %get3A_1187 = arith.constant 80 : index
        %get3A_1188 = tpu.vector_load %arg8[%get3A_1186, %get3A_1187] {strides = array<i32>} : memref<128x128xf32, #tpu.memory_space<vmem>>, vector<1x16xf32>,
        %get3A_1189 = vector.shape_cast %get3A_1188 : vector<1x16xf32> to vector<16xf32>
        %get3A_1190 = arith.index_cast %add3A_1133 : i32 to index
        %get3A_1191 = arith.constant 80 : index
        %get3A_1192 = tpu.vector_load %arg9[%get3A_1190, %get3A_1191] {strides = array<i32>} : memref<128x128xf32, #tpu.memory_space<vmem>>, vector<1x16xf32>,
        %get3A_1193 = vector.shape_cast %get3A_1192 : vector<1x16xf32> to vector<16xf32>
        %mul3A_1194 = arith.mulf %get3A_1189, %get3A_1193 : vector<16xf32>
        %add3A_1195 = arith.addf %add3A_1185, %mul3A_1194 : vector<16xf32>
        %get3A_1196 = arith.index_cast %add3A_1133 : i32 to index
        %get3A_1197 = arith.constant 96 : index
        %get3A_1198 = tpu.vector_load %arg8[%get3A_1196, %get3A_1197] {strides = array<i32>} : memref<128x128xf32, #tpu.memory_space<vmem>>, vector<1x16xf32>,
        %get3A_1199 = vector.shape_cast %get3A_1198 : vector<1x16xf32> to vector<16xf32>
        %get3A_1200 = arith.index_cast %add3A_1133 : i32 to index
        %get3A_1201 = arith.constant 96 : index
        %get3A_1202 = tpu.vector_load %arg9[%get3A_1200, %get3A_1201] {strides = array<i32>} : memref<128x128xf32, #tpu.memory_space<vmem>>, vector<1x16xf32>,
        %get3A_1203 = vector.shape_cast %get3A_1202 : vector<1x16xf32> to vector<16xf32>
        %mul3A_1204 = arith.mulf %get3A_1199, %get3A_1203 : vector<16xf32>
        %add3A_1205 = arith.addf %add3A_1195, %mul3A_1204 : vector<16xf32>
        %get3A_1206 = arith.index_cast %add3A_1133 : i32 to index
        %get3A_1207 = arith.constant 112 : index
        %get3A_1208 = tpu.vector_load %arg8[%get3A_1206, %get3A_1207] {strides = array<i32>} : memref<128x128xf32, #tpu.memory_space<vmem>>, vector<1x16xf32>,
        %get3A_1209 = vector.shape_cast %get3A_1208 : vector<1x16xf32> to vector<16xf32>
        %get3A_1210 = arith.index_cast %add3A_1133 : i32 to index
        %get3A_1211 = arith.constant 112 : index
        %get3A_1212 = tpu.vector_load %arg9[%get3A_1210, %get3A_1211] {strides = array<i32>} : memref<128x128xf32, #tpu.memory_space<vmem>>, vector<1x16xf32>,
        %get3A_1213 = vector.shape_cast %get3A_1212 : vector<1x16xf32> to vector<16xf32>
        %mul3A_1214 = arith.mulf %get3A_1209, %get3A_1213 : vector<16xf32>
        %add3A_1215 = arith.addf %add3A_1205, %mul3A_1214 : vector<16xf32>
        %mul3A_1216 = arith.constant 16 : i32
        %mul3A_1217 = arith.muli %scan3A_13, %mul3A_1216 : i32
        %add3A_1218 = arith.constant 14 : i32
        %add3A_1219 = arith.addi %mul3A_1217, %add3A_1218 : i32
        %broadcast_in_dim3A_1220 = arith.constant 0.000000e+00 : f32
        %broadcast_in_dim3A_1221 = vector.broadcast %broadcast_in_dim3A_1220 : f32 to vector<16xf32>
        %get3A_1222 = arith.index_cast %add3A_1219 : i32 to index
        %get3A_1223 = arith.constant 0 : index
        %get3A_1224 = tpu.vector_load %arg8[%get3A_1222, %get3A_1223] {strides = array<i32>} : memref<128x128xf32, #tpu.memory_space<vmem>>, vector<1x16xf32>,
        %get3A_1225 = vector.shape_cast %get3A_1224 : vector<1x16xf32> to vector<16xf32>
        %get3A_1226 = arith.index_cast %add3A_1219 : i32 to index
        %get3A_1227 = arith.constant 0 : index
        %get3A_1228 = tpu.vector_load %arg9[%get3A_1226, %get3A_1227] {strides = array<i32>} : memref<128x128xf32, #tpu.memory_space<vmem>>, vector<1x16xf32>,
        %get3A_1229 = vector.shape_cast %get3A_1228 : vector<1x16xf32> to vector<16xf32>
        %mul3A_1230 = arith.mulf %get3A_1225, %get3A_1229 : vector<16xf32>
        %add3A_1231 = arith.addf %broadcast_in_dim3A_1221, %mul3A_1230 : vector<16xf32>
        %get3A_1232 = arith.index_cast %add3A_1219 : i32 to index
        %get3A_1233 = arith.constant 16 : index
        %get3A_1234 = tpu.vector_load %arg8[%get3A_1232, %get3A_1233] {strides = array<i32>} : memref<128x128xf32, #tpu.memory_space<vmem>>, vector<1x16xf32>,
        %get3A_1235 = vector.shape_cast %get3A_1234 : vector<1x16xf32> to vector<16xf32>
        %get3A_1236 = arith.index_cast %add3A_1219 : i32 to index
        %get3A_1237 = arith.constant 16 : index
        %get3A_1238 = tpu.vector_load %arg9[%get3A_1236, %get3A_1237] {strides = array<i32>} : memref<128x128xf32, #tpu.memory_space<vmem>>, vector<1x16xf32>,
        %get3A_1239 = vector.shape_cast %get3A_1238 : vector<1x16xf32> to vector<16xf32>
        %mul3A_1240 = arith.mulf %get3A_1235, %get3A_1239 : vector<16xf32>
        %add3A_1241 = arith.addf %add3A_1231, %mul3A_1240 : vector<16xf32>
        %get3A_1242 = arith.index_cast %add3A_1219 : i32 to index
        %get3A_1243 = arith.constant 32 : index
        %get3A_1244 = tpu.vector_load %arg8[%get3A_1242, %get3A_1243] {strides = array<i32>} : memref<128x128xf32, #tpu.memory_space<vmem>>, vector<1x16xf32>,
        %get3A_1245 = vector.shape_cast %get3A_1244 : vector<1x16xf32> to vector<16xf32>
        %get3A_1246 = arith.index_cast %add3A_1219 : i32 to index
        %get3A_1247 = arith.constant 32 : index
        %get3A_1248 = tpu.vector_load %arg9[%get3A_1246, %get3A_1247] {strides = array<i32>} : memref<128x128xf32, #tpu.memory_space<vmem>>, vector<1x16xf32>,
        %get3A_1249 = vector.shape_cast %get3A_1248 : vector<1x16xf32> to vector<16xf32>
        %mul3A_1250 = arith.mulf %get3A_1245, %get3A_1249 : vector<16xf32>
        %add3A_1251 = arith.addf %add3A_1241, %mul3A_1250 : vector<16xf32>
        %get3A_1252 = arith.index_cast %add3A_1219 : i32 to index
        %get3A_1253 = arith.constant 48 : index
        %get3A_1254 = tpu.vector_load %arg8[%get3A_1252, %get3A_1253] {strides = array<i32>} : memref<128x128xf32, #tpu.memory_space<vmem>>, vector<1x16xf32>,
        %get3A_1255 = vector.shape_cast %get3A_1254 : vector<1x16xf32> to vector<16xf32>
        %get3A_1256 = arith.index_cast %add3A_1219 : i32 to index
        %get3A_1257 = arith.constant 48 : index
        %get3A_1258 = tpu.vector_load %arg9[%get3A_1256, %get3A_1257] {strides = array<i32>} : memref<128x128xf32, #tpu.memory_space<vmem>>, vector<1x16xf32>,
        %get3A_1259 = vector.shape_cast %get3A_1258 : vector<1x16xf32> to vector<16xf32>
        %mul3A_1260 = arith.mulf %get3A_1255, %get3A_1259 : vector<16xf32>
        %add3A_1261 = arith.addf %add3A_1251, %mul3A_1260 : vector<16xf32>
        %get3A_1262 = arith.index_cast %add3A_1219 : i32 to index
        %get3A_1263 = arith.constant 64 : index
        %get3A_1264 = tpu.vector_load %arg8[%get3A_1262, %get3A_1263] {strides = array<i32>} : memref<128x128xf32, #tpu.memory_space<vmem>>, vector<1x16xf32>,
        %get3A_1265 = vector.shape_cast %get3A_1264 : vector<1x16xf32> to vector<16xf32>
        %get3A_1266 = arith.index_cast %add3A_1219 : i32 to index
        %get3A_1267 = arith.constant 64 : index
        %get3A_1268 = tpu.vector_load %arg9[%get3A_1266, %get3A_1267] {strides = array<i32>} : memref<128x128xf32, #tpu.memory_space<vmem>>, vector<1x16xf32>,
        %get3A_1269 = vector.shape_cast %get3A_1268 : vector<1x16xf32> to vector<16xf32>
        %mul3A_1270 = arith.mulf %get3A_1265, %get3A_1269 : vector<16xf32>
        %add3A_1271 = arith.addf %add3A_1261, %mul3A_1270 : vector<16xf32>
        %get3A_1272 = arith.index_cast %add3A_1219 : i32 to index
        %get3A_1273 = arith.constant 80 : index
        %get3A_1274 = tpu.vector_load %arg8[%get3A_1272, %get3A_1273] {strides = array<i32>} : memref<128x128xf32, #tpu.memory_space<vmem>>, vector<1x16xf32>,
        %get3A_1275 = vector.shape_cast %get3A_1274 : vector<1x16xf32> to vector<16xf32>
        %get3A_1276 = arith.index_cast %add3A_1219 : i32 to index
        %get3A_1277 = arith.constant 80 : index
        %get3A_1278 = tpu.vector_load %arg9[%get3A_1276, %get3A_1277] {strides = array<i32>} : memref<128x128xf32, #tpu.memory_space<vmem>>, vector<1x16xf32>,
        %get3A_1279 = vector.shape_cast %get3A_1278 : vector<1x16xf32> to vector<16xf32>
        %mul3A_1280 = arith.mulf %get3A_1275, %get3A_1279 : vector<16xf32>
        %add3A_1281 = arith.addf %add3A_1271, %mul3A_1280 : vector<16xf32>
        %get3A_1282 = arith.index_cast %add3A_1219 : i32 to index
        %get3A_1283 = arith.constant 96 : index
        %get3A_1284 = tpu.vector_load %arg8[%get3A_1282, %get3A_1283] {strides = array<i32>} : memref<128x128xf32, #tpu.memory_space<vmem>>, vector<1x16xf32>,
        %get3A_1285 = vector.shape_cast %get3A_1284 : vector<1x16xf32> to vector<16xf32>
        %get3A_1286 = arith.index_cast %add3A_1219 : i32 to index
        %get3A_1287 = arith.constant 96 : index
        %get3A_1288 = tpu.vector_load %arg9[%get3A_1286, %get3A_1287] {strides = array<i32>} : memref<128x128xf32, #tpu.memory_space<vmem>>, vector<1x16xf32>,
        %get3A_1289 = vector.shape_cast %get3A_1288 : vector<1x16xf32> to vector<16xf32>
        %mul3A_1290 = arith.mulf %get3A_1285, %get3A_1289 : vector<16xf32>
        %add3A_1291 = arith.addf %add3A_1281, %mul3A_1290 : vector<16xf32>
        %get3A_1292 = arith.index_cast %add3A_1219 : i32 to index
        %get3A_1293 = arith.constant 112 : index
        %get3A_1294 = tpu.vector_load %arg8[%get3A_1292, %get3A_1293] {strides = array<i32>} : memref<128x128xf32, #tpu.memory_space<vmem>>, vector<1x16xf32>,
        %get3A_1295 = vector.shape_cast %get3A_1294 : vector<1x16xf32> to vector<16xf32>
        %get3A_1296 = arith.index_cast %add3A_1219 : i32 to index
        %get3A_1297 = arith.constant 112 : index
        %get3A_1298 = tpu.vector_load %arg9[%get3A_1296, %get3A_1297] {strides = array<i32>} : memref<128x128xf32, #tpu.memory_space<vmem>>, vector<1x16xf32>,
        %get3A_1299 = vector.shape_cast %get3A_1298 : vector<1x16xf32> to vector<16xf32>
        %mul3A_1300 = arith.mulf %get3A_1295, %get3A_1299 : vector<16xf32>
        %add3A_1301 = arith.addf %add3A_1291, %mul3A_1300 : vector<16xf32>
        %mul3A_1302 = arith.constant 16 : i32
        %mul3A_1303 = arith.muli %scan3A_13, %mul3A_1302 : i32
        %add3A_1304 = arith.constant 15 : i32
        %add3A_1305 = arith.addi %mul3A_1303, %add3A_1304 : i32
        %broadcast_in_dim3A_1306 = arith.constant 0.000000e+00 : f32
        %broadcast_in_dim3A_1307 = vector.broadcast %broadcast_in_dim3A_1306 : f32 to vector<16xf32>
        %get3A_1308 = arith.index_cast %add3A_1305 : i32 to index
        %get3A_1309 = arith.constant 0 : index
        %get3A_1310 = tpu.vector_load %arg8[%get3A_1308, %get3A_1309] {strides = array<i32>} : memref<128x128xf32, #tpu.memory_space<vmem>>, vector<1x16xf32>,
        %get3A_1311 = vector.shape_cast %get3A_1310 : vector<1x16xf32> to vector<16xf32>
        %get3A_1312 = arith.index_cast %add3A_1305 : i32 to index
        %get3A_1313 = arith.constant 0 : index
        %get3A_1314 = tpu.vector_load %arg9[%get3A_1312, %get3A_1313] {strides = array<i32>} : memref<128x128xf32, #tpu.memory_space<vmem>>, vector<1x16xf32>,
        %get3A_1315 = vector.shape_cast %get3A_1314 : vector<1x16xf32> to vector<16xf32>
        %mul3A_1316 = arith.mulf %get3A_1311, %get3A_1315 : vector<16xf32>
        %add3A_1317 = arith.addf %broadcast_in_dim3A_1307, %mul3A_1316 : vector<16xf32>
        %get3A_1318 = arith.index_cast %add3A_1305 : i32 to index
        %get3A_1319 = arith.constant 16 : index
        %get3A_1320 = tpu.vector_load %arg8[%get3A_1318, %get3A_1319] {strides = array<i32>} : memref<128x128xf32, #tpu.memory_space<vmem>>, vector<1x16xf32>,
        %get3A_1321 = vector.shape_cast %get3A_1320 : vector<1x16xf32> to vector<16xf32>
        %get3A_1322 = arith.index_cast %add3A_1305 : i32 to index
        %get3A_1323 = arith.constant 16 : index
        %get3A_1324 = tpu.vector_load %arg9[%get3A_1322, %get3A_1323] {strides = array<i32>} : memref<128x128xf32, #tpu.memory_space<vmem>>, vector<1x16xf32>,
        %get3A_1325 = vector.shape_cast %get3A_1324 : vector<1x16xf32> to vector<16xf32>
        %mul3A_1326 = arith.mulf %get3A_1321, %get3A_1325 : vector<16xf32>
        %add3A_1327 = arith.addf %add3A_1317, %mul3A_1326 : vector<16xf32>
        %get3A_1328 = arith.index_cast %add3A_1305 : i32 to index
        %get3A_1329 = arith.constant 32 : index
        %get3A_1330 = tpu.vector_load %arg8[%get3A_1328, %get3A_1329] {strides = array<i32>} : memref<128x128xf32, #tpu.memory_space<vmem>>, vector<1x16xf32>,
        %get3A_1331 = vector.shape_cast %get3A_1330 : vector<1x16xf32> to vector<16xf32>
        %get3A_1332 = arith.index_cast %add3A_1305 : i32 to index
        %get3A_1333 = arith.constant 32 : index
        %get3A_1334 = tpu.vector_load %arg9[%get3A_1332, %get3A_1333] {strides = array<i32>} : memref<128x128xf32, #tpu.memory_space<vmem>>, vector<1x16xf32>,
        %get3A_1335 = vector.shape_cast %get3A_1334 : vector<1x16xf32> to vector<16xf32>
        %mul3A_1336 = arith.mulf %get3A_1331, %get3A_1335 : vector<16xf32>
        %add3A_1337 = arith.addf %add3A_1327, %mul3A_1336 : vector<16xf32>
        %get3A_1338 = arith.index_cast %add3A_1305 : i32 to index
        %get3A_1339 = arith.constant 48 : index
        %get3A_1340 = tpu.vector_load %arg8[%get3A_1338, %get3A_1339] {strides = array<i32>} : memref<128x128xf32, #tpu.memory_space<vmem>>, vector<1x16xf32>,
        %get3A_1341 = vector.shape_cast %get3A_1340 : vector<1x16xf32> to vector<16xf32>
        %get3A_1342 = arith.index_cast %add3A_1305 : i32 to index
        %get3A_1343 = arith.constant 48 : index
        %get3A_1344 = tpu.vector_load %arg9[%get3A_1342, %get3A_1343] {strides = array<i32>} : memref<128x128xf32, #tpu.memory_space<vmem>>, vector<1x16xf32>,
        %get3A_1345 = vector.shape_cast %get3A_1344 : vector<1x16xf32> to vector<16xf32>
        %mul3A_1346 = arith.mulf %get3A_1341, %get3A_1345 : vector<16xf32>
        %add3A_1347 = arith.addf %add3A_1337, %mul3A_1346 : vector<16xf32>
        %get3A_1348 = arith.index_cast %add3A_1305 : i32 to index
        %get3A_1349 = arith.constant 64 : index
        %get3A_1350 = tpu.vector_load %arg8[%get3A_1348, %get3A_1349] {strides = array<i32>} : memref<128x128xf32, #tpu.memory_space<vmem>>, vector<1x16xf32>,
        %get3A_1351 = vector.shape_cast %get3A_1350 : vector<1x16xf32> to vector<16xf32>
        %get3A_1352 = arith.index_cast %add3A_1305 : i32 to index
        %get3A_1353 = arith.constant 64 : index
        %get3A_1354 = tpu.vector_load %arg9[%get3A_1352, %get3A_1353] {strides = array<i32>} : memref<128x128xf32, #tpu.memory_space<vmem>>, vector<1x16xf32>,
        %get3A_1355 = vector.shape_cast %get3A_1354 : vector<1x16xf32> to vector<16xf32>
        %mul3A_1356 = arith.mulf %get3A_1351, %get3A_1355 : vector<16xf32>
        %add3A_1357 = arith.addf %add3A_1347, %mul3A_1356 : vector<16xf32>
        %get3A_1358 = arith.index_cast %add3A_1305 : i32 to index
        %get3A_1359 = arith.constant 80 : index
        %get3A_1360 = tpu.vector_load %arg8[%get3A_1358, %get3A_1359] {strides = array<i32>} : memref<128x128xf32, #tpu.memory_space<vmem>>, vector<1x16xf32>,
        %get3A_1361 = vector.shape_cast %get3A_1360 : vector<1x16xf32> to vector<16xf32>
        %get3A_1362 = arith.index_cast %add3A_1305 : i32 to index
        %get3A_1363 = arith.constant 80 : index
        %get3A_1364 = tpu.vector_load %arg9[%get3A_1362, %get3A_1363] {strides = array<i32>} : memref<128x128xf32, #tpu.memory_space<vmem>>, vector<1x16xf32>,
        %get3A_1365 = vector.shape_cast %get3A_1364 : vector<1x16xf32> to vector<16xf32>
        %mul3A_1366 = arith.mulf %get3A_1361, %get3A_1365 : vector<16xf32>
        %add3A_1367 = arith.addf %add3A_1357, %mul3A_1366 : vector<16xf32>
        %get3A_1368 = arith.index_cast %add3A_1305 : i32 to index
        %get3A_1369 = arith.constant 96 : index
        %get3A_1370 = tpu.vector_load %arg8[%get3A_1368, %get3A_1369] {strides = array<i32>} : memref<128x128xf32, #tpu.memory_space<vmem>>, vector<1x16xf32>,
        %get3A_1371 = vector.shape_cast %get3A_1370 : vector<1x16xf32> to vector<16xf32>
        %get3A_1372 = arith.index_cast %add3A_1305 : i32 to index
        %get3A_1373 = arith.constant 96 : index
        %get3A_1374 = tpu.vector_load %arg9[%get3A_1372, %get3A_1373] {strides = array<i32>} : memref<128x128xf32, #tpu.memory_space<vmem>>, vector<1x16xf32>,
        %get3A_1375 = vector.shape_cast %get3A_1374 : vector<1x16xf32> to vector<16xf32>
        %mul3A_1376 = arith.mulf %get3A_1371, %get3A_1375 : vector<16xf32>
        %add3A_1377 = arith.addf %add3A_1367, %mul3A_1376 : vector<16xf32>
        %get3A_1378 = arith.index_cast %add3A_1305 : i32 to index
        %get3A_1379 = arith.constant 112 : index
        %get3A_1380 = tpu.vector_load %arg8[%get3A_1378, %get3A_1379] {strides = array<i32>} : memref<128x128xf32, #tpu.memory_space<vmem>>, vector<1x16xf32>,
        %get3A_1381 = vector.shape_cast %get3A_1380 : vector<1x16xf32> to vector<16xf32>
        %get3A_1382 = arith.index_cast %add3A_1305 : i32 to index
        %get3A_1383 = arith.constant 112 : index
        %get3A_1384 = tpu.vector_load %arg9[%get3A_1382, %get3A_1383] {strides = array<i32>} : memref<128x128xf32, #tpu.memory_space<vmem>>, vector<1x16xf32>,
        %get3A_1385 = vector.shape_cast %get3A_1384 : vector<1x16xf32> to vector<16xf32>
        %mul3A_1386 = arith.mulf %get3A_1381, %get3A_1385 : vector<16xf32>
        %add3A_1387 = arith.addf %add3A_1377, %mul3A_1386 : vector<16xf32>
        %and3A = arith.constant 1 : i32
        %and3A_1388 = vector.broadcast %and3A : i32 to vector<16xi32>
        %and3A_1389 = arith.andi %iota3A, %and3A_1388 : vector<16xi32>
        %eq3A = arith.constant 0 : i32
        %eq3A_1390 = vector.broadcast %eq3A : i32 to vector<16xi32>
        %eq3A_1391 = arith.cmpi eq, %and3A_1389, %eq3A_1390 : vector<16xi32>
        %xor3A = arith.constant 1 : i32
        %xor3A_1392 = vector.broadcast %xor3A : i32 to vector<16xi32>
        %xor3A_1393 = arith.xori %iota3A, %xor3A_1392 : vector<16xi32>
        %broadcast_in_dim3A_1394 = vector.shape_cast %xor3A_1393 : vector<16xi32> to vector<16x1xi32>
        %gather3A = vector.shape_cast %broadcast_in_dim3A_1394 : vector<16x1xi32> to vector<16xi32>
        %gather3A_1395 = tpu.dynamic_gather %add3A_97[%gather3A] in [0] : vector<16xf32>, vector<16xi32> -> vector<16xf32>
        %xor3A_1396 = arith.constant 1 : i32
        %xor3A_1397 = vector.broadcast %xor3A_1396 : i32 to vector<16xi32>
        %xor3A_1398 = arith.xori %iota3A, %xor3A_1397 : vector<16xi32>
        %broadcast_in_dim3A_1399 = vector.shape_cast %xor3A_1398 : vector<16xi32> to vector<16x1xi32>
        %gather3A_1400 = vector.shape_cast %broadcast_in_dim3A_1399 : vector<16x1xi32> to vector<16xi32>
        %gather3A_1401 = tpu.dynamic_gather %add3A_183[%gather3A_1400] in [0] : vector<16xf32>, vector<16xi32> -> vector<16xf32>
        %select_n3A = arith.select %eq3A_1391, %add3A_97, %gather3A_1401 : vector<16xi1>, vector<16xf32>
        %select_n3A_1402 = arith.select %eq3A_1391, %gather3A_1395, %add3A_183 : vector<16xi1>, vector<16xf32>
        %add3A_1403 = arith.addf %select_n3A, %select_n3A_1402 : vector<16xf32>
        %and3A_1404 = arith.constant 1 : i32
        %and3A_1405 = vector.broadcast %and3A_1404 : i32 to vector<16xi32>
        %and3A_1406 = arith.andi %iota3A, %and3A_1405 : vector<16xi32>
        %eq3A_1407 = arith.constant 0 : i32
        %eq3A_1408 = vector.broadcast %eq3A_1407 : i32 to vector<16xi32>
        %eq3A_1409 = arith.cmpi eq, %and3A_1406, %eq3A_1408 : vector<16xi32>
        %xor3A_1410 = arith.constant 1 : i32
        %xor3A_1411 = vector.broadcast %xor3A_1410 : i32 to vector<16xi32>
        %xor3A_1412 = arith.xori %iota3A, %xor3A_1411 : vector<16xi32>
        %broadcast_in_dim3A_1413 = vector.shape_cast %xor3A_1412 : vector<16xi32> to vector<16x1xi32>
        %gather3A_1414 = vector.shape_cast %broadcast_in_dim3A_1413 : vector<16x1xi32> to vector<16xi32>
        %gather3A_1415 = tpu.dynamic_gather %add3A_269[%gather3A_1414] in [0] : vector<16xf32>, vector<16xi32> -> vector<16xf32>
        %xor3A_1416 = arith.constant 1 : i32
        %xor3A_1417 = vector.broadcast %xor3A_1416 : i32 to vector<16xi32>
        %xor3A_1418 = arith.xori %iota3A, %xor3A_1417 : vector<16xi32>
        %broadcast_in_dim3A_1419 = vector.shape_cast %xor3A_1418 : vector<16xi32> to vector<16x1xi32>
        %gather3A_1420 = vector.shape_cast %broadcast_in_dim3A_1419 : vector<16x1xi32> to vector<16xi32>
        %gather3A_1421 = tpu.dynamic_gather %add3A_355[%gather3A_1420] in [0] : vector<16xf32>, vector<16xi32> -> vector<16xf32>
        %select_n3A_1422 = arith.select %eq3A_1409, %add3A_269, %gather3A_1421 : vector<16xi1>, vector<16xf32>
        %select_n3A_1423 = arith.select %eq3A_1409, %gather3A_1415, %add3A_355 : vector<16xi1>, vector<16xf32>
        %add3A_1424 = arith.addf %select_n3A_1422, %select_n3A_1423 : vector<16xf32>
        %and3A_1425 = arith.constant 1 : i32
        %and3A_1426 = vector.broadcast %and3A_1425 : i32 to vector<16xi32>
        %and3A_1427 = arith.andi %iota3A, %and3A_1426 : vector<16xi32>
        %eq3A_1428 = arith.constant 0 : i32
        %eq3A_1429 = vector.broadcast %eq3A_1428 : i32 to vector<16xi32>
        %eq3A_1430 = arith.cmpi eq, %and3A_1427, %eq3A_1429 : vector<16xi32>
        %xor3A_1431 = arith.constant 1 : i32
        %xor3A_1432 = vector.broadcast %xor3A_1431 : i32 to vector<16xi32>
        %xor3A_1433 = arith.xori %iota3A, %xor3A_1432 : vector<16xi32>
        %broadcast_in_dim3A_1434 = vector.shape_cast %xor3A_1433 : vector<16xi32> to vector<16x1xi32>
        %gather3A_1435 = vector.shape_cast %broadcast_in_dim3A_1434 : vector<16x1xi32> to vector<16xi32>
        %gather3A_1436 = tpu.dynamic_gather %add3A_441[%gather3A_1435] in [0] : vector<16xf32>, vector<16xi32> -> vector<16xf32>
        %xor3A_1437 = arith.constant 1 : i32
        %xor3A_1438 = vector.broadcast %xor3A_1437 : i32 to vector<16xi32>
        %xor3A_1439 = arith.xori %iota3A, %xor3A_1438 : vector<16xi32>
        %broadcast_in_dim3A_1440 = vector.shape_cast %xor3A_1439 : vector<16xi32> to vector<16x1xi32>
        %gather3A_1441 = vector.shape_cast %broadcast_in_dim3A_1440 : vector<16x1xi32> to vector<16xi32>
        %gather3A_1442 = tpu.dynamic_gather %add3A_527[%gather3A_1441] in [0] : vector<16xf32>, vector<16xi32> -> vector<16xf32>
        %select_n3A_1443 = arith.select %eq3A_1430, %add3A_441, %gather3A_1442 : vector<16xi1>, vector<16xf32>
        %select_n3A_1444 = arith.select %eq3A_1430, %gather3A_1436, %add3A_527 : vector<16xi1>, vector<16xf32>
        %add3A_1445 = arith.addf %select_n3A_1443, %select_n3A_1444 : vector<16xf32>
        %and3A_1446 = arith.constant 1 : i32
        %and3A_1447 = vector.broadcast %and3A_1446 : i32 to vector<16xi32>
        %and3A_1448 = arith.andi %iota3A, %and3A_1447 : vector<16xi32>
        %eq3A_1449 = arith.constant 0 : i32
        %eq3A_1450 = vector.broadcast %eq3A_1449 : i32 to vector<16xi32>
        %eq3A_1451 = arith.cmpi eq, %and3A_1448, %eq3A_1450 : vector<16xi32>
        %xor3A_1452 = arith.constant 1 : i32
        %xor3A_1453 = vector.broadcast %xor3A_1452 : i32 to vector<16xi32>
        %xor3A_1454 = arith.xori %iota3A, %xor3A_1453 : vector<16xi32>
        %broadcast_in_dim3A_1455 = vector.shape_cast %xor3A_1454 : vector<16xi32> to vector<16x1xi32>
        %gather3A_1456 = vector.shape_cast %broadcast_in_dim3A_1455 : vector<16x1xi32> to vector<16xi32>
        %gather3A_1457 = tpu.dynamic_gather %add3A_613[%gather3A_1456] in [0] : vector<16xf32>, vector<16xi32> -> vector<16xf32>
        %xor3A_1458 = arith.constant 1 : i32
        %xor3A_1459 = vector.broadcast %xor3A_1458 : i32 to vector<16xi32>
        %xor3A_1460 = arith.xori %iota3A, %xor3A_1459 : vector<16xi32>
        %broadcast_in_dim3A_1461 = vector.shape_cast %xor3A_1460 : vector<16xi32> to vector<16x1xi32>
        %gather3A_1462 = vector.shape_cast %broadcast_in_dim3A_1461 : vector<16x1xi32> to vector<16xi32>
        %gather3A_1463 = tpu.dynamic_gather %add3A_699[%gather3A_1462] in [0] : vector<16xf32>, vector<16xi32> -> vector<16xf32>
        %select_n3A_1464 = arith.select %eq3A_1451, %add3A_613, %gather3A_1463 : vector<16xi1>, vector<16xf32>
        %select_n3A_1465 = arith.select %eq3A_1451, %gather3A_1457, %add3A_699 : vector<16xi1>, vector<16xf32>
        %add3A_1466 = arith.addf %select_n3A_1464, %select_n3A_1465 : vector<16xf32>
        %and3A_1467 = arith.constant 1 : i32
        %and3A_1468 = vector.broadcast %and3A_1467 : i32 to vector<16xi32>
        %and3A_1469 = arith.andi %iota3A, %and3A_1468 : vector<16xi32>
        %eq3A_1470 = arith.constant 0 : i32
        %eq3A_1471 = vector.broadcast %eq3A_1470 : i32 to vector<16xi32>
        %eq3A_1472 = arith.cmpi eq, %and3A_1469, %eq3A_1471 : vector<16xi32>
        %xor3A_1473 = arith.constant 1 : i32
        %xor3A_1474 = vector.broadcast %xor3A_1473 : i32 to vector<16xi32>
        %xor3A_1475 = arith.xori %iota3A, %xor3A_1474 : vector<16xi32>
        %broadcast_in_dim3A_1476 = vector.shape_cast %xor3A_1475 : vector<16xi32> to vector<16x1xi32>
        %gather3A_1477 = vector.shape_cast %broadcast_in_dim3A_1476 : vector<16x1xi32> to vector<16xi32>
        %gather3A_1478 = tpu.dynamic_gather %add3A_785[%gather3A_1477] in [0] : vector<16xf32>, vector<16xi32> -> vector<16xf32>
        %xor3A_1479 = arith.constant 1 : i32
        %xor3A_1480 = vector.broadcast %xor3A_1479 : i32 to vector<16xi32>
        %xor3A_1481 = arith.xori %iota3A, %xor3A_1480 : vector<16xi32>
        %broadcast_in_dim3A_1482 = vector.shape_cast %xor3A_1481 : vector<16xi32> to vector<16x1xi32>
        %gather3A_1483 = vector.shape_cast %broadcast_in_dim3A_1482 : vector<16x1xi32> to vector<16xi32>
        %gather3A_1484 = tpu.dynamic_gather %add3A_871[%gather3A_1483] in [0] : vector<16xf32>, vector<16xi32> -> vector<16xf32>
        %select_n3A_1485 = arith.select %eq3A_1472, %add3A_785, %gather3A_1484 : vector<16xi1>, vector<16xf32>
        %select_n3A_1486 = arith.select %eq3A_1472, %gather3A_1478, %add3A_871 : vector<16xi1>, vector<16xf32>
        %add3A_1487 = arith.addf %select_n3A_1485, %select_n3A_1486 : vector<16xf32>
        %and3A_1488 = arith.constant 1 : i32
        %and3A_1489 = vector.broadcast %and3A_1488 : i32 to vector<16xi32>
        %and3A_1490 = arith.andi %iota3A, %and3A_1489 : vector<16xi32>
        %eq3A_1491 = arith.constant 0 : i32
        %eq3A_1492 = vector.broadcast %eq3A_1491 : i32 to vector<16xi32>
        %eq3A_1493 = arith.cmpi eq, %and3A_1490, %eq3A_1492 : vector<16xi32>
        %xor3A_1494 = arith.constant 1 : i32
        %xor3A_1495 = vector.broadcast %xor3A_1494 : i32 to vector<16xi32>
        %xor3A_1496 = arith.xori %iota3A, %xor3A_1495 : vector<16xi32>
        %broadcast_in_dim3A_1497 = vector.shape_cast %xor3A_1496 : vector<16xi32> to vector<16x1xi32>
        %gather3A_1498 = vector.shape_cast %broadcast_in_dim3A_1497 : vector<16x1xi32> to vector<16xi32>
        %gather3A_1499 = tpu.dynamic_gather %add3A_957[%gather3A_1498] in [0] : vector<16xf32>, vector<16xi32> -> vector<16xf32>
        %xor3A_1500 = arith.constant 1 : i32
        %xor3A_1501 = vector.broadcast %xor3A_1500 : i32 to vector<16xi32>
        %xor3A_1502 = arith.xori %iota3A, %xor3A_1501 : vector<16xi32>
        %broadcast_in_dim3A_1503 = vector.shape_cast %xor3A_1502 : vector<16xi32> to vector<16x1xi32>
        %gather3A_1504 = vector.shape_cast %broadcast_in_dim3A_1503 : vector<16x1xi32> to vector<16xi32>
        %gather3A_1505 = tpu.dynamic_gather %add3A_1043[%gather3A_1504] in [0] : vector<16xf32>, vector<16xi32> -> vector<16xf32>
        %select_n3A_1506 = arith.select %eq3A_1493, %add3A_957, %gather3A_1505 : vector<16xi1>, vector<16xf32>
        %select_n3A_1507 = arith.select %eq3A_1493, %gather3A_1499, %add3A_1043 : vector<16xi1>, vector<16xf32>
        %add3A_1508 = arith.addf %select_n3A_1506, %select_n3A_1507 : vector<16xf32>
        %and3A_1509 = arith.constant 1 : i32
        %and3A_1510 = vector.broadcast %and3A_1509 : i32 to vector<16xi32>
        %and3A_1511 = arith.andi %iota3A, %and3A_1510 : vector<16xi32>
        %eq3A_1512 = arith.constant 0 : i32
        %eq3A_1513 = vector.broadcast %eq3A_1512 : i32 to vector<16xi32>
        %eq3A_1514 = arith.cmpi eq, %and3A_1511, %eq3A_1513 : vector<16xi32>
        %xor3A_1515 = arith.constant 1 : i32
        %xor3A_1516 = vector.broadcast %xor3A_1515 : i32 to vector<16xi32>
        %xor3A_1517 = arith.xori %iota3A, %xor3A_1516 : vector<16xi32>
        %broadcast_in_dim3A_1518 = vector.shape_cast %xor3A_1517 : vector<16xi32> to vector<16x1xi32>
        %gather3A_1519 = vector.shape_cast %broadcast_in_dim3A_1518 : vector<16x1xi32> to vector<16xi32>
        %gather3A_1520 = tpu.dynamic_gather %add3A_1129[%gather3A_1519] in [0] : vector<16xf32>, vector<16xi32> -> vector<16xf32>
        %xor3A_1521 = arith.constant 1 : i32
        %xor3A_1522 = vector.broadcast %xor3A_1521 : i32 to vector<16xi32>
        %xor3A_1523 = arith.xori %iota3A, %xor3A_1522 : vector<16xi32>
        %broadcast_in_dim3A_1524 = vector.shape_cast %xor3A_1523 : vector<16xi32> to vector<16x1xi32>
        %gather3A_1525 = vector.shape_cast %broadcast_in_dim3A_1524 : vector<16x1xi32> to vector<16xi32>
        %gather3A_1526 = tpu.dynamic_gather %add3A_1215[%gather3A_1525] in [0] : vector<16xf32>, vector<16xi32> -> vector<16xf32>
        %select_n3A_1527 = arith.select %eq3A_1514, %add3A_1129, %gather3A_1526 : vector<16xi1>, vector<16xf32>
        %select_n3A_1528 = arith.select %eq3A_1514, %gather3A_1520, %add3A_1215 : vector<16xi1>, vector<16xf32>
        %add3A_1529 = arith.addf %select_n3A_1527, %select_n3A_1528 : vector<16xf32>
        %and3A_1530 = arith.constant 1 : i32
        %and3A_1531 = vector.broadcast %and3A_1530 : i32 to vector<16xi32>
        %and3A_1532 = arith.andi %iota3A, %and3A_1531 : vector<16xi32>
        %eq3A_1533 = arith.constant 0 : i32
        %eq3A_1534 = vector.broadcast %eq3A_1533 : i32 to vector<16xi32>
        %eq3A_1535 = arith.cmpi eq, %and3A_1532, %eq3A_1534 : vector<16xi32>
        %xor3A_1536 = arith.constant 1 : i32
        %xor3A_1537 = vector.broadcast %xor3A_1536 : i32 to vector<16xi32>
        %xor3A_1538 = arith.xori %iota3A, %xor3A_1537 : vector<16xi32>
        %broadcast_in_dim3A_1539 = vector.shape_cast %xor3A_1538 : vector<16xi32> to vector<16x1xi32>
        %gather3A_1540 = vector.shape_cast %broadcast_in_dim3A_1539 : vector<16x1xi32> to vector<16xi32>
        %gather3A_1541 = tpu.dynamic_gather %add3A_1301[%gather3A_1540] in [0] : vector<16xf32>, vector<16xi32> -> vector<16xf32>
        %xor3A_1542 = arith.constant 1 : i32
        %xor3A_1543 = vector.broadcast %xor3A_1542 : i32 to vector<16xi32>
        %xor3A_1544 = arith.xori %iota3A, %xor3A_1543 : vector<16xi32>
        %broadcast_in_dim3A_1545 = vector.shape_cast %xor3A_1544 : vector<16xi32> to vector<16x1xi32>
        %gather3A_1546 = vector.shape_cast %broadcast_in_dim3A_1545 : vector<16x1xi32> to vector<16xi32>
        %gather3A_1547 = tpu.dynamic_gather %add3A_1387[%gather3A_1546] in [0] : vector<16xf32>, vector<16xi32> -> vector<16xf32>
        %select_n3A_1548 = arith.select %eq3A_1535, %add3A_1301, %gather3A_1547 : vector<16xi1>, vector<16xf32>
        %select_n3A_1549 = arith.select %eq3A_1535, %gather3A_1541, %add3A_1387 : vector<16xi1>, vector<16xf32>
        %add3A_1550 = arith.addf %select_n3A_1548, %select_n3A_1549 : vector<16xf32>
        %and3A_1551 = arith.constant 2 : i32
        %and3A_1552 = vector.broadcast %and3A_1551 : i32 to vector<16xi32>
        %and3A_1553 = arith.andi %iota3A, %and3A_1552 : vector<16xi32>
        %eq3A_1554 = arith.constant 0 : i32
        %eq3A_1555 = vector.broadcast %eq3A_1554 : i32 to vector<16xi32>
        %eq3A_1556 = arith.cmpi eq, %and3A_1553, %eq3A_1555 : vector<16xi32>
        %xor3A_1557 = arith.constant 2 : i32
        %xor3A_1558 = vector.broadcast %xor3A_1557 : i32 to vector<16xi32>
        %xor3A_1559 = arith.xori %iota3A, %xor3A_1558 : vector<16xi32>
        %broadcast_in_dim3A_1560 = vector.shape_cast %xor3A_1559 : vector<16xi32> to vector<16x1xi32>
        %gather3A_1561 = vector.shape_cast %broadcast_in_dim3A_1560 : vector<16x1xi32> to vector<16xi32>
        %gather3A_1562 = tpu.dynamic_gather %add3A_1403[%gather3A_1561] in [0] : vector<16xf32>, vector<16xi32> -> vector<16xf32>
        %xor3A_1563 = arith.constant 2 : i32
        %xor3A_1564 = vector.broadcast %xor3A_1563 : i32 to vector<16xi32>
        %xor3A_1565 = arith.xori %iota3A, %xor3A_1564 : vector<16xi32>
        %broadcast_in_dim3A_1566 = vector.shape_cast %xor3A_1565 : vector<16xi32> to vector<16x1xi32>
        %gather3A_1567 = vector.shape_cast %broadcast_in_dim3A_1566 : vector<16x1xi32> to vector<16xi32>
        %gather3A_1568 = tpu.dynamic_gather %add3A_1424[%gather3A_1567] in [0] : vector<16xf32>, vector<16xi32> -> vector<16xf32>
        %select_n3A_1569 = arith.select %eq3A_1556, %add3A_1403, %gather3A_1568 : vector<16xi1>, vector<16xf32>
        %select_n3A_1570 = arith.select %eq3A_1556, %gather3A_1562, %add3A_1424 : vector<16xi1>, vector<16xf32>
        %add3A_1571 = arith.addf %select_n3A_1569, %select_n3A_1570 : vector<16xf32>
        %and3A_1572 = arith.constant 2 : i32
        %and3A_1573 = vector.broadcast %and3A_1572 : i32 to vector<16xi32>
        %and3A_1574 = arith.andi %iota3A, %and3A_1573 : vector<16xi32>
        %eq3A_1575 = arith.constant 0 : i32
        %eq3A_1576 = vector.broadcast %eq3A_1575 : i32 to vector<16xi32>
        %eq3A_1577 = arith.cmpi eq, %and3A_1574, %eq3A_1576 : vector<16xi32>
        %xor3A_1578 = arith.constant 2 : i32
        %xor3A_1579 = vector.broadcast %xor3A_1578 : i32 to vector<16xi32>
        %xor3A_1580 = arith.xori %iota3A, %xor3A_1579 : vector<16xi32>
        %broadcast_in_dim3A_1581 = vector.shape_cast %xor3A_1580 : vector<16xi32> to vector<16x1xi32>
        %gather3A_1582 = vector.shape_cast %broadcast_in_dim3A_1581 : vector<16x1xi32> to vector<16xi32>
        %gather3A_1583 = tpu.dynamic_gather %add3A_1445[%gather3A_1582] in [0] : vector<16xf32>, vector<16xi32> -> vector<16xf32>
        %xor3A_1584 = arith.constant 2 : i32
        %xor3A_1585 = vector.broadcast %xor3A_1584 : i32 to vector<16xi32>
        %xor3A_1586 = arith.xori %iota3A, %xor3A_1585 : vector<16xi32>
        %broadcast_in_dim3A_1587 = vector.shape_cast %xor3A_1586 : vector<16xi32> to vector<16x1xi32>
        %gather3A_1588 = vector.shape_cast %broadcast_in_dim3A_1587 : vector<16x1xi32> to vector<16xi32>
        %gather3A_1589 = tpu.dynamic_gather %add3A_1466[%gather3A_1588] in [0] : vector<16xf32>, vector<16xi32> -> vector<16xf32>
        %select_n3A_1590 = arith.select %eq3A_1577, %add3A_1445, %gather3A_1589 : vector<16xi1>, vector<16xf32>
        %select_n3A_1591 = arith.select %eq3A_1577, %gather3A_1583, %add3A_1466 : vector<16xi1>, vector<16xf32>
        %add3A_1592 = arith.addf %select_n3A_1590, %select_n3A_1591 : vector<16xf32>
        %and3A_1593 = arith.constant 2 : i32
        %and3A_1594 = vector.broadcast %and3A_1593 : i32 to vector<16xi32>
        %and3A_1595 = arith.andi %iota3A, %and3A_1594 : vector<16xi32>
        %eq3A_1596 = arith.constant 0 : i32
        %eq3A_1597 = vector.broadcast %eq3A_1596 : i32 to vector<16xi32>
        %eq3A_1598 = arith.cmpi eq, %and3A_1595, %eq3A_1597 : vector<16xi32>
        %xor3A_1599 = arith.constant 2 : i32
        %xor3A_1600 = vector.broadcast %xor3A_1599 : i32 to vector<16xi32>
        %xor3A_1601 = arith.xori %iota3A, %xor3A_1600 : vector<16xi32>
        %broadcast_in_dim3A_1602 = vector.shape_cast %xor3A_1601 : vector<16xi32> to vector<16x1xi32>
        %gather3A_1603 = vector.shape_cast %broadcast_in_dim3A_1602 : vector<16x1xi32> to vector<16xi32>
        %gather3A_1604 = tpu.dynamic_gather %add3A_1487[%gather3A_1603] in [0] : vector<16xf32>, vector<16xi32> -> vector<16xf32>
        %xor3A_1605 = arith.constant 2 : i32
        %xor3A_1606 = vector.broadcast %xor3A_1605 : i32 to vector<16xi32>
        %xor3A_1607 = arith.xori %iota3A, %xor3A_1606 : vector<16xi32>
        %broadcast_in_dim3A_1608 = vector.shape_cast %xor3A_1607 : vector<16xi32> to vector<16x1xi32>
        %gather3A_1609 = vector.shape_cast %broadcast_in_dim3A_1608 : vector<16x1xi32> to vector<16xi32>
        %gather3A_1610 = tpu.dynamic_gather %add3A_1508[%gather3A_1609] in [0] : vector<16xf32>, vector<16xi32> -> vector<16xf32>
        %select_n3A_1611 = arith.select %eq3A_1598, %add3A_1487, %gather3A_1610 : vector<16xi1>, vector<16xf32>
        %select_n3A_1612 = arith.select %eq3A_1598, %gather3A_1604, %add3A_1508 : vector<16xi1>, vector<16xf32>
        %add3A_1613 = arith.addf %select_n3A_1611, %select_n3A_1612 : vector<16xf32>
        %and3A_1614 = arith.constant 2 : i32
        %and3A_1615 = vector.broadcast %and3A_1614 : i32 to vector<16xi32>
        %and3A_1616 = arith.andi %iota3A, %and3A_1615 : vector<16xi32>
        %eq3A_1617 = arith.constant 0 : i32
        %eq3A_1618 = vector.broadcast %eq3A_1617 : i32 to vector<16xi32>
        %eq3A_1619 = arith.cmpi eq, %and3A_1616, %eq3A_1618 : vector<16xi32>
        %xor3A_1620 = arith.constant 2 : i32
        %xor3A_1621 = vector.broadcast %xor3A_1620 : i32 to vector<16xi32>
        %xor3A_1622 = arith.xori %iota3A, %xor3A_1621 : vector<16xi32>
        %broadcast_in_dim3A_1623 = vector.shape_cast %xor3A_1622 : vector<16xi32> to vector<16x1xi32>
        %gather3A_1624 = vector.shape_cast %broadcast_in_dim3A_1623 : vector<16x1xi32> to vector<16xi32>
        %gather3A_1625 = tpu.dynamic_gather %add3A_1529[%gather3A_1624] in [0] : vector<16xf32>, vector<16xi32> -> vector<16xf32>
        %xor3A_1626 = arith.constant 2 : i32
        %xor3A_1627 = vector.broadcast %xor3A_1626 : i32 to vector<16xi32>
        %xor3A_1628 = arith.xori %iota3A, %xor3A_1627 : vector<16xi32>
        %broadcast_in_dim3A_1629 = vector.shape_cast %xor3A_1628 : vector<16xi32> to vector<16x1xi32>
        %gather3A_1630 = vector.shape_cast %broadcast_in_dim3A_1629 : vector<16x1xi32> to vector<16xi32>
        %gather3A_1631 = tpu.dynamic_gather %add3A_1550[%gather3A_1630] in [0] : vector<16xf32>, vector<16xi32> -> vector<16xf32>
        %select_n3A_1632 = arith.select %eq3A_1619, %add3A_1529, %gather3A_1631 : vector<16xi1>, vector<16xf32>
        %select_n3A_1633 = arith.select %eq3A_1619, %gather3A_1625, %add3A_1550 : vector<16xi1>, vector<16xf32>
        %add3A_1634 = arith.addf %select_n3A_1632, %select_n3A_1633 : vector<16xf32>
        %and3A_1635 = arith.constant 4 : i32
        %and3A_1636 = vector.broadcast %and3A_1635 : i32 to vector<16xi32>
        %and3A_1637 = arith.andi %iota3A, %and3A_1636 : vector<16xi32>
        %eq3A_1638 = arith.constant 0 : i32
        %eq3A_1639 = vector.broadcast %eq3A_1638 : i32 to vector<16xi32>
        %eq3A_1640 = arith.cmpi eq, %and3A_1637, %eq3A_1639 : vector<16xi32>
        %xor3A_1641 = arith.constant 4 : i32
        %xor3A_1642 = vector.broadcast %xor3A_1641 : i32 to vector<16xi32>
        %xor3A_1643 = arith.xori %iota3A, %xor3A_1642 : vector<16xi32>
        %broadcast_in_dim3A_1644 = vector.shape_cast %xor3A_1643 : vector<16xi32> to vector<16x1xi32>
        %gather3A_1645 = vector.shape_cast %broadcast_in_dim3A_1644 : vector<16x1xi32> to vector<16xi32>
        %gather3A_1646 = tpu.dynamic_gather %add3A_1571[%gather3A_1645] in [0] : vector<16xf32>, vector<16xi32> -> vector<16xf32>
        %xor3A_1647 = arith.constant 4 : i32
        %xor3A_1648 = vector.broadcast %xor3A_1647 : i32 to vector<16xi32>
        %xor3A_1649 = arith.xori %iota3A, %xor3A_1648 : vector<16xi32>
        %broadcast_in_dim3A_1650 = vector.shape_cast %xor3A_1649 : vector<16xi32> to vector<16x1xi32>
        %gather3A_1651 = vector.shape_cast %broadcast_in_dim3A_1650 : vector<16x1xi32> to vector<16xi32>
        %gather3A_1652 = tpu.dynamic_gather %add3A_1592[%gather3A_1651] in [0] : vector<16xf32>, vector<16xi32> -> vector<16xf32>
        %select_n3A_1653 = arith.select %eq3A_1640, %add3A_1571, %gather3A_1652 : vector<16xi1>, vector<16xf32>
        %select_n3A_1654 = arith.select %eq3A_1640, %gather3A_1646, %add3A_1592 : vector<16xi1>, vector<16xf32>
        %add3A_1655 = arith.addf %select_n3A_1653, %select_n3A_1654 : vector<16xf32>
        %and3A_1656 = arith.constant 4 : i32
        %and3A_1657 = vector.broadcast %and3A_1656 : i32 to vector<16xi32>
        %and3A_1658 = arith.andi %iota3A, %and3A_1657 : vector<16xi32>
        %eq3A_1659 = arith.constant 0 : i32
        %eq3A_1660 = vector.broadcast %eq3A_1659 : i32 to vector<16xi32>
        %eq3A_1661 = arith.cmpi eq, %and3A_1658, %eq3A_1660 : vector<16xi32>
        %xor3A_1662 = arith.constant 4 : i32
        %xor3A_1663 = vector.broadcast %xor3A_1662 : i32 to vector<16xi32>
        %xor3A_1664 = arith.xori %iota3A, %xor3A_1663 : vector<16xi32>
        %broadcast_in_dim3A_1665 = vector.shape_cast %xor3A_1664 : vector<16xi32> to vector<16x1xi32>
        %gather3A_1666 = vector.shape_cast %broadcast_in_dim3A_1665 : vector<16x1xi32> to vector<16xi32>
        %gather3A_1667 = tpu.dynamic_gather %add3A_1613[%gather3A_1666] in [0] : vector<16xf32>, vector<16xi32> -> vector<16xf32>
        %xor3A_1668 = arith.constant 4 : i32
        %xor3A_1669 = vector.broadcast %xor3A_1668 : i32 to vector<16xi32>
        %xor3A_1670 = arith.xori %iota3A, %xor3A_1669 : vector<16xi32>
        %broadcast_in_dim3A_1671 = vector.shape_cast %xor3A_1670 : vector<16xi32> to vector<16x1xi32>
        %gather3A_1672 = vector.shape_cast %broadcast_in_dim3A_1671 : vector<16x1xi32> to vector<16xi32>
        %gather3A_1673 = tpu.dynamic_gather %add3A_1634[%gather3A_1672] in [0] : vector<16xf32>, vector<16xi32> -> vector<16xf32>
        %select_n3A_1674 = arith.select %eq3A_1661, %add3A_1613, %gather3A_1673 : vector<16xi1>, vector<16xf32>
        %select_n3A_1675 = arith.select %eq3A_1661, %gather3A_1667, %add3A_1634 : vector<16xi1>, vector<16xf32>
        %add3A_1676 = arith.addf %select_n3A_1674, %select_n3A_1675 : vector<16xf32>
        %and3A_1677 = arith.constant 8 : i32
        %and3A_1678 = vector.broadcast %and3A_1677 : i32 to vector<16xi32>
        %and3A_1679 = arith.andi %iota3A, %and3A_1678 : vector<16xi32>
        %eq3A_1680 = arith.constant 0 : i32
        %eq3A_1681 = vector.broadcast %eq3A_1680 : i32 to vector<16xi32>
        %eq3A_1682 = arith.cmpi eq, %and3A_1679, %eq3A_1681 : vector<16xi32>
        %xor3A_1683 = arith.constant 8 : i32
        %xor3A_1684 = vector.broadcast %xor3A_1683 : i32 to vector<16xi32>
        %xor3A_1685 = arith.xori %iota3A, %xor3A_1684 : vector<16xi32>
        %broadcast_in_dim3A_1686 = vector.shape_cast %xor3A_1685 : vector<16xi32> to vector<16x1xi32>
        %gather3A_1687 = vector.shape_cast %broadcast_in_dim3A_1686 : vector<16x1xi32> to vector<16xi32>
        %gather3A_1688 = tpu.dynamic_gather %add3A_1655[%gather3A_1687] in [0] : vector<16xf32>, vector<16xi32> -> vector<16xf32>
        %xor3A_1689 = arith.constant 8 : i32
        %xor3A_1690 = vector.broadcast %xor3A_1689 : i32 to vector<16xi32>
        %xor3A_1691 = arith.xori %iota3A, %xor3A_1690 : vector<16xi32>
        %broadcast_in_dim3A_1692 = vector.shape_cast %xor3A_1691 : vector<16xi32> to vector<16x1xi32>
        %gather3A_1693 = vector.shape_cast %broadcast_in_dim3A_1692 : vector<16x1xi32> to vector<16xi32>
        %gather3A_1694 = tpu.dynamic_gather %add3A_1676[%gather3A_1693] in [0] : vector<16xf32>, vector<16xi32> -> vector<16xf32>
        %select_n3A_1695 = arith.select %eq3A_1682, %add3A_1655, %gather3A_1694 : vector<16xi1>, vector<16xf32>
        %select_n3A_1696 = arith.select %eq3A_1682, %gather3A_1688, %add3A_1676 : vector<16xi1>, vector<16xf32>
        %add3A_1697 = arith.addf %select_n3A_1695, %select_n3A_1696 : vector<16xf32>
        %mul3A_1698 = arith.constant 16 : i32
        %mul3A_1699 = arith.muli %scan3A_13, %mul3A_1698 : i32
        %swap3A = arith.index_cast %scan3A_6 : i32 to index
        %swap3A_1700 = arith.index_cast %mul3A_1699 : i32 to index
        %swap3A_1701 = tpu.vector_load %arg10[%swap3A, %swap3A_1700] {strides = array<i32>} : memref<79x128xf32, #tpu.memory_space<vmem>>, vector<1x16xf32>,
        %swap3A_1702 = vector.shape_cast %swap3A_1701 : vector<1x16xf32> to vector<16xf32>
        %swap3A_1703 = vector.shape_cast %add3A_1697 : vector<16xf32> to vector<1x16xf32>
        tpu.vector_store %arg10[%swap3A, %swap3A_1700], %swap3A_1703 {strides = array<i32>} : memref<79x128xf32, #tpu.memory_space<vmem>>, vector<1x16xf32>,
      }
      %scan3A_12 = arith.constant 8 : i32
    }
    %scan3A_5 = arith.constant 79 : i32
    "tpu.region"() ({
      %run_scoped3A = tpu.sem_alloc : memref<!tpu.dma_semaphore, #tpu.memory_space<semaphore_mem>>
      %dma_start3A = arith.constant 0 : i32
      %dma_start3A_6 = arith.constant 0 : i32
      %dma_start3A_7 = tpu.memref_slice %arg5[%add3A, %dma_start3A, %dma_start3A_6] : memref<32x79x128xf32, #tpu.memory_space<hbm>> -> memref<1x79x128xf32, #tpu.memory_space<hbm>>
      %dma_start3A_8 = tpu.memref_squeeze %dma_start3A_7 : memref<1x79x128xf32, #tpu.memory_space<hbm>> -> memref<79x128xf32, #tpu.memory_space<hbm>>
      %dma_start3A_9 = arith.constant 0 : i32
      %dma_start3A_10 = arith.constant 0 : i32
      %dma_start3A_11 = tpu.memref_slice %arg5[%add3A, %dma_start3A_9, %dma_start3A_10] : memref<32x79x128xf32, #tpu.memory_space<hbm>> -> memref<1x79x128xf32, #tpu.memory_space<hbm>>
      %dma_start3A_12 = tpu.memref_squeeze %dma_start3A_11 : memref<1x79x128xf32, #tpu.memory_space<hbm>> -> memref<79x128xf32, #tpu.memory_space<hbm>>
      tpu.enqueue_dma source(%arg10 : memref<79x128xf32, #tpu.memory_space<vmem>>) target(%dma_start3A_12 : memref<79x128xf32, #tpu.memory_space<hbm>>) target_semaphore(%run_scoped3A : memref<!tpu.dma_semaphore, #tpu.memory_space<semaphore_mem>>)
      %dma_wait3A = arith.constant 0 : i32
      %dma_wait3A_13 = arith.constant 0 : i32
      %dma_wait3A_14 = tpu.memref_slice %arg5[%add3A, %dma_wait3A, %dma_wait3A_13] : memref<32x79x128xf32, #tpu.memory_space<hbm>> -> memref<1x79x128xf32, #tpu.memory_space<hbm>>
      %dma_wait3A_15 = tpu.memref_squeeze %dma_wait3A_14 : memref<1x79x128xf32, #tpu.memory_space<hbm>> -> memref<79x128xf32, #tpu.memory_space<hbm>>
      %dma_wait3A_16 = arith.constant 0 : i32
      %dma_wait3A_17 = arith.constant 0 : i32
      %dma_wait3A_18 = tpu.memref_slice %arg5[%add3A, %dma_wait3A_16, %dma_wait3A_17] : memref<32x79x128xf32, #tpu.memory_space<hbm>> -> memref<1x79x128xf32, #tpu.memory_space<hbm>>
      %dma_wait3A_19 = tpu.memref_squeeze %dma_wait3A_18 : memref<1x79x128xf32, #tpu.memory_space<hbm>> -> memref<79x128xf32, #tpu.memory_space<hbm>>
      tpu.wait_dma2 semaphore(%run_scoped3A : memref<!tpu.dma_semaphore, #tpu.memory_space<semaphore_mem>>) src(%arg10 : memref<79x128xf32, #tpu.memory_space<vmem>>) dst(%dma_wait3A_19 : memref<79x128xf32, #tpu.memory_space<hbm>>)
      tpu.yield
    }) : () -> ()
    return
  }
}

#map = affine_map<(d0, d1) -> (0, 0)>
#map1 = affine_map<(d0, d1) -> (0, 0, 0)>
module attributes {stable_mosaic.version = 14 : i64} {
  func.func @_seg_body(%arg0: i32, %arg1: i32, %arg2: memref<10240x144xf32, #tpu.memory_space<hbm>>, %arg3: memref<32x79x128xi32, #tpu.memory_space<hbm>>, %arg4: memref<32x79x128xi32, #tpu.memory_space<hbm>>, %arg5: memref<10240x144xf32, #tpu.memory_space<hbm>>, %arg6: memref<2x10240x144xf32, #tpu.memory_space<hbm>>, %arg7: memref<8x128xi32, #tpu.memory_space<vmem>>, %arg8: memref<8x128xi32, #tpu.memory_space<vmem>>, %arg9: memref<128x144xf32, #tpu.memory_space<vmem>>, %arg10: memref<80x144xf32, #tpu.memory_space<vmem>>, %arg11: memref<10240x144xf32, #tpu.memory_space<vmem_shared>>) attributes {dimension_semantics = [#tpu.dimension_semantics<core_parallel>, #tpu.dimension_semantics<subcore_parallel>], iteration_bounds = array<i64: 2, 16>, scalar_prefetch = 0 : i64, scratch_operands = 5 : i64, tpu.core_type = #tpu.core_type<sc_vector_subcore>, window_params = [{transform_indices = #map}, {transform_indices = #map1}, {transform_indices = #map1}, {transform_indices = #map}, {transform_indices = #map1}]} {
    %mul3A = arith.constant 16 : i32
    %mul3A_0 = arith.muli %arg0, %mul3A : i32
    %add3A = arith.addi %mul3A_0, %arg1 : i32
    %mul3A_1 = arith.constant 640 : i32
    %mul3A_2 = arith.muli %arg1, %mul3A_1 : i32
    %add3A_3 = arith.constant 0 : i32
    %add3A_4 = arith.addi %mul3A_2, %add3A_3 : i32
    "tpu.region"() ({
      %run_scoped3A = tpu.sem_alloc : memref<!tpu.dma_semaphore, #tpu.memory_space<semaphore_mem>>
      %dma_start3A = arith.constant 0 : i32
      %dma_start3A_41 = tpu.memref_slice %arg5[%add3A_4, %dma_start3A] : memref<10240x144xf32, #tpu.memory_space<hbm>> -> memref<80x144xf32, #tpu.memory_space<hbm>>
      %dma_start3A_42 = arith.constant 0 : i32
      %dma_start3A_43 = tpu.memref_slice %arg5[%add3A_4, %dma_start3A_42] : memref<10240x144xf32, #tpu.memory_space<hbm>> -> memref<80x144xf32, #tpu.memory_space<hbm>>
      tpu.enqueue_dma source(%dma_start3A_43 : memref<80x144xf32, #tpu.memory_space<hbm>>) target(%arg10 : memref<80x144xf32, #tpu.memory_space<vmem>>) target_semaphore(%run_scoped3A : memref<!tpu.dma_semaphore, #tpu.memory_space<semaphore_mem>>)
      %dma_wait3A = arith.constant 0 : i32
      %dma_wait3A_44 = tpu.memref_slice %arg5[%add3A_4, %dma_wait3A] : memref<10240x144xf32, #tpu.memory_space<hbm>> -> memref<80x144xf32, #tpu.memory_space<hbm>>
      %dma_wait3A_45 = arith.constant 0 : i32
      %dma_wait3A_46 = tpu.memref_slice %arg5[%add3A_4, %dma_wait3A_45] : memref<10240x144xf32, #tpu.memory_space<hbm>> -> memref<80x144xf32, #tpu.memory_space<hbm>>
      tpu.wait_dma2 semaphore(%run_scoped3A : memref<!tpu.dma_semaphore, #tpu.memory_space<semaphore_mem>>) src(%dma_wait3A_46 : memref<80x144xf32, #tpu.memory_space<hbm>>) dst(%arg10 : memref<80x144xf32, #tpu.memory_space<vmem>>)
      tpu.yield
    }) : () -> ()
    "tpu.region"() ({
      %run_scoped3A = tpu.sem_alloc : memref<!tpu.dma_semaphore, #tpu.memory_space<semaphore_mem>>
      %dma_start3A = arith.constant 0 : i32
      %dma_start3A_41 = tpu.memref_slice %arg11[%add3A_4, %dma_start3A] : memref<10240x144xf32, #tpu.memory_space<vmem_shared>> -> memref<80x144xf32, #tpu.memory_space<vmem_shared>>
      %dma_start3A_42 = arith.constant 0 : i32
      %dma_start3A_43 = tpu.memref_slice %arg11[%add3A_4, %dma_start3A_42] : memref<10240x144xf32, #tpu.memory_space<vmem_shared>> -> memref<80x144xf32, #tpu.memory_space<vmem_shared>>
      tpu.enqueue_dma source(%arg10 : memref<80x144xf32, #tpu.memory_space<vmem>>) target(%dma_start3A_43 : memref<80x144xf32, #tpu.memory_space<vmem_shared>>) target_semaphore(%run_scoped3A : memref<!tpu.dma_semaphore, #tpu.memory_space<semaphore_mem>>)
      %dma_wait3A = arith.constant 0 : i32
      %dma_wait3A_44 = tpu.memref_slice %arg11[%add3A_4, %dma_wait3A] : memref<10240x144xf32, #tpu.memory_space<vmem_shared>> -> memref<80x144xf32, #tpu.memory_space<vmem_shared>>
      %dma_wait3A_45 = arith.constant 0 : i32
      %dma_wait3A_46 = tpu.memref_slice %arg11[%add3A_4, %dma_wait3A_45] : memref<10240x144xf32, #tpu.memory_space<vmem_shared>> -> memref<80x144xf32, #tpu.memory_space<vmem_shared>>
      tpu.wait_dma2 semaphore(%run_scoped3A : memref<!tpu.dma_semaphore, #tpu.memory_space<semaphore_mem>>) src(%arg10 : memref<80x144xf32, #tpu.memory_space<vmem>>) dst(%dma_wait3A_46 : memref<80x144xf32, #tpu.memory_space<vmem_shared>>)
      tpu.yield
    }) : () -> ()
    %add3A_5 = arith.constant 80 : i32
    %add3A_6 = arith.addi %mul3A_2, %add3A_5 : i32
    "tpu.region"() ({
      %run_scoped3A = tpu.sem_alloc : memref<!tpu.dma_semaphore, #tpu.memory_space<semaphore_mem>>
      %dma_start3A = arith.constant 0 : i32
      %dma_start3A_41 = tpu.memref_slice %arg5[%add3A_6, %dma_start3A] : memref<10240x144xf32, #tpu.memory_space<hbm>> -> memref<80x144xf32, #tpu.memory_space<hbm>>
      %dma_start3A_42 = arith.constant 0 : i32
      %dma_start3A_43 = tpu.memref_slice %arg5[%add3A_6, %dma_start3A_42] : memref<10240x144xf32, #tpu.memory_space<hbm>> -> memref<80x144xf32, #tpu.memory_space<hbm>>
      tpu.enqueue_dma source(%dma_start3A_43 : memref<80x144xf32, #tpu.memory_space<hbm>>) target(%arg10 : memref<80x144xf32, #tpu.memory_space<vmem>>) target_semaphore(%run_scoped3A : memref<!tpu.dma_semaphore, #tpu.memory_space<semaphore_mem>>)
      %dma_wait3A = arith.constant 0 : i32
      %dma_wait3A_44 = tpu.memref_slice %arg5[%add3A_6, %dma_wait3A] : memref<10240x144xf32, #tpu.memory_space<hbm>> -> memref<80x144xf32, #tpu.memory_space<hbm>>
      %dma_wait3A_45 = arith.constant 0 : i32
      %dma_wait3A_46 = tpu.memref_slice %arg5[%add3A_6, %dma_wait3A_45] : memref<10240x144xf32, #tpu.memory_space<hbm>> -> memref<80x144xf32, #tpu.memory_space<hbm>>
      tpu.wait_dma2 semaphore(%run_scoped3A : memref<!tpu.dma_semaphore, #tpu.memory_space<semaphore_mem>>) src(%dma_wait3A_46 : memref<80x144xf32, #tpu.memory_space<hbm>>) dst(%arg10 : memref<80x144xf32, #tpu.memory_space<vmem>>)
      tpu.yield
    }) : () -> ()
    "tpu.region"() ({
      %run_scoped3A = tpu.sem_alloc : memref<!tpu.dma_semaphore, #tpu.memory_space<semaphore_mem>>
      %dma_start3A = arith.constant 0 : i32
      %dma_start3A_41 = tpu.memref_slice %arg11[%add3A_6, %dma_start3A] : memref<10240x144xf32, #tpu.memory_space<vmem_shared>> -> memref<80x144xf32, #tpu.memory_space<vmem_shared>>
      %dma_start3A_42 = arith.constant 0 : i32
      %dma_start3A_43 = tpu.memref_slice %arg11[%add3A_6, %dma_start3A_42] : memref<10240x144xf32, #tpu.memory_space<vmem_shared>> -> memref<80x144xf32, #tpu.memory_space<vmem_shared>>
      tpu.enqueue_dma source(%arg10 : memref<80x144xf32, #tpu.memory_space<vmem>>) target(%dma_start3A_43 : memref<80x144xf32, #tpu.memory_space<vmem_shared>>) target_semaphore(%run_scoped3A : memref<!tpu.dma_semaphore, #tpu.memory_space<semaphore_mem>>)
      %dma_wait3A = arith.constant 0 : i32
      %dma_wait3A_44 = tpu.memref_slice %arg11[%add3A_6, %dma_wait3A] : memref<10240x144xf32, #tpu.memory_space<vmem_shared>> -> memref<80x144xf32, #tpu.memory_space<vmem_shared>>
      %dma_wait3A_45 = arith.constant 0 : i32
      %dma_wait3A_46 = tpu.memref_slice %arg11[%add3A_6, %dma_wait3A_45] : memref<10240x144xf32, #tpu.memory_space<vmem_shared>> -> memref<80x144xf32, #tpu.memory_space<vmem_shared>>
      tpu.wait_dma2 semaphore(%run_scoped3A : memref<!tpu.dma_semaphore, #tpu.memory_space<semaphore_mem>>) src(%arg10 : memref<80x144xf32, #tpu.memory_space<vmem>>) dst(%dma_wait3A_46 : memref<80x144xf32, #tpu.memory_space<vmem_shared>>)
      tpu.yield
    }) : () -> ()
    %add3A_7 = arith.constant 160 : i32
    %add3A_8 = arith.addi %mul3A_2, %add3A_7 : i32
    "tpu.region"() ({
      %run_scoped3A = tpu.sem_alloc : memref<!tpu.dma_semaphore, #tpu.memory_space<semaphore_mem>>
      %dma_start3A = arith.constant 0 : i32
      %dma_start3A_41 = tpu.memref_slice %arg5[%add3A_8, %dma_start3A] : memref<10240x144xf32, #tpu.memory_space<hbm>> -> memref<80x144xf32, #tpu.memory_space<hbm>>
      %dma_start3A_42 = arith.constant 0 : i32
      %dma_start3A_43 = tpu.memref_slice %arg5[%add3A_8, %dma_start3A_42] : memref<10240x144xf32, #tpu.memory_space<hbm>> -> memref<80x144xf32, #tpu.memory_space<hbm>>
      tpu.enqueue_dma source(%dma_start3A_43 : memref<80x144xf32, #tpu.memory_space<hbm>>) target(%arg10 : memref<80x144xf32, #tpu.memory_space<vmem>>) target_semaphore(%run_scoped3A : memref<!tpu.dma_semaphore, #tpu.memory_space<semaphore_mem>>)
      %dma_wait3A = arith.constant 0 : i32
      %dma_wait3A_44 = tpu.memref_slice %arg5[%add3A_8, %dma_wait3A] : memref<10240x144xf32, #tpu.memory_space<hbm>> -> memref<80x144xf32, #tpu.memory_space<hbm>>
      %dma_wait3A_45 = arith.constant 0 : i32
      %dma_wait3A_46 = tpu.memref_slice %arg5[%add3A_8, %dma_wait3A_45] : memref<10240x144xf32, #tpu.memory_space<hbm>> -> memref<80x144xf32, #tpu.memory_space<hbm>>
      tpu.wait_dma2 semaphore(%run_scoped3A : memref<!tpu.dma_semaphore, #tpu.memory_space<semaphore_mem>>) src(%dma_wait3A_46 : memref<80x144xf32, #tpu.memory_space<hbm>>) dst(%arg10 : memref<80x144xf32, #tpu.memory_space<vmem>>)
      tpu.yield
    }) : () -> ()
    "tpu.region"() ({
      %run_scoped3A = tpu.sem_alloc : memref<!tpu.dma_semaphore, #tpu.memory_space<semaphore_mem>>
      %dma_start3A = arith.constant 0 : i32
      %dma_start3A_41 = tpu.memref_slice %arg11[%add3A_8, %dma_start3A] : memref<10240x144xf32, #tpu.memory_space<vmem_shared>> -> memref<80x144xf32, #tpu.memory_space<vmem_shared>>
      %dma_start3A_42 = arith.constant 0 : i32
      %dma_start3A_43 = tpu.memref_slice %arg11[%add3A_8, %dma_start3A_42] : memref<10240x144xf32, #tpu.memory_space<vmem_shared>> -> memref<80x144xf32, #tpu.memory_space<vmem_shared>>
      tpu.enqueue_dma source(%arg10 : memref<80x144xf32, #tpu.memory_space<vmem>>) target(%dma_start3A_43 : memref<80x144xf32, #tpu.memory_space<vmem_shared>>) target_semaphore(%run_scoped3A : memref<!tpu.dma_semaphore, #tpu.memory_space<semaphore_mem>>)
      %dma_wait3A = arith.constant 0 : i32
      %dma_wait3A_44 = tpu.memref_slice %arg11[%add3A_8, %dma_wait3A] : memref<10240x144xf32, #tpu.memory_space<vmem_shared>> -> memref<80x144xf32, #tpu.memory_space<vmem_shared>>
      %dma_wait3A_45 = arith.constant 0 : i32
      %dma_wait3A_46 = tpu.memref_slice %arg11[%add3A_8, %dma_wait3A_45] : memref<10240x144xf32, #tpu.memory_space<vmem_shared>> -> memref<80x144xf32, #tpu.memory_space<vmem_shared>>
      tpu.wait_dma2 semaphore(%run_scoped3A : memref<!tpu.dma_semaphore, #tpu.memory_space<semaphore_mem>>) src(%arg10 : memref<80x144xf32, #tpu.memory_space<vmem>>) dst(%dma_wait3A_46 : memref<80x144xf32, #tpu.memory_space<vmem_shared>>)
      tpu.yield
    }) : () -> ()
    %add3A_9 = arith.constant 240 : i32
    %add3A_10 = arith.addi %mul3A_2, %add3A_9 : i32
    "tpu.region"() ({
      %run_scoped3A = tpu.sem_alloc : memref<!tpu.dma_semaphore, #tpu.memory_space<semaphore_mem>>
      %dma_start3A = arith.constant 0 : i32
      %dma_start3A_41 = tpu.memref_slice %arg5[%add3A_10, %dma_start3A] : memref<10240x144xf32, #tpu.memory_space<hbm>> -> memref<80x144xf32, #tpu.memory_space<hbm>>
      %dma_start3A_42 = arith.constant 0 : i32
      %dma_start3A_43 = tpu.memref_slice %arg5[%add3A_10, %dma_start3A_42] : memref<10240x144xf32, #tpu.memory_space<hbm>> -> memref<80x144xf32, #tpu.memory_space<hbm>>
      tpu.enqueue_dma source(%dma_start3A_43 : memref<80x144xf32, #tpu.memory_space<hbm>>) target(%arg10 : memref<80x144xf32, #tpu.memory_space<vmem>>) target_semaphore(%run_scoped3A : memref<!tpu.dma_semaphore, #tpu.memory_space<semaphore_mem>>)
      %dma_wait3A = arith.constant 0 : i32
      %dma_wait3A_44 = tpu.memref_slice %arg5[%add3A_10, %dma_wait3A] : memref<10240x144xf32, #tpu.memory_space<hbm>> -> memref<80x144xf32, #tpu.memory_space<hbm>>
      %dma_wait3A_45 = arith.constant 0 : i32
      %dma_wait3A_46 = tpu.memref_slice %arg5[%add3A_10, %dma_wait3A_45] : memref<10240x144xf32, #tpu.memory_space<hbm>> -> memref<80x144xf32, #tpu.memory_space<hbm>>
      tpu.wait_dma2 semaphore(%run_scoped3A : memref<!tpu.dma_semaphore, #tpu.memory_space<semaphore_mem>>) src(%dma_wait3A_46 : memref<80x144xf32, #tpu.memory_space<hbm>>) dst(%arg10 : memref<80x144xf32, #tpu.memory_space<vmem>>)
      tpu.yield
    }) : () -> ()
    "tpu.region"() ({
      %run_scoped3A = tpu.sem_alloc : memref<!tpu.dma_semaphore, #tpu.memory_space<semaphore_mem>>
      %dma_start3A = arith.constant 0 : i32
      %dma_start3A_41 = tpu.memref_slice %arg11[%add3A_10, %dma_start3A] : memref<10240x144xf32, #tpu.memory_space<vmem_shared>> -> memref<80x144xf32, #tpu.memory_space<vmem_shared>>
      %dma_start3A_42 = arith.constant 0 : i32
      %dma_start3A_43 = tpu.memref_slice %arg11[%add3A_10, %dma_start3A_42] : memref<10240x144xf32, #tpu.memory_space<vmem_shared>> -> memref<80x144xf32, #tpu.memory_space<vmem_shared>>
      tpu.enqueue_dma source(%arg10 : memref<80x144xf32, #tpu.memory_space<vmem>>) target(%dma_start3A_43 : memref<80x144xf32, #tpu.memory_space<vmem_shared>>) target_semaphore(%run_scoped3A : memref<!tpu.dma_semaphore, #tpu.memory_space<semaphore_mem>>)
      %dma_wait3A = arith.constant 0 : i32
      %dma_wait3A_44 = tpu.memref_slice %arg11[%add3A_10, %dma_wait3A] : memref<10240x144xf32, #tpu.memory_space<vmem_shared>> -> memref<80x144xf32, #tpu.memory_space<vmem_shared>>
      %dma_wait3A_45 = arith.constant 0 : i32
      %dma_wait3A_46 = tpu.memref_slice %arg11[%add3A_10, %dma_wait3A_45] : memref<10240x144xf32, #tpu.memory_space<vmem_shared>> -> memref<80x144xf32, #tpu.memory_space<vmem_shared>>
      tpu.wait_dma2 semaphore(%run_scoped3A : memref<!tpu.dma_semaphore, #tpu.memory_space<semaphore_mem>>) src(%arg10 : memref<80x144xf32, #tpu.memory_space<vmem>>) dst(%dma_wait3A_46 : memref<80x144xf32, #tpu.memory_space<vmem_shared>>)
      tpu.yield
    }) : () -> ()
    %add3A_11 = arith.constant 320 : i32
    %add3A_12 = arith.addi %mul3A_2, %add3A_11 : i32
    "tpu.region"() ({
      %run_scoped3A = tpu.sem_alloc : memref<!tpu.dma_semaphore, #tpu.memory_space<semaphore_mem>>
      %dma_start3A = arith.constant 0 : i32
      %dma_start3A_41 = tpu.memref_slice %arg5[%add3A_12, %dma_start3A] : memref<10240x144xf32, #tpu.memory_space<hbm>> -> memref<80x144xf32, #tpu.memory_space<hbm>>
      %dma_start3A_42 = arith.constant 0 : i32
      %dma_start3A_43 = tpu.memref_slice %arg5[%add3A_12, %dma_start3A_42] : memref<10240x144xf32, #tpu.memory_space<hbm>> -> memref<80x144xf32, #tpu.memory_space<hbm>>
      tpu.enqueue_dma source(%dma_start3A_43 : memref<80x144xf32, #tpu.memory_space<hbm>>) target(%arg10 : memref<80x144xf32, #tpu.memory_space<vmem>>) target_semaphore(%run_scoped3A : memref<!tpu.dma_semaphore, #tpu.memory_space<semaphore_mem>>)
      %dma_wait3A = arith.constant 0 : i32
      %dma_wait3A_44 = tpu.memref_slice %arg5[%add3A_12, %dma_wait3A] : memref<10240x144xf32, #tpu.memory_space<hbm>> -> memref<80x144xf32, #tpu.memory_space<hbm>>
      %dma_wait3A_45 = arith.constant 0 : i32
      %dma_wait3A_46 = tpu.memref_slice %arg5[%add3A_12, %dma_wait3A_45] : memref<10240x144xf32, #tpu.memory_space<hbm>> -> memref<80x144xf32, #tpu.memory_space<hbm>>
      tpu.wait_dma2 semaphore(%run_scoped3A : memref<!tpu.dma_semaphore, #tpu.memory_space<semaphore_mem>>) src(%dma_wait3A_46 : memref<80x144xf32, #tpu.memory_space<hbm>>) dst(%arg10 : memref<80x144xf32, #tpu.memory_space<vmem>>)
      tpu.yield
    }) : () -> ()
    "tpu.region"() ({
      %run_scoped3A = tpu.sem_alloc : memref<!tpu.dma_semaphore, #tpu.memory_space<semaphore_mem>>
      %dma_start3A = arith.constant 0 : i32
      %dma_start3A_41 = tpu.memref_slice %arg11[%add3A_12, %dma_start3A] : memref<10240x144xf32, #tpu.memory_space<vmem_shared>> -> memref<80x144xf32, #tpu.memory_space<vmem_shared>>
      %dma_start3A_42 = arith.constant 0 : i32
      %dma_start3A_43 = tpu.memref_slice %arg11[%add3A_12, %dma_start3A_42] : memref<10240x144xf32, #tpu.memory_space<vmem_shared>> -> memref<80x144xf32, #tpu.memory_space<vmem_shared>>
      tpu.enqueue_dma source(%arg10 : memref<80x144xf32, #tpu.memory_space<vmem>>) target(%dma_start3A_43 : memref<80x144xf32, #tpu.memory_space<vmem_shared>>) target_semaphore(%run_scoped3A : memref<!tpu.dma_semaphore, #tpu.memory_space<semaphore_mem>>)
      %dma_wait3A = arith.constant 0 : i32
      %dma_wait3A_44 = tpu.memref_slice %arg11[%add3A_12, %dma_wait3A] : memref<10240x144xf32, #tpu.memory_space<vmem_shared>> -> memref<80x144xf32, #tpu.memory_space<vmem_shared>>
      %dma_wait3A_45 = arith.constant 0 : i32
      %dma_wait3A_46 = tpu.memref_slice %arg11[%add3A_12, %dma_wait3A_45] : memref<10240x144xf32, #tpu.memory_space<vmem_shared>> -> memref<80x144xf32, #tpu.memory_space<vmem_shared>>
      tpu.wait_dma2 semaphore(%run_scoped3A : memref<!tpu.dma_semaphore, #tpu.memory_space<semaphore_mem>>) src(%arg10 : memref<80x144xf32, #tpu.memory_space<vmem>>) dst(%dma_wait3A_46 : memref<80x144xf32, #tpu.memory_space<vmem_shared>>)
      tpu.yield
    }) : () -> ()
    %add3A_13 = arith.constant 400 : i32
    %add3A_14 = arith.addi %mul3A_2, %add3A_13 : i32
    "tpu.region"() ({
      %run_scoped3A = tpu.sem_alloc : memref<!tpu.dma_semaphore, #tpu.memory_space<semaphore_mem>>
      %dma_start3A = arith.constant 0 : i32
      %dma_start3A_41 = tpu.memref_slice %arg5[%add3A_14, %dma_start3A] : memref<10240x144xf32, #tpu.memory_space<hbm>> -> memref<80x144xf32, #tpu.memory_space<hbm>>
      %dma_start3A_42 = arith.constant 0 : i32
      %dma_start3A_43 = tpu.memref_slice %arg5[%add3A_14, %dma_start3A_42] : memref<10240x144xf32, #tpu.memory_space<hbm>> -> memref<80x144xf32, #tpu.memory_space<hbm>>
      tpu.enqueue_dma source(%dma_start3A_43 : memref<80x144xf32, #tpu.memory_space<hbm>>) target(%arg10 : memref<80x144xf32, #tpu.memory_space<vmem>>) target_semaphore(%run_scoped3A : memref<!tpu.dma_semaphore, #tpu.memory_space<semaphore_mem>>)
      %dma_wait3A = arith.constant 0 : i32
      %dma_wait3A_44 = tpu.memref_slice %arg5[%add3A_14, %dma_wait3A] : memref<10240x144xf32, #tpu.memory_space<hbm>> -> memref<80x144xf32, #tpu.memory_space<hbm>>
      %dma_wait3A_45 = arith.constant 0 : i32
      %dma_wait3A_46 = tpu.memref_slice %arg5[%add3A_14, %dma_wait3A_45] : memref<10240x144xf32, #tpu.memory_space<hbm>> -> memref<80x144xf32, #tpu.memory_space<hbm>>
      tpu.wait_dma2 semaphore(%run_scoped3A : memref<!tpu.dma_semaphore, #tpu.memory_space<semaphore_mem>>) src(%dma_wait3A_46 : memref<80x144xf32, #tpu.memory_space<hbm>>) dst(%arg10 : memref<80x144xf32, #tpu.memory_space<vmem>>)
      tpu.yield
    }) : () -> ()
    "tpu.region"() ({
      %run_scoped3A = tpu.sem_alloc : memref<!tpu.dma_semaphore, #tpu.memory_space<semaphore_mem>>
      %dma_start3A = arith.constant 0 : i32
      %dma_start3A_41 = tpu.memref_slice %arg11[%add3A_14, %dma_start3A] : memref<10240x144xf32, #tpu.memory_space<vmem_shared>> -> memref<80x144xf32, #tpu.memory_space<vmem_shared>>
      %dma_start3A_42 = arith.constant 0 : i32
      %dma_start3A_43 = tpu.memref_slice %arg11[%add3A_14, %dma_start3A_42] : memref<10240x144xf32, #tpu.memory_space<vmem_shared>> -> memref<80x144xf32, #tpu.memory_space<vmem_shared>>
      tpu.enqueue_dma source(%arg10 : memref<80x144xf32, #tpu.memory_space<vmem>>) target(%dma_start3A_43 : memref<80x144xf32, #tpu.memory_space<vmem_shared>>) target_semaphore(%run_scoped3A : memref<!tpu.dma_semaphore, #tpu.memory_space<semaphore_mem>>)
      %dma_wait3A = arith.constant 0 : i32
      %dma_wait3A_44 = tpu.memref_slice %arg11[%add3A_14, %dma_wait3A] : memref<10240x144xf32, #tpu.memory_space<vmem_shared>> -> memref<80x144xf32, #tpu.memory_space<vmem_shared>>
      %dma_wait3A_45 = arith.constant 0 : i32
      %dma_wait3A_46 = tpu.memref_slice %arg11[%add3A_14, %dma_wait3A_45] : memref<10240x144xf32, #tpu.memory_space<vmem_shared>> -> memref<80x144xf32, #tpu.memory_space<vmem_shared>>
      tpu.wait_dma2 semaphore(%run_scoped3A : memref<!tpu.dma_semaphore, #tpu.memory_space<semaphore_mem>>) src(%arg10 : memref<80x144xf32, #tpu.memory_space<vmem>>) dst(%dma_wait3A_46 : memref<80x144xf32, #tpu.memory_space<vmem_shared>>)
      tpu.yield
    }) : () -> ()
    %add3A_15 = arith.constant 480 : i32
    %add3A_16 = arith.addi %mul3A_2, %add3A_15 : i32
    "tpu.region"() ({
      %run_scoped3A = tpu.sem_alloc : memref<!tpu.dma_semaphore, #tpu.memory_space<semaphore_mem>>
      %dma_start3A = arith.constant 0 : i32
      %dma_start3A_41 = tpu.memref_slice %arg5[%add3A_16, %dma_start3A] : memref<10240x144xf32, #tpu.memory_space<hbm>> -> memref<80x144xf32, #tpu.memory_space<hbm>>
      %dma_start3A_42 = arith.constant 0 : i32
      %dma_start3A_43 = tpu.memref_slice %arg5[%add3A_16, %dma_start3A_42] : memref<10240x144xf32, #tpu.memory_space<hbm>> -> memref<80x144xf32, #tpu.memory_space<hbm>>
      tpu.enqueue_dma source(%dma_start3A_43 : memref<80x144xf32, #tpu.memory_space<hbm>>) target(%arg10 : memref<80x144xf32, #tpu.memory_space<vmem>>) target_semaphore(%run_scoped3A : memref<!tpu.dma_semaphore, #tpu.memory_space<semaphore_mem>>)
      %dma_wait3A = arith.constant 0 : i32
      %dma_wait3A_44 = tpu.memref_slice %arg5[%add3A_16, %dma_wait3A] : memref<10240x144xf32, #tpu.memory_space<hbm>> -> memref<80x144xf32, #tpu.memory_space<hbm>>
      %dma_wait3A_45 = arith.constant 0 : i32
      %dma_wait3A_46 = tpu.memref_slice %arg5[%add3A_16, %dma_wait3A_45] : memref<10240x144xf32, #tpu.memory_space<hbm>> -> memref<80x144xf32, #tpu.memory_space<hbm>>
      tpu.wait_dma2 semaphore(%run_scoped3A : memref<!tpu.dma_semaphore, #tpu.memory_space<semaphore_mem>>) src(%dma_wait3A_46 : memref<80x144xf32, #tpu.memory_space<hbm>>) dst(%arg10 : memref<80x144xf32, #tpu.memory_space<vmem>>)
      tpu.yield
    }) : () -> ()
    "tpu.region"() ({
      %run_scoped3A = tpu.sem_alloc : memref<!tpu.dma_semaphore, #tpu.memory_space<semaphore_mem>>
      %dma_start3A = arith.constant 0 : i32
      %dma_start3A_41 = tpu.memref_slice %arg11[%add3A_16, %dma_start3A] : memref<10240x144xf32, #tpu.memory_space<vmem_shared>> -> memref<80x144xf32, #tpu.memory_space<vmem_shared>>
      %dma_start3A_42 = arith.constant 0 : i32
      %dma_start3A_43 = tpu.memref_slice %arg11[%add3A_16, %dma_start3A_42] : memref<10240x144xf32, #tpu.memory_space<vmem_shared>> -> memref<80x144xf32, #tpu.memory_space<vmem_shared>>
      tpu.enqueue_dma source(%arg10 : memref<80x144xf32, #tpu.memory_space<vmem>>) target(%dma_start3A_43 : memref<80x144xf32, #tpu.memory_space<vmem_shared>>) target_semaphore(%run_scoped3A : memref<!tpu.dma_semaphore, #tpu.memory_space<semaphore_mem>>)
      %dma_wait3A = arith.constant 0 : i32
      %dma_wait3A_44 = tpu.memref_slice %arg11[%add3A_16, %dma_wait3A] : memref<10240x144xf32, #tpu.memory_space<vmem_shared>> -> memref<80x144xf32, #tpu.memory_space<vmem_shared>>
      %dma_wait3A_45 = arith.constant 0 : i32
      %dma_wait3A_46 = tpu.memref_slice %arg11[%add3A_16, %dma_wait3A_45] : memref<10240x144xf32, #tpu.memory_space<vmem_shared>> -> memref<80x144xf32, #tpu.memory_space<vmem_shared>>
      tpu.wait_dma2 semaphore(%run_scoped3A : memref<!tpu.dma_semaphore, #tpu.memory_space<semaphore_mem>>) src(%arg10 : memref<80x144xf32, #tpu.memory_space<vmem>>) dst(%dma_wait3A_46 : memref<80x144xf32, #tpu.memory_space<vmem_shared>>)
      tpu.yield
    }) : () -> ()
    %add3A_17 = arith.constant 560 : i32
    %add3A_18 = arith.addi %mul3A_2, %add3A_17 : i32
    "tpu.region"() ({
      %run_scoped3A = tpu.sem_alloc : memref<!tpu.dma_semaphore, #tpu.memory_space<semaphore_mem>>
      %dma_start3A = arith.constant 0 : i32
      %dma_start3A_41 = tpu.memref_slice %arg5[%add3A_18, %dma_start3A] : memref<10240x144xf32, #tpu.memory_space<hbm>> -> memref<80x144xf32, #tpu.memory_space<hbm>>
      %dma_start3A_42 = arith.constant 0 : i32
      %dma_start3A_43 = tpu.memref_slice %arg5[%add3A_18, %dma_start3A_42] : memref<10240x144xf32, #tpu.memory_space<hbm>> -> memref<80x144xf32, #tpu.memory_space<hbm>>
      tpu.enqueue_dma source(%dma_start3A_43 : memref<80x144xf32, #tpu.memory_space<hbm>>) target(%arg10 : memref<80x144xf32, #tpu.memory_space<vmem>>) target_semaphore(%run_scoped3A : memref<!tpu.dma_semaphore, #tpu.memory_space<semaphore_mem>>)
      %dma_wait3A = arith.constant 0 : i32
      %dma_wait3A_44 = tpu.memref_slice %arg5[%add3A_18, %dma_wait3A] : memref<10240x144xf32, #tpu.memory_space<hbm>> -> memref<80x144xf32, #tpu.memory_space<hbm>>
      %dma_wait3A_45 = arith.constant 0 : i32
      %dma_wait3A_46 = tpu.memref_slice %arg5[%add3A_18, %dma_wait3A_45] : memref<10240x144xf32, #tpu.memory_space<hbm>> -> memref<80x144xf32, #tpu.memory_space<hbm>>
      tpu.wait_dma2 semaphore(%run_scoped3A : memref<!tpu.dma_semaphore, #tpu.memory_space<semaphore_mem>>) src(%dma_wait3A_46 : memref<80x144xf32, #tpu.memory_space<hbm>>) dst(%arg10 : memref<80x144xf32, #tpu.memory_space<vmem>>)
      tpu.yield
    }) : () -> ()
    "tpu.region"() ({
      %run_scoped3A = tpu.sem_alloc : memref<!tpu.dma_semaphore, #tpu.memory_space<semaphore_mem>>
      %dma_start3A = arith.constant 0 : i32
      %dma_start3A_41 = tpu.memref_slice %arg11[%add3A_18, %dma_start3A] : memref<10240x144xf32, #tpu.memory_space<vmem_shared>> -> memref<80x144xf32, #tpu.memory_space<vmem_shared>>
      %dma_start3A_42 = arith.constant 0 : i32
      %dma_start3A_43 = tpu.memref_slice %arg11[%add3A_18, %dma_start3A_42] : memref<10240x144xf32, #tpu.memory_space<vmem_shared>> -> memref<80x144xf32, #tpu.memory_space<vmem_shared>>
      tpu.enqueue_dma source(%arg10 : memref<80x144xf32, #tpu.memory_space<vmem>>) target(%dma_start3A_43 : memref<80x144xf32, #tpu.memory_space<vmem_shared>>) target_semaphore(%run_scoped3A : memref<!tpu.dma_semaphore, #tpu.memory_space<semaphore_mem>>)
      %dma_wait3A = arith.constant 0 : i32
      %dma_wait3A_44 = tpu.memref_slice %arg11[%add3A_18, %dma_wait3A] : memref<10240x144xf32, #tpu.memory_space<vmem_shared>> -> memref<80x144xf32, #tpu.memory_space<vmem_shared>>
      %dma_wait3A_45 = arith.constant 0 : i32
      %dma_wait3A_46 = tpu.memref_slice %arg11[%add3A_18, %dma_wait3A_45] : memref<10240x144xf32, #tpu.memory_space<vmem_shared>> -> memref<80x144xf32, #tpu.memory_space<vmem_shared>>
      tpu.wait_dma2 semaphore(%run_scoped3A : memref<!tpu.dma_semaphore, #tpu.memory_space<semaphore_mem>>) src(%arg10 : memref<80x144xf32, #tpu.memory_space<vmem>>) dst(%dma_wait3A_46 : memref<80x144xf32, #tpu.memory_space<vmem_shared>>)
      tpu.yield
    }) : () -> ()
    %barrier3A = arith.constant 0 : index
    tpu.barrier barrier_id(%barrier3A)
    %scan3A = arith.constant 0 : i32
    %scan3A_19 = arith.constant 0 : i32
    %scan3A_20 = arith.constant 9 : i32
    %scan3A_21 = arith.addi %scan3A_19, %scan3A_20 : i32
    %scan3A_22 = arith.constant 1 : i32
    scf.for %scan3A_41 = %scan3A_19 to %scan3A_21 step %scan3A_22  : i32 {
      %mul3A_42 = arith.constant 8 : i32
      %mul3A_43 = arith.muli %scan3A_41, %mul3A_42 : i32
      "tpu.region"() ({
        %run_scoped3A_61 = tpu.sem_alloc : memref<!tpu.dma_semaphore, #tpu.memory_space<semaphore_mem>>
        %dma_start3A = arith.constant 0 : i32
        %dma_start3A_62 = tpu.memref_slice %arg3[%add3A, %mul3A_43, %dma_start3A] : memref<32x79x128xi32, #tpu.memory_space<hbm>> -> memref<1x8x128xi32, #tpu.memory_space<hbm>>
        %dma_start3A_63 = tpu.memref_squeeze %dma_start3A_62 : memref<1x8x128xi32, #tpu.memory_space<hbm>> -> memref<8x128xi32, #tpu.memory_space<hbm>>
        %dma_start3A_64 = arith.constant 0 : i32
        %dma_start3A_65 = tpu.memref_slice %arg3[%add3A, %mul3A_43, %dma_start3A_64] : memref<32x79x128xi32, #tpu.memory_space<hbm>> -> memref<1x8x128xi32, #tpu.memory_space<hbm>>
        %dma_start3A_66 = tpu.memref_squeeze %dma_start3A_65 : memref<1x8x128xi32, #tpu.memory_space<hbm>> -> memref<8x128xi32, #tpu.memory_space<hbm>>
        tpu.enqueue_dma source(%dma_start3A_66 : memref<8x128xi32, #tpu.memory_space<hbm>>) target(%arg7 : memref<8x128xi32, #tpu.memory_space<vmem>>) target_semaphore(%run_scoped3A_61 : memref<!tpu.dma_semaphore, #tpu.memory_space<semaphore_mem>>)
        %dma_wait3A = arith.constant 0 : i32
        %dma_wait3A_67 = tpu.memref_slice %arg3[%add3A, %mul3A_43, %dma_wait3A] : memref<32x79x128xi32, #tpu.memory_space<hbm>> -> memref<1x8x128xi32, #tpu.memory_space<hbm>>
        %dma_wait3A_68 = tpu.memref_squeeze %dma_wait3A_67 : memref<1x8x128xi32, #tpu.memory_space<hbm>> -> memref<8x128xi32, #tpu.memory_space<hbm>>
        %dma_wait3A_69 = arith.constant 0 : i32
        %dma_wait3A_70 = tpu.memref_slice %arg3[%add3A, %mul3A_43, %dma_wait3A_69] : memref<32x79x128xi32, #tpu.memory_space<hbm>> -> memref<1x8x128xi32, #tpu.memory_space<hbm>>
        %dma_wait3A_71 = tpu.memref_squeeze %dma_wait3A_70 : memref<1x8x128xi32, #tpu.memory_space<hbm>> -> memref<8x128xi32, #tpu.memory_space<hbm>>
        tpu.wait_dma2 semaphore(%run_scoped3A_61 : memref<!tpu.dma_semaphore, #tpu.memory_space<semaphore_mem>>) src(%dma_wait3A_71 : memref<8x128xi32, #tpu.memory_space<hbm>>) dst(%arg7 : memref<8x128xi32, #tpu.memory_space<vmem>>)
        tpu.yield
      }) : () -> ()
      %mul3A_44 = arith.constant 8 : i32
      %mul3A_45 = arith.muli %scan3A_41, %mul3A_44 : i32
      "tpu.region"() ({
        %run_scoped3A_61 = tpu.sem_alloc : memref<!tpu.dma_semaphore, #tpu.memory_space<semaphore_mem>>
        %dma_start3A = arith.constant 0 : i32
        %dma_start3A_62 = tpu.memref_slice %arg4[%add3A, %mul3A_45, %dma_start3A] : memref<32x79x128xi32, #tpu.memory_space<hbm>> -> memref<1x8x128xi32, #tpu.memory_space<hbm>>
        %dma_start3A_63 = tpu.memref_squeeze %dma_start3A_62 : memref<1x8x128xi32, #tpu.memory_space<hbm>> -> memref<8x128xi32, #tpu.memory_space<hbm>>
        %dma_start3A_64 = arith.constant 0 : i32
        %dma_start3A_65 = tpu.memref_slice %arg4[%add3A, %mul3A_45, %dma_start3A_64] : memref<32x79x128xi32, #tpu.memory_space<hbm>> -> memref<1x8x128xi32, #tpu.memory_space<hbm>>
        %dma_start3A_66 = tpu.memref_squeeze %dma_start3A_65 : memref<1x8x128xi32, #tpu.memory_space<hbm>> -> memref<8x128xi32, #tpu.memory_space<hbm>>
        tpu.enqueue_dma source(%dma_start3A_66 : memref<8x128xi32, #tpu.memory_space<hbm>>) target(%arg8 : memref<8x128xi32, #tpu.memory_space<vmem>>) target_semaphore(%run_scoped3A_61 : memref<!tpu.dma_semaphore, #tpu.memory_space<semaphore_mem>>)
        %dma_wait3A = arith.constant 0 : i32
        %dma_wait3A_67 = tpu.memref_slice %arg4[%add3A, %mul3A_45, %dma_wait3A] : memref<32x79x128xi32, #tpu.memory_space<hbm>> -> memref<1x8x128xi32, #tpu.memory_space<hbm>>
        %dma_wait3A_68 = tpu.memref_squeeze %dma_wait3A_67 : memref<1x8x128xi32, #tpu.memory_space<hbm>> -> memref<8x128xi32, #tpu.memory_space<hbm>>
        %dma_wait3A_69 = arith.constant 0 : i32
        %dma_wait3A_70 = tpu.memref_slice %arg4[%add3A, %mul3A_45, %dma_wait3A_69] : memref<32x79x128xi32, #tpu.memory_space<hbm>> -> memref<1x8x128xi32, #tpu.memory_space<hbm>>
        %dma_wait3A_71 = tpu.memref_squeeze %dma_wait3A_70 : memref<1x8x128xi32, #tpu.memory_space<hbm>> -> memref<8x128xi32, #tpu.memory_space<hbm>>
        tpu.wait_dma2 semaphore(%run_scoped3A_61 : memref<!tpu.dma_semaphore, #tpu.memory_space<semaphore_mem>>) src(%dma_wait3A_71 : memref<8x128xi32, #tpu.memory_space<hbm>>) dst(%arg8 : memref<8x128xi32, #tpu.memory_space<vmem>>)
        tpu.yield
      }) : () -> ()
      %run_scoped3A = arith.constant 0 : i32
      "tpu.region"() ({
        %run_scoped3A_61 = tpu.sem_alloc : memref<!tpu.dma_semaphore, #tpu.memory_space<semaphore_mem>>
        %dma_start3A = arith.constant 0 : i32
        %dma_start3A_62 = tpu.memref_slice %arg7[%run_scoped3A, %dma_start3A] : memref<8x128xi32, #tpu.memory_space<vmem>> -> memref<1x128xi32, #tpu.memory_space<vmem>>
        %dma_start3A_63 = tpu.memref_squeeze %dma_start3A_62 : memref<1x128xi32, #tpu.memory_space<vmem>> -> memref<128xi32, #tpu.memory_space<vmem>>
        %dma_start3A_64 = arith.constant 0 : i32
        %dma_start3A_65 = arith.constant 0 : i32
        %dma_start3A_66 = tpu.memref_slice %arg2[%dma_start3A_64, %dma_start3A_65] : memref<10240x144xf32, #tpu.memory_space<hbm>> -> memref<10240x144xf32, #tpu.memory_space<hbm>>
        tpu.enqueue_indirect_dma source(%dma_start3A_66 : memref<10240x144xf32, #tpu.memory_space<hbm>>) target(%arg9 : memref<128x144xf32, #tpu.memory_space<vmem>>) offsets(%dma_start3A_63 : memref<128xi32, #tpu.memory_space<vmem>>) semaphore(%run_scoped3A_61 : memref<!tpu.dma_semaphore, #tpu.memory_space<semaphore_mem>>)
        %dma_wait3A = arith.constant 0 : i32
        %dma_wait3A_67 = tpu.memref_slice %arg7[%run_scoped3A, %dma_wait3A] : memref<8x128xi32, #tpu.memory_space<vmem>> -> memref<1x128xi32, #tpu.memory_space<vmem>>
        %dma_wait3A_68 = tpu.memref_squeeze %dma_wait3A_67 : memref<1x128xi32, #tpu.memory_space<vmem>> -> memref<128xi32, #tpu.memory_space<vmem>>
        %dma_wait3A_69 = arith.constant 0 : i32
        %dma_wait3A_70 = arith.constant 0 : i32
        %dma_wait3A_71 = tpu.memref_slice %arg2[%dma_wait3A_69, %dma_wait3A_70] : memref<10240x144xf32, #tpu.memory_space<hbm>> -> memref<10240x144xf32, #tpu.memory_space<hbm>>
        tpu.wait_indirect_dma semaphore(%run_scoped3A_61 : memref<!tpu.dma_semaphore, #tpu.memory_space<semaphore_mem>>) src(%dma_wait3A_71 : memref<10240x144xf32, #tpu.memory_space<hbm>>) dst(%arg9 : memref<128x144xf32, #tpu.memory_space<vmem>>)
        tpu.yield
      }) : () -> ()
      %run_scoped3A_46 = arith.constant 0 : i32
      "tpu.region"() ({
        %run_scoped3A_61 = tpu.sem_alloc : memref<!tpu.dma_semaphore, #tpu.memory_space<semaphore_mem>>
        %dma_start3A = arith.constant 0 : i32
        %dma_start3A_62 = tpu.memref_slice %arg8[%run_scoped3A_46, %dma_start3A] : memref<8x128xi32, #tpu.memory_space<vmem>> -> memref<1x128xi32, #tpu.memory_space<vmem>>
        %dma_start3A_63 = tpu.memref_squeeze %dma_start3A_62 : memref<1x128xi32, #tpu.memory_space<vmem>> -> memref<128xi32, #tpu.memory_space<vmem>>
        %dma_start3A_64 = arith.constant 0 : i32
        %dma_start3A_65 = arith.constant 0 : i32
        %dma_start3A_66 = tpu.memref_slice %arg11[%dma_start3A_64, %dma_start3A_65] : memref<10240x144xf32, #tpu.memory_space<vmem_shared>> -> memref<10240x144xf32, #tpu.memory_space<vmem_shared>>
        tpu.enqueue_indirect_dma source(%arg9 : memref<128x144xf32, #tpu.memory_space<vmem>>) target(%dma_start3A_66 : memref<10240x144xf32, #tpu.memory_space<vmem_shared>>) offsets(%dma_start3A_63 : memref<128xi32, #tpu.memory_space<vmem>>) semaphore(%run_scoped3A_61 : memref<!tpu.dma_semaphore, #tpu.memory_space<semaphore_mem>>) {add = true}
        %dma_wait3A = arith.constant 0 : i32
        %dma_wait3A_67 = tpu.memref_slice %arg8[%run_scoped3A_46, %dma_wait3A] : memref<8x128xi32, #tpu.memory_space<vmem>> -> memref<1x128xi32, #tpu.memory_space<vmem>>
        %dma_wait3A_68 = tpu.memref_squeeze %dma_wait3A_67 : memref<1x128xi32, #tpu.memory_space<vmem>> -> memref<128xi32, #tpu.memory_space<vmem>>
        %dma_wait3A_69 = arith.constant 0 : i32
        %dma_wait3A_70 = arith.constant 0 : i32
        %dma_wait3A_71 = tpu.memref_slice %arg11[%dma_wait3A_69, %dma_wait3A_70] : memref<10240x144xf32, #tpu.memory_space<vmem_shared>> -> memref<10240x144xf32, #tpu.memory_space<vmem_shared>>
        tpu.wait_indirect_dma semaphore(%run_scoped3A_61 : memref<!tpu.dma_semaphore, #tpu.memory_space<semaphore_mem>>) src(%arg9 : memref<128x144xf32, #tpu.memory_space<vmem>>) dst(%dma_wait3A_71 : memref<10240x144xf32, #tpu.memory_space<vmem_shared>>)
        tpu.yield
      }) : () -> ()
      %run_scoped3A_47 = arith.constant 1 : i32
      "tpu.region"() ({
        %run_scoped3A_61 = tpu.sem_alloc : memref<!tpu.dma_semaphore, #tpu.memory_space<semaphore_mem>>
        %dma_start3A = arith.constant 0 : i32
        %dma_start3A_62 = tpu.memref_slice %arg7[%run_scoped3A_47, %dma_start3A] : memref<8x128xi32, #tpu.memory_space<vmem>> -> memref<1x128xi32, #tpu.memory_space<vmem>>
        %dma_start3A_63 = tpu.memref_squeeze %dma_start3A_62 : memref<1x128xi32, #tpu.memory_space<vmem>> -> memref<128xi32, #tpu.memory_space<vmem>>
        %dma_start3A_64 = arith.constant 0 : i32
        %dma_start3A_65 = arith.constant 0 : i32
        %dma_start3A_66 = tpu.memref_slice %arg2[%dma_start3A_64, %dma_start3A_65] : memref<10240x144xf32, #tpu.memory_space<hbm>> -> memref<10240x144xf32, #tpu.memory_space<hbm>>
        tpu.enqueue_indirect_dma source(%dma_start3A_66 : memref<10240x144xf32, #tpu.memory_space<hbm>>) target(%arg9 : memref<128x144xf32, #tpu.memory_space<vmem>>) offsets(%dma_start3A_63 : memref<128xi32, #tpu.memory_space<vmem>>) semaphore(%run_scoped3A_61 : memref<!tpu.dma_semaphore, #tpu.memory_space<semaphore_mem>>)
        %dma_wait3A = arith.constant 0 : i32
        %dma_wait3A_67 = tpu.memref_slice %arg7[%run_scoped3A_47, %dma_wait3A] : memref<8x128xi32, #tpu.memory_space<vmem>> -> memref<1x128xi32, #tpu.memory_space<vmem>>
        %dma_wait3A_68 = tpu.memref_squeeze %dma_wait3A_67 : memref<1x128xi32, #tpu.memory_space<vmem>> -> memref<128xi32, #tpu.memory_space<vmem>>
        %dma_wait3A_69 = arith.constant 0 : i32
        %dma_wait3A_70 = arith.constant 0 : i32
        %dma_wait3A_71 = tpu.memref_slice %arg2[%dma_wait3A_69, %dma_wait3A_70] : memref<10240x144xf32, #tpu.memory_space<hbm>> -> memref<10240x144xf32, #tpu.memory_space<hbm>>
        tpu.wait_indirect_dma semaphore(%run_scoped3A_61 : memref<!tpu.dma_semaphore, #tpu.memory_space<semaphore_mem>>) src(%dma_wait3A_71 : memref<10240x144xf32, #tpu.memory_space<hbm>>) dst(%arg9 : memref<128x144xf32, #tpu.memory_space<vmem>>)
        tpu.yield
      }) : () -> ()
      %run_scoped3A_48 = arith.constant 1 : i32
      "tpu.region"() ({
        %run_scoped3A_61 = tpu.sem_alloc : memref<!tpu.dma_semaphore, #tpu.memory_space<semaphore_mem>>
        %dma_start3A = arith.constant 0 : i32
        %dma_start3A_62 = tpu.memref_slice %arg8[%run_scoped3A_48, %dma_start3A] : memref<8x128xi32, #tpu.memory_space<vmem>> -> memref<1x128xi32, #tpu.memory_space<vmem>>
        %dma_start3A_63 = tpu.memref_squeeze %dma_start3A_62 : memref<1x128xi32, #tpu.memory_space<vmem>> -> memref<128xi32, #tpu.memory_space<vmem>>
        %dma_start3A_64 = arith.constant 0 : i32
        %dma_start3A_65 = arith.constant 0 : i32
        %dma_start3A_66 = tpu.memref_slice %arg11[%dma_start3A_64, %dma_start3A_65] : memref<10240x144xf32, #tpu.memory_space<vmem_shared>> -> memref<10240x144xf32, #tpu.memory_space<vmem_shared>>
        tpu.enqueue_indirect_dma source(%arg9 : memref<128x144xf32, #tpu.memory_space<vmem>>) target(%dma_start3A_66 : memref<10240x144xf32, #tpu.memory_space<vmem_shared>>) offsets(%dma_start3A_63 : memref<128xi32, #tpu.memory_space<vmem>>) semaphore(%run_scoped3A_61 : memref<!tpu.dma_semaphore, #tpu.memory_space<semaphore_mem>>) {add = true}
        %dma_wait3A = arith.constant 0 : i32
        %dma_wait3A_67 = tpu.memref_slice %arg8[%run_scoped3A_48, %dma_wait3A] : memref<8x128xi32, #tpu.memory_space<vmem>> -> memref<1x128xi32, #tpu.memory_space<vmem>>
        %dma_wait3A_68 = tpu.memref_squeeze %dma_wait3A_67 : memref<1x128xi32, #tpu.memory_space<vmem>> -> memref<128xi32, #tpu.memory_space<vmem>>
        %dma_wait3A_69 = arith.constant 0 : i32
        %dma_wait3A_70 = arith.constant 0 : i32
        %dma_wait3A_71 = tpu.memref_slice %arg11[%dma_wait3A_69, %dma_wait3A_70] : memref<10240x144xf32, #tpu.memory_space<vmem_shared>> -> memref<10240x144xf32, #tpu.memory_space<vmem_shared>>
        tpu.wait_indirect_dma semaphore(%run_scoped3A_61 : memref<!tpu.dma_semaphore, #tpu.memory_space<semaphore_mem>>) src(%arg9 : memref<128x144xf32, #tpu.memory_space<vmem>>) dst(%dma_wait3A_71 : memref<10240x144xf32, #tpu.memory_space<vmem_shared>>)
        tpu.yield
      }) : () -> ()
      %run_scoped3A_49 = arith.constant 2 : i32
      "tpu.region"() ({
        %run_scoped3A_61 = tpu.sem_alloc : memref<!tpu.dma_semaphore, #tpu.memory_space<semaphore_mem>>
        %dma_start3A = arith.constant 0 : i32
        %dma_start3A_62 = tpu.memref_slice %arg7[%run_scoped3A_49, %dma_start3A] : memref<8x128xi32, #tpu.memory_space<vmem>> -> memref<1x128xi32, #tpu.memory_space<vmem>>
        %dma_start3A_63 = tpu.memref_squeeze %dma_start3A_62 : memref<1x128xi32, #tpu.memory_space<vmem>> -> memref<128xi32, #tpu.memory_space<vmem>>
        %dma_start3A_64 = arith.constant 0 : i32
        %dma_start3A_65 = arith.constant 0 : i32
        %dma_start3A_66 = tpu.memref_slice %arg2[%dma_start3A_64, %dma_start3A_65] : memref<10240x144xf32, #tpu.memory_space<hbm>> -> memref<10240x144xf32, #tpu.memory_space<hbm>>
        tpu.enqueue_indirect_dma source(%dma_start3A_66 : memref<10240x144xf32, #tpu.memory_space<hbm>>) target(%arg9 : memref<128x144xf32, #tpu.memory_space<vmem>>) offsets(%dma_start3A_63 : memref<128xi32, #tpu.memory_space<vmem>>) semaphore(%run_scoped3A_61 : memref<!tpu.dma_semaphore, #tpu.memory_space<semaphore_mem>>)
        %dma_wait3A = arith.constant 0 : i32
        %dma_wait3A_67 = tpu.memref_slice %arg7[%run_scoped3A_49, %dma_wait3A] : memref<8x128xi32, #tpu.memory_space<vmem>> -> memref<1x128xi32, #tpu.memory_space<vmem>>
        %dma_wait3A_68 = tpu.memref_squeeze %dma_wait3A_67 : memref<1x128xi32, #tpu.memory_space<vmem>> -> memref<128xi32, #tpu.memory_space<vmem>>
        %dma_wait3A_69 = arith.constant 0 : i32
        %dma_wait3A_70 = arith.constant 0 : i32
        %dma_wait3A_71 = tpu.memref_slice %arg2[%dma_wait3A_69, %dma_wait3A_70] : memref<10240x144xf32, #tpu.memory_space<hbm>> -> memref<10240x144xf32, #tpu.memory_space<hbm>>
        tpu.wait_indirect_dma semaphore(%run_scoped3A_61 : memref<!tpu.dma_semaphore, #tpu.memory_space<semaphore_mem>>) src(%dma_wait3A_71 : memref<10240x144xf32, #tpu.memory_space<hbm>>) dst(%arg9 : memref<128x144xf32, #tpu.memory_space<vmem>>)
        tpu.yield
      }) : () -> ()
      %run_scoped3A_50 = arith.constant 2 : i32
      "tpu.region"() ({
        %run_scoped3A_61 = tpu.sem_alloc : memref<!tpu.dma_semaphore, #tpu.memory_space<semaphore_mem>>
        %dma_start3A = arith.constant 0 : i32
        %dma_start3A_62 = tpu.memref_slice %arg8[%run_scoped3A_50, %dma_start3A] : memref<8x128xi32, #tpu.memory_space<vmem>> -> memref<1x128xi32, #tpu.memory_space<vmem>>
        %dma_start3A_63 = tpu.memref_squeeze %dma_start3A_62 : memref<1x128xi32, #tpu.memory_space<vmem>> -> memref<128xi32, #tpu.memory_space<vmem>>
        %dma_start3A_64 = arith.constant 0 : i32
        %dma_start3A_65 = arith.constant 0 : i32
        %dma_start3A_66 = tpu.memref_slice %arg11[%dma_start3A_64, %dma_start3A_65] : memref<10240x144xf32, #tpu.memory_space<vmem_shared>> -> memref<10240x144xf32, #tpu.memory_space<vmem_shared>>
        tpu.enqueue_indirect_dma source(%arg9 : memref<128x144xf32, #tpu.memory_space<vmem>>) target(%dma_start3A_66 : memref<10240x144xf32, #tpu.memory_space<vmem_shared>>) offsets(%dma_start3A_63 : memref<128xi32, #tpu.memory_space<vmem>>) semaphore(%run_scoped3A_61 : memref<!tpu.dma_semaphore, #tpu.memory_space<semaphore_mem>>) {add = true}
        %dma_wait3A = arith.constant 0 : i32
        %dma_wait3A_67 = tpu.memref_slice %arg8[%run_scoped3A_50, %dma_wait3A] : memref<8x128xi32, #tpu.memory_space<vmem>> -> memref<1x128xi32, #tpu.memory_space<vmem>>
        %dma_wait3A_68 = tpu.memref_squeeze %dma_wait3A_67 : memref<1x128xi32, #tpu.memory_space<vmem>> -> memref<128xi32, #tpu.memory_space<vmem>>
        %dma_wait3A_69 = arith.constant 0 : i32
        %dma_wait3A_70 = arith.constant 0 : i32
        %dma_wait3A_71 = tpu.memref_slice %arg11[%dma_wait3A_69, %dma_wait3A_70] : memref<10240x144xf32, #tpu.memory_space<vmem_shared>> -> memref<10240x144xf32, #tpu.memory_space<vmem_shared>>
        tpu.wait_indirect_dma semaphore(%run_scoped3A_61 : memref<!tpu.dma_semaphore, #tpu.memory_space<semaphore_mem>>) src(%arg9 : memref<128x144xf32, #tpu.memory_space<vmem>>) dst(%dma_wait3A_71 : memref<10240x144xf32, #tpu.memory_space<vmem_shared>>)
        tpu.yield
      }) : () -> ()
      %run_scoped3A_51 = arith.constant 3 : i32
      "tpu.region"() ({
        %run_scoped3A_61 = tpu.sem_alloc : memref<!tpu.dma_semaphore, #tpu.memory_space<semaphore_mem>>
        %dma_start3A = arith.constant 0 : i32
        %dma_start3A_62 = tpu.memref_slice %arg7[%run_scoped3A_51, %dma_start3A] : memref<8x128xi32, #tpu.memory_space<vmem>> -> memref<1x128xi32, #tpu.memory_space<vmem>>
        %dma_start3A_63 = tpu.memref_squeeze %dma_start3A_62 : memref<1x128xi32, #tpu.memory_space<vmem>> -> memref<128xi32, #tpu.memory_space<vmem>>
        %dma_start3A_64 = arith.constant 0 : i32
        %dma_start3A_65 = arith.constant 0 : i32
        %dma_start3A_66 = tpu.memref_slice %arg2[%dma_start3A_64, %dma_start3A_65] : memref<10240x144xf32, #tpu.memory_space<hbm>> -> memref<10240x144xf32, #tpu.memory_space<hbm>>
        tpu.enqueue_indirect_dma source(%dma_start3A_66 : memref<10240x144xf32, #tpu.memory_space<hbm>>) target(%arg9 : memref<128x144xf32, #tpu.memory_space<vmem>>) offsets(%dma_start3A_63 : memref<128xi32, #tpu.memory_space<vmem>>) semaphore(%run_scoped3A_61 : memref<!tpu.dma_semaphore, #tpu.memory_space<semaphore_mem>>)
        %dma_wait3A = arith.constant 0 : i32
        %dma_wait3A_67 = tpu.memref_slice %arg7[%run_scoped3A_51, %dma_wait3A] : memref<8x128xi32, #tpu.memory_space<vmem>> -> memref<1x128xi32, #tpu.memory_space<vmem>>
        %dma_wait3A_68 = tpu.memref_squeeze %dma_wait3A_67 : memref<1x128xi32, #tpu.memory_space<vmem>> -> memref<128xi32, #tpu.memory_space<vmem>>
        %dma_wait3A_69 = arith.constant 0 : i32
        %dma_wait3A_70 = arith.constant 0 : i32
        %dma_wait3A_71 = tpu.memref_slice %arg2[%dma_wait3A_69, %dma_wait3A_70] : memref<10240x144xf32, #tpu.memory_space<hbm>> -> memref<10240x144xf32, #tpu.memory_space<hbm>>
        tpu.wait_indirect_dma semaphore(%run_scoped3A_61 : memref<!tpu.dma_semaphore, #tpu.memory_space<semaphore_mem>>) src(%dma_wait3A_71 : memref<10240x144xf32, #tpu.memory_space<hbm>>) dst(%arg9 : memref<128x144xf32, #tpu.memory_space<vmem>>)
        tpu.yield
      }) : () -> ()
      %run_scoped3A_52 = arith.constant 3 : i32
      "tpu.region"() ({
        %run_scoped3A_61 = tpu.sem_alloc : memref<!tpu.dma_semaphore, #tpu.memory_space<semaphore_mem>>
        %dma_start3A = arith.constant 0 : i32
        %dma_start3A_62 = tpu.memref_slice %arg8[%run_scoped3A_52, %dma_start3A] : memref<8x128xi32, #tpu.memory_space<vmem>> -> memref<1x128xi32, #tpu.memory_space<vmem>>
        %dma_start3A_63 = tpu.memref_squeeze %dma_start3A_62 : memref<1x128xi32, #tpu.memory_space<vmem>> -> memref<128xi32, #tpu.memory_space<vmem>>
        %dma_start3A_64 = arith.constant 0 : i32
        %dma_start3A_65 = arith.constant 0 : i32
        %dma_start3A_66 = tpu.memref_slice %arg11[%dma_start3A_64, %dma_start3A_65] : memref<10240x144xf32, #tpu.memory_space<vmem_shared>> -> memref<10240x144xf32, #tpu.memory_space<vmem_shared>>
        tpu.enqueue_indirect_dma source(%arg9 : memref<128x144xf32, #tpu.memory_space<vmem>>) target(%dma_start3A_66 : memref<10240x144xf32, #tpu.memory_space<vmem_shared>>) offsets(%dma_start3A_63 : memref<128xi32, #tpu.memory_space<vmem>>) semaphore(%run_scoped3A_61 : memref<!tpu.dma_semaphore, #tpu.memory_space<semaphore_mem>>) {add = true}
        %dma_wait3A = arith.constant 0 : i32
        %dma_wait3A_67 = tpu.memref_slice %arg8[%run_scoped3A_52, %dma_wait3A] : memref<8x128xi32, #tpu.memory_space<vmem>> -> memref<1x128xi32, #tpu.memory_space<vmem>>
        %dma_wait3A_68 = tpu.memref_squeeze %dma_wait3A_67 : memref<1x128xi32, #tpu.memory_space<vmem>> -> memref<128xi32, #tpu.memory_space<vmem>>
        %dma_wait3A_69 = arith.constant 0 : i32
        %dma_wait3A_70 = arith.constant 0 : i32
        %dma_wait3A_71 = tpu.memref_slice %arg11[%dma_wait3A_69, %dma_wait3A_70] : memref<10240x144xf32, #tpu.memory_space<vmem_shared>> -> memref<10240x144xf32, #tpu.memory_space<vmem_shared>>
        tpu.wait_indirect_dma semaphore(%run_scoped3A_61 : memref<!tpu.dma_semaphore, #tpu.memory_space<semaphore_mem>>) src(%arg9 : memref<128x144xf32, #tpu.memory_space<vmem>>) dst(%dma_wait3A_71 : memref<10240x144xf32, #tpu.memory_space<vmem_shared>>)
        tpu.yield
      }) : () -> ()
      %run_scoped3A_53 = arith.constant 4 : i32
      "tpu.region"() ({
        %run_scoped3A_61 = tpu.sem_alloc : memref<!tpu.dma_semaphore, #tpu.memory_space<semaphore_mem>>
        %dma_start3A = arith.constant 0 : i32
        %dma_start3A_62 = tpu.memref_slice %arg7[%run_scoped3A_53, %dma_start3A] : memref<8x128xi32, #tpu.memory_space<vmem>> -> memref<1x128xi32, #tpu.memory_space<vmem>>
        %dma_start3A_63 = tpu.memref_squeeze %dma_start3A_62 : memref<1x128xi32, #tpu.memory_space<vmem>> -> memref<128xi32, #tpu.memory_space<vmem>>
        %dma_start3A_64 = arith.constant 0 : i32
        %dma_start3A_65 = arith.constant 0 : i32
        %dma_start3A_66 = tpu.memref_slice %arg2[%dma_start3A_64, %dma_start3A_65] : memref<10240x144xf32, #tpu.memory_space<hbm>> -> memref<10240x144xf32, #tpu.memory_space<hbm>>
        tpu.enqueue_indirect_dma source(%dma_start3A_66 : memref<10240x144xf32, #tpu.memory_space<hbm>>) target(%arg9 : memref<128x144xf32, #tpu.memory_space<vmem>>) offsets(%dma_start3A_63 : memref<128xi32, #tpu.memory_space<vmem>>) semaphore(%run_scoped3A_61 : memref<!tpu.dma_semaphore, #tpu.memory_space<semaphore_mem>>)
        %dma_wait3A = arith.constant 0 : i32
        %dma_wait3A_67 = tpu.memref_slice %arg7[%run_scoped3A_53, %dma_wait3A] : memref<8x128xi32, #tpu.memory_space<vmem>> -> memref<1x128xi32, #tpu.memory_space<vmem>>
        %dma_wait3A_68 = tpu.memref_squeeze %dma_wait3A_67 : memref<1x128xi32, #tpu.memory_space<vmem>> -> memref<128xi32, #tpu.memory_space<vmem>>
        %dma_wait3A_69 = arith.constant 0 : i32
        %dma_wait3A_70 = arith.constant 0 : i32
        %dma_wait3A_71 = tpu.memref_slice %arg2[%dma_wait3A_69, %dma_wait3A_70] : memref<10240x144xf32, #tpu.memory_space<hbm>> -> memref<10240x144xf32, #tpu.memory_space<hbm>>
        tpu.wait_indirect_dma semaphore(%run_scoped3A_61 : memref<!tpu.dma_semaphore, #tpu.memory_space<semaphore_mem>>) src(%dma_wait3A_71 : memref<10240x144xf32, #tpu.memory_space<hbm>>) dst(%arg9 : memref<128x144xf32, #tpu.memory_space<vmem>>)
        tpu.yield
      }) : () -> ()
      %run_scoped3A_54 = arith.constant 4 : i32
      "tpu.region"() ({
        %run_scoped3A_61 = tpu.sem_alloc : memref<!tpu.dma_semaphore, #tpu.memory_space<semaphore_mem>>
        %dma_start3A = arith.constant 0 : i32
        %dma_start3A_62 = tpu.memref_slice %arg8[%run_scoped3A_54, %dma_start3A] : memref<8x128xi32, #tpu.memory_space<vmem>> -> memref<1x128xi32, #tpu.memory_space<vmem>>
        %dma_start3A_63 = tpu.memref_squeeze %dma_start3A_62 : memref<1x128xi32, #tpu.memory_space<vmem>> -> memref<128xi32, #tpu.memory_space<vmem>>
        %dma_start3A_64 = arith.constant 0 : i32
        %dma_start3A_65 = arith.constant 0 : i32
        %dma_start3A_66 = tpu.memref_slice %arg11[%dma_start3A_64, %dma_start3A_65] : memref<10240x144xf32, #tpu.memory_space<vmem_shared>> -> memref<10240x144xf32, #tpu.memory_space<vmem_shared>>
        tpu.enqueue_indirect_dma source(%arg9 : memref<128x144xf32, #tpu.memory_space<vmem>>) target(%dma_start3A_66 : memref<10240x144xf32, #tpu.memory_space<vmem_shared>>) offsets(%dma_start3A_63 : memref<128xi32, #tpu.memory_space<vmem>>) semaphore(%run_scoped3A_61 : memref<!tpu.dma_semaphore, #tpu.memory_space<semaphore_mem>>) {add = true}
        %dma_wait3A = arith.constant 0 : i32
        %dma_wait3A_67 = tpu.memref_slice %arg8[%run_scoped3A_54, %dma_wait3A] : memref<8x128xi32, #tpu.memory_space<vmem>> -> memref<1x128xi32, #tpu.memory_space<vmem>>
        %dma_wait3A_68 = tpu.memref_squeeze %dma_wait3A_67 : memref<1x128xi32, #tpu.memory_space<vmem>> -> memref<128xi32, #tpu.memory_space<vmem>>
        %dma_wait3A_69 = arith.constant 0 : i32
        %dma_wait3A_70 = arith.constant 0 : i32
        %dma_wait3A_71 = tpu.memref_slice %arg11[%dma_wait3A_69, %dma_wait3A_70] : memref<10240x144xf32, #tpu.memory_space<vmem_shared>> -> memref<10240x144xf32, #tpu.memory_space<vmem_shared>>
        tpu.wait_indirect_dma semaphore(%run_scoped3A_61 : memref<!tpu.dma_semaphore, #tpu.memory_space<semaphore_mem>>) src(%arg9 : memref<128x144xf32, #tpu.memory_space<vmem>>) dst(%dma_wait3A_71 : memref<10240x144xf32, #tpu.memory_space<vmem_shared>>)
        tpu.yield
      }) : () -> ()
      %run_scoped3A_55 = arith.constant 5 : i32
      "tpu.region"() ({
        %run_scoped3A_61 = tpu.sem_alloc : memref<!tpu.dma_semaphore, #tpu.memory_space<semaphore_mem>>
        %dma_start3A = arith.constant 0 : i32
        %dma_start3A_62 = tpu.memref_slice %arg7[%run_scoped3A_55, %dma_start3A] : memref<8x128xi32, #tpu.memory_space<vmem>> -> memref<1x128xi32, #tpu.memory_space<vmem>>
        %dma_start3A_63 = tpu.memref_squeeze %dma_start3A_62 : memref<1x128xi32, #tpu.memory_space<vmem>> -> memref<128xi32, #tpu.memory_space<vmem>>
        %dma_start3A_64 = arith.constant 0 : i32
        %dma_start3A_65 = arith.constant 0 : i32
        %dma_start3A_66 = tpu.memref_slice %arg2[%dma_start3A_64, %dma_start3A_65] : memref<10240x144xf32, #tpu.memory_space<hbm>> -> memref<10240x144xf32, #tpu.memory_space<hbm>>
        tpu.enqueue_indirect_dma source(%dma_start3A_66 : memref<10240x144xf32, #tpu.memory_space<hbm>>) target(%arg9 : memref<128x144xf32, #tpu.memory_space<vmem>>) offsets(%dma_start3A_63 : memref<128xi32, #tpu.memory_space<vmem>>) semaphore(%run_scoped3A_61 : memref<!tpu.dma_semaphore, #tpu.memory_space<semaphore_mem>>)
        %dma_wait3A = arith.constant 0 : i32
        %dma_wait3A_67 = tpu.memref_slice %arg7[%run_scoped3A_55, %dma_wait3A] : memref<8x128xi32, #tpu.memory_space<vmem>> -> memref<1x128xi32, #tpu.memory_space<vmem>>
        %dma_wait3A_68 = tpu.memref_squeeze %dma_wait3A_67 : memref<1x128xi32, #tpu.memory_space<vmem>> -> memref<128xi32, #tpu.memory_space<vmem>>
        %dma_wait3A_69 = arith.constant 0 : i32
        %dma_wait3A_70 = arith.constant 0 : i32
        %dma_wait3A_71 = tpu.memref_slice %arg2[%dma_wait3A_69, %dma_wait3A_70] : memref<10240x144xf32, #tpu.memory_space<hbm>> -> memref<10240x144xf32, #tpu.memory_space<hbm>>
        tpu.wait_indirect_dma semaphore(%run_scoped3A_61 : memref<!tpu.dma_semaphore, #tpu.memory_space<semaphore_mem>>) src(%dma_wait3A_71 : memref<10240x144xf32, #tpu.memory_space<hbm>>) dst(%arg9 : memref<128x144xf32, #tpu.memory_space<vmem>>)
        tpu.yield
      }) : () -> ()
      %run_scoped3A_56 = arith.constant 5 : i32
      "tpu.region"() ({
        %run_scoped3A_61 = tpu.sem_alloc : memref<!tpu.dma_semaphore, #tpu.memory_space<semaphore_mem>>
        %dma_start3A = arith.constant 0 : i32
        %dma_start3A_62 = tpu.memref_slice %arg8[%run_scoped3A_56, %dma_start3A] : memref<8x128xi32, #tpu.memory_space<vmem>> -> memref<1x128xi32, #tpu.memory_space<vmem>>
        %dma_start3A_63 = tpu.memref_squeeze %dma_start3A_62 : memref<1x128xi32, #tpu.memory_space<vmem>> -> memref<128xi32, #tpu.memory_space<vmem>>
        %dma_start3A_64 = arith.constant 0 : i32
        %dma_start3A_65 = arith.constant 0 : i32
        %dma_start3A_66 = tpu.memref_slice %arg11[%dma_start3A_64, %dma_start3A_65] : memref<10240x144xf32, #tpu.memory_space<vmem_shared>> -> memref<10240x144xf32, #tpu.memory_space<vmem_shared>>
        tpu.enqueue_indirect_dma source(%arg9 : memref<128x144xf32, #tpu.memory_space<vmem>>) target(%dma_start3A_66 : memref<10240x144xf32, #tpu.memory_space<vmem_shared>>) offsets(%dma_start3A_63 : memref<128xi32, #tpu.memory_space<vmem>>) semaphore(%run_scoped3A_61 : memref<!tpu.dma_semaphore, #tpu.memory_space<semaphore_mem>>) {add = true}
        %dma_wait3A = arith.constant 0 : i32
        %dma_wait3A_67 = tpu.memref_slice %arg8[%run_scoped3A_56, %dma_wait3A] : memref<8x128xi32, #tpu.memory_space<vmem>> -> memref<1x128xi32, #tpu.memory_space<vmem>>
        %dma_wait3A_68 = tpu.memref_squeeze %dma_wait3A_67 : memref<1x128xi32, #tpu.memory_space<vmem>> -> memref<128xi32, #tpu.memory_space<vmem>>
        %dma_wait3A_69 = arith.constant 0 : i32
        %dma_wait3A_70 = arith.constant 0 : i32
        %dma_wait3A_71 = tpu.memref_slice %arg11[%dma_wait3A_69, %dma_wait3A_70] : memref<10240x144xf32, #tpu.memory_space<vmem_shared>> -> memref<10240x144xf32, #tpu.memory_space<vmem_shared>>
        tpu.wait_indirect_dma semaphore(%run_scoped3A_61 : memref<!tpu.dma_semaphore, #tpu.memory_space<semaphore_mem>>) src(%arg9 : memref<128x144xf32, #tpu.memory_space<vmem>>) dst(%dma_wait3A_71 : memref<10240x144xf32, #tpu.memory_space<vmem_shared>>)
        tpu.yield
      }) : () -> ()
      %run_scoped3A_57 = arith.constant 6 : i32
      "tpu.region"() ({
        %run_scoped3A_61 = tpu.sem_alloc : memref<!tpu.dma_semaphore, #tpu.memory_space<semaphore_mem>>
        %dma_start3A = arith.constant 0 : i32
        %dma_start3A_62 = tpu.memref_slice %arg7[%run_scoped3A_57, %dma_start3A] : memref<8x128xi32, #tpu.memory_space<vmem>> -> memref<1x128xi32, #tpu.memory_space<vmem>>
        %dma_start3A_63 = tpu.memref_squeeze %dma_start3A_62 : memref<1x128xi32, #tpu.memory_space<vmem>> -> memref<128xi32, #tpu.memory_space<vmem>>
        %dma_start3A_64 = arith.constant 0 : i32
        %dma_start3A_65 = arith.constant 0 : i32
        %dma_start3A_66 = tpu.memref_slice %arg2[%dma_start3A_64, %dma_start3A_65] : memref<10240x144xf32, #tpu.memory_space<hbm>> -> memref<10240x144xf32, #tpu.memory_space<hbm>>
        tpu.enqueue_indirect_dma source(%dma_start3A_66 : memref<10240x144xf32, #tpu.memory_space<hbm>>) target(%arg9 : memref<128x144xf32, #tpu.memory_space<vmem>>) offsets(%dma_start3A_63 : memref<128xi32, #tpu.memory_space<vmem>>) semaphore(%run_scoped3A_61 : memref<!tpu.dma_semaphore, #tpu.memory_space<semaphore_mem>>)
        %dma_wait3A = arith.constant 0 : i32
        %dma_wait3A_67 = tpu.memref_slice %arg7[%run_scoped3A_57, %dma_wait3A] : memref<8x128xi32, #tpu.memory_space<vmem>> -> memref<1x128xi32, #tpu.memory_space<vmem>>
        %dma_wait3A_68 = tpu.memref_squeeze %dma_wait3A_67 : memref<1x128xi32, #tpu.memory_space<vmem>> -> memref<128xi32, #tpu.memory_space<vmem>>
        %dma_wait3A_69 = arith.constant 0 : i32
        %dma_wait3A_70 = arith.constant 0 : i32
        %dma_wait3A_71 = tpu.memref_slice %arg2[%dma_wait3A_69, %dma_wait3A_70] : memref<10240x144xf32, #tpu.memory_space<hbm>> -> memref<10240x144xf32, #tpu.memory_space<hbm>>
        tpu.wait_indirect_dma semaphore(%run_scoped3A_61 : memref<!tpu.dma_semaphore, #tpu.memory_space<semaphore_mem>>) src(%dma_wait3A_71 : memref<10240x144xf32, #tpu.memory_space<hbm>>) dst(%arg9 : memref<128x144xf32, #tpu.memory_space<vmem>>)
        tpu.yield
      }) : () -> ()
      %run_scoped3A_58 = arith.constant 6 : i32
      "tpu.region"() ({
        %run_scoped3A_61 = tpu.sem_alloc : memref<!tpu.dma_semaphore, #tpu.memory_space<semaphore_mem>>
        %dma_start3A = arith.constant 0 : i32
        %dma_start3A_62 = tpu.memref_slice %arg8[%run_scoped3A_58, %dma_start3A] : memref<8x128xi32, #tpu.memory_space<vmem>> -> memref<1x128xi32, #tpu.memory_space<vmem>>
        %dma_start3A_63 = tpu.memref_squeeze %dma_start3A_62 : memref<1x128xi32, #tpu.memory_space<vmem>> -> memref<128xi32, #tpu.memory_space<vmem>>
        %dma_start3A_64 = arith.constant 0 : i32
        %dma_start3A_65 = arith.constant 0 : i32
        %dma_start3A_66 = tpu.memref_slice %arg11[%dma_start3A_64, %dma_start3A_65] : memref<10240x144xf32, #tpu.memory_space<vmem_shared>> -> memref<10240x144xf32, #tpu.memory_space<vmem_shared>>
        tpu.enqueue_indirect_dma source(%arg9 : memref<128x144xf32, #tpu.memory_space<vmem>>) target(%dma_start3A_66 : memref<10240x144xf32, #tpu.memory_space<vmem_shared>>) offsets(%dma_start3A_63 : memref<128xi32, #tpu.memory_space<vmem>>) semaphore(%run_scoped3A_61 : memref<!tpu.dma_semaphore, #tpu.memory_space<semaphore_mem>>) {add = true}
        %dma_wait3A = arith.constant 0 : i32
        %dma_wait3A_67 = tpu.memref_slice %arg8[%run_scoped3A_58, %dma_wait3A] : memref<8x128xi32, #tpu.memory_space<vmem>> -> memref<1x128xi32, #tpu.memory_space<vmem>>
        %dma_wait3A_68 = tpu.memref_squeeze %dma_wait3A_67 : memref<1x128xi32, #tpu.memory_space<vmem>> -> memref<128xi32, #tpu.memory_space<vmem>>
        %dma_wait3A_69 = arith.constant 0 : i32
        %dma_wait3A_70 = arith.constant 0 : i32
        %dma_wait3A_71 = tpu.memref_slice %arg11[%dma_wait3A_69, %dma_wait3A_70] : memref<10240x144xf32, #tpu.memory_space<vmem_shared>> -> memref<10240x144xf32, #tpu.memory_space<vmem_shared>>
        tpu.wait_indirect_dma semaphore(%run_scoped3A_61 : memref<!tpu.dma_semaphore, #tpu.memory_space<semaphore_mem>>) src(%arg9 : memref<128x144xf32, #tpu.memory_space<vmem>>) dst(%dma_wait3A_71 : memref<10240x144xf32, #tpu.memory_space<vmem_shared>>)
        tpu.yield
      }) : () -> ()
      %run_scoped3A_59 = arith.constant 7 : i32
      "tpu.region"() ({
        %run_scoped3A_61 = tpu.sem_alloc : memref<!tpu.dma_semaphore, #tpu.memory_space<semaphore_mem>>
        %dma_start3A = arith.constant 0 : i32
        %dma_start3A_62 = tpu.memref_slice %arg7[%run_scoped3A_59, %dma_start3A] : memref<8x128xi32, #tpu.memory_space<vmem>> -> memref<1x128xi32, #tpu.memory_space<vmem>>
        %dma_start3A_63 = tpu.memref_squeeze %dma_start3A_62 : memref<1x128xi32, #tpu.memory_space<vmem>> -> memref<128xi32, #tpu.memory_space<vmem>>
        %dma_start3A_64 = arith.constant 0 : i32
        %dma_start3A_65 = arith.constant 0 : i32
        %dma_start3A_66 = tpu.memref_slice %arg2[%dma_start3A_64, %dma_start3A_65] : memref<10240x144xf32, #tpu.memory_space<hbm>> -> memref<10240x144xf32, #tpu.memory_space<hbm>>
        tpu.enqueue_indirect_dma source(%dma_start3A_66 : memref<10240x144xf32, #tpu.memory_space<hbm>>) target(%arg9 : memref<128x144xf32, #tpu.memory_space<vmem>>) offsets(%dma_start3A_63 : memref<128xi32, #tpu.memory_space<vmem>>) semaphore(%run_scoped3A_61 : memref<!tpu.dma_semaphore, #tpu.memory_space<semaphore_mem>>)
        %dma_wait3A = arith.constant 0 : i32
        %dma_wait3A_67 = tpu.memref_slice %arg7[%run_scoped3A_59, %dma_wait3A] : memref<8x128xi32, #tpu.memory_space<vmem>> -> memref<1x128xi32, #tpu.memory_space<vmem>>
        %dma_wait3A_68 = tpu.memref_squeeze %dma_wait3A_67 : memref<1x128xi32, #tpu.memory_space<vmem>> -> memref<128xi32, #tpu.memory_space<vmem>>
        %dma_wait3A_69 = arith.constant 0 : i32
        %dma_wait3A_70 = arith.constant 0 : i32
        %dma_wait3A_71 = tpu.memref_slice %arg2[%dma_wait3A_69, %dma_wait3A_70] : memref<10240x144xf32, #tpu.memory_space<hbm>> -> memref<10240x144xf32, #tpu.memory_space<hbm>>
        tpu.wait_indirect_dma semaphore(%run_scoped3A_61 : memref<!tpu.dma_semaphore, #tpu.memory_space<semaphore_mem>>) src(%dma_wait3A_71 : memref<10240x144xf32, #tpu.memory_space<hbm>>) dst(%arg9 : memref<128x144xf32, #tpu.memory_space<vmem>>)
        tpu.yield
      }) : () -> ()
      %run_scoped3A_60 = arith.constant 7 : i32
      "tpu.region"() ({
        %run_scoped3A_61 = tpu.sem_alloc : memref<!tpu.dma_semaphore, #tpu.memory_space<semaphore_mem>>
        %dma_start3A = arith.constant 0 : i32
        %dma_start3A_62 = tpu.memref_slice %arg8[%run_scoped3A_60, %dma_start3A] : memref<8x128xi32, #tpu.memory_space<vmem>> -> memref<1x128xi32, #tpu.memory_space<vmem>>
        %dma_start3A_63 = tpu.memref_squeeze %dma_start3A_62 : memref<1x128xi32, #tpu.memory_space<vmem>> -> memref<128xi32, #tpu.memory_space<vmem>>
        %dma_start3A_64 = arith.constant 0 : i32
        %dma_start3A_65 = arith.constant 0 : i32
        %dma_start3A_66 = tpu.memref_slice %arg11[%dma_start3A_64, %dma_start3A_65] : memref<10240x144xf32, #tpu.memory_space<vmem_shared>> -> memref<10240x144xf32, #tpu.memory_space<vmem_shared>>
        tpu.enqueue_indirect_dma source(%arg9 : memref<128x144xf32, #tpu.memory_space<vmem>>) target(%dma_start3A_66 : memref<10240x144xf32, #tpu.memory_space<vmem_shared>>) offsets(%dma_start3A_63 : memref<128xi32, #tpu.memory_space<vmem>>) semaphore(%run_scoped3A_61 : memref<!tpu.dma_semaphore, #tpu.memory_space<semaphore_mem>>) {add = true}
        %dma_wait3A = arith.constant 0 : i32
        %dma_wait3A_67 = tpu.memref_slice %arg8[%run_scoped3A_60, %dma_wait3A] : memref<8x128xi32, #tpu.memory_space<vmem>> -> memref<1x128xi32, #tpu.memory_space<vmem>>
        %dma_wait3A_68 = tpu.memref_squeeze %dma_wait3A_67 : memref<1x128xi32, #tpu.memory_space<vmem>> -> memref<128xi32, #tpu.memory_space<vmem>>
        %dma_wait3A_69 = arith.constant 0 : i32
        %dma_wait3A_70 = arith.constant 0 : i32
        %dma_wait3A_71 = tpu.memref_slice %arg11[%dma_wait3A_69, %dma_wait3A_70] : memref<10240x144xf32, #tpu.memory_space<vmem_shared>> -> memref<10240x144xf32, #tpu.memory_space<vmem_shared>>
        tpu.wait_indirect_dma semaphore(%run_scoped3A_61 : memref<!tpu.dma_semaphore, #tpu.memory_space<semaphore_mem>>) src(%arg9 : memref<128x144xf32, #tpu.memory_space<vmem>>) dst(%dma_wait3A_71 : memref<10240x144xf32, #tpu.memory_space<vmem_shared>>)
        tpu.yield
      }) : () -> ()
    }
    %scan3A_23 = arith.constant 9 : i32
    %barrier3A_24 = arith.constant 0 : index
    tpu.barrier barrier_id(%barrier3A_24)
    %add3A_25 = arith.constant 0 : i32
    %add3A_26 = arith.addi %mul3A_2, %add3A_25 : i32
    "tpu.region"() ({
      %run_scoped3A = tpu.sem_alloc : memref<!tpu.dma_semaphore, #tpu.memory_space<semaphore_mem>>
      %dma_start3A = arith.constant 0 : i32
      %dma_start3A_41 = tpu.memref_slice %arg11[%add3A_26, %dma_start3A] : memref<10240x144xf32, #tpu.memory_space<vmem_shared>> -> memref<80x144xf32, #tpu.memory_space<vmem_shared>>
      %dma_start3A_42 = arith.constant 0 : i32
      %dma_start3A_43 = tpu.memref_slice %arg11[%add3A_26, %dma_start3A_42] : memref<10240x144xf32, #tpu.memory_space<vmem_shared>> -> memref<80x144xf32, #tpu.memory_space<vmem_shared>>
      tpu.enqueue_dma source(%dma_start3A_43 : memref<80x144xf32, #tpu.memory_space<vmem_shared>>) target(%arg10 : memref<80x144xf32, #tpu.memory_space<vmem>>) target_semaphore(%run_scoped3A : memref<!tpu.dma_semaphore, #tpu.memory_space<semaphore_mem>>)
      %dma_wait3A = arith.constant 0 : i32
      %dma_wait3A_44 = tpu.memref_slice %arg11[%add3A_26, %dma_wait3A] : memref<10240x144xf32, #tpu.memory_space<vmem_shared>> -> memref<80x144xf32, #tpu.memory_space<vmem_shared>>
      %dma_wait3A_45 = arith.constant 0 : i32
      %dma_wait3A_46 = tpu.memref_slice %arg11[%add3A_26, %dma_wait3A_45] : memref<10240x144xf32, #tpu.memory_space<vmem_shared>> -> memref<80x144xf32, #tpu.memory_space<vmem_shared>>
      tpu.wait_dma2 semaphore(%run_scoped3A : memref<!tpu.dma_semaphore, #tpu.memory_space<semaphore_mem>>) src(%dma_wait3A_46 : memref<80x144xf32, #tpu.memory_space<vmem_shared>>) dst(%arg10 : memref<80x144xf32, #tpu.memory_space<vmem>>)
      tpu.yield
    }) : () -> ()
    "tpu.region"() ({
      %run_scoped3A = tpu.sem_alloc : memref<!tpu.dma_semaphore, #tpu.memory_space<semaphore_mem>>
      %dma_start3A = arith.constant 0 : i32
      %dma_start3A_41 = tpu.memref_slice %arg6[%arg0, %add3A_26, %dma_start3A] : memref<2x10240x144xf32, #tpu.memory_space<hbm>> -> memref<1x80x144xf32, #tpu.memory_space<hbm>>
      %dma_start3A_42 = tpu.memref_squeeze %dma_start3A_41 : memref<1x80x144xf32, #tpu.memory_space<hbm>> -> memref<80x144xf32, #tpu.memory_space<hbm>>
      %dma_start3A_43 = arith.constant 0 : i32
      %dma_start3A_44 = tpu.memref_slice %arg6[%arg0, %add3A_26, %dma_start3A_43] : memref<2x10240x144xf32, #tpu.memory_space<hbm>> -> memref<1x80x144xf32, #tpu.memory_space<hbm>>
      %dma_start3A_45 = tpu.memref_squeeze %dma_start3A_44 : memref<1x80x144xf32, #tpu.memory_space<hbm>> -> memref<80x144xf32, #tpu.memory_space<hbm>>
      tpu.enqueue_dma source(%arg10 : memref<80x144xf32, #tpu.memory_space<vmem>>) target(%dma_start3A_45 : memref<80x144xf32, #tpu.memory_space<hbm>>) target_semaphore(%run_scoped3A : memref<!tpu.dma_semaphore, #tpu.memory_space<semaphore_mem>>)
      %dma_wait3A = arith.constant 0 : i32
      %dma_wait3A_46 = tpu.memref_slice %arg6[%arg0, %add3A_26, %dma_wait3A] : memref<2x10240x144xf32, #tpu.memory_space<hbm>> -> memref<1x80x144xf32, #tpu.memory_space<hbm>>
      %dma_wait3A_47 = tpu.memref_squeeze %dma_wait3A_46 : memref<1x80x144xf32, #tpu.memory_space<hbm>> -> memref<80x144xf32, #tpu.memory_space<hbm>>
      %dma_wait3A_48 = arith.constant 0 : i32
      %dma_wait3A_49 = tpu.memref_slice %arg6[%arg0, %add3A_26, %dma_wait3A_48] : memref<2x10240x144xf32, #tpu.memory_space<hbm>> -> memref<1x80x144xf32, #tpu.memory_space<hbm>>
      %dma_wait3A_50 = tpu.memref_squeeze %dma_wait3A_49 : memref<1x80x144xf32, #tpu.memory_space<hbm>> -> memref<80x144xf32, #tpu.memory_space<hbm>>
      tpu.wait_dma2 semaphore(%run_scoped3A : memref<!tpu.dma_semaphore, #tpu.memory_space<semaphore_mem>>) src(%arg10 : memref<80x144xf32, #tpu.memory_space<vmem>>) dst(%dma_wait3A_50 : memref<80x144xf32, #tpu.memory_space<hbm>>)
      tpu.yield
    }) : () -> ()
    %add3A_27 = arith.constant 80 : i32
    %add3A_28 = arith.addi %mul3A_2, %add3A_27 : i32
    "tpu.region"() ({
      %run_scoped3A = tpu.sem_alloc : memref<!tpu.dma_semaphore, #tpu.memory_space<semaphore_mem>>
      %dma_start3A = arith.constant 0 : i32
      %dma_start3A_41 = tpu.memref_slice %arg11[%add3A_28, %dma_start3A] : memref<10240x144xf32, #tpu.memory_space<vmem_shared>> -> memref<80x144xf32, #tpu.memory_space<vmem_shared>>
      %dma_start3A_42 = arith.constant 0 : i32
      %dma_start3A_43 = tpu.memref_slice %arg11[%add3A_28, %dma_start3A_42] : memref<10240x144xf32, #tpu.memory_space<vmem_shared>> -> memref<80x144xf32, #tpu.memory_space<vmem_shared>>
      tpu.enqueue_dma source(%dma_start3A_43 : memref<80x144xf32, #tpu.memory_space<vmem_shared>>) target(%arg10 : memref<80x144xf32, #tpu.memory_space<vmem>>) target_semaphore(%run_scoped3A : memref<!tpu.dma_semaphore, #tpu.memory_space<semaphore_mem>>)
      %dma_wait3A = arith.constant 0 : i32
      %dma_wait3A_44 = tpu.memref_slice %arg11[%add3A_28, %dma_wait3A] : memref<10240x144xf32, #tpu.memory_space<vmem_shared>> -> memref<80x144xf32, #tpu.memory_space<vmem_shared>>
      %dma_wait3A_45 = arith.constant 0 : i32
      %dma_wait3A_46 = tpu.memref_slice %arg11[%add3A_28, %dma_wait3A_45] : memref<10240x144xf32, #tpu.memory_space<vmem_shared>> -> memref<80x144xf32, #tpu.memory_space<vmem_shared>>
      tpu.wait_dma2 semaphore(%run_scoped3A : memref<!tpu.dma_semaphore, #tpu.memory_space<semaphore_mem>>) src(%dma_wait3A_46 : memref<80x144xf32, #tpu.memory_space<vmem_shared>>) dst(%arg10 : memref<80x144xf32, #tpu.memory_space<vmem>>)
      tpu.yield
    }) : () -> ()
    "tpu.region"() ({
      %run_scoped3A = tpu.sem_alloc : memref<!tpu.dma_semaphore, #tpu.memory_space<semaphore_mem>>
      %dma_start3A = arith.constant 0 : i32
      %dma_start3A_41 = tpu.memref_slice %arg6[%arg0, %add3A_28, %dma_start3A] : memref<2x10240x144xf32, #tpu.memory_space<hbm>> -> memref<1x80x144xf32, #tpu.memory_space<hbm>>
      %dma_start3A_42 = tpu.memref_squeeze %dma_start3A_41 : memref<1x80x144xf32, #tpu.memory_space<hbm>> -> memref<80x144xf32, #tpu.memory_space<hbm>>
      %dma_start3A_43 = arith.constant 0 : i32
      %dma_start3A_44 = tpu.memref_slice %arg6[%arg0, %add3A_28, %dma_start3A_43] : memref<2x10240x144xf32, #tpu.memory_space<hbm>> -> memref<1x80x144xf32, #tpu.memory_space<hbm>>
      %dma_start3A_45 = tpu.memref_squeeze %dma_start3A_44 : memref<1x80x144xf32, #tpu.memory_space<hbm>> -> memref<80x144xf32, #tpu.memory_space<hbm>>
      tpu.enqueue_dma source(%arg10 : memref<80x144xf32, #tpu.memory_space<vmem>>) target(%dma_start3A_45 : memref<80x144xf32, #tpu.memory_space<hbm>>) target_semaphore(%run_scoped3A : memref<!tpu.dma_semaphore, #tpu.memory_space<semaphore_mem>>)
      %dma_wait3A = arith.constant 0 : i32
      %dma_wait3A_46 = tpu.memref_slice %arg6[%arg0, %add3A_28, %dma_wait3A] : memref<2x10240x144xf32, #tpu.memory_space<hbm>> -> memref<1x80x144xf32, #tpu.memory_space<hbm>>
      %dma_wait3A_47 = tpu.memref_squeeze %dma_wait3A_46 : memref<1x80x144xf32, #tpu.memory_space<hbm>> -> memref<80x144xf32, #tpu.memory_space<hbm>>
      %dma_wait3A_48 = arith.constant 0 : i32
      %dma_wait3A_49 = tpu.memref_slice %arg6[%arg0, %add3A_28, %dma_wait3A_48] : memref<2x10240x144xf32, #tpu.memory_space<hbm>> -> memref<1x80x144xf32, #tpu.memory_space<hbm>>
      %dma_wait3A_50 = tpu.memref_squeeze %dma_wait3A_49 : memref<1x80x144xf32, #tpu.memory_space<hbm>> -> memref<80x144xf32, #tpu.memory_space<hbm>>
      tpu.wait_dma2 semaphore(%run_scoped3A : memref<!tpu.dma_semaphore, #tpu.memory_space<semaphore_mem>>) src(%arg10 : memref<80x144xf32, #tpu.memory_space<vmem>>) dst(%dma_wait3A_50 : memref<80x144xf32, #tpu.memory_space<hbm>>)
      tpu.yield
    }) : () -> ()
    %add3A_29 = arith.constant 160 : i32
    %add3A_30 = arith.addi %mul3A_2, %add3A_29 : i32
    "tpu.region"() ({
      %run_scoped3A = tpu.sem_alloc : memref<!tpu.dma_semaphore, #tpu.memory_space<semaphore_mem>>
      %dma_start3A = arith.constant 0 : i32
      %dma_start3A_41 = tpu.memref_slice %arg11[%add3A_30, %dma_start3A] : memref<10240x144xf32, #tpu.memory_space<vmem_shared>> -> memref<80x144xf32, #tpu.memory_space<vmem_shared>>
      %dma_start3A_42 = arith.constant 0 : i32
      %dma_start3A_43 = tpu.memref_slice %arg11[%add3A_30, %dma_start3A_42] : memref<10240x144xf32, #tpu.memory_space<vmem_shared>> -> memref<80x144xf32, #tpu.memory_space<vmem_shared>>
      tpu.enqueue_dma source(%dma_start3A_43 : memref<80x144xf32, #tpu.memory_space<vmem_shared>>) target(%arg10 : memref<80x144xf32, #tpu.memory_space<vmem>>) target_semaphore(%run_scoped3A : memref<!tpu.dma_semaphore, #tpu.memory_space<semaphore_mem>>)
      %dma_wait3A = arith.constant 0 : i32
      %dma_wait3A_44 = tpu.memref_slice %arg11[%add3A_30, %dma_wait3A] : memref<10240x144xf32, #tpu.memory_space<vmem_shared>> -> memref<80x144xf32, #tpu.memory_space<vmem_shared>>
      %dma_wait3A_45 = arith.constant 0 : i32
      %dma_wait3A_46 = tpu.memref_slice %arg11[%add3A_30, %dma_wait3A_45] : memref<10240x144xf32, #tpu.memory_space<vmem_shared>> -> memref<80x144xf32, #tpu.memory_space<vmem_shared>>
      tpu.wait_dma2 semaphore(%run_scoped3A : memref<!tpu.dma_semaphore, #tpu.memory_space<semaphore_mem>>) src(%dma_wait3A_46 : memref<80x144xf32, #tpu.memory_space<vmem_shared>>) dst(%arg10 : memref<80x144xf32, #tpu.memory_space<vmem>>)
      tpu.yield
    }) : () -> ()
    "tpu.region"() ({
      %run_scoped3A = tpu.sem_alloc : memref<!tpu.dma_semaphore, #tpu.memory_space<semaphore_mem>>
      %dma_start3A = arith.constant 0 : i32
      %dma_start3A_41 = tpu.memref_slice %arg6[%arg0, %add3A_30, %dma_start3A] : memref<2x10240x144xf32, #tpu.memory_space<hbm>> -> memref<1x80x144xf32, #tpu.memory_space<hbm>>
      %dma_start3A_42 = tpu.memref_squeeze %dma_start3A_41 : memref<1x80x144xf32, #tpu.memory_space<hbm>> -> memref<80x144xf32, #tpu.memory_space<hbm>>
      %dma_start3A_43 = arith.constant 0 : i32
      %dma_start3A_44 = tpu.memref_slice %arg6[%arg0, %add3A_30, %dma_start3A_43] : memref<2x10240x144xf32, #tpu.memory_space<hbm>> -> memref<1x80x144xf32, #tpu.memory_space<hbm>>
      %dma_start3A_45 = tpu.memref_squeeze %dma_start3A_44 : memref<1x80x144xf32, #tpu.memory_space<hbm>> -> memref<80x144xf32, #tpu.memory_space<hbm>>
      tpu.enqueue_dma source(%arg10 : memref<80x144xf32, #tpu.memory_space<vmem>>) target(%dma_start3A_45 : memref<80x144xf32, #tpu.memory_space<hbm>>) target_semaphore(%run_scoped3A : memref<!tpu.dma_semaphore, #tpu.memory_space<semaphore_mem>>)
      %dma_wait3A = arith.constant 0 : i32
      %dma_wait3A_46 = tpu.memref_slice %arg6[%arg0, %add3A_30, %dma_wait3A] : memref<2x10240x144xf32, #tpu.memory_space<hbm>> -> memref<1x80x144xf32, #tpu.memory_space<hbm>>
      %dma_wait3A_47 = tpu.memref_squeeze %dma_wait3A_46 : memref<1x80x144xf32, #tpu.memory_space<hbm>> -> memref<80x144xf32, #tpu.memory_space<hbm>>
      %dma_wait3A_48 = arith.constant 0 : i32
      %dma_wait3A_49 = tpu.memref_slice %arg6[%arg0, %add3A_30, %dma_wait3A_48] : memref<2x10240x144xf32, #tpu.memory_space<hbm>> -> memref<1x80x144xf32, #tpu.memory_space<hbm>>
      %dma_wait3A_50 = tpu.memref_squeeze %dma_wait3A_49 : memref<1x80x144xf32, #tpu.memory_space<hbm>> -> memref<80x144xf32, #tpu.memory_space<hbm>>
      tpu.wait_dma2 semaphore(%run_scoped3A : memref<!tpu.dma_semaphore, #tpu.memory_space<semaphore_mem>>) src(%arg10 : memref<80x144xf32, #tpu.memory_space<vmem>>) dst(%dma_wait3A_50 : memref<80x144xf32, #tpu.memory_space<hbm>>)
      tpu.yield
    }) : () -> ()
    %add3A_31 = arith.constant 240 : i32
    %add3A_32 = arith.addi %mul3A_2, %add3A_31 : i32
    "tpu.region"() ({
      %run_scoped3A = tpu.sem_alloc : memref<!tpu.dma_semaphore, #tpu.memory_space<semaphore_mem>>
      %dma_start3A = arith.constant 0 : i32
      %dma_start3A_41 = tpu.memref_slice %arg11[%add3A_32, %dma_start3A] : memref<10240x144xf32, #tpu.memory_space<vmem_shared>> -> memref<80x144xf32, #tpu.memory_space<vmem_shared>>
      %dma_start3A_42 = arith.constant 0 : i32
      %dma_start3A_43 = tpu.memref_slice %arg11[%add3A_32, %dma_start3A_42] : memref<10240x144xf32, #tpu.memory_space<vmem_shared>> -> memref<80x144xf32, #tpu.memory_space<vmem_shared>>
      tpu.enqueue_dma source(%dma_start3A_43 : memref<80x144xf32, #tpu.memory_space<vmem_shared>>) target(%arg10 : memref<80x144xf32, #tpu.memory_space<vmem>>) target_semaphore(%run_scoped3A : memref<!tpu.dma_semaphore, #tpu.memory_space<semaphore_mem>>)
      %dma_wait3A = arith.constant 0 : i32
      %dma_wait3A_44 = tpu.memref_slice %arg11[%add3A_32, %dma_wait3A] : memref<10240x144xf32, #tpu.memory_space<vmem_shared>> -> memref<80x144xf32, #tpu.memory_space<vmem_shared>>
      %dma_wait3A_45 = arith.constant 0 : i32
      %dma_wait3A_46 = tpu.memref_slice %arg11[%add3A_32, %dma_wait3A_45] : memref<10240x144xf32, #tpu.memory_space<vmem_shared>> -> memref<80x144xf32, #tpu.memory_space<vmem_shared>>
      tpu.wait_dma2 semaphore(%run_scoped3A : memref<!tpu.dma_semaphore, #tpu.memory_space<semaphore_mem>>) src(%dma_wait3A_46 : memref<80x144xf32, #tpu.memory_space<vmem_shared>>) dst(%arg10 : memref<80x144xf32, #tpu.memory_space<vmem>>)
      tpu.yield
    }) : () -> ()
    "tpu.region"() ({
      %run_scoped3A = tpu.sem_alloc : memref<!tpu.dma_semaphore, #tpu.memory_space<semaphore_mem>>
      %dma_start3A = arith.constant 0 : i32
      %dma_start3A_41 = tpu.memref_slice %arg6[%arg0, %add3A_32, %dma_start3A] : memref<2x10240x144xf32, #tpu.memory_space<hbm>> -> memref<1x80x144xf32, #tpu.memory_space<hbm>>
      %dma_start3A_42 = tpu.memref_squeeze %dma_start3A_41 : memref<1x80x144xf32, #tpu.memory_space<hbm>> -> memref<80x144xf32, #tpu.memory_space<hbm>>
      %dma_start3A_43 = arith.constant 0 : i32
      %dma_start3A_44 = tpu.memref_slice %arg6[%arg0, %add3A_32, %dma_start3A_43] : memref<2x10240x144xf32, #tpu.memory_space<hbm>> -> memref<1x80x144xf32, #tpu.memory_space<hbm>>
      %dma_start3A_45 = tpu.memref_squeeze %dma_start3A_44 : memref<1x80x144xf32, #tpu.memory_space<hbm>> -> memref<80x144xf32, #tpu.memory_space<hbm>>
      tpu.enqueue_dma source(%arg10 : memref<80x144xf32, #tpu.memory_space<vmem>>) target(%dma_start3A_45 : memref<80x144xf32, #tpu.memory_space<hbm>>) target_semaphore(%run_scoped3A : memref<!tpu.dma_semaphore, #tpu.memory_space<semaphore_mem>>)
      %dma_wait3A = arith.constant 0 : i32
      %dma_wait3A_46 = tpu.memref_slice %arg6[%arg0, %add3A_32, %dma_wait3A] : memref<2x10240x144xf32, #tpu.memory_space<hbm>> -> memref<1x80x144xf32, #tpu.memory_space<hbm>>
      %dma_wait3A_47 = tpu.memref_squeeze %dma_wait3A_46 : memref<1x80x144xf32, #tpu.memory_space<hbm>> -> memref<80x144xf32, #tpu.memory_space<hbm>>
      %dma_wait3A_48 = arith.constant 0 : i32
      %dma_wait3A_49 = tpu.memref_slice %arg6[%arg0, %add3A_32, %dma_wait3A_48] : memref<2x10240x144xf32, #tpu.memory_space<hbm>> -> memref<1x80x144xf32, #tpu.memory_space<hbm>>
      %dma_wait3A_50 = tpu.memref_squeeze %dma_wait3A_49 : memref<1x80x144xf32, #tpu.memory_space<hbm>> -> memref<80x144xf32, #tpu.memory_space<hbm>>
      tpu.wait_dma2 semaphore(%run_scoped3A : memref<!tpu.dma_semaphore, #tpu.memory_space<semaphore_mem>>) src(%arg10 : memref<80x144xf32, #tpu.memory_space<vmem>>) dst(%dma_wait3A_50 : memref<80x144xf32, #tpu.memory_space<hbm>>)
      tpu.yield
    }) : () -> ()
    %add3A_33 = arith.constant 320 : i32
    %add3A_34 = arith.addi %mul3A_2, %add3A_33 : i32
    "tpu.region"() ({
      %run_scoped3A = tpu.sem_alloc : memref<!tpu.dma_semaphore, #tpu.memory_space<semaphore_mem>>
      %dma_start3A = arith.constant 0 : i32
      %dma_start3A_41 = tpu.memref_slice %arg11[%add3A_34, %dma_start3A] : memref<10240x144xf32, #tpu.memory_space<vmem_shared>> -> memref<80x144xf32, #tpu.memory_space<vmem_shared>>
      %dma_start3A_42 = arith.constant 0 : i32
      %dma_start3A_43 = tpu.memref_slice %arg11[%add3A_34, %dma_start3A_42] : memref<10240x144xf32, #tpu.memory_space<vmem_shared>> -> memref<80x144xf32, #tpu.memory_space<vmem_shared>>
      tpu.enqueue_dma source(%dma_start3A_43 : memref<80x144xf32, #tpu.memory_space<vmem_shared>>) target(%arg10 : memref<80x144xf32, #tpu.memory_space<vmem>>) target_semaphore(%run_scoped3A : memref<!tpu.dma_semaphore, #tpu.memory_space<semaphore_mem>>)
      %dma_wait3A = arith.constant 0 : i32
      %dma_wait3A_44 = tpu.memref_slice %arg11[%add3A_34, %dma_wait3A] : memref<10240x144xf32, #tpu.memory_space<vmem_shared>> -> memref<80x144xf32, #tpu.memory_space<vmem_shared>>
      %dma_wait3A_45 = arith.constant 0 : i32
      %dma_wait3A_46 = tpu.memref_slice %arg11[%add3A_34, %dma_wait3A_45] : memref<10240x144xf32, #tpu.memory_space<vmem_shared>> -> memref<80x144xf32, #tpu.memory_space<vmem_shared>>
      tpu.wait_dma2 semaphore(%run_scoped3A : memref<!tpu.dma_semaphore, #tpu.memory_space<semaphore_mem>>) src(%dma_wait3A_46 : memref<80x144xf32, #tpu.memory_space<vmem_shared>>) dst(%arg10 : memref<80x144xf32, #tpu.memory_space<vmem>>)
      tpu.yield
    }) : () -> ()
    "tpu.region"() ({
      %run_scoped3A = tpu.sem_alloc : memref<!tpu.dma_semaphore, #tpu.memory_space<semaphore_mem>>
      %dma_start3A = arith.constant 0 : i32
      %dma_start3A_41 = tpu.memref_slice %arg6[%arg0, %add3A_34, %dma_start3A] : memref<2x10240x144xf32, #tpu.memory_space<hbm>> -> memref<1x80x144xf32, #tpu.memory_space<hbm>>
      %dma_start3A_42 = tpu.memref_squeeze %dma_start3A_41 : memref<1x80x144xf32, #tpu.memory_space<hbm>> -> memref<80x144xf32, #tpu.memory_space<hbm>>
      %dma_start3A_43 = arith.constant 0 : i32
      %dma_start3A_44 = tpu.memref_slice %arg6[%arg0, %add3A_34, %dma_start3A_43] : memref<2x10240x144xf32, #tpu.memory_space<hbm>> -> memref<1x80x144xf32, #tpu.memory_space<hbm>>
      %dma_start3A_45 = tpu.memref_squeeze %dma_start3A_44 : memref<1x80x144xf32, #tpu.memory_space<hbm>> -> memref<80x144xf32, #tpu.memory_space<hbm>>
      tpu.enqueue_dma source(%arg10 : memref<80x144xf32, #tpu.memory_space<vmem>>) target(%dma_start3A_45 : memref<80x144xf32, #tpu.memory_space<hbm>>) target_semaphore(%run_scoped3A : memref<!tpu.dma_semaphore, #tpu.memory_space<semaphore_mem>>)
      %dma_wait3A = arith.constant 0 : i32
      %dma_wait3A_46 = tpu.memref_slice %arg6[%arg0, %add3A_34, %dma_wait3A] : memref<2x10240x144xf32, #tpu.memory_space<hbm>> -> memref<1x80x144xf32, #tpu.memory_space<hbm>>
      %dma_wait3A_47 = tpu.memref_squeeze %dma_wait3A_46 : memref<1x80x144xf32, #tpu.memory_space<hbm>> -> memref<80x144xf32, #tpu.memory_space<hbm>>
      %dma_wait3A_48 = arith.constant 0 : i32
      %dma_wait3A_49 = tpu.memref_slice %arg6[%arg0, %add3A_34, %dma_wait3A_48] : memref<2x10240x144xf32, #tpu.memory_space<hbm>> -> memref<1x80x144xf32, #tpu.memory_space<hbm>>
      %dma_wait3A_50 = tpu.memref_squeeze %dma_wait3A_49 : memref<1x80x144xf32, #tpu.memory_space<hbm>> -> memref<80x144xf32, #tpu.memory_space<hbm>>
      tpu.wait_dma2 semaphore(%run_scoped3A : memref<!tpu.dma_semaphore, #tpu.memory_space<semaphore_mem>>) src(%arg10 : memref<80x144xf32, #tpu.memory_space<vmem>>) dst(%dma_wait3A_50 : memref<80x144xf32, #tpu.memory_space<hbm>>)
      tpu.yield
    }) : () -> ()
    %add3A_35 = arith.constant 400 : i32
    %add3A_36 = arith.addi %mul3A_2, %add3A_35 : i32
    "tpu.region"() ({
      %run_scoped3A = tpu.sem_alloc : memref<!tpu.dma_semaphore, #tpu.memory_space<semaphore_mem>>
      %dma_start3A = arith.constant 0 : i32
      %dma_start3A_41 = tpu.memref_slice %arg11[%add3A_36, %dma_start3A] : memref<10240x144xf32, #tpu.memory_space<vmem_shared>> -> memref<80x144xf32, #tpu.memory_space<vmem_shared>>
      %dma_start3A_42 = arith.constant 0 : i32
      %dma_start3A_43 = tpu.memref_slice %arg11[%add3A_36, %dma_start3A_42] : memref<10240x144xf32, #tpu.memory_space<vmem_shared>> -> memref<80x144xf32, #tpu.memory_space<vmem_shared>>
      tpu.enqueue_dma source(%dma_start3A_43 : memref<80x144xf32, #tpu.memory_space<vmem_shared>>) target(%arg10 : memref<80x144xf32, #tpu.memory_space<vmem>>) target_semaphore(%run_scoped3A : memref<!tpu.dma_semaphore, #tpu.memory_space<semaphore_mem>>)
      %dma_wait3A = arith.constant 0 : i32
      %dma_wait3A_44 = tpu.memref_slice %arg11[%add3A_36, %dma_wait3A] : memref<10240x144xf32, #tpu.memory_space<vmem_shared>> -> memref<80x144xf32, #tpu.memory_space<vmem_shared>>
      %dma_wait3A_45 = arith.constant 0 : i32
      %dma_wait3A_46 = tpu.memref_slice %arg11[%add3A_36, %dma_wait3A_45] : memref<10240x144xf32, #tpu.memory_space<vmem_shared>> -> memref<80x144xf32, #tpu.memory_space<vmem_shared>>
      tpu.wait_dma2 semaphore(%run_scoped3A : memref<!tpu.dma_semaphore, #tpu.memory_space<semaphore_mem>>) src(%dma_wait3A_46 : memref<80x144xf32, #tpu.memory_space<vmem_shared>>) dst(%arg10 : memref<80x144xf32, #tpu.memory_space<vmem>>)
      tpu.yield
    }) : () -> ()
    "tpu.region"() ({
      %run_scoped3A = tpu.sem_alloc : memref<!tpu.dma_semaphore, #tpu.memory_space<semaphore_mem>>
      %dma_start3A = arith.constant 0 : i32
      %dma_start3A_41 = tpu.memref_slice %arg6[%arg0, %add3A_36, %dma_start3A] : memref<2x10240x144xf32, #tpu.memory_space<hbm>> -> memref<1x80x144xf32, #tpu.memory_space<hbm>>
      %dma_start3A_42 = tpu.memref_squeeze %dma_start3A_41 : memref<1x80x144xf32, #tpu.memory_space<hbm>> -> memref<80x144xf32, #tpu.memory_space<hbm>>
      %dma_start3A_43 = arith.constant 0 : i32
      %dma_start3A_44 = tpu.memref_slice %arg6[%arg0, %add3A_36, %dma_start3A_43] : memref<2x10240x144xf32, #tpu.memory_space<hbm>> -> memref<1x80x144xf32, #tpu.memory_space<hbm>>
      %dma_start3A_45 = tpu.memref_squeeze %dma_start3A_44 : memref<1x80x144xf32, #tpu.memory_space<hbm>> -> memref<80x144xf32, #tpu.memory_space<hbm>>
      tpu.enqueue_dma source(%arg10 : memref<80x144xf32, #tpu.memory_space<vmem>>) target(%dma_start3A_45 : memref<80x144xf32, #tpu.memory_space<hbm>>) target_semaphore(%run_scoped3A : memref<!tpu.dma_semaphore, #tpu.memory_space<semaphore_mem>>)
      %dma_wait3A = arith.constant 0 : i32
      %dma_wait3A_46 = tpu.memref_slice %arg6[%arg0, %add3A_36, %dma_wait3A] : memref<2x10240x144xf32, #tpu.memory_space<hbm>> -> memref<1x80x144xf32, #tpu.memory_space<hbm>>
      %dma_wait3A_47 = tpu.memref_squeeze %dma_wait3A_46 : memref<1x80x144xf32, #tpu.memory_space<hbm>> -> memref<80x144xf32, #tpu.memory_space<hbm>>
      %dma_wait3A_48 = arith.constant 0 : i32
      %dma_wait3A_49 = tpu.memref_slice %arg6[%arg0, %add3A_36, %dma_wait3A_48] : memref<2x10240x144xf32, #tpu.memory_space<hbm>> -> memref<1x80x144xf32, #tpu.memory_space<hbm>>
      %dma_wait3A_50 = tpu.memref_squeeze %dma_wait3A_49 : memref<1x80x144xf32, #tpu.memory_space<hbm>> -> memref<80x144xf32, #tpu.memory_space<hbm>>
      tpu.wait_dma2 semaphore(%run_scoped3A : memref<!tpu.dma_semaphore, #tpu.memory_space<semaphore_mem>>) src(%arg10 : memref<80x144xf32, #tpu.memory_space<vmem>>) dst(%dma_wait3A_50 : memref<80x144xf32, #tpu.memory_space<hbm>>)
      tpu.yield
    }) : () -> ()
    %add3A_37 = arith.constant 480 : i32
    %add3A_38 = arith.addi %mul3A_2, %add3A_37 : i32
    "tpu.region"() ({
      %run_scoped3A = tpu.sem_alloc : memref<!tpu.dma_semaphore, #tpu.memory_space<semaphore_mem>>
      %dma_start3A = arith.constant 0 : i32
      %dma_start3A_41 = tpu.memref_slice %arg11[%add3A_38, %dma_start3A] : memref<10240x144xf32, #tpu.memory_space<vmem_shared>> -> memref<80x144xf32, #tpu.memory_space<vmem_shared>>
      %dma_start3A_42 = arith.constant 0 : i32
      %dma_start3A_43 = tpu.memref_slice %arg11[%add3A_38, %dma_start3A_42] : memref<10240x144xf32, #tpu.memory_space<vmem_shared>> -> memref<80x144xf32, #tpu.memory_space<vmem_shared>>
      tpu.enqueue_dma source(%dma_start3A_43 : memref<80x144xf32, #tpu.memory_space<vmem_shared>>) target(%arg10 : memref<80x144xf32, #tpu.memory_space<vmem>>) target_semaphore(%run_scoped3A : memref<!tpu.dma_semaphore, #tpu.memory_space<semaphore_mem>>)
      %dma_wait3A = arith.constant 0 : i32
      %dma_wait3A_44 = tpu.memref_slice %arg11[%add3A_38, %dma_wait3A] : memref<10240x144xf32, #tpu.memory_space<vmem_shared>> -> memref<80x144xf32, #tpu.memory_space<vmem_shared>>
      %dma_wait3A_45 = arith.constant 0 : i32
      %dma_wait3A_46 = tpu.memref_slice %arg11[%add3A_38, %dma_wait3A_45] : memref<10240x144xf32, #tpu.memory_space<vmem_shared>> -> memref<80x144xf32, #tpu.memory_space<vmem_shared>>
      tpu.wait_dma2 semaphore(%run_scoped3A : memref<!tpu.dma_semaphore, #tpu.memory_space<semaphore_mem>>) src(%dma_wait3A_46 : memref<80x144xf32, #tpu.memory_space<vmem_shared>>) dst(%arg10 : memref<80x144xf32, #tpu.memory_space<vmem>>)
      tpu.yield
    }) : () -> ()
    "tpu.region"() ({
      %run_scoped3A = tpu.sem_alloc : memref<!tpu.dma_semaphore, #tpu.memory_space<semaphore_mem>>
      %dma_start3A = arith.constant 0 : i32
      %dma_start3A_41 = tpu.memref_slice %arg6[%arg0, %add3A_38, %dma_start3A] : memref<2x10240x144xf32, #tpu.memory_space<hbm>> -> memref<1x80x144xf32, #tpu.memory_space<hbm>>
      %dma_start3A_42 = tpu.memref_squeeze %dma_start3A_41 : memref<1x80x144xf32, #tpu.memory_space<hbm>> -> memref<80x144xf32, #tpu.memory_space<hbm>>
      %dma_start3A_43 = arith.constant 0 : i32
      %dma_start3A_44 = tpu.memref_slice %arg6[%arg0, %add3A_38, %dma_start3A_43] : memref<2x10240x144xf32, #tpu.memory_space<hbm>> -> memref<1x80x144xf32, #tpu.memory_space<hbm>>
      %dma_start3A_45 = tpu.memref_squeeze %dma_start3A_44 : memref<1x80x144xf32, #tpu.memory_space<hbm>> -> memref<80x144xf32, #tpu.memory_space<hbm>>
      tpu.enqueue_dma source(%arg10 : memref<80x144xf32, #tpu.memory_space<vmem>>) target(%dma_start3A_45 : memref<80x144xf32, #tpu.memory_space<hbm>>) target_semaphore(%run_scoped3A : memref<!tpu.dma_semaphore, #tpu.memory_space<semaphore_mem>>)
      %dma_wait3A = arith.constant 0 : i32
      %dma_wait3A_46 = tpu.memref_slice %arg6[%arg0, %add3A_38, %dma_wait3A] : memref<2x10240x144xf32, #tpu.memory_space<hbm>> -> memref<1x80x144xf32, #tpu.memory_space<hbm>>
      %dma_wait3A_47 = tpu.memref_squeeze %dma_wait3A_46 : memref<1x80x144xf32, #tpu.memory_space<hbm>> -> memref<80x144xf32, #tpu.memory_space<hbm>>
      %dma_wait3A_48 = arith.constant 0 : i32
      %dma_wait3A_49 = tpu.memref_slice %arg6[%arg0, %add3A_38, %dma_wait3A_48] : memref<2x10240x144xf32, #tpu.memory_space<hbm>> -> memref<1x80x144xf32, #tpu.memory_space<hbm>>
      %dma_wait3A_50 = tpu.memref_squeeze %dma_wait3A_49 : memref<1x80x144xf32, #tpu.memory_space<hbm>> -> memref<80x144xf32, #tpu.memory_space<hbm>>
      tpu.wait_dma2 semaphore(%run_scoped3A : memref<!tpu.dma_semaphore, #tpu.memory_space<semaphore_mem>>) src(%arg10 : memref<80x144xf32, #tpu.memory_space<vmem>>) dst(%dma_wait3A_50 : memref<80x144xf32, #tpu.memory_space<hbm>>)
      tpu.yield
    }) : () -> ()
    %add3A_39 = arith.constant 560 : i32
    %add3A_40 = arith.addi %mul3A_2, %add3A_39 : i32
    "tpu.region"() ({
      %run_scoped3A = tpu.sem_alloc : memref<!tpu.dma_semaphore, #tpu.memory_space<semaphore_mem>>
      %dma_start3A = arith.constant 0 : i32
      %dma_start3A_41 = tpu.memref_slice %arg11[%add3A_40, %dma_start3A] : memref<10240x144xf32, #tpu.memory_space<vmem_shared>> -> memref<80x144xf32, #tpu.memory_space<vmem_shared>>
      %dma_start3A_42 = arith.constant 0 : i32
      %dma_start3A_43 = tpu.memref_slice %arg11[%add3A_40, %dma_start3A_42] : memref<10240x144xf32, #tpu.memory_space<vmem_shared>> -> memref<80x144xf32, #tpu.memory_space<vmem_shared>>
      tpu.enqueue_dma source(%dma_start3A_43 : memref<80x144xf32, #tpu.memory_space<vmem_shared>>) target(%arg10 : memref<80x144xf32, #tpu.memory_space<vmem>>) target_semaphore(%run_scoped3A : memref<!tpu.dma_semaphore, #tpu.memory_space<semaphore_mem>>)
      %dma_wait3A = arith.constant 0 : i32
      %dma_wait3A_44 = tpu.memref_slice %arg11[%add3A_40, %dma_wait3A] : memref<10240x144xf32, #tpu.memory_space<vmem_shared>> -> memref<80x144xf32, #tpu.memory_space<vmem_shared>>
      %dma_wait3A_45 = arith.constant 0 : i32
      %dma_wait3A_46 = tpu.memref_slice %arg11[%add3A_40, %dma_wait3A_45] : memref<10240x144xf32, #tpu.memory_space<vmem_shared>> -> memref<80x144xf32, #tpu.memory_space<vmem_shared>>
      tpu.wait_dma2 semaphore(%run_scoped3A : memref<!tpu.dma_semaphore, #tpu.memory_space<semaphore_mem>>) src(%dma_wait3A_46 : memref<80x144xf32, #tpu.memory_space<vmem_shared>>) dst(%arg10 : memref<80x144xf32, #tpu.memory_space<vmem>>)
      tpu.yield
    }) : () -> ()
    "tpu.region"() ({
      %run_scoped3A = tpu.sem_alloc : memref<!tpu.dma_semaphore, #tpu.memory_space<semaphore_mem>>
      %dma_start3A = arith.constant 0 : i32
      %dma_start3A_41 = tpu.memref_slice %arg6[%arg0, %add3A_40, %dma_start3A] : memref<2x10240x144xf32, #tpu.memory_space<hbm>> -> memref<1x80x144xf32, #tpu.memory_space<hbm>>
      %dma_start3A_42 = tpu.memref_squeeze %dma_start3A_41 : memref<1x80x144xf32, #tpu.memory_space<hbm>> -> memref<80x144xf32, #tpu.memory_space<hbm>>
      %dma_start3A_43 = arith.constant 0 : i32
      %dma_start3A_44 = tpu.memref_slice %arg6[%arg0, %add3A_40, %dma_start3A_43] : memref<2x10240x144xf32, #tpu.memory_space<hbm>> -> memref<1x80x144xf32, #tpu.memory_space<hbm>>
      %dma_start3A_45 = tpu.memref_squeeze %dma_start3A_44 : memref<1x80x144xf32, #tpu.memory_space<hbm>> -> memref<80x144xf32, #tpu.memory_space<hbm>>
      tpu.enqueue_dma source(%arg10 : memref<80x144xf32, #tpu.memory_space<vmem>>) target(%dma_start3A_45 : memref<80x144xf32, #tpu.memory_space<hbm>>) target_semaphore(%run_scoped3A : memref<!tpu.dma_semaphore, #tpu.memory_space<semaphore_mem>>)
      %dma_wait3A = arith.constant 0 : i32
      %dma_wait3A_46 = tpu.memref_slice %arg6[%arg0, %add3A_40, %dma_wait3A] : memref<2x10240x144xf32, #tpu.memory_space<hbm>> -> memref<1x80x144xf32, #tpu.memory_space<hbm>>
      %dma_wait3A_47 = tpu.memref_squeeze %dma_wait3A_46 : memref<1x80x144xf32, #tpu.memory_space<hbm>> -> memref<80x144xf32, #tpu.memory_space<hbm>>
      %dma_wait3A_48 = arith.constant 0 : i32
      %dma_wait3A_49 = tpu.memref_slice %arg6[%arg0, %add3A_40, %dma_wait3A_48] : memref<2x10240x144xf32, #tpu.memory_space<hbm>> -> memref<1x80x144xf32, #tpu.memory_space<hbm>>
      %dma_wait3A_50 = tpu.memref_squeeze %dma_wait3A_49 : memref<1x80x144xf32, #tpu.memory_space<hbm>> -> memref<80x144xf32, #tpu.memory_space<hbm>>
      tpu.wait_dma2 semaphore(%run_scoped3A : memref<!tpu.dma_semaphore, #tpu.memory_space<semaphore_mem>>) src(%arg10 : memref<80x144xf32, #tpu.memory_space<vmem>>) dst(%dma_wait3A_50 : memref<80x144xf32, #tpu.memory_space<hbm>>)
      tpu.yield
    }) : () -> ()
    return
  }
}

module attributes {stable_mosaic.version = 14 : i64} {
  func.func @_mm2_body(%arg0: memref<10240x128xf32, #tpu.memory_space<vmem>>, %arg1: memref<128x128xf32, #tpu.memory_space<vmem>>, %arg2: memref<128x128xf32, #tpu.memory_space<vmem>>, %arg3: memref<1x128xf32, #tpu.memory_space<vmem>>, %arg4: memref<10240x128xf32, #tpu.memory_space<vmem>>, %arg5: memref<10240x128xf32, #tpu.memory_space<vmem>>) attributes {dimension_semantics = [], scalar_prefetch = 0 : i64, scratch_operands = 0 : i64, tpu.core_type = #tpu.core_type<tc>} {
    %get3A = arith.constant 0 : index
    %get3A_0 = arith.constant 0 : index
    %get3A_1 = vector.load %arg0[%get3A, %get3A_0] : memref<10240x128xf32, #tpu.memory_space<vmem>>, vector<10240x128xf32>
    %get3A_2 = arith.constant 0 : index
    %get3A_3 = arith.constant 0 : index
    %get3A_4 = vector.load %arg1[%get3A_2, %get3A_3] : memref<128x128xf32, #tpu.memory_space<vmem>>, vector<128x128xf32>
    %dot_general3A = arith.constant dense<0.000000e+00> : vector<10240x128xf32>
    %dot_general3A_5 = tpu.matmul %get3A_1, %get3A_4, %dot_general3A {dimension_numbers = #tpu.dot_dimension_numbers<[1], [1], [0], [0], [0, 0, 1, 0], [], []>, transpose_lhs_hint = false} : vector<10240x128xf32>, vector<128x128xf32>, vector<10240x128xf32> -> vector<10240x128xf32>
    %swap3A = arith.constant 0 : index
    %swap3A_6 = arith.constant 0 : index
    %swap3A_7 = vector.load %arg4[%swap3A, %swap3A_6] : memref<10240x128xf32, #tpu.memory_space<vmem>>, vector<10240x128xf32>
    tpu.vector_store %arg4[%swap3A, %swap3A_6], %dot_general3A_5 {strides = array<i32>} : memref<10240x128xf32, #tpu.memory_space<vmem>>, vector<10240x128xf32>,
    %get3A_8 = arith.constant 0 : index
    %get3A_9 = arith.constant 0 : index
    %get3A_10 = vector.load %arg2[%get3A_8, %get3A_9] : memref<128x128xf32, #tpu.memory_space<vmem>>, vector<128x128xf32>
    %dot_general3A_11 = arith.constant dense<0.000000e+00> : vector<10240x128xf32>
    %dot_general3A_12 = tpu.matmul %get3A_1, %get3A_10, %dot_general3A_11 {dimension_numbers = #tpu.dot_dimension_numbers<[1], [1], [0], [0], [0, 0, 1, 0], [], []>, transpose_lhs_hint = false} : vector<10240x128xf32>, vector<128x128xf32>, vector<10240x128xf32> -> vector<10240x128xf32>
    %get3A_13 = arith.constant 0 : index
    %get3A_14 = arith.constant 0 : index
    %get3A_15 = vector.load %arg3[%get3A_13, %get3A_14] : memref<1x128xf32, #tpu.memory_space<vmem>>, vector<1x128xf32>
    %add3A = vector.broadcast %get3A_15 : vector<1x128xf32> to vector<10240x128xf32>
    %add3A_16 = arith.addf %dot_general3A_12, %add3A : vector<10240x128xf32>
    %swap3A_17 = arith.constant 0 : index
    %swap3A_18 = arith.constant 0 : index
    %swap3A_19 = vector.load %arg5[%swap3A_17, %swap3A_18] : memref<10240x128xf32, #tpu.memory_space<vmem>>, vector<10240x128xf32>
    tpu.vector_store %arg5[%swap3A_17, %swap3A_18], %add3A_16 {strides = array<i32>} : memref<10240x128xf32, #tpu.memory_space<vmem>>, vector<10240x128xf32>,
    return
  }
}

module attributes {stable_mosaic.version = 14 : i64} {
  func.func @_combine_body(%arg0: memref<2x10240x144xf32, #tpu.memory_space<vmem>>, %arg1: memref<10240x128xf32, #tpu.memory_space<vmem>>, %arg2: memref<10240x128xf32, #tpu.memory_space<vmem>>) attributes {dimension_semantics = [], scalar_prefetch = 0 : i64, scratch_operands = 0 : i64, tpu.core_type = #tpu.core_type<tc>} {
    %get3A = arith.constant 0 : index
    %get3A_0 = arith.constant 0 : index
    %get3A_1 = arith.constant 0 : index
    %get3A_2 = vector.load %arg0[%get3A, %get3A_0, %get3A_1] : memref<2x10240x144xf32, #tpu.memory_space<vmem>>, vector<1x10240x128xf32>
    %get3A_3 = vector.shape_cast %get3A_2 : vector<1x10240x128xf32> to vector<10240x128xf32>
    %get3A_4 = arith.constant 1 : index
    %get3A_5 = arith.constant 0 : index
    %get3A_6 = arith.constant 0 : index
    %get3A_7 = vector.load %arg0[%get3A_4, %get3A_5, %get3A_6] : memref<2x10240x144xf32, #tpu.memory_space<vmem>>, vector<1x10240x128xf32>
    %get3A_8 = vector.shape_cast %get3A_7 : vector<1x10240x128xf32> to vector<10240x128xf32>
    %add3A = arith.addf %get3A_3, %get3A_8 : vector<10240x128xf32>
    %get3A_9 = arith.constant 0 : index
    %get3A_10 = arith.constant 0 : index
    %get3A_11 = arith.constant 128 : index
    %get3A_12 = vector.load %arg0[%get3A_9, %get3A_10, %get3A_11] : memref<2x10240x144xf32, #tpu.memory_space<vmem>>, vector<1x10240x1xf32>
    %get3A_13 = vector.shape_cast %get3A_12 : vector<1x10240x1xf32> to vector<10240x1xf32>
    %get3A_14 = arith.constant 1 : index
    %get3A_15 = arith.constant 0 : index
    %get3A_16 = arith.constant 128 : index
    %get3A_17 = vector.load %arg0[%get3A_14, %get3A_15, %get3A_16] : memref<2x10240x144xf32, #tpu.memory_space<vmem>>, vector<1x10240x1xf32>
    %get3A_18 = vector.shape_cast %get3A_17 : vector<1x10240x1xf32> to vector<10240x1xf32>
    %add3A_19 = arith.addf %get3A_13, %get3A_18 : vector<10240x1xf32>
    %max3A = arith.constant 1.000000e+00 : f32
    %max3A_20 = vector.broadcast %max3A : f32 to vector<10240x1xf32>
    %max3A_21 = arith.maximumf %add3A_19, %max3A_20 : vector<10240x1xf32>
    %div3A = vector.broadcast %max3A_21 : vector<10240x1xf32> to vector<10240x128xf32>
    %div3A_22 = arith.divf %add3A, %div3A : vector<10240x128xf32>
    %get3A_23 = arith.constant 0 : index
    %get3A_24 = arith.constant 0 : index
    %get3A_25 = vector.load %arg1[%get3A_23, %get3A_24] : memref<10240x128xf32, #tpu.memory_space<vmem>>, vector<10240x128xf32>
    %add3A_26 = arith.addf %div3A_22, %get3A_25 : vector<10240x128xf32>
    %max3A_27 = arith.constant 0.000000e+00 : f32
    %max3A_28 = vector.broadcast %max3A_27 : f32 to vector<10240x128xf32>
    %max3A_29 = arith.maximumf %add3A_26, %max3A_28 : vector<10240x128xf32>
    %swap3A = arith.constant 0 : index
    %swap3A_30 = arith.constant 0 : index
    %swap3A_31 = vector.load %arg2[%swap3A, %swap3A_30] : memref<10240x128xf32, #tpu.memory_space<vmem>>, vector<10240x128xf32>
    tpu.vector_store %arg2[%swap3A, %swap3A_30], %max3A_29 {strides = array<i32>} : memref<10240x128xf32, #tpu.memory_space<vmem>>, vector<10240x128xf32>,
    return
  }
}

module attributes {stable_mosaic.version = 14 : i64} {
  func.func @_combine_body(%arg0: memref<2x10240x144xf32, #tpu.memory_space<vmem>>, %arg1: memref<10240x128xf32, #tpu.memory_space<vmem>>, %arg2: memref<10240x128xf32, #tpu.memory_space<vmem>>) attributes {dimension_semantics = [], scalar_prefetch = 0 : i64, scratch_operands = 0 : i64, tpu.core_type = #tpu.core_type<tc>} {
    %get3A = arith.constant 0 : index
    %get3A_0 = arith.constant 0 : index
    %get3A_1 = arith.constant 0 : index
    %get3A_2 = vector.load %arg0[%get3A, %get3A_0, %get3A_1] : memref<2x10240x144xf32, #tpu.memory_space<vmem>>, vector<1x10240x128xf32>
    %get3A_3 = vector.shape_cast %get3A_2 : vector<1x10240x128xf32> to vector<10240x128xf32>
    %get3A_4 = arith.constant 1 : index
    %get3A_5 = arith.constant 0 : index
    %get3A_6 = arith.constant 0 : index
    %get3A_7 = vector.load %arg0[%get3A_4, %get3A_5, %get3A_6] : memref<2x10240x144xf32, #tpu.memory_space<vmem>>, vector<1x10240x128xf32>
    %get3A_8 = vector.shape_cast %get3A_7 : vector<1x10240x128xf32> to vector<10240x128xf32>
    %add3A = arith.addf %get3A_3, %get3A_8 : vector<10240x128xf32>
    %get3A_9 = arith.constant 0 : index
    %get3A_10 = arith.constant 0 : index
    %get3A_11 = arith.constant 128 : index
    %get3A_12 = vector.load %arg0[%get3A_9, %get3A_10, %get3A_11] : memref<2x10240x144xf32, #tpu.memory_space<vmem>>, vector<1x10240x1xf32>
    %get3A_13 = vector.shape_cast %get3A_12 : vector<1x10240x1xf32> to vector<10240x1xf32>
    %get3A_14 = arith.constant 1 : index
    %get3A_15 = arith.constant 0 : index
    %get3A_16 = arith.constant 128 : index
    %get3A_17 = vector.load %arg0[%get3A_14, %get3A_15, %get3A_16] : memref<2x10240x144xf32, #tpu.memory_space<vmem>>, vector<1x10240x1xf32>
    %get3A_18 = vector.shape_cast %get3A_17 : vector<1x10240x1xf32> to vector<10240x1xf32>
    %add3A_19 = arith.addf %get3A_13, %get3A_18 : vector<10240x1xf32>
    %max3A = arith.constant 1.000000e+00 : f32
    %max3A_20 = vector.broadcast %max3A : f32 to vector<10240x1xf32>
    %max3A_21 = arith.maximumf %add3A_19, %max3A_20 : vector<10240x1xf32>
    %div3A = vector.broadcast %max3A_21 : vector<10240x1xf32> to vector<10240x128xf32>
    %div3A_22 = arith.divf %add3A, %div3A : vector<10240x128xf32>
    %get3A_23 = arith.constant 0 : index
    %get3A_24 = arith.constant 0 : index
    %get3A_25 = vector.load %arg1[%get3A_23, %get3A_24] : memref<10240x128xf32, #tpu.memory_space<vmem>>, vector<10240x128xf32>
    %add3A_26 = arith.addf %div3A_22, %get3A_25 : vector<10240x128xf32>
    %swap3A = arith.constant 0 : index
    %swap3A_27 = arith.constant 0 : index
    %swap3A_28 = vector.load %arg2[%swap3A, %swap3A_27] : memref<10240x128xf32, #tpu.memory_space<vmem>>, vector<10240x128xf32>
    tpu.vector_store %arg2[%swap3A, %swap3A_27], %add3A_26 {strides = array<i32>} : memref<10240x128xf32, #tpu.memory_space<vmem>>, vector<10240x128xf32>,
    return
  }
}

</mosaic_0001>

<sc_bundles>
// kernel: kernel.12.cloned.1.call-start
scs
__scs_entry_jumppad:
0x0: {  	(pc) =	sbr.rel $0x88, $3  }
0x1: {  	(tag) =	ssettag $0x0;
	lr =	simm.s32 $0x1  }
0x2: {  	[smem:$0x3F98] =	sst lr;
	_ =	strace $0xD0000000  }
0x3: {  	_ = 	snop  }
0x4: {  	_ = 	snop  }
0x5: {  	_ = 	snop  }
0x6: {  	_ = 	snop  }
0x7: {  	_ = 	snop  }
__scs_overlays_trampoline_lowered:
0x8: {  	[smem:$0x3FA7] =	sst s0  }
0x9: {  	[smem:$0x3FA8] =	sst s1  }
0xa: {  	[smem:$0x3FA9] =	sst s2  }
0xb: {  	[smem:$0x3FAA] =	sst s3  }
0xc: {  	[smem:$0x3FAB] =	sst s4  }
0xd: {  	[smem:$0x3FAC] =	sst s5  }
0xe: {  	[smem:$0x3FAD] =	sst s6  }
0xf: {  	[smem:$0x3FAE] =	sst s7  }
0x10: {  	[smem:$0x3FAF] =	sst s8  }
0x11: {  	[smem:$0x3FB0] =	sst s9;
	s0 =	simm.s32 @!p0 $0x0  }
0x12: {  	s1 =	sld [smem:$0x3F96];
	s0 =	simm.s32 @p0 $0x1  }
0x13: {  	[smem:$0x3FB1] =	sst s0;
	s0 =	simm.s32 @!p1 $0x0  }
0x14: {  	s2 =	sld [smem:$0x3F95];
	s0 =	simm.s32 @p1 $0x1  }
0x15: {  	[smem:$0x3FB2] =	sst s0;
	s0 =	simm.s32 @!p2 $0x0  }
0x16: {  	s3 =	sld [smem:$0x3FDB];
	s0 =	simm.s32 @p2 $0x1  }
0x17: {  	s4 =	simm.s32 $0x1BF5;
	[smem:$0x3FB4] =	sst s0  }
0x18: {  	s0 =	sld [smem:$0x3F97];
	_ =	swait.ge [sflag:s4], $0x0  }
0x19: {  	s7 =	sld [smem:$0x3F98]  }
0x1a: {  	s8 =	sadd.s32 $0xFFFFE003, lr  }
0x1b: {  	s9 =	sadd.s32 $0xFFFFFEF7, lr;
	s5 =	simm.s32 $0xFFFFFFFF;
	p2 =	slt.u32 s8, $0xFFFFF086  }
0x1c: {  	p1 =	slt.u32 s9, $0xF7A;
	s5 =	simm.s32 @!p2 $0x0  }
0x1d: {  	s5 =	simm.s32 @p1 $0x1;
	p0 =	seq.s32 s7, s2  }
0x1e: {  	s7 =	smul.u32 @!p0 $0xF7A, s2;
	p2 =	seq.s32 @!p0 s5, $0x0  }
0x1f: {  	s9 =	smul.u32 $0xF7A, s1;
	s8 =	simm.s32 @!p0 $0x1BF5;
	p2 =	por !p2, p0  }
0x20: {  	[sflag:s8] =	ssyncset.s32 @!p0 $0xFFFFF086;
	s6 =	sadd.s32 @!p0 s3, s7;
	s7 =	simm.s32 @!p0 $0x108  }
0x21: {  	s3 =	sadd.s32 s3, s9;
	s6 =	sadd.s32 @!p0 $0x88, s6;
	s7 =	simm.s32 @p2 $0x1082  }
0x22: {  	[simem:s7], [sflag:s8] =	dma.local @!p0 [hbm:s6], $0xF7A  }
0x23: {  	s9 =	sor.u32 $0xD0000000, s2;
	s6 =	simm.s32 $0x108;
	_ =	swait.ge @!p0 [sflag:s8], $0x0  }
0x24: {  	s3 =	sadd.s32 $0x88, s3;
	s6 =	simm.s32 @!p1 $0x1082;
	[sflag:s4] =	ssyncset.s32 $0xFFFFF086  }
0x25: {  	[simem:s6], [sflag:s4] =	dma.local [hbm:s3], $0xF7A  }
0x26: {  	[smem:$0x3F98] =	sst s1;
	(tag) =	ssettag s2;
	_ =	strace s9  }
0x27: {  	s1 =	sld [smem:$0x3FA8]  }
0x28: {  	s2 =	sld [smem:$0x3FA9]  }
0x29: {  	s4 =	sld [smem:$0x3FAB]  }
0x2a: {  	p0 =	seq.s32 s5, $0x0;
	s5 =	sld [smem:$0x3FAC]  }
0x2b: {  	s6 =	sld [smem:$0x3FAD]  }
0x2c: {  	s7 =	sld [smem:$0x3FAE]  }
0x2d: {  	s3 =	simm.s32 $0x108;
	s8 =	sld [smem:$0x3FAF]  }
0x2e: {  	s3 =	simm.s32 @!p0 $0x1082;
	s9 =	sld [smem:$0x3FB0]  }
0x2f: {  	lr =	sadd.s32 s0, s3;
	s0 =	sld [smem:$0x3FA7]  }
0x30: {  	s3 =	sld [smem:$0x3FAA]  }
0x31: {  	[smem:$0x3FB3] =	sst s10  }
0x32: {  	s10 =	sld [smem:$0x3FB1];
	_ =	sdelay $0x3  }
0x33: {  	p0 =	seq.s32 s10, $0x1;
	s10 =	sld [smem:$0x3FB3];
	_ =	sdelay $0x3  }
0x34: {  	[smem:$0x3FB3] =	sst s10  }
0x35: {  	s10 =	sld [smem:$0x3FB2];
	_ =	sdelay $0x3  }
0x36: {  	p1 =	seq.s32 s10, $0x1;
	s10 =	sld [smem:$0x3FB3];
	_ =	sdelay $0x3  }
0x37: {  	[smem:$0x3FB3] =	sst s10  }
0x38: {  	s10 =	sld [smem:$0x3FB4]  }
0x39: {  	_ = 	snop;
	(pc) =	sbr.ind lr, $3  }
0x3a: {  	_ = 	snop  }
0x3b: {  	_ = 	snop  }
0x3c: {  	p2 =	seq.s32 s10, $0x1;
	s10 =	sld [smem:$0x3FB3]  }
0x3d: {  	_ =	shalt  }
0x3e: {  	_ =	shalt  }
0x3f: {  	_ =	shalt  }
0x40: {  	_ =	shalt  }
0x41: {  	_ =	shalt  }
0x42: {  	_ =	shalt  }
0x43: {  	_ =	shalt  }
0x44: {  	_ =	shalt  }
0x45: {  	_ =	shalt  }
0x46: {  	_ =	shalt  }
0x47: {  	_ =	shalt  }
0x48: {  	_ =	shalt  }
0x49: {  	_ =	shalt  }
0x4a: {  	_ =	shalt  }
0x4b: {  	_ =	shalt  }
0x4c: {  	_ =	shalt  }
0x4d: {  	_ =	shalt  }
0x4e: {  	_ =	shalt  }
0x4f: {  	_ =	shalt  }
0x50: {  	_ =	shalt  }
0x51: {  	_ =	shalt  }
0x52: {  	_ =	shalt  }
0x53: {  	_ =	shalt  }
0x54: {  	_ =	shalt  }
0x55: {  	_ =	shalt  }
0x56: {  	_ =	shalt  }
0x57: {  	_ =	shalt  }
0x58: {  	_ =	shalt  }
0x59: {  	_ =	shalt  }
0x5a: {  	_ =	shalt  }
0x5b: {  	_ =	shalt  }
0x5c: {  	_ =	shalt  }
0x5d: {  	_ =	shalt  }
0x5e: {  	_ =	shalt  }
0x5f: {  	_ =	shalt  }
0x60: {  	_ =	shalt  }
0x61: {  	_ =	shalt  }
0x62: {  	_ =	shalt  }
0x63: {  	_ =	shalt  }
0x64: {  	_ =	shalt  }
0x65: {  	_ =	shalt  }
0x66: {  	_ =	shalt  }
0x67: {  	_ =	shalt  }
0x68: {  	_ =	shalt  }
0x69: {  	_ =	shalt  }
0x6a: {  	_ =	shalt  }
0x6b: {  	_ =	shalt  }
0x6c: {  	_ =	shalt  }
0x6d: {  	_ =	shalt  }
0x6e: {  	_ =	shalt  }
0x6f: {  	_ =	shalt  }
0x70: {  	_ =	shalt  }
0x71: {  	_ =	shalt  }
0x72: {  	_ =	shalt  }
0x73: {  	_ =	shalt  }
0x74: {  	_ =	shalt  }
0x75: {  	_ =	shalt  }
0x76: {  	_ =	shalt  }
0x77: {  	_ =	shalt  }
0x78: {  	_ =	shalt  }
0x79: {  	_ =	shalt  }
0x7a: {  	_ =	shalt  }
0x7b: {  	_ =	shalt  }
0x7c: {  	_ =	shalt  }
0x7d: {  	_ =	shalt  }
0x7e: {  	_ =	shalt  }
0x7f: {  	_ =	shalt  }
0x80: {  	_ =	shalt  }
0x81: {  	_ =	shalt  }
0x82: {  	_ =	shalt  }
0x83: {  	_ =	shalt  }
0x84: {  	_ =	shalt  }
0x85: {  	_ =	shalt  }
0x86: {  	_ =	shalt  }
0x87: {  	_ =	shalt  }
.Lfunc_end0:
.L_simem_size_0:
called_computation.1_lowered:
.L_overlay_start_0:
0x88: {  	s2 =	sld [smem:$0x3FD9]  }
0x89: {  	s3 =	sld [smem:$0x3FFE];
	_ =	sdelay $0x1  }
0x8a: {  	s1 =	srdreg.scid  }
0x8b: {  	s0 =	sand.u32 $0x1, s1  }
0x8c: {  	s16 =	sshll.u32 s0, $0xA;
	s2 =	sadd.s32 s3, s2  }
0x8d: {  	s2 =	sadd.s32 s2, s16  }
0x8e: {  	[smem:$0x3FBF] =	sst s2  }
0x8f: {  	_ = 	snop  }
0x90: {  	(tm) =	ssettm $0x1  }
0x91: {  	s17 =	sld [smem:$0x3FFB];
	_ =	sdelay $0x3  }
0x92: {  	_ =	strace s17  }
0x93: {  	s2 =	sld [smem:$0x3FFC];
	_ =	sdelay $0x3  }
0x94: {  	_ =	strace s2  }
0x95: {  	s2 =	sld [smem:$0x3FFD];
	_ =	sdelay $0x3  }
0x96: {  	_ =	strace s2  }
0x97: {  	_ =	strace $0x8FFFFFFF  }
0x98: {  	s18 =	sld [smem:$0x3FDB];
	_ =	sdelay $0x1  }
0x99: {  	s19 =	simm.s32 $_scs_section_size  }
0x9a: {  	s4 =	simm.s32 $_size__tile_overlayer_lowered;
	s5 =	simm.s32 $_tile_overlayer_lowered  }
0x9b: {  	s22 =	simm.s32 $0x1BFF;
	s21 =	sshll.u32 s5, $0x1;
	s2 =	sadd.s32 s19, s18  }
0x9c: {  	s6 =	simm.s32 $0x0;
	s20 =	sshll.u32 s4, $0x1;
	s4 =	sadd.s32 s21, s2  }
0x9d: {  	[timem:s6], [sflag:s22] =	dma.local [hbm:s4], s20  }
0x9e: {  	_ =	swait.ge [sflag:s22], s20  }
0x9f: {  	s3 =	ssub.s32 $0x0, s20;
	[sflag:s22] =	ssyncset.done $0x0  }
0xa0: {  	[sflag:s22] =	ssyncadd.s32 s3;
	_ =	sdelay $0x1  }
0xa1: {  	s23 =	simm.s32 $0x1B8B  }
0xa2: {  	_ =	swait.ge [sflag:s23], $0x1  }
0xa3: {  	[sflag:s23] =	ssyncset.done $0x0  }
0xa4: {  	s25 =	simm.s32 $0x1B8E;
	s24 =	sld [smem:$0x3FFE];
	[sflag:s23] =	ssyncadd.s32 $0xFFFFFFFF  }
0xa5: {  	s26 =	simm.s32 $execute0_lowered;
	[smem:$0x3FD2] =	sst s25  }
0xa6: {  	s4 =	sshll.u32 s26, $0x1;
	_ =	strace $0x80000049;
	[dreg:$0x1] =	wrdreg $0xFFFFFFFF  }
0xa7: {  	s28 =	simm.s32 $_size_execute0_lowered;
	s2 =	sadd.s32 s2, s4;
	[dreg:$0x0] =	wrdreg $0x0  }
0xa8: {  	s4 =	sshll.u32 s28, $0x1;
	[dreg:$0x2] =	wrdreg s2  }
0xa9: {  	[dreg:$0x3] =	wrdreg s4  }
0xaa: {  	[dreg:$0x4] =	wrdreg $0xC0  }
0xab: {  	_ =	task [dreg:s6], $0x5FFFF  }
0xac: {  	[dreg:$0x1] =	wrdreg $0xFFFFFFFF  }
0xad: {  	[dreg:$0x0] =	wrdreg $0x60  }
0xae: {  	[dreg:$0x2] =	wrdreg s24  }
0xaf: {  	[dreg:$0x3] =	wrdreg $0x7D000  }
0xb0: {  	[dreg:$0x4] =	wrdreg $0x9  }
0xb1: {  	_ =	task.clear_ibuf [dreg:s6], $0x5FFFF;
	_ =	strace $0x90000049  }
0xb2: {  	s29 =	simm.s32 $0x9;
	_ =	strace $0x8000004B  }
0xb3: {  	_ =	swait.ge [sflag:s29], $0x1  }
0xb4: {  	[sflag:s29] =	ssyncadd.s32 $0xFFFFFFFF  }
0xb5: {  	_ =	strace $0x9000004B  }
0xb6: {  	_ =	sfence  }
0xb7: {  	s30 =	sld [smem:$0x0];
	_ =	sdelay $0x2  }
0xb8: {  	s31 =	sshll.u32 s1, $0xD;
	s1 =	sshrl.u32 s1, $0x2  }
0xb9: {  	s3 =	sand.u32 $0x4000, s31;
	s1 =	sadd.s32 s1, s30  }
0xba: {  	s0 =	sor.u32 s3, s0;
	s1 =	sshll.u32 s1, $0x11  }
0xbb: {  	s0 =	sor.u32 s1, s0  }
0xbc: {  	s0 =	sadd.s32 $0x8F2B, s0  }
0xbd: {  	[sflag:s0] =	ssyncadd.remote.s32 $0x1  }
0xbe: {  	_ =	sfence.sel $0xFFFF  }
0xbf: {  	[dreg:$0x0] =	wrdreg $0xFFFFFFFF;
	(pc) =	sbr.abs _section_cstart, $3  }
0xc0: {  	[dreg:$0x1] =	wrdreg $0xFFFFFFFF  }
0xc1: {  	_ =	task.clear_ibuf [dreg:s6], $0x2FFFF;
	_ =	strace $0x9FFFFFFF  }
0xc2: {  	(tm) =	ssettm $0x7FFFFFFF  }
0xc3: {  	_ =	shalt  }
tec
execute0_lowered:
.L_overlay_start_1:
0x0: {  	(tag) =	ssettag $0x1  }
0x1: {  	s5 =	stileid.u32  }
0x2: {  	s0 =	srdreg.scid;
	s1 =	simm.s32 $0x0;
	s4 =	smul.u32 $0x2780, s5  }
0x3: {  	s2 =	sand.u32 $0x1, s0;
	s0 =	rddreg [dreg:$0x0];
	s5 =	smul.u32 $0x16800, s5  }
0x4: {  	s30 =	simm.s32 $0x780;
	[smem:$0x7FF] =	sst s1;
	s3 =	smul.u32 $0x27800, s2  }
0x5: {  	s26 =	sadd.s32 $0x41C00, s0;
	s6 =	ssub.s32 $0x2, s2;
	s7 =	sadd.s32 $0x6EC00, s0  }
0x6: {  	s2 =	smul.u32 $0x168000, s2;
	s8 =	sshrl.u32 s6, $0x1;
	s9 =	sadd.s32 $0x2D00, s5  }
0x7: {  	s11 =	sshrl.u32 s5, $0x3;
	s3 =	sadd.s32 s4, s3;
	s6 =	ssub.s32 s6, s8  }
0x8: {  	s10 =	sshrl.u32 s9, $0x3;
	s8 =	sadd.s32 s26, s11;
	s11 =	sadd.s32 $0x8700, s5  }
0x9: {  	s20 =	sadd.s32 s2, s9;
	[dreg:$0x3] =	wrdreg s8;
	s12 =	sadd.s32 s26, s10  }
0xa: {  	s8 =	sadd.s32 $0x5A00, s5;
	s14 =	sshrl.u32 s11, $0x3;
	s21 =	sshrl.u32 s20, $0x3  }
0xb: {  	s24 =	sadd.s32 s2, s11;
	[dreg:$0x4] =	wrdreg s12;
	s13 =	sshrl.u32 s8, $0x3  }
0xc: {  	s12 =	sadd.s32 $0xB400, s5;
	s22 =	sadd.s32 s2, s8;
	s25 =	sshrl.u32 s24, $0x3  }
0xd: {  	s24 =	smax.u32 s6, $0x1;
	s6 =	simm.s32 $0x480;
	s10 =	sadd.s32 s26, s13  }
0xe: {  	s13 =	sshrl.u32 s12, $0x3;
	[dreg:$0x5] =	wrdreg s10;
	s10 =	sadd.s32 s26, s14  }
0xf: {  	s23 =	sshrl.u32 s22, $0x3;
	s15 =	sadd.s32 s26, s13;
	[dreg:$0x6] =	wrdreg s10  }
0x10: {  	s14 =	sadd.s32 $0x10E00, s5;
	[dreg:$0x7] =	wrdreg s15;
	s10 =	sadd.s32 $0xE100, s5  }
0x11: {  	s17 =	sshrl.u32 s14, $0x3;
	s15 =	sadd.s32 $0x13B00, s5;
	s16 =	sshrl.u32 s10, $0x3  }
0x12: {  	s18 =	sshrl.u32 s15, $0x3;
	s13 =	sadd.s32 s26, s16;
	s16 =	sadd.s32 s5, s2  }
0x13: {  	s4 =	sadd.s32 s26, s18;
	[dreg:$0x8] =	wrdreg s13;
	s13 =	sadd.s32 s26, s17  }
0x14: {  	[dreg:$0xa] =	wrdreg s4;
	s19 =	sshrl.u32 s16, $0x3;
	s26 =	sadd.s32 s2, s12  }
0x15: {  	s17 =	sadd.s32 s2, s10;
	[dreg:$0x9] =	wrdreg s13;
	s4 =	sadd.s32 s7, s19  }
0x16: {  	s16 =	sshrl.u32 s26, $0x3;
	s18 =	sshrl.u32 s17, $0x3;
	s19 =	sadd.s32 s2, s14  }
0x17: {  	s2 =	sadd.s32 s2, s15;
	s13 =	simm.s32 $0x280;
	s17 =	simm.s32 $0x700  }
0x18: {  	[dreg:$0xb] =	wrdreg s4;
	s4 =	sadd.s32 s7, s21;
	s20 =	sshrl.u32 s19, $0x3  }
0x19: {  	s2 =	sshrl.u32 s2, $0x3;
	[dreg:$0xc] =	wrdreg s4;
	s4 =	sadd.s32 s7, s23  }
0x1a: {  	s21 =	sshrl.u32 s3, $0x3;
	s2 =	sadd.s32 s7, s2;
	[dreg:$0xd] =	wrdreg s4  }
0x1b: {  	s3 =	simm.s32 $0x400;
	s4 =	sadd.s32 s7, s25;
	[dreg:$0x12] =	wrdreg s2  }
0x1c: {  	s2 =	sadd.s32 s21, s0;
	[dreg:$0xe] =	wrdreg s4;
	s4 =	sadd.s32 s7, s16  }
0x1d: {  	s19 =	simm.s32 $0x380;
	s31 =	sadd.s32 $0x2E000, s2;
	[dreg:$0xf] =	wrdreg s4  }
0x1e: {  	s16 =	sadd.s32 $0x37E00, s2;
	s4 =	sadd.s32 s7, s18;
	s18 =	rddreg [dreg:$0x1]  }
0x1f: {  	s2 =	simm.s32 $0x1;
	[dreg:$0x10] =	wrdreg s4;
	s4 =	sadd.s32 s7, s20  }
0x20: {  	s20 =	sadd.s32 $0x1000, s0;
	s22 =	sadd.s32 s9, s18;
	[dreg:$0x11] =	wrdreg s4  }
0x21: {  	s23 =	sadd.s32 s5, s18;
	_ =	strace $0x8000004A;
	[dreg:$0x1c] =	wrdreg s22  }
0x22: {  	s25 =	sadd.s32 s8, s18;
	s26 =	sadd.s32 s11, s18;
	[dreg:$0x1a] =	wrdreg s24  }
0x23: {  	s28 =	sadd.s32 s12, s18;
	s29 =	sadd.s32 s10, s18;
	[dreg:$0x13] =	wrdreg s25  }
0x24: {  	s21 =	sadd.s32 s14, s18;
	s0 =	sadd.s32 s15, s18;
	[dreg:$0x14] =	wrdreg s26  }
0x25: {  	s5 =	simm.s32 $0x800;
	s7 =	simm.s32 $0x100;
	[dreg:$0x15] =	wrdreg s28  }
0x26: {  	s8 =	simm.s32 $0x500;
	s9 =	simm.s32 $0x180;
	[dreg:$0x16] =	wrdreg s23  }
0x27: {  	s10 =	simm.s32 $0x580;
	s11 =	simm.s32 $0x200;
	[dreg:$0x17] =	wrdreg s29  }
0x28: {  	s12 =	simm.s32 $0x600;
	s14 =	simm.s32 $0x680;
	[dreg:$0x18] =	wrdreg s21  }
0x29: {  	s15 =	simm.s32 $0x300;
	s22 =	simm.s32 $0x0;
	[dreg:$0x19] =	wrdreg s0  }
0x2a: {  	s4 =	simm.s32 $0x80;
	s24 =	simm.s32 $0x5000;
	[dreg:$0x1b] =	wrdreg s22  }
.LBB2_1:
0x2b: {  	s22 =	rddreg [dreg:$0x3]  }
0x2c: {  	[tilespmem:s24], [sflag:$0x1] =	stream.linear.gather [hbm4b:s22+s1], $0x2D00, $0x38;
	[tilespmem:$0x1E500] =	vst v63  }
0x2d: {  	_ =	swait.ge [sflag:s2], $0x2D00  }
0x2e: {  	[sflag:s2] =	ssyncset.done $0x0  }
0x2f: {  	[sflag:s2] =	ssyncadd.s32 $0xFFFFD300  }
0x30: {  	[spmem:s23] =	stream.linear.scatter [tilespmem:s24], [sflag:$0x1], $0x2D00, $0x38;
	[tilespmem:$0x1E500] =	vst v63  }
0x31: {  	_ =	swait.ge [sflag:s2], $0x2D00  }
0x32: {  	[sflag:s2] =	ssyncset.done $0x0  }
0x33: {  	s23 =	rddreg [dreg:$0x4];
	[sflag:s2] =	ssyncadd.s32 $0xFFFFD300  }
0x34: {  	[tilespmem:s24], [sflag:$0x1] =	stream.linear.gather [hbm4b:s23+s1], $0x2D00, $0x38;
	[tilespmem:$0x1E500] =	vst v63  }
0x35: {  	_ =	swait.ge [sflag:s2], $0x2D00  }
0x36: {  	[sflag:s2] =	ssyncset.done $0x0  }
0x37: {  	s22 =	rddreg [dreg:$0x1c];
	[sflag:s2] =	ssyncadd.s32 $0xFFFFD300  }
0x38: {  	[spmem:s22] =	stream.linear.scatter [tilespmem:s24], [sflag:$0x1], $0x2D00, $0x38;
	[tilespmem:$0x1E500] =	vst v63  }
0x39: {  	_ =	swait.ge [sflag:s2], $0x2D00  }
0x3a: {  	s23 =	smov.u32 s29;
	[sflag:s2] =	ssyncset.done $0x0  }
0x3b: {  	s29 =	smov.u32 s22;
	s22 =	rddreg [dreg:$0x5];
	[sflag:s2] =	ssyncadd.s32 $0xFFFFD300  }
0x3c: {  	[tilespmem:s24], [sflag:$0x1] =	stream.linear.gather [hbm4b:s22+s1], $0x2D00, $0x38;
	[tilespmem:$0x1E500] =	vst v63  }
0x3d: {  	_ =	swait.ge [sflag:s2], $0x2D00  }
0x3e: {  	[sflag:s2] =	ssyncset.done $0x0  }
0x3f: {  	[sflag:s2] =	ssyncadd.s32 $0xFFFFD300  }
0x40: {  	[spmem:s25] =	stream.linear.scatter [tilespmem:s24], [sflag:$0x1], $0x2D00, $0x38;
	[tilespmem:$0x1E500] =	vst v63  }
0x41: {  	_ =	swait.ge [sflag:s2], $0x2D00  }
0x42: {  	[sflag:s2] =	ssyncset.done $0x0  }
0x43: {  	s25 =	rddreg [dreg:$0x6];
	[sflag:s2] =	ssyncadd.s32 $0xFFFFD300  }
0x44: {  	[tilespmem:s24], [sflag:$0x1] =	stream.linear.gather [hbm4b:s25+s1], $0x2D00, $0x38;
	[tilespmem:$0x1E500] =	vst v63  }
0x45: {  	_ =	swait.ge [sflag:s2], $0x2D00  }
0x46: {  	[sflag:s2] =	ssyncset.done $0x0  }
0x47: {  	[sflag:s2] =	ssyncadd.s32 $0xFFFFD300  }
0x48: {  	[spmem:s26] =	stream.linear.scatter [tilespmem:s24], [sflag:$0x1], $0x2D00, $0x38;
	[tilespmem:$0x1E500] =	vst v63  }
0x49: {  	_ =	swait.ge [sflag:s2], $0x2D00  }
0x4a: {  	[sflag:s2] =	ssyncset.done $0x0  }
0x4b: {  	s26 =	rddreg [dreg:$0x7];
	[sflag:s2] =	ssyncadd.s32 $0xFFFFD300  }
0x4c: {  	[tilespmem:s24], [sflag:$0x1] =	stream.linear.gather [hbm4b:s26+s1], $0x2D00, $0x38;
	[tilespmem:$0x1E500] =	vst v63  }
0x4d: {  	_ =	swait.ge [sflag:s2], $0x2D00  }
0x4e: {  	[sflag:s2] =	ssyncset.done $0x0  }
0x4f: {  	[sflag:s2] =	ssyncadd.s32 $0xFFFFD300  }
0x50: {  	[spmem:s28] =	stream.linear.scatter [tilespmem:s24], [sflag:$0x1], $0x2D00, $0x38;
	[tilespmem:$0x1E500] =	vst v63  }
0x51: {  	_ =	swait.ge [sflag:s2], $0x2D00  }
0x52: {  	[sflag:s2] =	ssyncset.done $0x0  }
0x53: {  	s28 =	rddreg [dreg:$0x8];
	[sflag:s2] =	ssyncadd.s32 $0xFFFFD300  }
0x54: {  	[tilespmem:s24], [sflag:$0x1] =	stream.linear.gather [hbm4b:s28+s1], $0x2D00, $0x38;
	[tilespmem:$0x1E500] =	vst v63  }
0x55: {  	_ =	swait.ge [sflag:s2], $0x2D00  }
0x56: {  	[sflag:s2] =	ssyncset.done $0x0  }
0x57: {  	[sflag:s2] =	ssyncadd.s32 $0xFFFFD300  }
0x58: {  	[spmem:s23] =	stream.linear.scatter [tilespmem:s24], [sflag:$0x1], $0x2D00, $0x38;
	[tilespmem:$0x1E500] =	vst v63  }
0x59: {  	_ =	swait.ge [sflag:s2], $0x2D00  }
0x5a: {  	[sflag:s2] =	ssyncset.done $0x0  }
0x5b: {  	s23 =	rddreg [dreg:$0x9];
	[sflag:s2] =	ssyncadd.s32 $0xFFFFD300  }
0x5c: {  	[tilespmem:s24], [sflag:$0x1] =	stream.linear.gather [hbm4b:s23+s1], $0x2D00, $0x38;
	[tilespmem:$0x1E500] =	vst v63  }
0x5d: {  	_ =	swait.ge [sflag:s2], $0x2D00  }
0x5e: {  	[sflag:s2] =	ssyncset.done $0x0  }
0x5f: {  	[sflag:s2] =	ssyncadd.s32 $0xFFFFD300  }
0x60: {  	[spmem:s21] =	stream.linear.scatter [tilespmem:s24], [sflag:$0x1], $0x2D00, $0x38;
	[tilespmem:$0x1E500] =	vst v63  }
0x61: {  	_ =	swait.ge [sflag:s2], $0x2D00  }
0x62: {  	[sflag:s2] =	ssyncset.done $0x0  }
0x63: {  	s25 =	rddreg [dreg:$0xa];
	[sflag:s2] =	ssyncadd.s32 $0xFFFFD300  }
0x64: {  	[tilespmem:s24], [sflag:$0x1] =	stream.linear.gather [hbm4b:s25+s1], $0x2D00, $0x38;
	[tilespmem:$0x1E500] =	vst v63  }
0x65: {  	_ =	swait.ge [sflag:s2], $0x2D00  }
0x66: {  	[sflag:s2] =	ssyncset.done $0x0  }
0x67: {  	[sflag:s2] =	ssyncadd.s32 $0xFFFFD300  }
0x68: {  	[spmem:s0] =	stream.linear.scatter [tilespmem:s24], [sflag:$0x1], $0x2D00, $0x38;
	[tilespmem:$0x1E500] =	vst v63  }
0x69: {  	_ =	swait.ge [sflag:s2], $0x2D00  }
0x6a: {  	[sflag:s2] =	ssyncset.done $0x0  }
0x6b: {  	[sflag:s2] =	ssyncadd.s32 $0xFFFFD300  }
0x6c: {  	s26 =	sadd.s32 $0x0, s16;
	[bflag:$0x0] =	sbarrier.arrive $0xFFFF  }
0x6d: {  	[tilespmem:s1], [sflag:$0x1] =	stream.linear.gather [hbm4b:s26+s1], $0x400, $0x38;
	[tilespmem:$0x1E500] =	vst v63  }
0x6e: {  	_ =	swait.ge [sflag:s2], $0x400  }
0x6f: {  	[sflag:s2] =	ssyncset.done $0x0  }
0x70: {  	s28 =	sadd.s32 $0x0, s31;
	[sflag:s2] =	ssyncadd.s32 $0xFFFFFC00  }
0x71: {  	[tilespmem:s3], [sflag:$0x1] =	stream.linear.gather [hbm4b:s28+s1], $0x400, $0x38;
	[tilespmem:$0x1E500] =	vst v63  }
0x72: {  	_ =	swait.ge [sflag:s2], $0x400  }
0x73: {  	[sflag:s2] =	ssyncset.done $0x0  }
0x74: {  	[sflag:s2] =	ssyncadd.s32 $0xFFFFFC00  }
0x75: {  	[tilespmem:s5], [sflag:$0x1] =	stream.indirect.gather [hbm4b:s20+s4], $0x90, s1, s4, $0xb8;
	[tilespmem:$0x1E500] =	vst v63  }
0x76: {  	_ =	swait.ge [sflag:s2], $0x4800  }
0x77: {  	[sflag:s2] =	ssyncset.done $0x0  }
0x78: {  	[sflag:s2] =	ssyncadd.s32 $0xFFFFB800  }
0x79: {  	[spmem:s18] =	stream.indirect.scatter.add.f32 [tilespmem:s5], [sflag:$0x1], $0x90, s3, s4, $0xb8;
	[tilespmem:$0x1E500] =	vst v63  }
0x7a: {  	_ =	swait.ge [sflag:s2], $0x4800  }
0x7b: {  	[sflag:s2] =	ssyncset.done $0x0  }
0x7c: {  	[sflag:s2] =	ssyncadd.s32 $0xFFFFB800  }
0x7d: {  	[tilespmem:s5], [sflag:$0x1] =	stream.indirect.gather [hbm4b:s20+s4], $0x90, s4, s4, $0xb8;
	[tilespmem:$0x1E500] =	vst v63  }
0x7e: {  	_ =	swait.ge [sflag:s2], $0x4800  }
0x7f: {  	[sflag:s2] =	ssyncset.done $0x0  }
0x80: {  	[sflag:s2] =	ssyncadd.s32 $0xFFFFB800  }
0x81: {  	[spmem:s18] =	stream.indirect.scatter.add.f32 [tilespmem:s5], [sflag:$0x1], $0x90, s6, s4, $0xb8;
	[tilespmem:$0x1E500] =	vst v63  }
0x82: {  	_ =	swait.ge [sflag:s2], $0x4800  }
0x83: {  	[sflag:s2] =	ssyncset.done $0x0  }
0x84: {  	[sflag:s2] =	ssyncadd.s32 $0xFFFFB800  }
0x85: {  	[tilespmem:s5], [sflag:$0x1] =	stream.indirect.gather [hbm4b:s20+s4], $0x90, s7, s4, $0xb8;
	[tilespmem:$0x1E500] =	vst v63  }
0x86: {  	_ =	swait.ge [sflag:s2], $0x4800  }
0x87: {  	[sflag:s2] =	ssyncset.done $0x0  }
0x88: {  	[sflag:s2] =	ssyncadd.s32 $0xFFFFB800  }
0x89: {  	[spmem:s18] =	stream.indirect.scatter.add.f32 [tilespmem:s5], [sflag:$0x1], $0x90, s8, s4, $0xb8;
	[tilespmem:$0x1E500] =	vst v63  }
0x8a: {  	_ =	swait.ge [sflag:s2], $0x4800  }
0x8b: {  	[sflag:s2] =	ssyncset.done $0x0  }
0x8c: {  	[sflag:s2] =	ssyncadd.s32 $0xFFFFB800  }
0x8d: {  	[tilespmem:s5], [sflag:$0x1] =	stream.indirect.gather [hbm4b:s20+s4], $0x90, s9, s4, $0xb8;
	[tilespmem:$0x1E500] =	vst v63  }
0x8e: {  	_ =	swait.ge [sflag:s2], $0x4800  }
0x8f: {  	[sflag:s2] =	ssyncset.done $0x0  }
0x90: {  	[sflag:s2] =	ssyncadd.s32 $0xFFFFB800  }
0x91: {  	[spmem:s18] =	stream.indirect.scatter.add.f32 [tilespmem:s5], [sflag:$0x1], $0x90, s10, s4, $0xb8;
	[tilespmem:$0x1E500] =	vst v63  }
0x92: {  	_ =	swait.ge [sflag:s2], $0x4800  }
0x93: {  	[sflag:s2] =	ssyncset.done $0x0  }
0x94: {  	[sflag:s2] =	ssyncadd.s32 $0xFFFFB800  }
0x95: {  	[tilespmem:s5], [sflag:$0x1] =	stream.indirect.gather [hbm4b:s20+s4], $0x90, s11, s4, $0xb8;
	[tilespmem:$0x1E500] =	vst v63  }
0x96: {  	_ =	swait.ge [sflag:s2], $0x4800  }
0x97: {  	[sflag:s2] =	ssyncset.done $0x0  }
0x98: {  	[sflag:s2] =	ssyncadd.s32 $0xFFFFB800  }
0x99: {  	[spmem:s18] =	stream.indirect.scatter.add.f32 [tilespmem:s5], [sflag:$0x1], $0x90, s12, s4, $0xb8;
	[tilespmem:$0x1E500] =	vst v63  }
0x9a: {  	_ =	swait.ge [sflag:s2], $0x4800  }
0x9b: {  	[sflag:s2] =	ssyncset.done $0x0  }
0x9c: {  	[sflag:s2] =	ssyncadd.s32 $0xFFFFB800  }
0x9d: {  	[tilespmem:s5], [sflag:$0x1] =	stream.indirect.gather [hbm4b:s20+s4], $0x90, s13, s4, $0xb8;
	[tilespmem:$0x1E500] =	vst v63  }
0x9e: {  	_ =	swait.ge [sflag:s2], $0x4800  }
0x9f: {  	[sflag:s2] =	ssyncset.done $0x0  }
0xa0: {  	[sflag:s2] =	ssyncadd.s32 $0xFFFFB800  }
0xa1: {  	[spmem:s18] =	stream.indirect.scatter.add.f32 [tilespmem:s5], [sflag:$0x1], $0x90, s14, s4, $0xb8;
	[tilespmem:$0x1E500] =	vst v63  }
0xa2: {  	_ =	swait.ge [sflag:s2], $0x4800  }
0xa3: {  	[sflag:s2] =	ssyncset.done $0x0  }
0xa4: {  	[sflag:s2] =	ssyncadd.s32 $0xFFFFB800  }
0xa5: {  	[tilespmem:s5], [sflag:$0x1] =	stream.indirect.gather [hbm4b:s20+s4], $0x90, s15, s4, $0xb8;
	[tilespmem:$0x1E500] =	vst v63  }
0xa6: {  	_ =	swait.ge [sflag:s2], $0x4800  }
0xa7: {  	[sflag:s2] =	ssyncset.done $0x0  }
0xa8: {  	[sflag:s2] =	ssyncadd.s32 $0xFFFFB800  }
0xa9: {  	[spmem:s18] =	stream.indirect.scatter.add.f32 [tilespmem:s5], [sflag:$0x1], $0x90, s17, s4, $0xb8;
	[tilespmem:$0x1E500] =	vst v63  }
0xaa: {  	_ =	swait.ge [sflag:s2], $0x4800  }
0xab: {  	[sflag:s2] =	ssyncset.done $0x0  }
0xac: {  	[sflag:s2] =	ssyncadd.s32 $0xFFFFB800  }
0xad: {  	[tilespmem:s5], [sflag:$0x1] =	stream.indirect.gather [hbm4b:s20+s4], $0x90, s19, s4, $0xb8;
	[tilespmem:$0x1E500] =	vst v63  }
0xae: {  	_ =	swait.ge [sflag:s2], $0x4800  }
0xaf: {  	[sflag:s2] =	ssyncset.done $0x0  }
0xb0: {  	[sflag:s2] =	ssyncadd.s32 $0xFFFFB800  }
0xb1: {  	[spmem:s18] =	stream.indirect.scatter.add.f32 [tilespmem:s5], [sflag:$0x1], $0x90, s30, s4, $0xb8;
	[tilespmem:$0x1E500] =	vst v63  }
0xb2: {  	s22 =	simm.s32 $0x80;
	_ =	swait.ge [sflag:s2], $0x4800  }
0xb3: {  	s23 =	simm.s32 $0x100;
	s0 =	simm.s32 $0x5000;
	[sflag:s2] =	ssyncset.done $0x0  }
.LBB2_2:
0xb4: {  	s25 =	sadd.s32 s22, s16  }
0xb5: {  	[sflag:s2] =	ssyncadd.s32 $0xFFFFB800;
	s26 =	smov.u32 s23;
	s24 =	sadd.s32 $0x80, s23  }
0xb6: {  	[tilespmem:s1], [sflag:$0x1] =	stream.linear.gather [hbm4b:s25+s1], $0x400, $0x38;
	[tilespmem:$0x1E500] =	vst v63  }
0xb7: {  	p0 =	sne.s32 s23, $0x400;
	_ =	swait.ge [sflag:s2], $0x400  }
0xb8: {  	[sflag:s2] =	ssyncset.done $0x0  }
0xb9: {  	s23 =	sadd.s32 s22, s31;
	s22 =	smov.u32 s26;
	[sflag:s2] =	ssyncadd.s32 $0xFFFFFC00  }
0xba: {  	[tilespmem:s3], [sflag:$0x1] =	stream.linear.gather [hbm4b:s23+s1], $0x400, $0x38;
	[tilespmem:$0x1E500] =	vst v63  }
0xbb: {  	_ =	swait.ge [sflag:s2], $0x400  }
0xbc: {  	[sflag:s2] =	ssyncset.done $0x0  }
0xbd: {  	[sflag:s2] =	ssyncadd.s32 $0xFFFFFC00  }
0xbe: {  	[tilespmem:s5], [sflag:$0x1] =	stream.indirect.gather [hbm4b:s20+s4], $0x90, s1, s4, $0xb8;
	[tilespmem:$0x1E500] =	vst v63  }
0xbf: {  	_ =	swait.ge [sflag:s2], $0x4800  }
0xc0: {  	[sflag:s2] =	ssyncset.done $0x0  }
0xc1: {  	[sflag:s2] =	ssyncadd.s32 $0xFFFFB800  }
0xc2: {  	[spmem:s18] =	stream.indirect.scatter.add.f32 [tilespmem:s5], [sflag:$0x1], $0x90, s3, s4, $0xb8;
	[tilespmem:$0x1E500] =	vst v63  }
0xc3: {  	_ =	swait.ge [sflag:s2], $0x4800  }
0xc4: {  	[sflag:s2] =	ssyncset.done $0x0  }
0xc5: {  	[sflag:s2] =	ssyncadd.s32 $0xFFFFB800  }
0xc6: {  	[tilespmem:s5], [sflag:$0x1] =	stream.indirect.gather [hbm4b:s20+s4], $0x90, s4, s4, $0xb8;
	[tilespmem:$0x1E500] =	vst v63  }
0xc7: {  	_ =	swait.ge [sflag:s2], $0x4800  }
0xc8: {  	[sflag:s2] =	ssyncset.done $0x0  }
0xc9: {  	[sflag:s2] =	ssyncadd.s32 $0xFFFFB800  }
0xca: {  	[spmem:s18] =	stream.indirect.scatter.add.f32 [tilespmem:s5], [sflag:$0x1], $0x90, s6, s4, $0xb8;
	[tilespmem:$0x1E500] =	vst v63  }
0xcb: {  	_ =	swait.ge [sflag:s2], $0x4800  }
0xcc: {  	[sflag:s2] =	ssyncset.done $0x0  }
0xcd: {  	[sflag:s2] =	ssyncadd.s32 $0xFFFFB800  }
0xce: {  	[tilespmem:s5], [sflag:$0x1] =	stream.indirect.gather [hbm4b:s20+s4], $0x90, s7, s4, $0xb8;
	[tilespmem:$0x1E500] =	vst v63  }
0xcf: {  	_ =	swait.ge [sflag:s2], $0x4800  }
0xd0: {  	[sflag:s2] =	ssyncset.done $0x0  }
0xd1: {  	[sflag:s2] =	ssyncadd.s32 $0xFFFFB800  }
0xd2: {  	[spmem:s18] =	stream.indirect.scatter.add.f32 [tilespmem:s5], [sflag:$0x1], $0x90, s8, s4, $0xb8;
	[tilespmem:$0x1E500] =	vst v63  }
0xd3: {  	_ =	swait.ge [sflag:s2], $0x4800  }
0xd4: {  	[sflag:s2] =	ssyncset.done $0x0  }
0xd5: {  	[sflag:s2] =	ssyncadd.s32 $0xFFFFB800  }
0xd6: {  	[tilespmem:s5], [sflag:$0x1] =	stream.indirect.gather [hbm4b:s20+s4], $0x90, s9, s4, $0xb8;
	[tilespmem:$0x1E500] =	vst v63  }
0xd7: {  	_ =	swait.ge [sflag:s2], $0x4800  }
0xd8: {  	[sflag:s2] =	ssyncset.done $0x0  }
0xd9: {  	[sflag:s2] =	ssyncadd.s32 $0xFFFFB800  }
0xda: {  	[spmem:s18] =	stream.indirect.scatter.add.f32 [tilespmem:s5], [sflag:$0x1], $0x90, s10, s4, $0xb8;
	[tilespmem:$0x1E500] =	vst v63  }
0xdb: {  	_ =	swait.ge [sflag:s2], $0x4800  }
0xdc: {  	[sflag:s2] =	ssyncset.done $0x0  }
0xdd: {  	[sflag:s2] =	ssyncadd.s32 $0xFFFFB800  }
0xde: {  	[tilespmem:s5], [sflag:$0x1] =	stream.indirect.gather [hbm4b:s20+s4], $0x90, s11, s4, $0xb8;
	[tilespmem:$0x1E500] =	vst v63  }
0xdf: {  	_ =	swait.ge [sflag:s2], $0x4800  }
0xe0: {  	[sflag:s2] =	ssyncset.done $0x0  }
0xe1: {  	[sflag:s2] =	ssyncadd.s32 $0xFFFFB800  }
0xe2: {  	[spmem:s18] =	stream.indirect.scatter.add.f32 [tilespmem:s5], [sflag:$0x1], $0x90, s12, s4, $0xb8;
	[tilespmem:$0x1E500] =	vst v63  }
0xe3: {  	_ =	swait.ge [sflag:s2], $0x4800  }
0xe4: {  	[sflag:s2] =	ssyncset.done $0x0  }
0xe5: {  	[sflag:s2] =	ssyncadd.s32 $0xFFFFB800  }
0xe6: {  	[tilespmem:s5], [sflag:$0x1] =	stream.indirect.gather [hbm4b:s20+s4], $0x90, s13, s4, $0xb8;
	[tilespmem:$0x1E500] =	vst v63  }
0xe7: {  	_ =	swait.ge [sflag:s2], $0x4800  }
0xe8: {  	[sflag:s2] =	ssyncset.done $0x0  }
0xe9: {  	[sflag:s2] =	ssyncadd.s32 $0xFFFFB800  }
0xea: {  	[spmem:s18] =	stream.indirect.scatter.add.f32 [tilespmem:s5], [sflag:$0x1], $0x90, s14, s4, $0xb8;
	[tilespmem:$0x1E500] =	vst v63  }
0xeb: {  	_ =	swait.ge [sflag:s2], $0x4800  }
0xec: {  	[sflag:s2] =	ssyncset.done $0x0  }
0xed: {  	[sflag:s2] =	ssyncadd.s32 $0xFFFFB800  }
0xee: {  	[tilespmem:s5], [sflag:$0x1] =	stream.indirect.gather [hbm4b:s20+s4], $0x90, s15, s4, $0xb8;
	[tilespmem:$0x1E500] =	vst v63  }
0xef: {  	_ =	swait.ge [sflag:s2], $0x4800  }
0xf0: {  	[sflag:s2] =	ssyncset.done $0x0  }
0xf1: {  	[sflag:s2] =	ssyncadd.s32 $0xFFFFB800  }
0xf2: {  	[spmem:s18] =	stream.indirect.scatter.add.f32 [tilespmem:s5], [sflag:$0x1], $0x90, s17, s4, $0xb8;
	[tilespmem:$0x1E500] =	vst v63  }
0xf3: {  	_ =	swait.ge [sflag:s2], $0x4800  }
0xf4: {  	[sflag:s2] =	ssyncset.done $0x0  }
0xf5: {  	[sflag:s2] =	ssyncadd.s32 $0xFFFFB800  }
0xf6: {  	[tilespmem:s5], [sflag:$0x1] =	stream.indirect.gather [hbm4b:s20+s4], $0x90, s19, s4, $0xb8;
	[tilespmem:$0x1E500] =	vst v63  }
0xf7: {  	_ =	swait.ge [sflag:s2], $0x4800  }
.Ltmp0:
0xf8: {  	[sflag:s2] =	ssyncset.done $0x0;
	(pc) =	sbr.rel @p0 .LBB2_2-.Ltmp0, $4  }
0xf9: {  	[sflag:s2] =	ssyncadd.s32 $0xFFFFB800  }
0xfa: {  	[spmem:s18] =	stream.indirect.scatter.add.f32 [tilespmem:s5], [sflag:$0x1], $0x90, s30, s4, $0xb8;
	[tilespmem:$0x1E500] =	vst v63  }
0xfb: {  	_ =	swait.ge [sflag:s2], $0x4800  }
0xfc: {  	s23 =	smov.u32 s24;
	[sflag:s2] =	ssyncset.done $0x0  }
0xfd: {  	s23 =	sadd.s32 s22, s16;
	[sflag:s2] =	ssyncadd.s32 $0xFFFFB800  }
0xfe: {  	[tilespmem:s1], [sflag:$0x1] =	stream.linear.gather [hbm4b:s23+s1], $0x400, $0x38;
	[tilespmem:$0x1E500] =	vst v63  }
0xff: {  	_ =	swait.ge [sflag:s2], $0x400  }
0x100: {  	[sflag:s2] =	ssyncset.done $0x0  }
0x101: {  	s25 =	sadd.s32 s22, s31;
	[sflag:s2] =	ssyncadd.s32 $0xFFFFFC00  }
0x102: {  	[tilespmem:s3], [sflag:$0x1] =	stream.linear.gather [hbm4b:s25+s1], $0x400, $0x38;
	[tilespmem:$0x1E500] =	vst v63  }
0x103: {  	_ =	swait.ge [sflag:s2], $0x400  }
0x104: {  	[sflag:s2] =	ssyncset.done $0x0  }
0x105: {  	[sflag:s2] =	ssyncadd.s32 $0xFFFFFC00  }
0x106: {  	[tilespmem:s5], [sflag:$0x1] =	stream.indirect.gather [hbm4b:s20+s4], $0x90, s1, s4, $0xb8;
	[tilespmem:$0x1E500] =	vst v63  }
0x107: {  	_ =	swait.ge [sflag:s2], $0x4800  }
0x108: {  	[sflag:s2] =	ssyncset.done $0x0  }
0x109: {  	[sflag:s2] =	ssyncadd.s32 $0xFFFFB800  }
0x10a: {  	[spmem:s18] =	stream.indirect.scatter.add.f32 [tilespmem:s5], [sflag:$0x1], $0x90, s3, s4, $0xb8;
	[tilespmem:$0x1E500] =	vst v63  }
0x10b: {  	_ =	swait.ge [sflag:s2], $0x4800  }
0x10c: {  	[sflag:s2] =	ssyncset.done $0x0  }
0x10d: {  	[sflag:s2] =	ssyncadd.s32 $0xFFFFB800  }
0x10e: {  	[tilespmem:s5], [sflag:$0x1] =	stream.indirect.gather [hbm4b:s20+s4], $0x90, s4, s4, $0xb8;
	[tilespmem:$0x1E500] =	vst v63  }
0x10f: {  	_ =	swait.ge [sflag:s2], $0x4800  }
0x110: {  	[sflag:s2] =	ssyncset.done $0x0  }
0x111: {  	[sflag:s2] =	ssyncadd.s32 $0xFFFFB800  }
0x112: {  	[spmem:s18] =	stream.indirect.scatter.add.f32 [tilespmem:s5], [sflag:$0x1], $0x90, s6, s4, $0xb8;
	[tilespmem:$0x1E500] =	vst v63  }
0x113: {  	_ =	swait.ge [sflag:s2], $0x4800  }
0x114: {  	[sflag:s2] =	ssyncset.done $0x0  }
0x115: {  	[sflag:s2] =	ssyncadd.s32 $0xFFFFB800  }
0x116: {  	[tilespmem:s5], [sflag:$0x1] =	stream.indirect.gather [hbm4b:s20+s4], $0x90, s7, s4, $0xb8;
	[tilespmem:$0x1E500] =	vst v63  }
0x117: {  	_ =	swait.ge [sflag:s2], $0x4800  }
0x118: {  	[sflag:s2] =	ssyncset.done $0x0  }
0x119: {  	[sflag:s2] =	ssyncadd.s32 $0xFFFFB800  }
0x11a: {  	[spmem:s18] =	stream.indirect.scatter.add.f32 [tilespmem:s5], [sflag:$0x1], $0x90, s8, s4, $0xb8;
	[tilespmem:$0x1E500] =	vst v63  }
0x11b: {  	_ =	swait.ge [sflag:s2], $0x4800  }
0x11c: {  	[sflag:s2] =	ssyncset.done $0x0  }
0x11d: {  	[sflag:s2] =	ssyncadd.s32 $0xFFFFB800  }
0x11e: {  	[tilespmem:s5], [sflag:$0x1] =	stream.indirect.gather [hbm4b:s20+s4], $0x90, s9, s4, $0xb8;
	[tilespmem:$0x1E500] =	vst v63  }
0x11f: {  	_ =	swait.ge [sflag:s2], $0x4800  }
0x120: {  	[sflag:s2] =	ssyncset.done $0x0  }
0x121: {  	[sflag:s2] =	ssyncadd.s32 $0xFFFFB800  }
0x122: {  	[spmem:s18] =	stream.indirect.scatter.add.f32 [tilespmem:s5], [sflag:$0x1], $0x90, s10, s4, $0xb8;
	[tilespmem:$0x1E500] =	vst v63  }
0x123: {  	_ =	swait.ge [sflag:s2], $0x4800  }
0x124: {  	[sflag:s2] =	ssyncset.done $0x0  }
0x125: {  	[sflag:s2] =	ssyncadd.s32 $0xFFFFB800  }
0x126: {  	[tilespmem:s5], [sflag:$0x1] =	stream.indirect.gather [hbm4b:s20+s4], $0x90, s11, s4, $0xb8;
	[tilespmem:$0x1E500] =	vst v63  }
0x127: {  	_ =	swait.ge [sflag:s2], $0x4800  }
0x128: {  	[sflag:s2] =	ssyncset.done $0x0  }
0x129: {  	[sflag:s2] =	ssyncadd.s32 $0xFFFFB800  }
0x12a: {  	[spmem:s18] =	stream.indirect.scatter.add.f32 [tilespmem:s5], [sflag:$0x1], $0x90, s12, s4, $0xb8;
	[tilespmem:$0x1E500] =	vst v63  }
0x12b: {  	_ =	swait.ge [sflag:s2], $0x4800  }
0x12c: {  	[sflag:s2] =	ssyncset.done $0x0  }
0x12d: {  	[sflag:s2] =	ssyncadd.s32 $0xFFFFB800  }
0x12e: {  	[tilespmem:s5], [sflag:$0x1] =	stream.indirect.gather [hbm4b:s20+s4], $0x90, s13, s4, $0xb8;
	[tilespmem:$0x1E500] =	vst v63  }
0x12f: {  	_ =	swait.ge [sflag:s2], $0x4800  }
0x130: {  	[sflag:s2] =	ssyncset.done $0x0  }
0x131: {  	[sflag:s2] =	ssyncadd.s32 $0xFFFFB800  }
0x132: {  	[spmem:s18] =	stream.indirect.scatter.add.f32 [tilespmem:s5], [sflag:$0x1], $0x90, s14, s4, $0xb8;
	[tilespmem:$0x1E500] =	vst v63  }
0x133: {  	_ =	swait.ge [sflag:s2], $0x4800  }
0x134: {  	[sflag:s2] =	ssyncset.done $0x0  }
0x135: {  	[sflag:s2] =	ssyncadd.s32 $0xFFFFB800  }
0x136: {  	[tilespmem:s5], [sflag:$0x1] =	stream.indirect.gather [hbm4b:s20+s4], $0x90, s15, s4, $0xb8;
	[tilespmem:$0x1E500] =	vst v63  }
0x137: {  	_ =	swait.ge [sflag:s2], $0x4800  }
0x138: {  	[sflag:s2] =	ssyncset.done $0x0  }
0x139: {  	[sflag:s2] =	ssyncadd.s32 $0xFFFFB800  }
0x13a: {  	[spmem:s18] =	stream.indirect.scatter.add.f32 [tilespmem:s5], [sflag:$0x1], $0x90, s17, s4, $0xb8;
	[tilespmem:$0x1E500] =	vst v63  }
0x13b: {  	_ =	swait.ge [sflag:s2], $0x4800  }
0x13c: {  	[sflag:s2] =	ssyncset.done $0x0  }
0x13d: {  	[sflag:s2] =	ssyncadd.s32 $0xFFFFB800  }
0x13e: {  	[tilespmem:s5], [sflag:$0x1] =	stream.indirect.gather [hbm4b:s20+s4], $0x90, s19, s4, $0xb8;
	[tilespmem:$0x1E500] =	vst v63  }
0x13f: {  	_ =	swait.ge [sflag:s2], $0x4800  }
0x140: {  	[sflag:s2] =	ssyncset.done $0x0  }
0x141: {  	[sflag:s2] =	ssyncadd.s32 $0xFFFFB800  }
0x142: {  	[spmem:s18] =	stream.indirect.scatter.add.f32 [tilespmem:s5], [sflag:$0x1], $0x90, s30, s4, $0xb8;
	[tilespmem:$0x1E500] =	vst v63  }
0x143: {  	_ =	swait.ge [sflag:s2], $0x4800  }
0x144: {  	[sflag:s2] =	ssyncset.done $0x0  }
0x145: {  	[sflag:s2] =	ssyncadd.s32 $0xFFFFB800  }
0x146: {  	[bflag:$0x0] =	sbarrier.arrive $0xFFFF  }
0x147: {  	s21 =	rddreg [dreg:$0x16]  }
0x148: {  	[tilespmem:s0], [sflag:$0x1] =	stream.linear.gather [spmem:s21], $0x2D00, $0x38;
	[tilespmem:$0x1E500] =	vst v63  }
0x149: {  	_ =	swait.ge [sflag:s2], $0x2D00  }
0x14a: {  	[sflag:s2] =	ssyncset.done $0x0  }
0x14b: {  	s26 =	rddreg [dreg:$0xb];
	[sflag:s2] =	ssyncadd.s32 $0xFFFFD300  }
0x14c: {  	[hbm4b:s26+s1] =	stream.linear.scatter [tilespmem:s0], [sflag:$0x1], $0x2D00, $0x38;
	[tilespmem:$0x1E500] =	vst v63  }
0x14d: {  	_ =	swait.ge [sflag:s2], $0x2D00  }
0x14e: {  	[sflag:s2] =	ssyncset.done $0x0  }
0x14f: {  	[sflag:s2] =	ssyncadd.s32 $0xFFFFD300  }
0x150: {  	[tilespmem:s0], [sflag:$0x1] =	stream.linear.gather [spmem:s29], $0x2D00, $0x38;
	[tilespmem:$0x1E500] =	vst v63  }
0x151: {  	_ =	swait.ge [sflag:s2], $0x2D00  }
0x152: {  	[sflag:s2] =	ssyncset.done $0x0  }
0x153: {  	s21 =	rddreg [dreg:$0xc];
	[sflag:s2] =	ssyncadd.s32 $0xFFFFD300  }
0x154: {  	[hbm4b:s21+s1] =	stream.linear.scatter [tilespmem:s0], [sflag:$0x1], $0x2D00, $0x38;
	[tilespmem:$0x1E500] =	vst v63  }
0x155: {  	_ =	swait.ge [sflag:s2], $0x2D00  }
0x156: {  	[sflag:s2] =	ssyncset.done $0x0  }
0x157: {  	s25 =	rddreg [dreg:$0x13];
	[sflag:s2] =	ssyncadd.s32 $0xFFFFD300  }
0x158: {  	[tilespmem:s0], [sflag:$0x1] =	stream.linear.gather [spmem:s25], $0x2D00, $0x38;
	[tilespmem:$0x1E500] =	vst v63  }
0x159: {  	_ =	swait.ge [sflag:s2], $0x2D00  }
0x15a: {  	[sflag:s2] =	ssyncset.done $0x0  }
0x15b: {  	s23 =	rddreg [dreg:$0xd];
	[sflag:s2] =	ssyncadd.s32 $0xFFFFD300  }
0x15c: {  	[hbm4b:s23+s1] =	stream.linear.scatter [tilespmem:s0], [sflag:$0x1], $0x2D00, $0x38;
	[tilespmem:$0x1E500] =	vst v63  }
0x15d: {  	_ =	swait.ge [sflag:s2], $0x2D00  }
0x15e: {  	[sflag:s2] =	ssyncset.done $0x0  }
0x15f: {  	s26 =	rddreg [dreg:$0x14];
	[sflag:s2] =	ssyncadd.s32 $0xFFFFD300  }
0x160: {  	[tilespmem:s0], [sflag:$0x1] =	stream.linear.gather [spmem:s26], $0x2D00, $0x38;
	[tilespmem:$0x1E500] =	vst v63  }
0x161: {  	_ =	swait.ge [sflag:s2], $0x2D00  }
0x162: {  	[sflag:s2] =	ssyncset.done $0x0  }
0x163: {  	s24 =	rddreg [dreg:$0xe];
	[sflag:s2] =	ssyncadd.s32 $0xFFFFD300  }
0x164: {  	[hbm4b:s24+s1] =	stream.linear.scatter [tilespmem:s0], [sflag:$0x1], $0x2D00, $0x38;
	[tilespmem:$0x1E500] =	vst v63  }
0x165: {  	_ =	swait.ge [sflag:s2], $0x2D00  }
0x166: {  	[sflag:s2] =	ssyncset.done $0x0  }
0x167: {  	s28 =	rddreg [dreg:$0x15];
	[sflag:s2] =	ssyncadd.s32 $0xFFFFD300  }
0x168: {  	[tilespmem:s0], [sflag:$0x1] =	stream.linear.gather [spmem:s28], $0x2D00, $0x38;
	[tilespmem:$0x1E500] =	vst v63  }
0x169: {  	_ =	swait.ge [sflag:s2], $0x2D00  }
0x16a: {  	[sflag:s2] =	ssyncset.done $0x0  }
0x16b: {  	s21 =	rddreg [dreg:$0xf];
	[sflag:s2] =	ssyncadd.s32 $0xFFFFD300  }
0x16c: {  	[hbm4b:s21+s1] =	stream.linear.scatter [tilespmem:s0], [sflag:$0x1], $0x2D00, $0x38;
	[tilespmem:$0x1E500] =	vst v63  }
0x16d: {  	_ =	swait.ge [sflag:s2], $0x2D00  }
0x16e: {  	[sflag:s2] =	ssyncset.done $0x0  }
0x16f: {  	s29 =	rddreg [dreg:$0x17];
	[sflag:s2] =	ssyncadd.s32 $0xFFFFD300  }
0x170: {  	[tilespmem:s0], [sflag:$0x1] =	stream.linear.gather [spmem:s29], $0x2D00, $0x38;
	[tilespmem:$0x1E500] =	vst v63  }
0x171: {  	_ =	swait.ge [sflag:s2], $0x2D00  }
0x172: {  	[sflag:s2] =	ssyncset.done $0x0  }
0x173: {  	s23 =	rddreg [dreg:$0x10];
	[sflag:s2] =	ssyncadd.s32 $0xFFFFD300  }
0x174: {  	[hbm4b:s23+s1] =	stream.linear.scatter [tilespmem:s0], [sflag:$0x1], $0x2D00, $0x38;
	[tilespmem:$0x1E500] =	vst v63  }
0x175: {  	_ =	swait.ge [sflag:s2], $0x2D00  }
0x176: {  	[sflag:s2] =	ssyncset.done $0x0  }
0x177: {  	s21 =	rddreg [dreg:$0x18];
	[sflag:s2] =	ssyncadd.s32 $0xFFFFD300  }
0x178: {  	[tilespmem:s0], [sflag:$0x1] =	stream.linear.gather [spmem:s21], $0x2D00, $0x38;
	[tilespmem:$0x1E500] =	vst v63  }
0x179: {  	_ =	swait.ge [sflag:s2], $0x2D00  }
0x17a: {  	[sflag:s2] =	ssyncset.done $0x0  }
0x17b: {  	s24 =	rddreg [dreg:$0x11];
	[sflag:s2] =	ssyncadd.s32 $0xFFFFD300  }
0x17c: {  	[hbm4b:s24+s1] =	stream.linear.scatter [tilespmem:s0], [sflag:$0x1], $0x2D00, $0x38;
	[tilespmem:$0x1E500] =	vst v63  }
0x17d: {  	_ =	swait.ge [sflag:s2], $0x2D00  }
0x17e: {  	[sflag:s2] =	ssyncset.done $0x0  }
0x17f: {  	s24 =	simm.s32 $0x5000;
	s0 =	rddreg [dreg:$0x19];
	[sflag:s2] =	ssyncadd.s32 $0xFFFFD300  }
0x180: {  	[tilespmem:s24], [sflag:$0x1] =	stream.linear.gather [spmem:s0], $0x2D00, $0x38;
	[tilespmem:$0x1E500] =	vst v63  }
0x181: {  	_ =	swait.ge [sflag:s2], $0x2D00  }
0x182: {  	[sflag:s2] =	ssyncset.done $0x0  }
0x183: {  	s23 =	rddreg [dreg:$0x12];
	[sflag:s2] =	ssyncadd.s32 $0xFFFFD300  }
0x184: {  	[hbm4b:s23+s1] =	stream.linear.scatter [tilespmem:s24], [sflag:$0x1], $0x2D00, $0x38;
	[tilespmem:$0x1E500] =	vst v63  }
0x185: {  	_ =	swait.ge [sflag:s2], $0x2D00  }
0x186: {  	s22 =	rddreg [dreg:$0x1b]  }
0x187: {  	s23 =	sadd.s32 $0x1, s22;
	s22 =	rddreg [dreg:$0x1a]  }
0x188: {  	p0 =	sne.s32 s23, s22  }
.Ltmp1:
0x189: {  	_ = 	snop;
	(pc) =	sbr.rel @p0 .LBB2_1-.Ltmp1, $3  }
0x18a: {  	_ =	sdelay $0x1  }
0x18b: {  	[sflag:s2] =	ssyncset.done $0x0;
	[dreg:$0x1b] =	wrdreg s23  }
0x18c: {  	[sflag:s2] =	ssyncadd.s32 $0xFFFFD300;
	s23 =	rddreg [dreg:$0x16]  }
0x18d: {  	_ =	sfence.sel $0x180000  }
0x18e: {  	[bflag:$0x0] =	sbarrier.arrive $0xFFFF  }
0x18f: {  	_ =	strace $0x9000004A  }
0x190: {  	s0 =	stileid.u32;
	[bflag:$0x2] =	sbarrier.arrive $0xFFFF  }
0x191: {  	p0 =	sne.s32 s0, $0x0;
	s0 =	rddreg [dreg:$0x2]  }
0x192: {  	s0 =	sadd.s32 @!p0 $0x100000, s0  }
0x193: {  	[sflag:s0] =	ssyncadd.tile.s32 @!p0 $0x1;
	_ =	shalt  }
.Lfunc_end2:
_tile_overlayer_lowered:
.L_overlay_start_2:
0x194: {  	(tag) =	ssettag $0x2  }
0x195: {  	s0 =	rddreg [dreg:$0x0];
	s2 =	stileid.u32  }
0x196: {  	s1 =	rddreg [dreg:$0x1];
	p0 =	sne.s32 s2, $0x0  }
0x197: {  	s3 =	rddreg [dreg:$0x2];
	[bflag:$0x3] =	sbarrier.arrive $0xFFFF;
	s2 =	simm.s32 @!p0 $0x1C01  }
0x198: {  	[timem:s3], [sflag:s2] =	dma.local @!p0 [hbm:s0], s1  }
0x199: {  	s0 =	simm.s32 @!p0 $0x1  }
0x19a: {  	_ =	swait.ge @!p0 [sflag:s0], s1  }
0x19b: {  	s1 =	ssub.s32 @!p0 $0x0, s1;
	[sflag:s0] =	ssyncset.done @!p0 $0x0  }
0x19c: {  	[sflag:s0] =	ssyncadd.s32 @!p0 s1  }
0x19d: {  	[bflag:$0x3] =	sbarrier.arrive $0xFFFF  }
0x19e: {  	_ =	shalt  }

// kernel: kernel.15.cloned.1.call-start
scs
__scs_entry_jumppad:
0x0: {  	(pc) =	sbr.rel $0x88, $3  }
0x1: {  	(tag) =	ssettag $0x0;
	lr =	simm.s32 $0x1  }
0x2: {  	[smem:$0x3F98] =	sst lr;
	_ =	strace $0xD0000000  }
0x3: {  	_ = 	snop  }
0x4: {  	_ = 	snop  }
0x5: {  	_ = 	snop  }
0x6: {  	_ = 	snop  }
0x7: {  	_ = 	snop  }
__scs_overlays_trampoline_lowered:
0x8: {  	[smem:$0x3FA7] =	sst s0  }
0x9: {  	[smem:$0x3FA8] =	sst s1  }
0xa: {  	[smem:$0x3FA9] =	sst s2  }
0xb: {  	[smem:$0x3FAA] =	sst s3  }
0xc: {  	[smem:$0x3FAB] =	sst s4  }
0xd: {  	[smem:$0x3FAC] =	sst s5  }
0xe: {  	[smem:$0x3FAD] =	sst s6  }
0xf: {  	[smem:$0x3FAE] =	sst s7  }
0x10: {  	[smem:$0x3FAF] =	sst s8  }
0x11: {  	[smem:$0x3FB0] =	sst s9;
	s0 =	simm.s32 @!p0 $0x0  }
0x12: {  	s1 =	sld [smem:$0x3F96];
	s0 =	simm.s32 @p0 $0x1  }
0x13: {  	[smem:$0x3FB1] =	sst s0;
	s0 =	simm.s32 @!p1 $0x0  }
0x14: {  	s2 =	sld [smem:$0x3F95];
	s0 =	simm.s32 @p1 $0x1  }
0x15: {  	[smem:$0x3FB2] =	sst s0;
	s0 =	simm.s32 @!p2 $0x0  }
0x16: {  	s3 =	sld [smem:$0x3FDB];
	s0 =	simm.s32 @p2 $0x1  }
0x17: {  	s4 =	simm.s32 $0x1BF5;
	[smem:$0x3FB4] =	sst s0  }
0x18: {  	s0 =	sld [smem:$0x3F97];
	_ =	swait.ge [sflag:s4], $0x0  }
0x19: {  	s7 =	sld [smem:$0x3F98]  }
0x1a: {  	s8 =	sadd.s32 $0xFFFFE003, lr  }
0x1b: {  	s9 =	sadd.s32 $0xFFFFFEF7, lr;
	s5 =	simm.s32 $0xFFFFFFFF;
	p2 =	slt.u32 s8, $0xFFFFF086  }
0x1c: {  	p1 =	slt.u32 s9, $0xF7A;
	s5 =	simm.s32 @!p2 $0x0  }
0x1d: {  	s5 =	simm.s32 @p1 $0x1;
	p0 =	seq.s32 s7, s2  }
0x1e: {  	s7 =	smul.u32 @!p0 $0xF7A, s2;
	p2 =	seq.s32 @!p0 s5, $0x0  }
0x1f: {  	s9 =	smul.u32 $0xF7A, s1;
	s8 =	simm.s32 @!p0 $0x1BF5;
	p2 =	por !p2, p0  }
0x20: {  	[sflag:s8] =	ssyncset.s32 @!p0 $0xFFFFF086;
	s6 =	sadd.s32 @!p0 s3, s7;
	s7 =	simm.s32 @!p0 $0x108  }
0x21: {  	s3 =	sadd.s32 s3, s9;
	s6 =	sadd.s32 @!p0 $0x88, s6;
	s7 =	simm.s32 @p2 $0x1082  }
0x22: {  	[simem:s7], [sflag:s8] =	dma.local @!p0 [hbm:s6], $0xF7A  }
0x23: {  	s9 =	sor.u32 $0xD0000000, s2;
	s6 =	simm.s32 $0x108;
	_ =	swait.ge @!p0 [sflag:s8], $0x0  }
0x24: {  	s3 =	sadd.s32 $0x88, s3;
	s6 =	simm.s32 @!p1 $0x1082;
	[sflag:s4] =	ssyncset.s32 $0xFFFFF086  }
0x25: {  	[simem:s6], [sflag:s4] =	dma.local [hbm:s3], $0xF7A  }
0x26: {  	[smem:$0x3F98] =	sst s1;
	(tag) =	ssettag s2;
	_ =	strace s9  }
0x27: {  	s1 =	sld [smem:$0x3FA8]  }
0x28: {  	s2 =	sld [smem:$0x3FA9]  }
0x29: {  	s4 =	sld [smem:$0x3FAB]  }
0x2a: {  	p0 =	seq.s32 s5, $0x0;
	s5 =	sld [smem:$0x3FAC]  }
0x2b: {  	s6 =	sld [smem:$0x3FAD]  }
0x2c: {  	s7 =	sld [smem:$0x3FAE]  }
0x2d: {  	s3 =	simm.s32 $0x108;
	s8 =	sld [smem:$0x3FAF]  }
0x2e: {  	s3 =	simm.s32 @!p0 $0x1082;
	s9 =	sld [smem:$0x3FB0]  }
0x2f: {  	lr =	sadd.s32 s0, s3;
	s0 =	sld [smem:$0x3FA7]  }
0x30: {  	s3 =	sld [smem:$0x3FAA]  }
0x31: {  	[smem:$0x3FB3] =	sst s10  }
0x32: {  	s10 =	sld [smem:$0x3FB1];
	_ =	sdelay $0x3  }
0x33: {  	p0 =	seq.s32 s10, $0x1;
	s10 =	sld [smem:$0x3FB3];
	_ =	sdelay $0x3  }
0x34: {  	[smem:$0x3FB3] =	sst s10  }
0x35: {  	s10 =	sld [smem:$0x3FB2];
	_ =	sdelay $0x3  }
0x36: {  	p1 =	seq.s32 s10, $0x1;
	s10 =	sld [smem:$0x3FB3];
	_ =	sdelay $0x3  }
0x37: {  	[smem:$0x3FB3] =	sst s10  }
0x38: {  	s10 =	sld [smem:$0x3FB4]  }
0x39: {  	_ = 	snop;
	(pc) =	sbr.ind lr, $3  }
0x3a: {  	_ = 	snop  }
0x3b: {  	_ = 	snop  }
0x3c: {  	p2 =	seq.s32 s10, $0x1;
	s10 =	sld [smem:$0x3FB3]  }
0x3d: {  	_ =	shalt  }
0x3e: {  	_ =	shalt  }
0x3f: {  	_ =	shalt  }
0x40: {  	_ =	shalt  }
0x41: {  	_ =	shalt  }
0x42: {  	_ =	shalt  }
0x43: {  	_ =	shalt  }
0x44: {  	_ =	shalt  }
0x45: {  	_ =	shalt  }
0x46: {  	_ =	shalt  }
0x47: {  	_ =	shalt  }
0x48: {  	_ =	shalt  }
0x49: {  	_ =	shalt  }
0x4a: {  	_ =	shalt  }
0x4b: {  	_ =	shalt  }
0x4c: {  	_ =	shalt  }
0x4d: {  	_ =	shalt  }
0x4e: {  	_ =	shalt  }
0x4f: {  	_ =	shalt  }
0x50: {  	_ =	shalt  }
0x51: {  	_ =	shalt  }
0x52: {  	_ =	shalt  }
0x53: {  	_ =	shalt  }
0x54: {  	_ =	shalt  }
0x55: {  	_ =	shalt  }
0x56: {  	_ =	shalt  }
0x57: {  	_ =	shalt  }
0x58: {  	_ =	shalt  }
0x59: {  	_ =	shalt  }
0x5a: {  	_ =	shalt  }
0x5b: {  	_ =	shalt  }
0x5c: {  	_ =	shalt  }
0x5d: {  	_ =	shalt  }
0x5e: {  	_ =	shalt  }
0x5f: {  	_ =	shalt  }
0x60: {  	_ =	shalt  }
0x61: {  	_ =	shalt  }
0x62: {  	_ =	shalt  }
0x63: {  	_ =	shalt  }
0x64: {  	_ =	shalt  }
0x65: {  	_ =	shalt  }
0x66: {  	_ =	shalt  }
0x67: {  	_ =	shalt  }
0x68: {  	_ =	shalt  }
0x69: {  	_ =	shalt  }
0x6a: {  	_ =	shalt  }
0x6b: {  	_ =	shalt  }
0x6c: {  	_ =	shalt  }
0x6d: {  	_ =	shalt  }
0x6e: {  	_ =	shalt  }
0x6f: {  	_ =	shalt  }
0x70: {  	_ =	shalt  }
0x71: {  	_ =	shalt  }
0x72: {  	_ =	shalt  }
0x73: {  	_ =	shalt  }
0x74: {  	_ =	shalt  }
0x75: {  	_ =	shalt  }
0x76: {  	_ =	shalt  }
0x77: {  	_ =	shalt  }
0x78: {  	_ =	shalt  }
0x79: {  	_ =	shalt  }
0x7a: {  	_ =	shalt  }
0x7b: {  	_ =	shalt  }
0x7c: {  	_ =	shalt  }
0x7d: {  	_ =	shalt  }
0x7e: {  	_ =	shalt  }
0x7f: {  	_ =	shalt  }
0x80: {  	_ =	shalt  }
0x81: {  	_ =	shalt  }
0x82: {  	_ =	shalt  }
0x83: {  	_ =	shalt  }
0x84: {  	_ =	shalt  }
0x85: {  	_ =	shalt  }
0x86: {  	_ =	shalt  }
0x87: {  	_ =	shalt  }
.Lfunc_end0:
.L_simem_size_0:
called_computation.2_lowered:
.L_overlay_start_0:
0x88: {  	s2 =	sld [smem:$0x3FD9]  }
0x89: {  	s3 =	sld [smem:$0x3FFE];
	_ =	sdelay $0x1  }
0x8a: {  	s1 =	srdreg.scid  }
0x8b: {  	s0 =	sand.u32 $0x1, s1  }
0x8c: {  	s16 =	sshll.u32 s0, $0xA;
	s2 =	sadd.s32 s3, s2  }
0x8d: {  	s2 =	sadd.s32 s2, s16  }
0x8e: {  	[smem:$0x3FBF] =	sst s2  }
0x8f: {  	_ = 	snop  }
0x90: {  	(tm) =	ssettm $0x1  }
0x91: {  	s17 =	sld [smem:$0x3FFB];
	_ =	sdelay $0x3  }
0x92: {  	_ =	strace s17  }
0x93: {  	s2 =	sld [smem:$0x3FFC];
	_ =	sdelay $0x3  }
0x94: {  	_ =	strace s2  }
0x95: {  	s2 =	sld [smem:$0x3FFD];
	_ =	sdelay $0x3  }
0x96: {  	_ =	strace s2  }
0x97: {  	_ =	strace $0x8FFFFFFF  }
0x98: {  	s18 =	sld [smem:$0x3FDB];
	_ =	sdelay $0x1  }
0x99: {  	s19 =	simm.s32 $_scs_section_size  }
0x9a: {  	s4 =	simm.s32 $_size__tile_overlayer_lowered;
	s5 =	simm.s32 $_tile_overlayer_lowered  }
0x9b: {  	s22 =	simm.s32 $0x1BFF;
	s21 =	sshll.u32 s5, $0x1;
	s2 =	sadd.s32 s19, s18  }
0x9c: {  	s6 =	simm.s32 $0x0;
	s20 =	sshll.u32 s4, $0x1;
	s4 =	sadd.s32 s21, s2  }
0x9d: {  	[timem:s6], [sflag:s22] =	dma.local [hbm:s4], s20  }
0x9e: {  	_ =	swait.ge [sflag:s22], s20  }
0x9f: {  	s3 =	ssub.s32 $0x0, s20;
	[sflag:s22] =	ssyncset.done $0x0  }
0xa0: {  	[sflag:s22] =	ssyncadd.s32 s3;
	_ =	sdelay $0x1  }
0xa1: {  	s23 =	simm.s32 $0x1B8B  }
0xa2: {  	_ =	swait.ge [sflag:s23], $0x1  }
0xa3: {  	[sflag:s23] =	ssyncset.done $0x0  }
0xa4: {  	s25 =	simm.s32 $0x1B8E;
	s24 =	sld [smem:$0x3FFE];
	[sflag:s23] =	ssyncadd.s32 $0xFFFFFFFF  }
0xa5: {  	s26 =	simm.s32 $execute0_lowered;
	[smem:$0x3FD2] =	sst s25  }
0xa6: {  	s4 =	sshll.u32 s26, $0x1;
	_ =	strace $0x8000004C;
	[dreg:$0x1] =	wrdreg $0xFFFFFFFF  }
0xa7: {  	s28 =	simm.s32 $_size_execute0_lowered;
	s2 =	sadd.s32 s2, s4;
	[dreg:$0x0] =	wrdreg $0x0  }
0xa8: {  	s4 =	sshll.u32 s28, $0x1;
	[dreg:$0x2] =	wrdreg s2  }
0xa9: {  	[dreg:$0x3] =	wrdreg s4  }
0xaa: {  	[dreg:$0x4] =	wrdreg $0xC0  }
0xab: {  	_ =	task [dreg:s6], $0x5FFFF  }
0xac: {  	[dreg:$0x1] =	wrdreg $0xFFFFFFFF  }
0xad: {  	[dreg:$0x0] =	wrdreg $0x60  }
0xae: {  	[dreg:$0x2] =	wrdreg s24  }
0xaf: {  	[dreg:$0x3] =	wrdreg $0x9  }
0xb0: {  	_ =	task.clear_ibuf [dreg:s6], $0x4FFFF;
	_ =	strace $0x9000004C  }
0xb1: {  	s29 =	simm.s32 $0x9;
	_ =	strace $0x8000004E  }
0xb2: {  	_ =	swait.ge [sflag:s29], $0x1  }
0xb3: {  	[sflag:s29] =	ssyncadd.s32 $0xFFFFFFFF  }
0xb4: {  	_ =	strace $0x9000004E  }
0xb5: {  	_ =	sfence  }
0xb6: {  	s30 =	sld [smem:$0x0];
	_ =	sdelay $0x2  }
0xb7: {  	s31 =	sshll.u32 s1, $0xD;
	s1 =	sshrl.u32 s1, $0x2  }
0xb8: {  	s3 =	sand.u32 $0x4000, s31;
	s1 =	sadd.s32 s1, s30  }
0xb9: {  	s0 =	sor.u32 s3, s0;
	s1 =	sshll.u32 s1, $0x11  }
0xba: {  	s0 =	sor.u32 s1, s0  }
0xbb: {  	s0 =	sadd.s32 $0x8F2B, s0  }
0xbc: {  	[sflag:s0] =	ssyncadd.remote.s32 $0x1  }
0xbd: {  	_ =	sfence.sel $0xFFFF  }
0xbe: {  	[dreg:$0x0] =	wrdreg $0xFFFFFFFF;
	(pc) =	sbr.abs _section_cstart, $3  }
0xbf: {  	[dreg:$0x1] =	wrdreg $0xFFFFFFFF  }
0xc0: {  	_ =	task.clear_ibuf [dreg:s6], $0x2FFFF;
	_ =	strace $0x9FFFFFFF  }
0xc1: {  	(tm) =	ssettm $0x7FFFFFFF  }
tec
execute0_lowered:
.L_overlay_start_1:
0x0: {  	(tag) =	ssettag $0x1  }
0x1: {  	v0 =	vimm.s32 $0xEFCDAB89  }
0x2: {  	vm0 =	vcmask $0xB08;
	vm1 =	vcmask $0x300;
	v1 =	vimm.s32 $0x67452301  }
0x3: {  	v2 =	vimm.s32 $0xDCFE98BA;
	v3 =	vimm.s32 $0x54761032;
	vm2 =	vcmask $0x700  }
0x4: {  	v0 =	vunpack.c.l.s4.s8 v0;
	vm0 =	vmor vm1, vm0;
	vm1 =	vcmask $0x1310  }
0x5: {  	v1 =	vunpack.c.l.s4.s8 v1;
	v2 =	vunpack.c.l.s4.s8 v2;
	v3 =	vunpack.c.l.s4.s8 v3  }
0x6: {  	vm0 =	vmor vm0, vm1;
	vm1 =	vcmask $0x1B18;
	v0 =	vunpack.c.0.s8.s32 v0  }
0x7: {  	vm0 =	vmor vm0, vm1;
	vm1 =	vcmask $0x2320;
	v1 =	vunpack.c.0.s8.s32 v1  }
0x8: {  	v4 =	vimm.s32 $0xFEDCBA98;
	vm0 =	vmor vm0, vm1;
	vm1 =	vcmask $0x2B28  }
0x9: {  	v0 =	vcombine.low v1, v0;
	v1 =	vunpack.c.0.s8.s32 v2;
	v2 =	vunpack.c.0.s8.s32 v3  }
0xa: {  	v5 =	vimm.s32 $0x76543210;
	v4 =	vunpack.c.l.s4.s8 v4;
	vm0 =	vmor vm0, vm1  }
0xb: {  	s4 =	rddreg [dreg:$0x0];
	v3 =	vimm.s32 $0x32107654;
	v1 =	vcombine.low v2, v1;
	v2 =	vimm.s32 $0xBA98FEDC  }
0xc: {  	s0 =	srdreg.scid;
	s1 =	rddreg [dreg:$0x1];
	vm1 =	vcmask $0x3330;
	v3 =	vunpack.c.l.s4.s8 v3;
	v2 =	vunpack.c.l.s4.s8 v2  }
0xd: {  	s2 =	simm.s32 $0x0;
	s9 =	simm.s32 $0x2800;
	s3 =	sand.u32 $0x1, s0;
	v5 =	vunpack.c.l.s4.s8 v5;
	v4 =	vunpack.c.0.s8.s32 v4;
	vm0 =	vmor vm0, vm1  }
0xe: {  	s10 =	simm.s32 $0x80;
	s0 =	stileid.u32;
	s5 =	sshll.u32 s3, $0x4;
	vm1 =	vcmask $0x1710;
	v3 =	vunpack.c.0.s8.s32 v3;
	v2 =	vunpack.c.0.s8.s32 v2  }
0xf: {  	vm3 =	vcmask $0x3B38;
	s11 =	simm.s32 $0x5000;
	s12 =	simm.s32 $0x9000;
	s5 =	sor.u32 s0, s5;
	v4 =	vand.u32 $0xF, v4;
	vm1 =	vmor vm2, vm1  }
0x10: {  	s13 =	simm.s32 $0xD000;
	[smem:$0x7FF] =	sst s2;
	s5 =	smul.u32 $0x500, s5;
	vm2 =	vcmask $0x2720;
	v2 =	vcombine.low v3, v2;
	v3 =	vunpack.c.0.s8.s32 v5  }
0x11: {  	s14 =	simm.s32 $0x0;
	_ =	strace $0x8000004D;
	s6 =	ssub.s32 $0x2, s3;
	vm0 =	vmor vm0, vm3;
	vm3 =	vcmask $0xF00;
	vm1 =	vmor vm1, vm2  }
0x12: {  	s3 =	sadd.s32 $0x1000, s4;
	s31 =	sshrl.u32 s6, $0x1;
	s7 =	sadd.s32 s5, s4;
	vm2 =	vcmask $0x3730;
	v9 =	vand.u32 $0xF, v2;
	v5 =	vcombine.low v4, v3  }
0x13: {  	s8 =	ssub.s32 s6, s31;
	s4 =	sadd.s32 $0xD2C00, s7;
	s5 =	sadd.s32 $0xC8C00, s7;
	v0 =	vand.u32 $0xF, v0;
	vm1 =	vmor vm1, vm2;
	vm2 =	vcmask $0x2F20;
	[tilespmem:$0x1FFE0] =	vst v9  }
0x14: {  	s6 =	sadd.s32 $0x29000, s7;
	s7 =	smax.u32 s8, $0x1;
	s8 =	simm.s32 $0x1;
	v26 =	vand.u32 $0xF, v1;
	vm2 =	vmor vm3, vm2;
	vm3 =	vmmov $0xff;
	[tilespmem:$0x1FFF0] =	vst v5  }
.LBB2_1:
0x15: {  	[tilespmem:s2], [sflag:$0x1] =	stream.linear.gather [hbm4b:s4+s2], $0x2780, $0x38;
	[tilespmem:$0xF800] =	vst v63  }
0x16: {  	_ =	swait.ge [sflag:s8], $0x2780  }
0x17: {  	[sflag:s8] =	ssyncset.done $0x0  }
0x18: {  	[sflag:s8] =	ssyncadd.s32 $0xFFFFD880  }
0x19: {  	[tilespmem:s9], [sflag:$0x1] =	stream.linear.gather [hbm4b:s5+s2], $0x2780, $0x38;
	[tilespmem:$0xF800] =	vst v63  }
0x1a: {  	_ =	swait.ge [sflag:s8], $0x2780  }
0x1b: {  	[sflag:s8] =	ssyncset.done $0x0  }
0x1c: {  	s15 =	simm.s32 $0x0;
	[sflag:s8] =	ssyncadd.s32 $0xFFFFD880  }
.LBB2_2:
0x1d: {  	s16 =	sshll.u32 s15, $0x7  }
0x1e: {  	[tilespmem:s11], [sflag:$0x1] =	stream.indirect.gather [hbm4b:s3+s10], $0x80, s16, s10, $0xb8;
	[tilespmem:$0xF800] =	vst v63  }
0x1f: {  	_ =	swait.ge [sflag:s8], $0x4000  }
0x20: {  	[sflag:s8] =	ssyncset.done $0x0  }
0x21: {  	s17 =	sadd.s32 $0x2800, s16;
	[sflag:s8] =	ssyncadd.s32 $0xFFFFC000  }
0x22: {  	[tilespmem:s12], [sflag:$0x1] =	stream.indirect.gather [hbm4b:s3+s10], $0x80, s17, s10, $0xb8;
	[tilespmem:$0xF800] =	vst v63  }
0x23: {  	s31 =	sadd.s32 $0xD000, s16;
	_ =	swait.ge [sflag:s8], $0x4000  }
0x24: {  	v1 =	vmov s31;
	[sflag:s8] =	ssyncset.done $0x0  }
0x25: {  	s16 =	simm.s32 $0x0;
	[tilespmem:$0x1FFD0] =	vst v1;
	[sflag:s8] =	ssyncadd.s32 $0xFFFFC000  }
.LBB2_3:
0x26: {  	s17 =	sshll.u32 s16, $0xB  }
0x27: {  	v16 =	vld [tilespmem:s17+$0x5000]  }
0x28: {  	v14 =	vld [tilespmem:s17+$0x9000]  }
0x29: {  	v17 =	vld [tilespmem:s17+$0x5010]  }
0x2a: {  	v15 =	vld [tilespmem:s17+$0x9010]  }
0x2b: {  	v49 =	vld [tilespmem:s17+$0x5020]  }
0x2c: {  	v24 =	vld [tilespmem:s17+$0x9020]  }
0x2d: {  	v39 =	vld [tilespmem:s17+$0x5030]  }
0x2e: {  	v63 =	vld [tilespmem:s17+$0x52E0];
	_ =	sdelay $0x4  }
0x2f: {  	[tilespmem:$0x1FAD0] =	vst v63;
	v63 =	vld [tilespmem:s17+$0x5320];
	_ =	sdelay $0x4  }
0x30: {  	[tilespmem:$0x1FA70] =	vst v63;
	v63 =	vld [tilespmem:s17+$0x5340];
	_ =	sdelay $0x4  }
0x31: {  	[tilespmem:$0x1FB10] =	vst v63;
	v63 =	vld [tilespmem:s17+$0x5360];
	_ =	sdelay $0x4  }
0x32: {  	[tilespmem:$0x1FBF0] =	vst v63;
	v63 =	vld [tilespmem:s17+$0x53A0];
	_ =	sdelay $0x4  }
0x33: {  	[tilespmem:$0x1FAF0] =	vst v63;
	v63 =	vld [tilespmem:s17+$0x93A0];
	_ =	sdelay $0x4  }
0x34: {  	[tilespmem:$0x1FB00] =	vst v63;
	v63 =	vld [tilespmem:s17+$0x53B0];
	_ =	sdelay $0x4  }
0x35: {  	[tilespmem:$0x1FB30] =	vst v63;
	v63 =	vld [tilespmem:s17+$0x93B0];
	_ =	sdelay $0x4  }
0x36: {  	[tilespmem:$0x1FB40] =	vst v63;
	v63 =	vld [tilespmem:s17+$0x53C0];
	_ =	sdelay $0x4  }
0x37: {  	[tilespmem:$0x1FBB0] =	vst v63;
	v63 =	vld [tilespmem:s17+$0x93C0];
	_ =	sdelay $0x4  }
0x38: {  	[tilespmem:$0x1FBC0] =	vst v63;
	v63 =	vld [tilespmem:s17+$0x53D0];
	_ =	sdelay $0x4  }
0x39: {  	[tilespmem:$0x1FC10] =	vst v63;
	v63 =	vld [tilespmem:s17+$0x93D0];
	_ =	sdelay $0x4  }
0x3a: {  	[tilespmem:$0x1FC20] =	vst v63;
	v63 =	vld [tilespmem:s17+$0x53E0];
	_ =	sdelay $0x4  }
0x3b: {  	[tilespmem:$0x1FCB0] =	vst v63;
	v63 =	vld [tilespmem:s17+$0x93E0];
	_ =	sdelay $0x4  }
0x3c: {  	[tilespmem:$0x1FCC0] =	vst v63;
	v63 =	vld [tilespmem:s17+$0x53F0];
	_ =	sdelay $0x4  }
0x3d: {  	[tilespmem:$0x1FD70] =	vst v63;
	v63 =	vld [tilespmem:s17+$0x93F0];
	_ =	sdelay $0x4  }
0x3e: {  	[tilespmem:$0x1FD80] =	vst v63;
	v63 =	vld [tilespmem:s17+$0x5400];
	_ =	sdelay $0x4  }
0x3f: {  	[tilespmem:$0x1FB70] =	vst v63;
	v63 =	vld [tilespmem:s17+$0x9400];
	_ =	sdelay $0x4  }
0x40: {  	[tilespmem:$0x1FB80] =	vst v63;
	v63 =	vld [tilespmem:s17+$0x5410];
	_ =	sdelay $0x4  }
0x41: {  	[tilespmem:$0x1FBD0] =	vst v63;
	v63 =	vld [tilespmem:s17+$0x9410];
	_ =	sdelay $0x4  }
0x42: {  	[tilespmem:$0x1FBE0] =	vst v63;
	v63 =	vld [tilespmem:s17+$0x5420];
	_ =	sdelay $0x4  }
0x43: {  	[tilespmem:$0x1FC30] =	vst v63;
	v63 =	vld [tilespmem:s17+$0x9420];
	_ =	sdelay $0x4  }
0x44: {  	[tilespmem:$0x1FC40] =	vst v63;
	v63 =	vld [tilespmem:s17+$0x5430];
	_ =	sdelay $0x4  }
0x45: {  	[tilespmem:$0x1FC90] =	vst v63;
	v63 =	vld [tilespmem:s17+$0x9430];
	_ =	sdelay $0x4  }
0x46: {  	[tilespmem:$0x1FCA0] =	vst v63;
	v63 =	vld [tilespmem:s17+$0x5440];
	_ =	sdelay $0x4  }
0x47: {  	[tilespmem:$0x1FCF0] =	vst v63;
	v63 =	vld [tilespmem:s17+$0x9440];
	_ =	sdelay $0x4  }
0x48: {  	[tilespmem:$0x1FD00] =	vst v63;
	v63 =	vld [tilespmem:s17+$0x5450];
	_ =	sdelay $0x4  }
0x49: {  	[tilespmem:$0x1FD30] =	vst v63;
	v63 =	vld [tilespmem:s17+$0x9450];
	_ =	sdelay $0x4  }
0x4a: {  	[tilespmem:$0x1FD40] =	vst v63;
	v63 =	vld [tilespmem:s17+$0x5460];
	_ =	sdelay $0x4  }
0x4b: {  	[tilespmem:$0x1FDD0] =	vst v63;
	v63 =	vld [tilespmem:s17+$0x9460];
	_ =	sdelay $0x4  }
0x4c: {  	[tilespmem:$0x1FDE0] =	vst v63;
	v63 =	vld [tilespmem:s17+$0x5470];
	_ =	sdelay $0x4  }
0x4d: {  	[tilespmem:$0x1FE80] =	vst v63;
	v63 =	vld [tilespmem:s17+$0x9470];
	_ =	sdelay $0x4  }
0x4e: {  	[tilespmem:$0x1FE90] =	vst v63;
	v63 =	vld [tilespmem:s17+$0x5480];
	_ =	sdelay $0x4  }
0x4f: {  	[tilespmem:$0x1FC70] =	vst v63;
	v63 =	vld [tilespmem:s17+$0x9480];
	_ =	sdelay $0x4  }
0x50: {  	[tilespmem:$0x1FC80] =	vst v63;
	v63 =	vld [tilespmem:s17+$0x5490];
	_ =	sdelay $0x4  }
0x51: {  	[tilespmem:$0x1FCD0] =	vst v63;
	v63 =	vld [tilespmem:s17+$0x9490];
	_ =	sdelay $0x4  }
0x52: {  	[tilespmem:$0x1FCE0] =	vst v63;
	v63 =	vld [tilespmem:s17+$0x54A0];
	_ =	sdelay $0x4  }
0x53: {  	[tilespmem:$0x1FD10] =	vst v63;
	v63 =	vld [tilespmem:s17+$0x94A0];
	_ =	sdelay $0x4  }
0x54: {  	[tilespmem:$0x1FD20] =	vst v63;
	v63 =	vld [tilespmem:s17+$0x54B0];
	_ =	sdelay $0x4  }
0x55: {  	[tilespmem:$0x1FD90] =	vst v63;
	v63 =	vld [tilespmem:s17+$0x94B0];
	_ =	sdelay $0x4  }
0x56: {  	[tilespmem:$0x1FDA0] =	vst v63;
	v63 =	vld [tilespmem:s17+$0x54C0];
	_ =	sdelay $0x4  }
0x57: {  	[tilespmem:$0x1FDF0] =	vst v63;
	v63 =	vld [tilespmem:s17+$0x94C0];
	_ =	sdelay $0x4  }
0x58: {  	[tilespmem:$0x1FE00] =	vst v63;
	v63 =	vld [tilespmem:s17+$0x54D0];
	_ =	sdelay $0x4  }
0x59: {  	[tilespmem:$0x1FE40] =	vst v63;
	v63 =	vld [tilespmem:s17+$0x94D0];
	_ =	sdelay $0x4  }
0x5a: {  	[tilespmem:$0x1FE50] =	vst v63;
	v63 =	vld [tilespmem:s17+$0x54E0];
	_ =	sdelay $0x4  }
0x5b: {  	[tilespmem:$0x1FEA0] =	vst v63;
	v63 =	vld [tilespmem:s17+$0x94E0];
	_ =	sdelay $0x4  }
0x5c: {  	[tilespmem:$0x1FEB0] =	vst v63;
	v63 =	vld [tilespmem:s17+$0x54F0];
	_ =	sdelay $0x4  }
0x5d: {  	[tilespmem:$0x1FF20] =	vst v63;
	v63 =	vld [tilespmem:s17+$0x94F0];
	_ =	sdelay $0x4  }
0x5e: {  	[tilespmem:$0x1FF30] =	vst v63;
	v63 =	vld [tilespmem:s17+$0x5500];
	_ =	sdelay $0x4  }
0x5f: {  	[tilespmem:$0x1FD50] =	vst v63;
	v63 =	vld [tilespmem:s17+$0x9500];
	_ =	sdelay $0x4  }
0x60: {  	[tilespmem:$0x1FD60] =	vst v63;
	v63 =	vld [tilespmem:s17+$0x5510];
	_ =	sdelay $0x4  }
0x61: {  	[tilespmem:$0x1FDB0] =	vst v63;
	v63 =	vld [tilespmem:s17+$0x9510];
	_ =	sdelay $0x4  }
0x62: {  	[tilespmem:$0x1FDC0] =	vst v63;
	v63 =	vld [tilespmem:s17+$0x5520];
	_ =	sdelay $0x4  }
0x63: {  	[tilespmem:$0x1FE10] =	vst v63;
	v63 =	vld [tilespmem:s17+$0x9520];
	_ =	sdelay $0x4  }
0x64: {  	[tilespmem:$0x1FE20] =	vst v63;
	v63 =	vld [tilespmem:s17+$0x5530];
	_ =	sdelay $0x4  }
0x65: {  	[tilespmem:$0x1FE60] =	vst v63;
	v63 =	vld [tilespmem:s17+$0x9530];
	_ =	sdelay $0x4  }
0x66: {  	[tilespmem:$0x1FE70] =	vst v63;
	v63 =	vld [tilespmem:s17+$0x5540];
	_ =	sdelay $0x1  }
0x67: {  	v58 =	vld [tilespmem:s17+$0x9030]  }
0x68: {  	v42 =	vld [tilespmem:s17+$0x5040]  }
0x69: {  	v2 =	vld [tilespmem:s17+$0x5060]  }
0x6a: {  	[tilespmem:$0x1FEC0] =	vst v63;
	v63 =	vld [tilespmem:s17+$0x9540]  }
0x6b: {  	v57 =	vld [tilespmem:s17+$0x9040]  }
0x6c: {  	v51 =	vld [tilespmem:s17+$0x5050]  }
0x6d: {  	v1 =	vld [tilespmem:s17+$0x9050]  }
0x6e: {  	[tilespmem:$0x1F820] =	vst v2;
	v2 =	vld [tilespmem:s17+$0x9060]  }
0x6f: {  	[tilespmem:$0x1FED0] =	vst v63;
	v63 =	vld [tilespmem:s17+$0x5550]  }
0x70: {  	v3 =	vld [tilespmem:s17+$0x5080]  }
0x71: {  	v5 =	vld [tilespmem:s17+$0x5090]  }
0x72: {  	v4 =	vld [tilespmem:s17+$0x9090]  }
0x73: {  	[tilespmem:$0x1F830] =	vst v2;
	v2 =	vld [tilespmem:s17+$0x5070]  }
0x74: {  	[tilespmem:$0x1FF00] =	vst v63;
	v63 =	vld [tilespmem:s17+$0x9550]  }
0x75: {  	v11 =	vld [tilespmem:s17+$0x50A0]  }
0x76: {  	v8 =	vld [tilespmem:s17+$0x90A0]  }
0x77: {  	v20 =	vld [tilespmem:s17+$0x50B0]  }
0x78: {  	[tilespmem:$0x1F840] =	vst v2;
	v2 =	vld [tilespmem:s17+$0x9070]  }
0x79: {  	[tilespmem:$0x1FF10] =	vst v63;
	v63 =	vld [tilespmem:s17+$0x5560]  }
0x7a: {  	v13 =	vld [tilespmem:s17+$0x90F0]  }
0x7b: {  	v12 =	vld [tilespmem:s17+$0x50F0]  }
0x7c: {  	v6 =	vld [tilespmem:s17+$0x50E0]  }
0x7d: {  	[tilespmem:$0x1F850] =	vst v2;
	v2 =	vld [tilespmem:s17+$0x9080]  }
0x7e: {  	[tilespmem:$0x1FF50] =	vst v63;
	v63 =	vld [tilespmem:s17+$0x9560]  }
0x7f: {  	[tilespmem:$0x1F8B0] =	vst v13;
	v13 =	vld [tilespmem:s17+$0x5110]  }
0x80: {  	[tilespmem:$0x1F8A0] =	vst v12;
	v12 =	vld [tilespmem:s17+$0x9110]  }
0x81: {  	v51 =	vmul.f32 v1, v51;
	v1 =	vld [tilespmem:s17+$0x55B0]  }
0x82: {  	v2 =	vmul.f32 v2, v3;
	v3 =	vld [tilespmem:s17+$0x5570]  }
0x83: {  	v14 =	vmul.f32 v14, v16;
	[tilespmem:$0x1FF60] =	vst v63;
	v63 =	vld [tilespmem:s17+$0x5580]  }
0x84: {  	v7 =	vld [tilespmem:s17+$0x5100]  }
0x85: {  	[tilespmem:$0x1F860] =	vst v6;
	v6 =	vld [tilespmem:s17+$0x9100];
	v15 =	vmul.f32 v15, v17;
	v14 =	vadd.f32 $0.0e+00, v14  }
0x86: {  	[tilespmem:$0x1FEF0] =	vst v1;
	v1 =	vld [tilespmem:$0x1F820]  }
0x87: {  	[tilespmem:$0x1FF90] =	vst v3;
	v3 =	vadd.f32 v15, v14;
	v14 =	vmul.f32 v24, v49;
	v49 =	vld [tilespmem:s17+$0x9570]  }
0x88: {  	[tilespmem:$0x1FE30] =	vst v63;
	v63 =	vmul.f32 v12, v13;
	v12 =	vld [tilespmem:$0x1F830]  }
0x89: {  	v18 =	vld [tilespmem:s17+$0x90B0]  }
0x8a: {  	v32 =	vld [tilespmem:s17+$0x50C0]  }
0x8b: {  	v30 =	vld [tilespmem:s17+$0x90C0]  }
0x8c: {  	v60 =	vld [tilespmem:s17+$0x50D0];
	v4 =	vmul.f32 v4, v5  }
0x8d: {  	v2 =	vadd.f32 $0.0e+00, v2;
	[tilespmem:$0x1FFA0] =	vst v49;
	v49 =	vmul.f32 v6, v7;
	v6 =	vmul.f32 v12, v1;
	v1 =	vld [tilespmem:s17+$0x55C0]  }
0x8e: {  	v43 =	vld [tilespmem:s17+$0x90D0];
	v16 =	vmul.f32 v8, v11  }
0x8f: {  	v10 =	vld [tilespmem:s17+$0x90E0];
	v2 =	vadd.f32 v4, v2;
	v15 =	vmul.f32 v58, v39;
	v3 =	vadd.f32 v14, v3  }
0x90: {  	v31 =	vld [tilespmem:s17+$0x5120]  }
0x91: {  	v17 =	vmul.f32 v57, v42;
	v2 =	vadd.f32 v16, v2;
	v16 =	vld [tilespmem:$0x1F850];
	v3 =	vadd.f32 v15, v3  }
0x92: {  	[tilespmem:$0x1FF40] =	vst v1;
	v1 =	vld [tilespmem:$0x1F840]  }
0x93: {  	v27 =	vld [tilespmem:s17+$0x9120];
	v3 =	vadd.f32 v17, v3  }
0x94: {  	v40 =	vld [tilespmem:s17+$0x5130]  }
0x95: {  	v38 =	vld [tilespmem:s17+$0x9130];
	v3 =	vadd.f32 v51, v3  }
0x96: {  	v59 =	vld [tilespmem:s17+$0x5140]  }
0x97: {  	v3 =	vadd.f32 v6, v3;
	v6 =	vmul.f32 v16, v1;
	v1 =	vld [tilespmem:s17+$0x55D0]  }
0x98: {  	v52 =	vld [tilespmem:s17+$0x9140]  }
0x99: {  	v9 =	vld [tilespmem:s17+$0x5150]  }
0x9a: {  	v25 =	vld [tilespmem:s17+$0x5230];
	[tilespmem:$0x1F870] =	vst v10  }
0x9b: {  	v57 =	vmul.f32 v30, v32;
	v30 =	vld [tilespmem:$0x1F870]  }
0x9c: {  	[tilespmem:$0x1FF70] =	vst v1;
	v1 =	vld [tilespmem:$0x1F860]  }
0x9d: {  	v19 =	vld [tilespmem:s17+$0x9150]  }
0x9e: {  	v21 =	vld [tilespmem:s17+$0x5160]  }
0x9f: {  	[tilespmem:$0x1F920] =	vst v25;
	v25 =	vld [tilespmem:s17+$0x5240]  }
0xa0: {  	v22 =	vld [tilespmem:s17+$0x9160]  }
0xa1: {  	v7 =	vmul.f32 v30, v1;
	v1 =	vld [tilespmem:s17+$0x55E0]  }
0xa2: {  	v23 =	vld [tilespmem:s17+$0x5170]  }
0xa3: {  	v28 =	vld [tilespmem:s17+$0x9170]  }
0xa4: {  	[tilespmem:$0x1F950] =	vst v25;
	v25 =	vld [tilespmem:s17+$0x9240]  }
0xa5: {  	v36 =	vld [tilespmem:s17+$0x51A0]  }
0xa6: {  	[tilespmem:$0x1FF80] =	vst v1;
	v1 =	vld [tilespmem:s17+$0x55F0]  }
0xa7: {  	v29 =	vld [tilespmem:s17+$0x91C0]  }
0xa8: {  	v33 =	vld [tilespmem:s17+$0x51D0];
	[tilespmem:$0x1F890] =	vst v19  }
0xa9: {  	[tilespmem:$0x1F960] =	vst v25;
	v25 =	vld [tilespmem:s17+$0x5250]  }
0xaa: {  	[tilespmem:$0x1F880] =	vst v9;
	v13 =	vmul.f32 v43, v60;
	v43 =	vld [tilespmem:$0x1F890]  }
0xab: {  	[tilespmem:$0x1FFB0] =	vst v1;
	v1 =	vld [tilespmem:$0x1F880]  }
0xac: {  	v10 =	vld [tilespmem:s17+$0x5180]  }
0xad: {  	v9 =	vld [tilespmem:s17+$0x9180]  }
0xae: {  	[tilespmem:$0x1F990] =	vst v25;
	v25 =	vld [tilespmem:s17+$0x9250]  }
0xaf: {  	[tilespmem:$0x1F930] =	vst v23;
	v23 =	vld [tilespmem:s17+$0x5190]  }
0xb0: {  	v4 =	vmul.f32 v43, v1;
	v1 =	vld [tilespmem:s17+$0x95F0]  }
0xb1: {  	[tilespmem:$0x1F8C0] =	vst v21;
	v21 =	vld [tilespmem:s17+$0x9190]  }
0xb2: {  	v18 =	vmul.f32 v18, v20;
	v20 =	vld [tilespmem:s17+$0x55A0]  }
0xb3: {  	[tilespmem:$0x1F9A0] =	vst v25;
	v25 =	vld [tilespmem:s17+$0x5260]  }
0xb4: {  	v51 =	vld [tilespmem:$0x1F8B0]  }
0xb5: {  	[tilespmem:$0x1FFC0] =	vst v1;
	v1 =	vld [tilespmem:$0x1F8A0]  }
0xb6: {  	v35 =	vld [tilespmem:s17+$0x91D0];
	v17 =	vmul.f32 v9, v10  }
0xb7: {  	[tilespmem:$0x1F8D0] =	vst v22;
	v19 =	vld [tilespmem:s17+$0x51C0]  }
0xb8: {  	[tilespmem:$0x1F9F0] =	vst v25;
	v25 =	vld [tilespmem:s17+$0x9260];
	v15 =	vmul.f32 v27, v31;
	v31 =	vmul.f32 v21, v23;
	v8 =	vadd.f32 $0.0e+00, v17  }
0xb9: {  	[tilespmem:$0x1F940] =	vst v28;
	v32 =	vmul.f32 v52, v59;
	v59 =	vld [tilespmem:$0x1F8D0]  }
0xba: {  	[tilespmem:$0x1FEE0] =	vst v20;
	v20 =	vmul.f32 v38, v40;
	v38 =	vadd.f32 v31, v8;
	v8 =	vmul.f32 v51, v1;
	v1 =	vld [tilespmem:$0x1F8C0]  }
0xbb: {  	[tilespmem:$0x1F900] =	vst v33;
	v33 =	vld [tilespmem:s17+$0x5210]  }
0xbc: {  	[tilespmem:$0x1F8F0] =	vst v29;
	v28 =	vld [tilespmem:s17+$0x9210]  }
0xbd: {  	[tilespmem:$0x1FA00] =	vst v25;
	v25 =	vld [tilespmem:s17+$0x5270]  }
0xbe: {  	[tilespmem:$0x1F8E0] =	vst v19;
	v60 =	vld [tilespmem:$0x1F8F0]  }
0xbf: {  	v10 =	vmul.f32 v59, v1;
	v1 =	vld [tilespmem:$0x1F8E0]  }
0xc0: {  	v34 =	vld [tilespmem:s17+$0x91A0];
	v2 =	vadd.f32 v18, v2  }
0xc1: {  	v61 =	vld [tilespmem:s17+$0x9230];
	[tilespmem:$0x1F910] =	vst v35  }
0xc2: {  	v2 =	vadd.f32 v57, v2;
	v57 =	vmul.f32 v28, v33;
	v28 =	vld [tilespmem:$0x1F910];
	v5 =	vadd.f32 $0.0e+00, v49  }
0xc3: {  	[tilespmem:$0x1FA90] =	vst v25;
	v25 =	vld [tilespmem:s17+$0x9270]  }
0xc4: {  	v5 =	vadd.f32 v63, v5;
	v63 =	vmul.f32 v60, v1;
	v1 =	vld [tilespmem:$0x1F900]  }
0xc5: {  	v22 =	vld [tilespmem:s17+$0x5200];
	v2 =	vadd.f32 v13, v2  }
0xc6: {  	v29 =	vld [tilespmem:s17+$0x5280]  }
0xc7: {  	v19 =	vld [tilespmem:s17+$0x9200];
	v2 =	vadd.f32 v7, v2  }
0xc8: {  	[tilespmem:$0x1FAA0] =	vst v25;
	v25 =	vld [tilespmem:s17+$0x9280]  }
0xc9: {  	v9 =	vadd.f32 v6, v3;
	v6 =	vadd.f32 v8, v2;
	v8 =	vmul.f32 v28, v1;
	v1 =	vld [tilespmem:$0x1F920]  }
0xca: {  	v48 =	vld [tilespmem:s17+$0x51B0]  }
0xcb: {  	v47 =	vld [tilespmem:s17+$0x91B0];
	v18 =	vadd.f32 v15, v5  }
0xcc: {  	v37 =	vld [tilespmem:s17+$0x51E0]  }
0xcd: {  	v49 =	vmul.f32 v19, v22;
	v31 =	vld [tilespmem:$0x1F940];
	v3 =	vadd.f32 v20, v18  }
0xce: {  	v22 =	vmul.f32 v25, v29;
	v29 =	vmul.f32 v61, v1;
	v1 =	vld [tilespmem:$0x1F930]  }
0xcf: {  	v45 =	vld [tilespmem:s17+$0x91F0];
	v3 =	vadd.f32 v32, v3  }
0xd0: {  	v44 =	vld [tilespmem:s17+$0x51F0]  }
0xd1: {  	v41 =	vld [tilespmem:s17+$0x91E0];
	v3 =	vadd.f32 v4, v3  }
0xd2: {  	v33 =	vld [tilespmem:$0x1F960]  }
0xd3: {  	v3 =	vadd.f32 v10, v3;
	v10 =	vmul.f32 v31, v1;
	v1 =	vld [tilespmem:$0x1F950]  }
0xd4: {  	[tilespmem:$0x1F9E0] =	vst v45;
	v45 =	vld [tilespmem:s17+$0x5220]  }
0xd5: {  	[tilespmem:$0x1F9D0] =	vst v44;
	v44 =	vld [tilespmem:s17+$0x9220];
	v40 =	vmul.f32 v34, v36  }
0xd6: {  	v56 =	vld [tilespmem:s17+$0x52A0];
	[tilespmem:$0x1F980] =	vst v41  }
0xd7: {  	[tilespmem:$0x1F970] =	vst v37;
	v52 =	vmul.f32 v47, v48;
	v34 =	vld [tilespmem:$0x1F980];
	v5 =	vadd.f32 v40, v38  }
0xd8: {  	v7 =	vadd.f32 $0.0e+00, v49;
	v4 =	vmul.f32 v33, v1;
	v1 =	vld [tilespmem:$0x1F970]  }
0xd9: {  	v46 =	vld [tilespmem:s17+$0x92B0];
	v5 =	vadd.f32 v52, v5  }
0xda: {  	v37 =	vld [tilespmem:s17+$0x5290];
	v15 =	vmul.f32 v44, v45;
	v2 =	vadd.f32 v57, v7  }
0xdb: {  	v41 =	vld [tilespmem:s17+$0x52B0];
	v5 =	vadd.f32 v63, v5  }
0xdc: {  	v2 =	vadd.f32 v15, v2;
	v15 =	vadd.f32 v10, v3;
	v3 =	vld [tilespmem:$0x1F9A0]  }
0xdd: {  	v5 =	vadd.f32 v8, v5;
	v8 =	vmul.f32 v34, v1;
	v1 =	vld [tilespmem:$0x1F990]  }
0xde: {  	v35 =	vld [tilespmem:s17+$0x9290]  }
0xdf: {  	v53 =	vld [tilespmem:s17+$0x92A0]  }
0xe0: {  	v50 =	vld [tilespmem:s17+$0x52C0];
	[tilespmem:$0x1F9C0] =	vst v46  }
0xe1: {  	[tilespmem:$0x1F9B0] =	vst v41;
	v38 =	vld [tilespmem:$0x1F9C0]  }
0xe2: {  	v3 =	vmul.f32 v3, v1;
	v1 =	vld [tilespmem:$0x1F9B0]  }
0xe3: {  	v54 =	vld [tilespmem:s17+$0x92C0];
	v32 =	vmul.f32 v35, v37;
	v7 =	vadd.f32 $0.0e+00, v22  }
0xe4: {  	v55 =	vld [tilespmem:s17+$0x52D0]  }
0xe5: {  	v62 =	vld [tilespmem:s17+$0x92D0];
	v35 =	vmul.f32 v53, v56;
	v7 =	vadd.f32 v32, v7  }
0xe6: {  	v40 =	vld [tilespmem:$0x1F9E0]  }
0xe7: {  	v37 =	vadd.f32 v35, v7;
	v7 =	vmul.f32 v38, v1;
	v1 =	vld [tilespmem:$0x1F9D0]  }
0xe8: {  	v46 =	vld [tilespmem:s17+$0x92E0]  }
0xe9: {  	[tilespmem:$0x1FA10] =	vst v50;
	v50 =	vld [tilespmem:s17+$0x52F0]  }
0xea: {  	[tilespmem:$0x1FA20] =	vst v54;
	v54 =	vld [tilespmem:s17+$0x92F0]  }
0xeb: {  	v43 =	vld [tilespmem:$0x1FA00]  }
0xec: {  	v36 =	vadd.f32 v8, v5;
	v8 =	vmul.f32 v40, v1;
	v1 =	vld [tilespmem:$0x1F9F0]  }
0xed: {  	[tilespmem:$0x1FA50] =	vst v55;
	v55 =	vld [tilespmem:s17+$0x5310]  }
0xee: {  	[tilespmem:$0x1FA60] =	vst v62;
	v62 =	vld [tilespmem:s17+$0x9310]  }
0xef: {  	[tilespmem:$0x1FB60] =	vst v54;
	v54 =	vld [tilespmem:s17+$0x5300]  }
0xf0: {  	v45 =	vld [tilespmem:$0x1FA20]  }
0xf1: {  	v44 =	vmul.f32 v43, v1;
	v1 =	vld [tilespmem:$0x1FA10]  }
0xf2: {  	[tilespmem:$0x1FB50] =	vst v50;
	v50 =	vld [tilespmem:s17+$0x9300]  }
0xf3: {  	[tilespmem:$0x1FA40] =	vst v62;
	v62 =	vld [tilespmem:s17+$0x9330]  }
0xf4: {  	[tilespmem:$0x1FA30] =	vst v55;
	v55 =	vld [tilespmem:s17+$0x5330]  }
0xf5: {  	v48 =	vld [tilespmem:$0x1FA40]  }
0xf6: {  	v2 =	vadd.f32 v29, v2;
	v47 =	vmul.f32 v45, v1;
	v1 =	vld [tilespmem:$0x1FA30]  }
0xf7: {  	[tilespmem:$0x1FAE0] =	vst v46;
	v46 =	vld [tilespmem:s17+$0x9320]  }
0xf8: {  	[tilespmem:$0x1FAC0] =	vst v62;
	v62 =	vld [tilespmem:s17+$0x9350];
	v2 =	vadd.f32 v4, v2  }
0xf9: {  	[tilespmem:$0x1FAB0] =	vst v55;
	v55 =	vld [tilespmem:s17+$0x5350]  }
0xfa: {  	v2 =	vadd.f32 v3, v2;
	v3 =	vmul.f32 v50, v54;
	v50 =	vld [tilespmem:$0x1FA60]  }
0xfb: {  	v4 =	vmul.f32 v48, v1;
	v1 =	vld [tilespmem:$0x1FA50]  }
0xfc: {  	[tilespmem:$0x1FA80] =	vst v46  }
0xfd: {  	[tilespmem:$0x1FBA0] =	vst v62;
	v62 =	vld [tilespmem:s17+$0x9370]  }
0xfe: {  	[tilespmem:$0x1FB90] =	vst v55;
	v55 =	vld [tilespmem:s17+$0x5370]  }
0xff: {  	v51 =	vld [tilespmem:$0x1FA80]  }
0x100: {  	v32 =	vmul.f32 v50, v1;
	v1 =	vld [tilespmem:$0x1FA70];
	_ =	sdelay $0x1  }
0x101: {  	[tilespmem:$0x1FC60] =	vst v62;
	v62 =	vld [tilespmem:s17+$0x5390]  }
0x102: {  	[tilespmem:$0x1FC50] =	vst v55;
	v55 =	vld [tilespmem:s17+$0x9390]  }
0x103: {  	v53 =	vld [tilespmem:$0x1FAA0]  }
0x104: {  	v52 =	vmul.f32 v51, v1;
	v1 =	vld [tilespmem:$0x1FA90];
	_ =	sdelay $0x3  }
0x105: {  	v54 =	vmul.f32 v55, v62;
	v55 =	vld [tilespmem:$0x1FAC0]  }
0x106: {  	v34 =	vmul.f32 v53, v1;
	v1 =	vld [tilespmem:$0x1FAB0]  }
0x107: {  	v5 =	vadd.f32 v7, v37;
	_ =	sdelay $0x1  }
0x108: {  	v5 =	vadd.f32 v47, v5  }
0x109: {  	v56 =	vld [tilespmem:$0x1FAE0]  }
0x10a: {  	v5 =	vadd.f32 v32, v5;
	v32 =	vmul.f32 v55, v1;
	v1 =	vld [tilespmem:$0x1FAD0];
	_ =	sdelay $0x2  }
0x10b: {  	v46 =	vld [tilespmem:s17+$0x9340]  }
0x10c: {  	v57 =	vld [tilespmem:$0x1FB00]  }
0x10d: {  	v33 =	vmul.f32 v56, v1;
	v1 =	vld [tilespmem:$0x1FAF0];
	_ =	sdelay $0x2  }
0x10e: {  	[tilespmem:$0x1FB20] =	vst v46  }
0x10f: {  	v59 =	vld [tilespmem:$0x1FB20];
	v3 =	vadd.f32 $0.0e+00, v3  }
0x110: {  	v35 =	vmul.f32 v57, v1;
	v1 =	vld [tilespmem:$0x1FB10]  }
0x111: {  	v3 =	vadd.f32 v4, v3;
	_ =	sdelay $0x1  }
0x112: {  	v3 =	vadd.f32 v52, v3  }
0x113: {  	v60 =	vld [tilespmem:$0x1FB40]  }
0x114: {  	v3 =	vadd.f32 v32, v3;
	v32 =	vmul.f32 v59, v1;
	v1 =	vld [tilespmem:$0x1FB30];
	_ =	sdelay $0x3  }
0x115: {  	v61 =	vld [tilespmem:$0x1FB60]  }
0x116: {  	v5 =	vadd.f32 v33, v5;
	v33 =	vmul.f32 v60, v1;
	v1 =	vld [tilespmem:$0x1FB50];
	_ =	sdelay $0x2  }
0x117: {  	v2 =	vadd.f32 v44, v2  }
0x118: {  	v32 =	vadd.f32 v32, v3;
	v3 =	vld [tilespmem:$0x1FB80]  }
0x119: {  	v2 =	vadd.f32 v34, v2;
	v34 =	vmul.f32 v61, v1;
	v1 =	vld [tilespmem:$0x1FB70];
	_ =	sdelay $0x4  }
0x11a: {  	v62 =	vmul.f32 v3, v1;
	v1 =	vld [tilespmem:$0x1FB90]  }
0x11b: {  	v3 =	vld [tilespmem:$0x1FBA0];
	_ =	sdelay $0x3  }
0x11c: {  	v46 =	vld [tilespmem:s17+$0x9360]  }
0x11d: {  	v63 =	vmul.f32 v3, v1;
	v1 =	vld [tilespmem:$0x1FBB0]  }
0x11e: {  	v3 =	vld [tilespmem:$0x1FBC0];
	_ =	sdelay $0x1  }
0x11f: {  	v41 =	vld [tilespmem:s17+$0x9380]  }
0x120: {  	[tilespmem:$0x1FC00] =	vst v46;
	v46 =	vld [tilespmem:s17+$0x5380]  }
0x121: {  	v53 =	vld [tilespmem:$0x1FBE0]  }
0x122: {  	v52 =	vmul.f32 v3, v1;
	v1 =	vld [tilespmem:$0x1FBD0];
	_ =	sdelay $0x3  }
0x123: {  	v49 =	vmul.f32 v41, v46;
	v55 =	vld [tilespmem:$0x1FC00]  }
0x124: {  	v3 =	vadd.f32 v34, v5;
	v5 =	vmul.f32 v53, v1;
	v1 =	vld [tilespmem:$0x1FBF0]  }
0x125: {  	v29 =	vadd.f32 $0.0e+00, v49;
	_ =	sdelay $0x1  }
0x126: {  	v29 =	vadd.f32 v54, v29  }
0x127: {  	v56 =	vld [tilespmem:$0x1FC20]  }
0x128: {  	v29 =	vadd.f32 v35, v29;
	v35 =	vmul.f32 v55, v1;
	v1 =	vld [tilespmem:$0x1FC10];
	_ =	sdelay $0x3  }
0x129: {  	v57 =	vld [tilespmem:$0x1FC40]  }
0x12a: {  	v29 =	vadd.f32 v33, v29;
	v33 =	vmul.f32 v56, v1;
	v1 =	vld [tilespmem:$0x1FC30];
	_ =	sdelay $0x3  }
0x12b: {  	v59 =	vld [tilespmem:$0x1FC60]  }
0x12c: {  	v34 =	vmul.f32 v57, v1;
	v1 =	vld [tilespmem:$0x1FC50];
	_ =	sdelay $0x3  }
0x12d: {  	v60 =	vld [tilespmem:$0x1FC80]  }
0x12e: {  	v31 =	vadd.f32 v8, v36;
	v36 =	vmul.f32 v59, v1;
	v1 =	vld [tilespmem:$0x1FC70];
	_ =	sdelay $0x3  }
0x12f: {  	v54 =	vadd.f32 $0.0e+00, v62;
	v62 =	vld [tilespmem:$0x1FCA0]  }
0x130: {  	v61 =	vmul.f32 v60, v1;
	v1 =	vld [tilespmem:$0x1FC90];
	_ =	sdelay $0x1  }
0x131: {  	v29 =	vadd.f32 v52, v29;
	_ =	sdelay $0x1  }
0x132: {  	v29 =	vadd.f32 v33, v29;
	v33 =	vld [tilespmem:$0x1FCC0]  }
0x133: {  	v32 =	vadd.f32 v63, v32;
	v63 =	vmul.f32 v62, v1;
	v1 =	vld [tilespmem:$0x1FCB0];
	_ =	sdelay $0x3  }
0x134: {  	v57 =	vld [tilespmem:$0x1FCE0]  }
0x135: {  	v49 =	vmul.f32 v33, v1;
	v1 =	vld [tilespmem:$0x1FCD0]  }
0x136: {  	v42 =	vld [tilespmem:s17+$0x9590]  }
0x137: {  	v11 =	vld [tilespmem:s17+$0x95A0]  }
0x138: {  	v39 =	vld [tilespmem:s17+$0x9580]  }
0x139: {  	v60 =	vld [tilespmem:$0x1FD00]  }
0x13a: {  	v59 =	vmul.f32 v57, v1;
	v1 =	vld [tilespmem:$0x1FCF0]  }
0x13b: {  	v58 =	vld [tilespmem:s17+$0x5590]  }
0x13c: {  	v24 =	vld [tilespmem:s17+$0x95C0]  }
0x13d: {  	v14 =	vld [tilespmem:s17+$0x95B0]  }
0x13e: {  	v62 =	vld [tilespmem:$0x1FD20]  }
0x13f: {  	v52 =	vadd.f32 $0.0e+00, v61;
	v61 =	vmul.f32 v60, v1;
	v1 =	vld [tilespmem:$0x1FD10]  }
0x140: {  	v23 =	vld [tilespmem:s17+$0x9600];
	v5 =	vadd.f32 v5, v54  }
0x141: {  	v21 =	vld [tilespmem:s17+$0x5610]  }
0x142: {  	v27 =	vld [tilespmem:s17+$0x9630];
	v34 =	vadd.f32 v34, v5  }
0x143: {  	v57 =	vld [tilespmem:$0x1FD40]  }
0x144: {  	v34 =	vadd.f32 v63, v34;
	v63 =	vmul.f32 v62, v1;
	v1 =	vld [tilespmem:$0x1FD30]  }
0x145: {  	v42 =	vmul.f32 v42, v58;
	v58 =	vld [tilespmem:s17+$0x5730]  }
0x146: {  	v19 =	vld [tilespmem:s17+$0x5630]  }
0x147: {  	v17 =	vld [tilespmem:s17+$0x95E0]  }
0x148: {  	v52 =	vadd.f32 v59, v52;
	v59 =	vld [tilespmem:$0x1FD60]  }
0x149: {  	v55 =	vmul.f32 v57, v1;
	v1 =	vld [tilespmem:$0x1FD50]  }
0x14a: {  	v25 =	vld [tilespmem:s17+$0x9620]  }
0x14b: {  	v13 =	vld [tilespmem:s17+$0x5650]  }
0x14c: {  	v12 =	vld [tilespmem:s17+$0x95D0]  }
0x14d: {  	v60 =	vld [tilespmem:$0x1FD80]  }
0x14e: {  	v56 =	vmul.f32 v59, v1;
	v1 =	vld [tilespmem:$0x1FD70]  }
0x14f: {  	v16 =	vld [tilespmem:s17+$0x5600]  }
0x150: {  	v18 =	vld [tilespmem:s17+$0x5620]  }
0x151: {  	v20 =	vld [tilespmem:s17+$0x5640]  }
0x152: {  	v53 =	vadd.f32 v61, v34;
	v61 =	vld [tilespmem:$0x1FDA0]  }
0x153: {  	v59 =	vmul.f32 v60, v1;
	v1 =	vld [tilespmem:$0x1FD90]  }
0x154: {  	v16 =	vmul.f32 v23, v16;
	v23 =	vld [tilespmem:s17+$0x9740]  }
0x155: {  	v18 =	vmul.f32 v25, v18;
	v25 =	vld [tilespmem:$0x1FF50]  }
0x156: {  	v30 =	vld [tilespmem:s17+$0x9610]  }
0x157: {  	v62 =	vld [tilespmem:$0x1FDC0]  }
0x158: {  	v54 =	vmul.f32 v61, v1;
	v1 =	vld [tilespmem:$0x1FDB0]  }
0x159: {  	v46 =	vld [tilespmem:s17+$0x9690]  }
0x15a: {  	v41 =	vld [tilespmem:s17+$0x96C0]  }
0x15b: {  	v21 =	vmul.f32 v30, v21;
	v30 =	vld [tilespmem:s17+$0x9750]  }
0x15c: {  	v52 =	vadd.f32 v63, v52;
	v63 =	vld [tilespmem:$0x1FDE0]  }
0x15d: {  	v16 =	vadd.f32 $0.0e+00, v16;
	v53 =	vadd.f32 v55, v53;
	v55 =	vmul.f32 v62, v1;
	v1 =	vld [tilespmem:$0x1FDD0]  }
0x15e: {  	v28 =	vld [tilespmem:s17+$0x9640]  }
0x15f: {  	v16 =	vadd.f32 v21, v16;
	v21 =	vld [tilespmem:s17+$0x9760]  }
0x160: {  	v22 =	vld [tilespmem:s17+$0x9650]  }
0x161: {  	v57 =	vld [tilespmem:$0x1FE00]  }
0x162: {  	v63 =	vmul.f32 v63, v1;
	v1 =	vld [tilespmem:$0x1FDF0]  }
0x163: {  	v16 =	vadd.f32 v18, v16;
	v18 =	vmul.f32 v28, v20;
	v20 =	vld [tilespmem:s17+$0x9780]  }
0x164: {  	v10 =	vld [tilespmem:s17+$0x9660];
	v29 =	vadd.f32 v49, v29  }
0x165: {  	v38 =	vld [tilespmem:s17+$0x96D0]  }
0x166: {  	v29 =	vadd.f32 v59, v29;
	v59 =	vld [tilespmem:$0x1FE20]  }
0x167: {  	v60 =	vmul.f32 v57, v1;
	v57 =	vld [tilespmem:$0x1FE10]  }
0x168: {  	v7 =	vld [tilespmem:s17+$0x5660]  }
0x169: {  	v37 =	vld [tilespmem:s17+$0x56C0]  }
0x16a: {  	v40 =	vld [tilespmem:s17+$0x56B0];
	v56 =	vadd.f32 $0.0e+00, v56  }
0x16b: {  	v53 =	vadd.f32 v63, v53;
	v63 =	vld [tilespmem:$0x1FE40]  }
0x16c: {  	v55 =	vadd.f32 v55, v56;
	v56 =	vmul.f32 v59, v57;
	v57 =	vld [tilespmem:$0x1FE50]  }
0x16d: {  	v8 =	vld [tilespmem:s17+$0x5670]  }
0x16e: {  	v43 =	vld [tilespmem:s17+$0x5680]  }
0x16f: {  	v44 =	vld [tilespmem:s17+$0x9680]  }
0x170: {  	v49 =	vld [tilespmem:$0x1FE80]  }
0x171: {  	v52 =	vadd.f32 v54, v52;
	v63 =	vmul.f32 v57, v63;
	v57 =	vld [tilespmem:$0x1FE90]  }
0x172: {  	v45 =	vld [tilespmem:s17+$0x5690]  }
0x173: {  	v52 =	vadd.f32 v60, v52;
	v60 =	vld [tilespmem:$0x1FE30]  }
0x174: {  	v47 =	vld [tilespmem:s17+$0x56A0]  }
0x175: {  	v52 =	vadd.f32 v63, v52;
	v63 =	vld [tilespmem:$0x1FEB0]  }
0x176: {  	v51 =	vmul.f32 v57, v49;
	v49 =	vld [tilespmem:$0x1FEA0]  }
0x177: {  	v48 =	vld [tilespmem:s17+$0x96A0]  }
0x178: {  	v39 =	vmul.f32 v39, v60;
	v60 =	vld [tilespmem:$0x1FE60]  }
0x179: {  	v55 =	vadd.f32 v56, v55;
	v56 =	vld [tilespmem:$0x1FE70]  }
0x17a: {  	v57 =	vld [tilespmem:$0x1FED0]  }
0x17b: {  	v63 =	vmul.f32 v63, v49;
	v49 =	vld [tilespmem:$0x1FEC0]  }
0x17c: {  	v4 =	vld [tilespmem:s17+$0x9670]  }
0x17d: {  	v50 =	vld [tilespmem:s17+$0x96B0];
	v32 =	vadd.f32 v35, v32  }
0x17e: {  	v35 =	vld [tilespmem:s17+$0x56D0];
	v56 =	vmul.f32 v56, v60  }
0x17f: {  	v5 =	vadd.f32 v36, v32;
	v36 =	vld [tilespmem:s17+$0x96E0];
	v39 =	vadd.f32 $0.0e+00, v39  }
0x180: {  	v33 =	vld [tilespmem:s17+$0x56E0];
	v55 =	vadd.f32 v56, v55;
	v57 =	vmul.f32 v57, v49  }
0x181: {  	v61 =	vld [tilespmem:s17+$0x5700];
	v42 =	vadd.f32 v42, v39;
	v39 =	vadd.f32 v51, v53  }
0x182: {  	v51 =	vadd.f32 v63, v52;
	v52 =	vadd.f32 v57, v55;
	v57 =	vld [tilespmem:$0x1FEF0]  }
0x183: {  	v54 =	vld [tilespmem:s17+$0x5720]  }
0x184: {  	v62 =	vld [tilespmem:s17+$0x9700]  }
0x185: {  	v1 =	vld [tilespmem:s17+$0x5710]  }
0x186: {  	v63 =	vld [tilespmem:$0x1FF00]  }
0x187: {  	v14 =	vmul.f32 v14, v57;
	v57 =	vld [tilespmem:$0x1FF10]  }
0x188: {  	v59 =	vld [tilespmem:s17+$0x9710]  }
0x189: {  	v49 =	vld [tilespmem:$0x1FEE0]  }
0x18a: {  	v60 =	vld [tilespmem:s17+$0x9720]  }
0x18b: {  	v55 =	vld [tilespmem:$0x1FF20]  }
0x18c: {  	v53 =	vmul.f32 v57, v63;
	v63 =	vld [tilespmem:$0x1FF30]  }
0x18d: {  	v56 =	vld [tilespmem:s17+$0x9730]  }
0x18e: {  	v11 =	vmul.f32 v11, v49;
	v57 =	vld [tilespmem:$0x1FF40]  }
0x18f: {  	v49 =	vld [tilespmem:s17+$0x5740]  }
0x190: {  	v11 =	vadd.f32 v11, v42;
	v42 =	vld [tilespmem:s17+$0x5750]  }
0x191: {  	v55 =	vmul.f32 v63, v55;
	v63 =	vld [tilespmem:$0x1FF60]  }
0x192: {  	v11 =	vadd.f32 v14, v11;
	v52 =	vadd.f32 v53, v52;
	v53 =	vld [tilespmem:$0x1FF70]  }
0x193: {  	v14 =	vmul.f32 v24, v57;
	v24 =	vld [tilespmem:s17+$0x5760];
	v51 =	vadd.f32 v55, v51;
	v55 =	vmul.f32 v27, v19  }
0x194: {  	v13 =	vmul.f32 v22, v13;
	v57 =	vmul.f32 v44, v43;
	v44 =	vld [tilespmem:s17+$0x5790]  }
0x195: {  	v22 =	vperm.xlane v6, v0;
	v16 =	vadd.f32 v55, v16;
	v55 =	vmul.f32 v46, v45;
	v45 =	vld [tilespmem:s17+$0x9790]  }
0x196: {  	v7 =	vmul.f32 v10, v7;
	v25 =	vmul.f32 v63, v25;
	v63 =	vld [tilespmem:$0x1FF80]  }
0x197: {  	v37 =	vmul.f32 v41, v37;
	v11 =	vadd.f32 v14, v11;
	v12 =	vmul.f32 v12, v53;
	v27 =	vld [tilespmem:s17+$0x5780]  }
0x198: {  	v4 =	vmul.f32 v4, v8;
	v1 =	vmul.f32 v59, v1;
	v53 =	vld [tilespmem:$0x1FFA0]  }
0x199: {  	v11 =	vadd.f32 v12, v11;
	v12 =	vadd.f32 $0.0e+00, v57;
	v57 =	vld [tilespmem:$0x1FFB0];
	v46 =	vmul.f32 v48, v47  }
0x19a: {  	v48 =	vmul.f32 v62, v61;
	v16 =	vadd.f32 v18, v16;
	v25 =	vadd.f32 v25, v52;
	v52 =	vld [tilespmem:$0x1FF90]  }
0x19b: {  	v12 =	vadd.f32 v55, v12;
	v61 =	vmul.f32 v45, v44;
	v17 =	vmul.f32 v17, v63;
	v63 =	vld [tilespmem:$0x1FFC0]  }
0x19c: {  	v47 =	vld [tilespmem:s17+$0x57A0];
	v13 =	vadd.f32 v13, v16;
	v45 =	vmul.f32 v56, v58;
	v56 =	vmul.f32 v30, v42  }
0x19d: {  	v55 =	vld [tilespmem:s17+$0x57B0];
	v12 =	vadd.f32 v46, v12;
	v58 =	vmul.f32 v36, v33;
	v30 =	vperm.xlane v15, v0  }
0x19e: {  	v46 =	vld [tilespmem:s17+$0x97D0];
	v33 =	vperm.xlane v2, v0;
	v36 =	vperm.xlane v5, v0;
	v7 =	vadd.f32 v7, v13  }
0x19f: {  	v44 =	vld [tilespmem:s17+$0x57D0];
	v28 =	vmul.f32 v53, v52;
	v11 =	vadd.f32 v17, v11;
	v53 =	vmul.f32 v20, v27  }
0x1a0: {  	v52 =	vld [tilespmem:s17+$0x97A0];
	v4 =	vadd.f32 v4, v7;
	v17 =	vmul.f32 v63, v57;
	v57 =	vmul.f32 v50, v40  }
0x1a1: {  	v27 =	vld [tilespmem:s17+$0x97B0];
	v59 =	vadd.f32 $0.0e+00, v53;
	v63 =	vmul.f32 v60, v54;
	v50 =	vmul.f32 v23, v49  }
0x1a2: {  	v32 =	vld [tilespmem:s17+$0x56F0];
	v25 =	vadd.f32 v28, v25;
	v60 =	vmul.f32 v21, v24;
	v21 =	vperm.xlane v9, v0  }
0x1a3: {  	v34 =	vld [tilespmem:s17+$0x96F0];
	v23 =	vperm.xlane v31, v0;
	v9 =	vsel vm0, v9, v22;
	v10 =	vadd.f32 v61, v59  }
0x1a4: {  	v62 =	vld [tilespmem:s17+$0x57C0];
	v59 =	vmul.f32 v46, v44;
	v42 =	vperm.xlane v25, v0;
	v11 =	vadd.f32 v17, v11  }
0x1a5: {  	v40 =	vld [tilespmem:s17+$0x97C0];
	v17 =	vadd.f32 $0.0e+00, v48;
	v12 =	vadd.f32 v57, v12;
	v43 =	vmul.f32 v52, v47  }
0x1a6: {  	v14 =	vld [tilespmem:s17+$0x5770];
	v47 =	vmul.f32 v27, v55;
	v27 =	vmul.f32 v38, v35;
	v6 =	vsel vm0, v21, v6  }
0x1a7: {  	v19 =	vld [tilespmem:s17+$0x9770];
	v35 =	vperm.xlane v29, v0;
	v38 =	vsel vm0, v36, v29;
	v6 =	vadd.f32 v9, v6  }
0x1a8: {  	v48 =	vld [tilespmem:s17+$0x57E0];
	v1 =	vadd.f32 v1, v17;
	v12 =	vadd.f32 v37, v12;
	v37 =	vperm.xlane v51, v0  }
0x1a9: {  	v52 =	vld [tilespmem:s17+$0x97E0];
	v10 =	vadd.f32 v43, v10;
	v41 =	vperm.xlane v11, v0;
	v43 =	vperm.xlane v4, v0  }
0x1aa: {  	v9 =	vsel vm0, v42, v11;
	v54 =	vmul.f32 v40, v62;
	v62 =	vmul.f32 v34, v32  }
0x1ab: {  	v34 =	vperm.xlane v3, v0;
	v3 =	vsel vm0, v33, v3;
	v1 =	vadd.f32 v63, v1  }
0x1ac: {  	v55 =	vld [tilespmem:s17+$0x57F0];
	v40 =	vperm.xlane v39, v0;
	v53 =	vadd.f32 v47, v10;
	v12 =	vadd.f32 v27, v12  }
0x1ad: {  	v57 =	vld [tilespmem:s17+$0x97F0];
	v63 =	vmul.f32 v19, v14;
	v13 =	vsel vm0, v25, v41;
	v1 =	vadd.f32 v45, v1  }
0x1ae: {  	v61 =	vmul.f32 v52, v48;
	v2 =	vsel vm0, v2, v34;
	v9 =	vadd.f32 v13, v9  }
0x1af: {  	v10 =	vsel vm0, v40, v51;
	v8 =	vadd.f32 v54, v53;
	v1 =	vadd.f32 v50, v1  }
0x1b0: {  	v12 =	vadd.f32 v58, v12;
	v2 =	vadd.f32 v2, v3;
	v3 =	vsel vm0, v5, v35  }
0x1b1: {  	v5 =	vsel vm0, v39, v37;
	v8 =	vadd.f32 v59, v8;
	v1 =	vadd.f32 v56, v1  }
0x1b2: {  	v20 =	vmul.f32 v57, v55;
	v3 =	vadd.f32 v3, v38;
	v5 =	vadd.f32 v5, v10  }
0x1b3: {  	v48 =	vperm.xlane v6, v26;
	v8 =	vadd.f32 v61, v8;
	v1 =	vadd.f32 v60, v1  }
0x1b4: {  	v53 =	vperm.xlane v9, v26;
	v12 =	vadd.f32 v62, v12;
	v51 =	vperm.xlane v2, v26  }
0x1b5: {  	v50 =	vperm.xlane v3, v26;
	v28 =	vadd.f32 v20, v8;
	v1 =	vadd.f32 v63, v1  }
0x1b6: {  	v32 =	vsel vm0, v15, v23;
	v52 =	vperm.xlane v5, v26;
	v44 =	vperm.xlane v12, v0  }
0x1b7: {  	v47 =	vsel vm0, v43, v12;
	v45 =	vperm.xlane v28, v0;
	v46 =	vperm.xlane v1, v0  }
0x1b8: {  	v3 =	vsel vm1, v51, v3;
	v8 =	vsel vm0, v30, v31;
	v4 =	vsel vm0, v4, v44  }
0x1b9: {  	v8 =	vadd.f32 v32, v8;
	v1 =	vsel vm0, v1, v45;
	v7 =	vsel vm0, v46, v28  }
0x1ba: {  	v2 =	vsel vm1, v2, v50;
	v4 =	vadd.f32 v4, v47;
	v1 =	vadd.f32 v1, v7  }
0x1bb: {  	v57 =	vld [tilespmem:$0x1FFE0];
	v56 =	vsel vm1, v52, v9;
	v2 =	vadd.f32 v2, v3;
	v49 =	vperm.xlane v8, v26  }
0x1bc: {  	v3 =	vsel vm1, v5, v53;
	v54 =	vperm.xlane v4, v26;
	v55 =	vperm.xlane v1, v26  }
0x1bd: {  	v3 =	vadd.f32 v3, v56;
	v8 =	vsel vm1, v48, v8  }
0x1be: {  	v6 =	vsel vm1, v6, v49;
	v1 =	vsel vm1, v54, v1;
	v4 =	vsel vm1, v4, v55  }
0x1bf: {  	v6 =	vadd.f32 v6, v8;
	v1 =	vadd.f32 v4, v1  }
0x1c0: {  	v59 =	vperm.xlane v2, v57;
	v60 =	vperm.xlane v3, v57  }
0x1c1: {  	v62 =	vld [tilespmem:$0x1FFF0];
	v58 =	vperm.xlane v6, v57;
	v61 =	vperm.xlane v1, v57  }
0x1c2: {  	v5 =	vsel vm2, v6, v59  }
0x1c3: {  	v2 =	vsel vm2, v58, v2;
	v1 =	vsel vm2, v60, v1;
	v3 =	vsel vm2, v3, v61  }
0x1c4: {  	v2 =	vadd.f32 v5, v2;
	v1 =	vadd.f32 v3, v1;
	_ =	sdelay $0x1  }
0x1c5: {  	v3 =	vperm.xlane v2, v62;
	v63 =	vperm.xlane v1, v62;
	_ =	sdelay $0x1  }
0x1c6: {  	v1 =	vsel vm3, v3, v1;
	v2 =	vsel vm3, v2, v63  }
0x1c7: {  	v1 =	vadd.f32 v1, v2;
	v2 =	vld [tilespmem:$0x1FFD0];
	_ =	sdelay $0x2  }
0x1c8: {  	p0 =	sne.s32 s16, $0x7  }
.Ltmp0:
0x1c9: {  	_ = 	snop;
	(pc) =	sbr.rel @p0 .LBB2_3-.Ltmp0, $4  }
0x1ca: {  	_ = 	snop  }
0x1cb: {  	s31 =	sshll.u32 s16, $0x4  }
0x1cc: {  	s17 =	sand.u32 $0x3FFFFFF0, s31  }
0x1cd: {  	s16 =	sadd.s32 $0x1, s16;
	[tilespmem:v2+s17+$0x0 ss:$0x1] =	vst.idx.msk $0xffff, v1  }
0x1ce: {  	s15 =	sadd.s32 $0x1, s15  }
0x1cf: {  	p0 =	sne.s32 s15, $0x4F  }
.Ltmp1:
0x1d0: {  	_ = 	snop;
	(pc) =	sbr.rel @p0 .LBB2_2-.Ltmp1, $1  }
0x1d1: {  	_ =	sdelay $0x3  }
0x1d2: {  	s14 =	sadd.s32 $0x1, s14  }
0x1d3: {  	p0 =	sne.s32 s14, s7  }
.Ltmp2:
0x1d4: {  	_ = 	snop;
	(pc) =	sbr.rel @p0 .LBB2_1-.Ltmp2, $4  }
0x1d5: {  	[hbm4b:s6+s2] =	stream.linear.scatter [tilespmem:s13], [sflag:$0x1], $0x2780, $0x38;
	[tilespmem:$0xF800] =	vst v63  }
0x1d6: {  	_ =	swait.ge [sflag:s8], $0x2780  }
0x1d7: {  	[sflag:s8] =	ssyncset.done $0x0  }
0x1d8: {  	[sflag:s8] =	ssyncadd.s32 $0xFFFFD880  }
0x1d9: {  	_ =	sfence.sel $0x180000  }
0x1da: {  	[bflag:$0x0] =	sbarrier.arrive $0xFFFF  }
0x1db: {  	p0 =	sne.s32 s0, $0x0;
	_ =	strace $0x9000004D  }
0x1dc: {  	s0 =	sadd.s32 @!p0 $0x100000, s1;
	[bflag:$0x2] =	sbarrier.arrive $0xFFFF  }
0x1dd: {  	[sflag:s0] =	ssyncadd.tile.s32 @!p0 $0x1;
	_ =	shalt  }
.Lfunc_end2:
_tile_overlayer_lowered:
.L_overlay_start_2:
0x1de: {  	(tag) =	ssettag $0x2  }
0x1df: {  	s0 =	rddreg [dreg:$0x0];
	s2 =	stileid.u32  }
0x1e0: {  	s1 =	rddreg [dreg:$0x1];
	p0 =	sne.s32 s2, $0x0  }
0x1e1: {  	s3 =	rddreg [dreg:$0x2];
	[bflag:$0x3] =	sbarrier.arrive $0xFFFF;
	s2 =	simm.s32 @!p0 $0x1C01  }
0x1e2: {  	[timem:s3], [sflag:s2] =	dma.local @!p0 [hbm:s0], s1  }
0x1e3: {  	s0 =	simm.s32 @!p0 $0x1  }
0x1e4: {  	_ =	swait.ge @!p0 [sflag:s0], s1  }
0x1e5: {  	s1 =	ssub.s32 @!p0 $0x0, s1;
	[sflag:s0] =	ssyncset.done @!p0 $0x0  }
0x1e6: {  	[sflag:s0] =	ssyncadd.s32 @!p0 s1  }
0x1e7: {  	[bflag:$0x3] =	sbarrier.arrive $0xFFFF  }
0x1e8: {  	_ =	shalt  }

// kernel: kernel.9.cloned.1.call-start
scs
__scs_entry_jumppad:
0x0: {  	(pc) =	sbr.rel $0x88, $3  }
0x1: {  	(tag) =	ssettag $0x0;
	lr =	simm.s32 $0x1  }
0x2: {  	[smem:$0x3F98] =	sst lr;
	_ =	strace $0xD0000000  }
0x3: {  	_ = 	snop  }
0x4: {  	_ = 	snop  }
0x5: {  	_ = 	snop  }
0x6: {  	_ = 	snop  }
0x7: {  	_ = 	snop  }
__scs_overlays_trampoline_lowered:
0x8: {  	[smem:$0x3FA7] =	sst s0  }
0x9: {  	[smem:$0x3FA8] =	sst s1  }
0xa: {  	[smem:$0x3FA9] =	sst s2  }
0xb: {  	[smem:$0x3FAA] =	sst s3  }
0xc: {  	[smem:$0x3FAB] =	sst s4  }
0xd: {  	[smem:$0x3FAC] =	sst s5  }
0xe: {  	[smem:$0x3FAD] =	sst s6  }
0xf: {  	[smem:$0x3FAE] =	sst s7  }
0x10: {  	[smem:$0x3FAF] =	sst s8  }
0x11: {  	[smem:$0x3FB0] =	sst s9;
	s0 =	simm.s32 @!p0 $0x0  }
0x12: {  	s1 =	sld [smem:$0x3F96];
	s0 =	simm.s32 @p0 $0x1  }
0x13: {  	[smem:$0x3FB1] =	sst s0;
	s0 =	simm.s32 @!p1 $0x0  }
0x14: {  	s2 =	sld [smem:$0x3F95];
	s0 =	simm.s32 @p1 $0x1  }
0x15: {  	[smem:$0x3FB2] =	sst s0;
	s0 =	simm.s32 @!p2 $0x0  }
0x16: {  	s3 =	sld [smem:$0x3FDB];
	s0 =	simm.s32 @p2 $0x1  }
0x17: {  	s4 =	simm.s32 $0x1BF5;
	[smem:$0x3FB4] =	sst s0  }
0x18: {  	s0 =	sld [smem:$0x3F97];
	_ =	swait.ge [sflag:s4], $0x0  }
0x19: {  	s7 =	sld [smem:$0x3F98]  }
0x1a: {  	s8 =	sadd.s32 $0xFFFFE003, lr  }
0x1b: {  	s9 =	sadd.s32 $0xFFFFFEF7, lr;
	s5 =	simm.s32 $0xFFFFFFFF;
	p2 =	slt.u32 s8, $0xFFFFF086  }
0x1c: {  	p1 =	slt.u32 s9, $0xF7A;
	s5 =	simm.s32 @!p2 $0x0  }
0x1d: {  	s5 =	simm.s32 @p1 $0x1;
	p0 =	seq.s32 s7, s2  }
0x1e: {  	s7 =	smul.u32 @!p0 $0xF7A, s2;
	p2 =	seq.s32 @!p0 s5, $0x0  }
0x1f: {  	s9 =	smul.u32 $0xF7A, s1;
	s8 =	simm.s32 @!p0 $0x1BF5;
	p2 =	por !p2, p0  }
0x20: {  	[sflag:s8] =	ssyncset.s32 @!p0 $0xFFFFF086;
	s6 =	sadd.s32 @!p0 s3, s7;
	s7 =	simm.s32 @!p0 $0x108  }
0x21: {  	s3 =	sadd.s32 s3, s9;
	s6 =	sadd.s32 @!p0 $0x88, s6;
	s7 =	simm.s32 @p2 $0x1082  }
0x22: {  	[simem:s7], [sflag:s8] =	dma.local @!p0 [hbm:s6], $0xF7A  }
0x23: {  	s9 =	sor.u32 $0xD0000000, s2;
	s6 =	simm.s32 $0x108;
	_ =	swait.ge @!p0 [sflag:s8], $0x0  }
0x24: {  	s3 =	sadd.s32 $0x88, s3;
	s6 =	simm.s32 @!p1 $0x1082;
	[sflag:s4] =	ssyncset.s32 $0xFFFFF086  }
0x25: {  	[simem:s6], [sflag:s4] =	dma.local [hbm:s3], $0xF7A  }
0x26: {  	[smem:$0x3F98] =	sst s1;
	(tag) =	ssettag s2;
	_ =	strace s9  }
0x27: {  	s1 =	sld [smem:$0x3FA8]  }
0x28: {  	s2 =	sld [smem:$0x3FA9]  }
0x29: {  	s4 =	sld [smem:$0x3FAB]  }
0x2a: {  	p0 =	seq.s32 s5, $0x0;
	s5 =	sld [smem:$0x3FAC]  }
0x2b: {  	s6 =	sld [smem:$0x3FAD]  }
0x2c: {  	s7 =	sld [smem:$0x3FAE]  }
0x2d: {  	s3 =	simm.s32 $0x108;
	s8 =	sld [smem:$0x3FAF]  }
0x2e: {  	s3 =	simm.s32 @!p0 $0x1082;
	s9 =	sld [smem:$0x3FB0]  }
0x2f: {  	lr =	sadd.s32 s0, s3;
	s0 =	sld [smem:$0x3FA7]  }
0x30: {  	s3 =	sld [smem:$0x3FAA]  }
0x31: {  	[smem:$0x3FB3] =	sst s10  }
0x32: {  	s10 =	sld [smem:$0x3FB1];
	_ =	sdelay $0x3  }
0x33: {  	p0 =	seq.s32 s10, $0x1;
	s10 =	sld [smem:$0x3FB3];
	_ =	sdelay $0x3  }
0x34: {  	[smem:$0x3FB3] =	sst s10  }
0x35: {  	s10 =	sld [smem:$0x3FB2];
	_ =	sdelay $0x3  }
0x36: {  	p1 =	seq.s32 s10, $0x1;
	s10 =	sld [smem:$0x3FB3];
	_ =	sdelay $0x3  }
0x37: {  	[smem:$0x3FB3] =	sst s10  }
0x38: {  	s10 =	sld [smem:$0x3FB4]  }
0x39: {  	_ = 	snop;
	(pc) =	sbr.ind lr, $3  }
0x3a: {  	_ = 	snop  }
0x3b: {  	_ = 	snop  }
0x3c: {  	p2 =	seq.s32 s10, $0x1;
	s10 =	sld [smem:$0x3FB3]  }
0x3d: {  	_ =	shalt  }
0x3e: {  	_ =	shalt  }
0x3f: {  	_ =	shalt  }
0x40: {  	_ =	shalt  }
0x41: {  	_ =	shalt  }
0x42: {  	_ =	shalt  }
0x43: {  	_ =	shalt  }
0x44: {  	_ =	shalt  }
0x45: {  	_ =	shalt  }
0x46: {  	_ =	shalt  }
0x47: {  	_ =	shalt  }
0x48: {  	_ =	shalt  }
0x49: {  	_ =	shalt  }
0x4a: {  	_ =	shalt  }
0x4b: {  	_ =	shalt  }
0x4c: {  	_ =	shalt  }
0x4d: {  	_ =	shalt  }
0x4e: {  	_ =	shalt  }
0x4f: {  	_ =	shalt  }
0x50: {  	_ =	shalt  }
0x51: {  	_ =	shalt  }
0x52: {  	_ =	shalt  }
0x53: {  	_ =	shalt  }
0x54: {  	_ =	shalt  }
0x55: {  	_ =	shalt  }
0x56: {  	_ =	shalt  }
0x57: {  	_ =	shalt  }
0x58: {  	_ =	shalt  }
0x59: {  	_ =	shalt  }
0x5a: {  	_ =	shalt  }
0x5b: {  	_ =	shalt  }
0x5c: {  	_ =	shalt  }
0x5d: {  	_ =	shalt  }
0x5e: {  	_ =	shalt  }
0x5f: {  	_ =	shalt  }
0x60: {  	_ =	shalt  }
0x61: {  	_ =	shalt  }
0x62: {  	_ =	shalt  }
0x63: {  	_ =	shalt  }
0x64: {  	_ =	shalt  }
0x65: {  	_ =	shalt  }
0x66: {  	_ =	shalt  }
0x67: {  	_ =	shalt  }
0x68: {  	_ =	shalt  }
0x69: {  	_ =	shalt  }
0x6a: {  	_ =	shalt  }
0x6b: {  	_ =	shalt  }
0x6c: {  	_ =	shalt  }
0x6d: {  	_ =	shalt  }
0x6e: {  	_ =	shalt  }
0x6f: {  	_ =	shalt  }
0x70: {  	_ =	shalt  }
0x71: {  	_ =	shalt  }
0x72: {  	_ =	shalt  }
0x73: {  	_ =	shalt  }
0x74: {  	_ =	shalt  }
0x75: {  	_ =	shalt  }
0x76: {  	_ =	shalt  }
0x77: {  	_ =	shalt  }
0x78: {  	_ =	shalt  }
0x79: {  	_ =	shalt  }
0x7a: {  	_ =	shalt  }
0x7b: {  	_ =	shalt  }
0x7c: {  	_ =	shalt  }
0x7d: {  	_ =	shalt  }
0x7e: {  	_ =	shalt  }
0x7f: {  	_ =	shalt  }
0x80: {  	_ =	shalt  }
0x81: {  	_ =	shalt  }
0x82: {  	_ =	shalt  }
0x83: {  	_ =	shalt  }
0x84: {  	_ =	shalt  }
0x85: {  	_ =	shalt  }
0x86: {  	_ =	shalt  }
0x87: {  	_ =	shalt  }
.Lfunc_end0:
.L_simem_size_0:
called_computation_lowered:
.L_overlay_start_0:
0x88: {  	s2 =	sld [smem:$0x3FD9]  }
0x89: {  	s3 =	sld [smem:$0x3FFE];
	_ =	sdelay $0x1  }
0x8a: {  	s1 =	srdreg.scid  }
0x8b: {  	s0 =	sand.u32 $0x1, s1  }
0x8c: {  	s16 =	sshll.u32 s0, $0xA;
	s2 =	sadd.s32 s3, s2  }
0x8d: {  	s2 =	sadd.s32 s2, s16  }
0x8e: {  	[smem:$0x3FBF] =	sst s2  }
0x8f: {  	_ = 	snop  }
0x90: {  	(tm) =	ssettm $0x1  }
0x91: {  	s17 =	sld [smem:$0x3FFB];
	_ =	sdelay $0x3  }
0x92: {  	_ =	strace s17  }
0x93: {  	s2 =	sld [smem:$0x3FFC];
	_ =	sdelay $0x3  }
0x94: {  	_ =	strace s2  }
0x95: {  	s2 =	sld [smem:$0x3FFD];
	_ =	sdelay $0x3  }
0x96: {  	_ =	strace s2  }
0x97: {  	_ =	strace $0x8FFFFFFF  }
0x98: {  	s18 =	sld [smem:$0x3FDB];
	_ =	sdelay $0x1  }
0x99: {  	s19 =	simm.s32 $_scs_section_size  }
0x9a: {  	s4 =	simm.s32 $_size__tile_overlayer_lowered;
	s5 =	simm.s32 $_tile_overlayer_lowered  }
0x9b: {  	s22 =	simm.s32 $0x1BFF;
	s21 =	sshll.u32 s5, $0x1;
	s2 =	sadd.s32 s19, s18  }
0x9c: {  	s6 =	simm.s32 $0x0;
	s20 =	sshll.u32 s4, $0x1;
	s4 =	sadd.s32 s21, s2  }
0x9d: {  	[timem:s6], [sflag:s22] =	dma.local [hbm:s4], s20  }
0x9e: {  	_ =	swait.ge [sflag:s22], s20  }
0x9f: {  	s3 =	ssub.s32 $0x0, s20;
	[sflag:s22] =	ssyncset.done $0x0  }
0xa0: {  	[sflag:s22] =	ssyncadd.s32 s3;
	_ =	sdelay $0x1  }
0xa1: {  	s23 =	simm.s32 $0x1B8B  }
0xa2: {  	_ =	swait.ge [sflag:s23], $0x1  }
0xa3: {  	[sflag:s23] =	ssyncset.done $0x0  }
0xa4: {  	s25 =	simm.s32 $0x1B8E;
	s24 =	sld [smem:$0x3FFE];
	[sflag:s23] =	ssyncadd.s32 $0xFFFFFFFF  }
0xa5: {  	s26 =	simm.s32 $execute0_lowered;
	[smem:$0x3FD2] =	sst s25  }
0xa6: {  	s4 =	sshll.u32 s26, $0x1;
	_ =	strace $0x80000046;
	[dreg:$0x1] =	wrdreg $0xFFFFFFFF  }
0xa7: {  	s28 =	simm.s32 $_size_execute0_lowered;
	s2 =	sadd.s32 s2, s4;
	[dreg:$0x0] =	wrdreg $0x0  }
0xa8: {  	s4 =	sshll.u32 s28, $0x1;
	[dreg:$0x2] =	wrdreg s2  }
0xa9: {  	[dreg:$0x3] =	wrdreg s4  }
0xaa: {  	[dreg:$0x4] =	wrdreg $0xC0  }
0xab: {  	_ =	task [dreg:s6], $0x5FFFF  }
0xac: {  	[dreg:$0x1] =	wrdreg $0xFFFFFFFF  }
0xad: {  	[dreg:$0x0] =	wrdreg $0x60  }
0xae: {  	[dreg:$0x2] =	wrdreg s24  }
0xaf: {  	[dreg:$0x3] =	wrdreg $0x7D000  }
0xb0: {  	[dreg:$0x4] =	wrdreg $0x9  }
0xb1: {  	_ =	task.clear_ibuf [dreg:s6], $0x5FFFF;
	_ =	strace $0x90000046  }
0xb2: {  	s29 =	simm.s32 $0x9;
	_ =	strace $0x80000048  }
0xb3: {  	_ =	swait.ge [sflag:s29], $0x1  }
0xb4: {  	[sflag:s29] =	ssyncadd.s32 $0xFFFFFFFF  }
0xb5: {  	_ =	strace $0x90000048  }
0xb6: {  	_ =	sfence  }
0xb7: {  	s30 =	sld [smem:$0x0];
	_ =	sdelay $0x2  }
0xb8: {  	s31 =	sshll.u32 s1, $0xD;
	s1 =	sshrl.u32 s1, $0x2  }
0xb9: {  	s3 =	sand.u32 $0x4000, s31;
	s1 =	sadd.s32 s1, s30  }
0xba: {  	s0 =	sor.u32 s3, s0;
	s1 =	sshll.u32 s1, $0x11  }
0xbb: {  	s0 =	sor.u32 s1, s0  }
0xbc: {  	s0 =	sadd.s32 $0x8F2B, s0  }
0xbd: {  	[sflag:s0] =	ssyncadd.remote.s32 $0x1  }
0xbe: {  	_ =	sfence.sel $0xFFFF  }
0xbf: {  	[dreg:$0x0] =	wrdreg $0xFFFFFFFF;
	(pc) =	sbr.abs _section_cstart, $3  }
0xc0: {  	[dreg:$0x1] =	wrdreg $0xFFFFFFFF  }
0xc1: {  	_ =	task.clear_ibuf [dreg:s6], $0x2FFFF;
	_ =	strace $0x9FFFFFFF  }
0xc2: {  	(tm) =	ssettm $0x7FFFFFFF  }
0xc3: {  	_ =	shalt  }
tec
execute0_lowered:
.L_overlay_start_1:
0x0: {  	(tag) =	ssettag $0x1  }
0x1: {  	s5 =	stileid.u32  }
0x2: {  	s0 =	srdreg.scid;
	s1 =	simm.s32 $0x0;
	s4 =	smul.u32 $0x2780, s5  }
0x3: {  	s2 =	sand.u32 $0x1, s0;
	s0 =	rddreg [dreg:$0x0];
	s5 =	smul.u32 $0x16800, s5  }
0x4: {  	s30 =	simm.s32 $0x780;
	[smem:$0x7FF] =	sst s1;
	s3 =	smul.u32 $0x27800, s2  }
0x5: {  	s26 =	sadd.s32 $0x41C00, s0;
	s6 =	ssub.s32 $0x2, s2;
	s7 =	sadd.s32 $0x6EC00, s0  }
0x6: {  	s2 =	smul.u32 $0x168000, s2;
	s8 =	sshrl.u32 s6, $0x1;
	s9 =	sadd.s32 $0x2D00, s5  }
0x7: {  	s11 =	sshrl.u32 s5, $0x3;
	s3 =	sadd.s32 s4, s3;
	s6 =	ssub.s32 s6, s8  }
0x8: {  	s10 =	sshrl.u32 s9, $0x3;
	s8 =	sadd.s32 s26, s11;
	s11 =	sadd.s32 $0x8700, s5  }
0x9: {  	s20 =	sadd.s32 s2, s9;
	[dreg:$0x3] =	wrdreg s8;
	s12 =	sadd.s32 s26, s10  }
0xa: {  	s8 =	sadd.s32 $0x5A00, s5;
	s14 =	sshrl.u32 s11, $0x3;
	s21 =	sshrl.u32 s20, $0x3  }
0xb: {  	s24 =	sadd.s32 s2, s11;
	[dreg:$0x4] =	wrdreg s12;
	s13 =	sshrl.u32 s8, $0x3  }
0xc: {  	s12 =	sadd.s32 $0xB400, s5;
	s22 =	sadd.s32 s2, s8;
	s25 =	sshrl.u32 s24, $0x3  }
0xd: {  	s24 =	smax.u32 s6, $0x1;
	s6 =	simm.s32 $0x480;
	s10 =	sadd.s32 s26, s13  }
0xe: {  	s13 =	sshrl.u32 s12, $0x3;
	[dreg:$0x5] =	wrdreg s10;
	s10 =	sadd.s32 s26, s14  }
0xf: {  	s23 =	sshrl.u32 s22, $0x3;
	s15 =	sadd.s32 s26, s13;
	[dreg:$0x6] =	wrdreg s10  }
0x10: {  	s14 =	sadd.s32 $0x10E00, s5;
	[dreg:$0x7] =	wrdreg s15;
	s10 =	sadd.s32 $0xE100, s5  }
0x11: {  	s17 =	sshrl.u32 s14, $0x3;
	s15 =	sadd.s32 $0x13B00, s5;
	s16 =	sshrl.u32 s10, $0x3  }
0x12: {  	s18 =	sshrl.u32 s15, $0x3;
	s13 =	sadd.s32 s26, s16;
	s16 =	sadd.s32 s5, s2  }
0x13: {  	s4 =	sadd.s32 s26, s18;
	[dreg:$0x8] =	wrdreg s13;
	s13 =	sadd.s32 s26, s17  }
0x14: {  	[dreg:$0xa] =	wrdreg s4;
	s19 =	sshrl.u32 s16, $0x3;
	s26 =	sadd.s32 s2, s12  }
0x15: {  	s17 =	sadd.s32 s2, s10;
	[dreg:$0x9] =	wrdreg s13;
	s4 =	sadd.s32 s7, s19  }
0x16: {  	s16 =	sshrl.u32 s26, $0x3;
	s18 =	sshrl.u32 s17, $0x3;
	s19 =	sadd.s32 s2, s14  }
0x17: {  	s2 =	sadd.s32 s2, s15;
	s13 =	simm.s32 $0x280;
	s17 =	simm.s32 $0x700  }
0x18: {  	[dreg:$0xb] =	wrdreg s4;
	s4 =	sadd.s32 s7, s21;
	s20 =	sshrl.u32 s19, $0x3  }
0x19: {  	s2 =	sshrl.u32 s2, $0x3;
	[dreg:$0xc] =	wrdreg s4;
	s4 =	sadd.s32 s7, s23  }
0x1a: {  	s21 =	sshrl.u32 s3, $0x3;
	s2 =	sadd.s32 s7, s2;
	[dreg:$0xd] =	wrdreg s4  }
0x1b: {  	s3 =	simm.s32 $0x400;
	s4 =	sadd.s32 s7, s25;
	[dreg:$0x12] =	wrdreg s2  }
0x1c: {  	s2 =	sadd.s32 s21, s0;
	[dreg:$0xe] =	wrdreg s4;
	s4 =	sadd.s32 s7, s16  }
0x1d: {  	s19 =	simm.s32 $0x380;
	s31 =	sadd.s32 $0x2E000, s2;
	[dreg:$0xf] =	wrdreg s4  }
0x1e: {  	s16 =	sadd.s32 $0x37E00, s2;
	s4 =	sadd.s32 s7, s18;
	s18 =	rddreg [dreg:$0x1]  }
0x1f: {  	s2 =	simm.s32 $0x1;
	[dreg:$0x10] =	wrdreg s4;
	s4 =	sadd.s32 s7, s20  }
0x20: {  	s20 =	sadd.s32 $0x1000, s0;
	s22 =	sadd.s32 s9, s18;
	[dreg:$0x11] =	wrdreg s4  }
0x21: {  	s23 =	sadd.s32 s5, s18;
	_ =	strace $0x80000047;
	[dreg:$0x1c] =	wrdreg s22  }
0x22: {  	s25 =	sadd.s32 s8, s18;
	s26 =	sadd.s32 s11, s18;
	[dreg:$0x1a] =	wrdreg s24  }
0x23: {  	s28 =	sadd.s32 s12, s18;
	s29 =	sadd.s32 s10, s18;
	[dreg:$0x13] =	wrdreg s25  }
0x24: {  	s21 =	sadd.s32 s14, s18;
	s0 =	sadd.s32 s15, s18;
	[dreg:$0x14] =	wrdreg s26  }
0x25: {  	s5 =	simm.s32 $0x800;
	s7 =	simm.s32 $0x100;
	[dreg:$0x15] =	wrdreg s28  }
0x26: {  	s8 =	simm.s32 $0x500;
	s9 =	simm.s32 $0x180;
	[dreg:$0x16] =	wrdreg s23  }
0x27: {  	s10 =	simm.s32 $0x580;
	s11 =	simm.s32 $0x200;
	[dreg:$0x17] =	wrdreg s29  }
0x28: {  	s12 =	simm.s32 $0x600;
	s14 =	simm.s32 $0x680;
	[dreg:$0x18] =	wrdreg s21  }
0x29: {  	s15 =	simm.s32 $0x300;
	s22 =	simm.s32 $0x0;
	[dreg:$0x19] =	wrdreg s0  }
0x2a: {  	s4 =	simm.s32 $0x80;
	s24 =	simm.s32 $0x5000;
	[dreg:$0x1b] =	wrdreg s22  }
.LBB2_1:
0x2b: {  	s22 =	rddreg [dreg:$0x3]  }
0x2c: {  	[tilespmem:s24], [sflag:$0x1] =	stream.linear.gather [hbm4b:s22+s1], $0x2D00, $0x38;
	[tilespmem:$0x1E500] =	vst v63  }
0x2d: {  	_ =	swait.ge [sflag:s2], $0x2D00  }
0x2e: {  	[sflag:s2] =	ssyncset.done $0x0  }
0x2f: {  	[sflag:s2] =	ssyncadd.s32 $0xFFFFD300  }
0x30: {  	[spmem:s23] =	stream.linear.scatter [tilespmem:s24], [sflag:$0x1], $0x2D00, $0x38;
	[tilespmem:$0x1E500] =	vst v63  }
0x31: {  	_ =	swait.ge [sflag:s2], $0x2D00  }
0x32: {  	[sflag:s2] =	ssyncset.done $0x0  }
0x33: {  	s23 =	rddreg [dreg:$0x4];
	[sflag:s2] =	ssyncadd.s32 $0xFFFFD300  }
0x34: {  	[tilespmem:s24], [sflag:$0x1] =	stream.linear.gather [hbm4b:s23+s1], $0x2D00, $0x38;
	[tilespmem:$0x1E500] =	vst v63  }
0x35: {  	_ =	swait.ge [sflag:s2], $0x2D00  }
0x36: {  	[sflag:s2] =	ssyncset.done $0x0  }
0x37: {  	s22 =	rddreg [dreg:$0x1c];
	[sflag:s2] =	ssyncadd.s32 $0xFFFFD300  }
0x38: {  	[spmem:s22] =	stream.linear.scatter [tilespmem:s24], [sflag:$0x1], $0x2D00, $0x38;
	[tilespmem:$0x1E500] =	vst v63  }
0x39: {  	_ =	swait.ge [sflag:s2], $0x2D00  }
0x3a: {  	s23 =	smov.u32 s29;
	[sflag:s2] =	ssyncset.done $0x0  }
0x3b: {  	s29 =	smov.u32 s22;
	s22 =	rddreg [dreg:$0x5];
	[sflag:s2] =	ssyncadd.s32 $0xFFFFD300  }
0x3c: {  	[tilespmem:s24], [sflag:$0x1] =	stream.linear.gather [hbm4b:s22+s1], $0x2D00, $0x38;
	[tilespmem:$0x1E500] =	vst v63  }
0x3d: {  	_ =	swait.ge [sflag:s2], $0x2D00  }
0x3e: {  	[sflag:s2] =	ssyncset.done $0x0  }
0x3f: {  	[sflag:s2] =	ssyncadd.s32 $0xFFFFD300  }
0x40: {  	[spmem:s25] =	stream.linear.scatter [tilespmem:s24], [sflag:$0x1], $0x2D00, $0x38;
	[tilespmem:$0x1E500] =	vst v63  }
0x41: {  	_ =	swait.ge [sflag:s2], $0x2D00  }
0x42: {  	[sflag:s2] =	ssyncset.done $0x0  }
0x43: {  	s25 =	rddreg [dreg:$0x6];
	[sflag:s2] =	ssyncadd.s32 $0xFFFFD300  }
0x44: {  	[tilespmem:s24], [sflag:$0x1] =	stream.linear.gather [hbm4b:s25+s1], $0x2D00, $0x38;
	[tilespmem:$0x1E500] =	vst v63  }
0x45: {  	_ =	swait.ge [sflag:s2], $0x2D00  }
0x46: {  	[sflag:s2] =	ssyncset.done $0x0  }
0x47: {  	[sflag:s2] =	ssyncadd.s32 $0xFFFFD300  }
0x48: {  	[spmem:s26] =	stream.linear.scatter [tilespmem:s24], [sflag:$0x1], $0x2D00, $0x38;
	[tilespmem:$0x1E500] =	vst v63  }
0x49: {  	_ =	swait.ge [sflag:s2], $0x2D00  }
0x4a: {  	[sflag:s2] =	ssyncset.done $0x0  }
0x4b: {  	s26 =	rddreg [dreg:$0x7];
	[sflag:s2] =	ssyncadd.s32 $0xFFFFD300  }
0x4c: {  	[tilespmem:s24], [sflag:$0x1] =	stream.linear.gather [hbm4b:s26+s1], $0x2D00, $0x38;
	[tilespmem:$0x1E500] =	vst v63  }
0x4d: {  	_ =	swait.ge [sflag:s2], $0x2D00  }
0x4e: {  	[sflag:s2] =	ssyncset.done $0x0  }
0x4f: {  	[sflag:s2] =	ssyncadd.s32 $0xFFFFD300  }
0x50: {  	[spmem:s28] =	stream.linear.scatter [tilespmem:s24], [sflag:$0x1], $0x2D00, $0x38;
	[tilespmem:$0x1E500] =	vst v63  }
0x51: {  	_ =	swait.ge [sflag:s2], $0x2D00  }
0x52: {  	[sflag:s2] =	ssyncset.done $0x0  }
0x53: {  	s28 =	rddreg [dreg:$0x8];
	[sflag:s2] =	ssyncadd.s32 $0xFFFFD300  }
0x54: {  	[tilespmem:s24], [sflag:$0x1] =	stream.linear.gather [hbm4b:s28+s1], $0x2D00, $0x38;
	[tilespmem:$0x1E500] =	vst v63  }
0x55: {  	_ =	swait.ge [sflag:s2], $0x2D00  }
0x56: {  	[sflag:s2] =	ssyncset.done $0x0  }
0x57: {  	[sflag:s2] =	ssyncadd.s32 $0xFFFFD300  }
0x58: {  	[spmem:s23] =	stream.linear.scatter [tilespmem:s24], [sflag:$0x1], $0x2D00, $0x38;
	[tilespmem:$0x1E500] =	vst v63  }
0x59: {  	_ =	swait.ge [sflag:s2], $0x2D00  }
0x5a: {  	[sflag:s2] =	ssyncset.done $0x0  }
0x5b: {  	s23 =	rddreg [dreg:$0x9];
	[sflag:s2] =	ssyncadd.s32 $0xFFFFD300  }
0x5c: {  	[tilespmem:s24], [sflag:$0x1] =	stream.linear.gather [hbm4b:s23+s1], $0x2D00, $0x38;
	[tilespmem:$0x1E500] =	vst v63  }
0x5d: {  	_ =	swait.ge [sflag:s2], $0x2D00  }
0x5e: {  	[sflag:s2] =	ssyncset.done $0x0  }
0x5f: {  	[sflag:s2] =	ssyncadd.s32 $0xFFFFD300  }
0x60: {  	[spmem:s21] =	stream.linear.scatter [tilespmem:s24], [sflag:$0x1], $0x2D00, $0x38;
	[tilespmem:$0x1E500] =	vst v63  }
0x61: {  	_ =	swait.ge [sflag:s2], $0x2D00  }
0x62: {  	[sflag:s2] =	ssyncset.done $0x0  }
0x63: {  	s25 =	rddreg [dreg:$0xa];
	[sflag:s2] =	ssyncadd.s32 $0xFFFFD300  }
0x64: {  	[tilespmem:s24], [sflag:$0x1] =	stream.linear.gather [hbm4b:s25+s1], $0x2D00, $0x38;
	[tilespmem:$0x1E500] =	vst v63  }
0x65: {  	_ =	swait.ge [sflag:s2], $0x2D00  }
0x66: {  	[sflag:s2] =	ssyncset.done $0x0  }
0x67: {  	[sflag:s2] =	ssyncadd.s32 $0xFFFFD300  }
0x68: {  	[spmem:s0] =	stream.linear.scatter [tilespmem:s24], [sflag:$0x1], $0x2D00, $0x38;
	[tilespmem:$0x1E500] =	vst v63  }
0x69: {  	_ =	swait.ge [sflag:s2], $0x2D00  }
0x6a: {  	[sflag:s2] =	ssyncset.done $0x0  }
0x6b: {  	[sflag:s2] =	ssyncadd.s32 $0xFFFFD300  }
0x6c: {  	s26 =	sadd.s32 $0x0, s16;
	[bflag:$0x0] =	sbarrier.arrive $0xFFFF  }
0x6d: {  	[tilespmem:s1], [sflag:$0x1] =	stream.linear.gather [hbm4b:s26+s1], $0x400, $0x38;
	[tilespmem:$0x1E500] =	vst v63  }
0x6e: {  	_ =	swait.ge [sflag:s2], $0x400  }
0x6f: {  	[sflag:s2] =	ssyncset.done $0x0  }
0x70: {  	s28 =	sadd.s32 $0x0, s31;
	[sflag:s2] =	ssyncadd.s32 $0xFFFFFC00  }
0x71: {  	[tilespmem:s3], [sflag:$0x1] =	stream.linear.gather [hbm4b:s28+s1], $0x400, $0x38;
	[tilespmem:$0x1E500] =	vst v63  }
0x72: {  	_ =	swait.ge [sflag:s2], $0x400  }
0x73: {  	[sflag:s2] =	ssyncset.done $0x0  }
0x74: {  	[sflag:s2] =	ssyncadd.s32 $0xFFFFFC00  }
0x75: {  	[tilespmem:s5], [sflag:$0x1] =	stream.indirect.gather [hbm4b:s20+s4], $0x90, s1, s4, $0xb8;
	[tilespmem:$0x1E500] =	vst v63  }
0x76: {  	_ =	swait.ge [sflag:s2], $0x4800  }
0x77: {  	[sflag:s2] =	ssyncset.done $0x0  }
0x78: {  	[sflag:s2] =	ssyncadd.s32 $0xFFFFB800  }
0x79: {  	[spmem:s18] =	stream.indirect.scatter.add.f32 [tilespmem:s5], [sflag:$0x1], $0x90, s3, s4, $0xb8;
	[tilespmem:$0x1E500] =	vst v63  }
0x7a: {  	_ =	swait.ge [sflag:s2], $0x4800  }
0x7b: {  	[sflag:s2] =	ssyncset.done $0x0  }
0x7c: {  	[sflag:s2] =	ssyncadd.s32 $0xFFFFB800  }
0x7d: {  	[tilespmem:s5], [sflag:$0x1] =	stream.indirect.gather [hbm4b:s20+s4], $0x90, s4, s4, $0xb8;
	[tilespmem:$0x1E500] =	vst v63  }
0x7e: {  	_ =	swait.ge [sflag:s2], $0x4800  }
0x7f: {  	[sflag:s2] =	ssyncset.done $0x0  }
0x80: {  	[sflag:s2] =	ssyncadd.s32 $0xFFFFB800  }
0x81: {  	[spmem:s18] =	stream.indirect.scatter.add.f32 [tilespmem:s5], [sflag:$0x1], $0x90, s6, s4, $0xb8;
	[tilespmem:$0x1E500] =	vst v63  }
0x82: {  	_ =	swait.ge [sflag:s2], $0x4800  }
0x83: {  	[sflag:s2] =	ssyncset.done $0x0  }
0x84: {  	[sflag:s2] =	ssyncadd.s32 $0xFFFFB800  }
0x85: {  	[tilespmem:s5], [sflag:$0x1] =	stream.indirect.gather [hbm4b:s20+s4], $0x90, s7, s4, $0xb8;
	[tilespmem:$0x1E500] =	vst v63  }
0x86: {  	_ =	swait.ge [sflag:s2], $0x4800  }
0x87: {  	[sflag:s2] =	ssyncset.done $0x0  }
0x88: {  	[sflag:s2] =	ssyncadd.s32 $0xFFFFB800  }
0x89: {  	[spmem:s18] =	stream.indirect.scatter.add.f32 [tilespmem:s5], [sflag:$0x1], $0x90, s8, s4, $0xb8;
	[tilespmem:$0x1E500] =	vst v63  }
0x8a: {  	_ =	swait.ge [sflag:s2], $0x4800  }
0x8b: {  	[sflag:s2] =	ssyncset.done $0x0  }
0x8c: {  	[sflag:s2] =	ssyncadd.s32 $0xFFFFB800  }
0x8d: {  	[tilespmem:s5], [sflag:$0x1] =	stream.indirect.gather [hbm4b:s20+s4], $0x90, s9, s4, $0xb8;
	[tilespmem:$0x1E500] =	vst v63  }
0x8e: {  	_ =	swait.ge [sflag:s2], $0x4800  }
0x8f: {  	[sflag:s2] =	ssyncset.done $0x0  }
0x90: {  	[sflag:s2] =	ssyncadd.s32 $0xFFFFB800  }
0x91: {  	[spmem:s18] =	stream.indirect.scatter.add.f32 [tilespmem:s5], [sflag:$0x1], $0x90, s10, s4, $0xb8;
	[tilespmem:$0x1E500] =	vst v63  }
0x92: {  	_ =	swait.ge [sflag:s2], $0x4800  }
0x93: {  	[sflag:s2] =	ssyncset.done $0x0  }
0x94: {  	[sflag:s2] =	ssyncadd.s32 $0xFFFFB800  }
0x95: {  	[tilespmem:s5], [sflag:$0x1] =	stream.indirect.gather [hbm4b:s20+s4], $0x90, s11, s4, $0xb8;
	[tilespmem:$0x1E500] =	vst v63  }
0x96: {  	_ =	swait.ge [sflag:s2], $0x4800  }
0x97: {  	[sflag:s2] =	ssyncset.done $0x0  }
0x98: {  	[sflag:s2] =	ssyncadd.s32 $0xFFFFB800  }
0x99: {  	[spmem:s18] =	stream.indirect.scatter.add.f32 [tilespmem:s5], [sflag:$0x1], $0x90, s12, s4, $0xb8;
	[tilespmem:$0x1E500] =	vst v63  }
0x9a: {  	_ =	swait.ge [sflag:s2], $0x4800  }
0x9b: {  	[sflag:s2] =	ssyncset.done $0x0  }
0x9c: {  	[sflag:s2] =	ssyncadd.s32 $0xFFFFB800  }
0x9d: {  	[tilespmem:s5], [sflag:$0x1] =	stream.indirect.gather [hbm4b:s20+s4], $0x90, s13, s4, $0xb8;
	[tilespmem:$0x1E500] =	vst v63  }
0x9e: {  	_ =	swait.ge [sflag:s2], $0x4800  }
0x9f: {  	[sflag:s2] =	ssyncset.done $0x0  }
0xa0: {  	[sflag:s2] =	ssyncadd.s32 $0xFFFFB800  }
0xa1: {  	[spmem:s18] =	stream.indirect.scatter.add.f32 [tilespmem:s5], [sflag:$0x1], $0x90, s14, s4, $0xb8;
	[tilespmem:$0x1E500] =	vst v63  }
0xa2: {  	_ =	swait.ge [sflag:s2], $0x4800  }
0xa3: {  	[sflag:s2] =	ssyncset.done $0x0  }
0xa4: {  	[sflag:s2] =	ssyncadd.s32 $0xFFFFB800  }
0xa5: {  	[tilespmem:s5], [sflag:$0x1] =	stream.indirect.gather [hbm4b:s20+s4], $0x90, s15, s4, $0xb8;
	[tilespmem:$0x1E500] =	vst v63  }
0xa6: {  	_ =	swait.ge [sflag:s2], $0x4800  }
0xa7: {  	[sflag:s2] =	ssyncset.done $0x0  }
0xa8: {  	[sflag:s2] =	ssyncadd.s32 $0xFFFFB800  }
0xa9: {  	[spmem:s18] =	stream.indirect.scatter.add.f32 [tilespmem:s5], [sflag:$0x1], $0x90, s17, s4, $0xb8;
	[tilespmem:$0x1E500] =	vst v63  }
0xaa: {  	_ =	swait.ge [sflag:s2], $0x4800  }
0xab: {  	[sflag:s2] =	ssyncset.done $0x0  }
0xac: {  	[sflag:s2] =	ssyncadd.s32 $0xFFFFB800  }
0xad: {  	[tilespmem:s5], [sflag:$0x1] =	stream.indirect.gather [hbm4b:s20+s4], $0x90, s19, s4, $0xb8;
	[tilespmem:$0x1E500] =	vst v63  }
0xae: {  	_ =	swait.ge [sflag:s2], $0x4800  }
0xaf: {  	[sflag:s2] =	ssyncset.done $0x0  }
0xb0: {  	[sflag:s2] =	ssyncadd.s32 $0xFFFFB800  }
0xb1: {  	[spmem:s18] =	stream.indirect.scatter.add.f32 [tilespmem:s5], [sflag:$0x1], $0x90, s30, s4, $0xb8;
	[tilespmem:$0x1E500] =	vst v63  }
0xb2: {  	s22 =	simm.s32 $0x80;
	_ =	swait.ge [sflag:s2], $0x4800  }
0xb3: {  	s23 =	simm.s32 $0x100;
	s0 =	simm.s32 $0x5000;
	[sflag:s2] =	ssyncset.done $0x0  }
.LBB2_2:
0xb4: {  	s25 =	sadd.s32 s22, s16  }
0xb5: {  	[sflag:s2] =	ssyncadd.s32 $0xFFFFB800;
	s26 =	smov.u32 s23;
	s24 =	sadd.s32 $0x80, s23  }
0xb6: {  	[tilespmem:s1], [sflag:$0x1] =	stream.linear.gather [hbm4b:s25+s1], $0x400, $0x38;
	[tilespmem:$0x1E500] =	vst v63  }
0xb7: {  	p0 =	sne.s32 s23, $0x400;
	_ =	swait.ge [sflag:s2], $0x400  }
0xb8: {  	[sflag:s2] =	ssyncset.done $0x0  }
0xb9: {  	s23 =	sadd.s32 s22, s31;
	s22 =	smov.u32 s26;
	[sflag:s2] =	ssyncadd.s32 $0xFFFFFC00  }
0xba: {  	[tilespmem:s3], [sflag:$0x1] =	stream.linear.gather [hbm4b:s23+s1], $0x400, $0x38;
	[tilespmem:$0x1E500] =	vst v63  }
0xbb: {  	_ =	swait.ge [sflag:s2], $0x400  }
0xbc: {  	[sflag:s2] =	ssyncset.done $0x0  }
0xbd: {  	[sflag:s2] =	ssyncadd.s32 $0xFFFFFC00  }
0xbe: {  	[tilespmem:s5], [sflag:$0x1] =	stream.indirect.gather [hbm4b:s20+s4], $0x90, s1, s4, $0xb8;
	[tilespmem:$0x1E500] =	vst v63  }
0xbf: {  	_ =	swait.ge [sflag:s2], $0x4800  }
0xc0: {  	[sflag:s2] =	ssyncset.done $0x0  }
0xc1: {  	[sflag:s2] =	ssyncadd.s32 $0xFFFFB800  }
0xc2: {  	[spmem:s18] =	stream.indirect.scatter.add.f32 [tilespmem:s5], [sflag:$0x1], $0x90, s3, s4, $0xb8;
	[tilespmem:$0x1E500] =	vst v63  }
0xc3: {  	_ =	swait.ge [sflag:s2], $0x4800  }
0xc4: {  	[sflag:s2] =	ssyncset.done $0x0  }
0xc5: {  	[sflag:s2] =	ssyncadd.s32 $0xFFFFB800  }
0xc6: {  	[tilespmem:s5], [sflag:$0x1] =	stream.indirect.gather [hbm4b:s20+s4], $0x90, s4, s4, $0xb8;
	[tilespmem:$0x1E500] =	vst v63  }
0xc7: {  	_ =	swait.ge [sflag:s2], $0x4800  }
0xc8: {  	[sflag:s2] =	ssyncset.done $0x0  }
0xc9: {  	[sflag:s2] =	ssyncadd.s32 $0xFFFFB800  }
0xca: {  	[spmem:s18] =	stream.indirect.scatter.add.f32 [tilespmem:s5], [sflag:$0x1], $0x90, s6, s4, $0xb8;
	[tilespmem:$0x1E500] =	vst v63  }
0xcb: {  	_ =	swait.ge [sflag:s2], $0x4800  }
0xcc: {  	[sflag:s2] =	ssyncset.done $0x0  }
0xcd: {  	[sflag:s2] =	ssyncadd.s32 $0xFFFFB800  }
0xce: {  	[tilespmem:s5], [sflag:$0x1] =	stream.indirect.gather [hbm4b:s20+s4], $0x90, s7, s4, $0xb8;
	[tilespmem:$0x1E500] =	vst v63  }
0xcf: {  	_ =	swait.ge [sflag:s2], $0x4800  }
0xd0: {  	[sflag:s2] =	ssyncset.done $0x0  }
0xd1: {  	[sflag:s2] =	ssyncadd.s32 $0xFFFFB800  }
0xd2: {  	[spmem:s18] =	stream.indirect.scatter.add.f32 [tilespmem:s5], [sflag:$0x1], $0x90, s8, s4, $0xb8;
	[tilespmem:$0x1E500] =	vst v63  }
0xd3: {  	_ =	swait.ge [sflag:s2], $0x4800  }
0xd4: {  	[sflag:s2] =	ssyncset.done $0x0  }
0xd5: {  	[sflag:s2] =	ssyncadd.s32 $0xFFFFB800  }
0xd6: {  	[tilespmem:s5], [sflag:$0x1] =	stream.indirect.gather [hbm4b:s20+s4], $0x90, s9, s4, $0xb8;
	[tilespmem:$0x1E500] =	vst v63  }
0xd7: {  	_ =	swait.ge [sflag:s2], $0x4800  }
0xd8: {  	[sflag:s2] =	ssyncset.done $0x0  }
0xd9: {  	[sflag:s2] =	ssyncadd.s32 $0xFFFFB800  }
0xda: {  	[spmem:s18] =	stream.indirect.scatter.add.f32 [tilespmem:s5], [sflag:$0x1], $0x90, s10, s4, $0xb8;
	[tilespmem:$0x1E500] =	vst v63  }
0xdb: {  	_ =	swait.ge [sflag:s2], $0x4800  }
0xdc: {  	[sflag:s2] =	ssyncset.done $0x0  }
0xdd: {  	[sflag:s2] =	ssyncadd.s32 $0xFFFFB800  }
0xde: {  	[tilespmem:s5], [sflag:$0x1] =	stream.indirect.gather [hbm4b:s20+s4], $0x90, s11, s4, $0xb8;
	[tilespmem:$0x1E500] =	vst v63  }
0xdf: {  	_ =	swait.ge [sflag:s2], $0x4800  }
0xe0: {  	[sflag:s2] =	ssyncset.done $0x0  }
0xe1: {  	[sflag:s2] =	ssyncadd.s32 $0xFFFFB800  }
0xe2: {  	[spmem:s18] =	stream.indirect.scatter.add.f32 [tilespmem:s5], [sflag:$0x1], $0x90, s12, s4, $0xb8;
	[tilespmem:$0x1E500] =	vst v63  }
0xe3: {  	_ =	swait.ge [sflag:s2], $0x4800  }
0xe4: {  	[sflag:s2] =	ssyncset.done $0x0  }
0xe5: {  	[sflag:s2] =	ssyncadd.s32 $0xFFFFB800  }
0xe6: {  	[tilespmem:s5], [sflag:$0x1] =	stream.indirect.gather [hbm4b:s20+s4], $0x90, s13, s4, $0xb8;
	[tilespmem:$0x1E500] =	vst v63  }
0xe7: {  	_ =	swait.ge [sflag:s2], $0x4800  }
0xe8: {  	[sflag:s2] =	ssyncset.done $0x0  }
0xe9: {  	[sflag:s2] =	ssyncadd.s32 $0xFFFFB800  }
0xea: {  	[spmem:s18] =	stream.indirect.scatter.add.f32 [tilespmem:s5], [sflag:$0x1], $0x90, s14, s4, $0xb8;
	[tilespmem:$0x1E500] =	vst v63  }
0xeb: {  	_ =	swait.ge [sflag:s2], $0x4800  }
0xec: {  	[sflag:s2] =	ssyncset.done $0x0  }
0xed: {  	[sflag:s2] =	ssyncadd.s32 $0xFFFFB800  }
0xee: {  	[tilespmem:s5], [sflag:$0x1] =	stream.indirect.gather [hbm4b:s20+s4], $0x90, s15, s4, $0xb8;
	[tilespmem:$0x1E500] =	vst v63  }
0xef: {  	_ =	swait.ge [sflag:s2], $0x4800  }
0xf0: {  	[sflag:s2] =	ssyncset.done $0x0  }
0xf1: {  	[sflag:s2] =	ssyncadd.s32 $0xFFFFB800  }
0xf2: {  	[spmem:s18] =	stream.indirect.scatter.add.f32 [tilespmem:s5], [sflag:$0x1], $0x90, s17, s4, $0xb8;
	[tilespmem:$0x1E500] =	vst v63  }
0xf3: {  	_ =	swait.ge [sflag:s2], $0x4800  }
0xf4: {  	[sflag:s2] =	ssyncset.done $0x0  }
0xf5: {  	[sflag:s2] =	ssyncadd.s32 $0xFFFFB800  }
0xf6: {  	[tilespmem:s5], [sflag:$0x1] =	stream.indirect.gather [hbm4b:s20+s4], $0x90, s19, s4, $0xb8;
	[tilespmem:$0x1E500] =	vst v63  }
0xf7: {  	_ =	swait.ge [sflag:s2], $0x4800  }
.Ltmp0:
0xf8: {  	[sflag:s2] =	ssyncset.done $0x0;
	(pc) =	sbr.rel @p0 .LBB2_2-.Ltmp0, $4  }
0xf9: {  	[sflag:s2] =	ssyncadd.s32 $0xFFFFB800  }
0xfa: {  	[spmem:s18] =	stream.indirect.scatter.add.f32 [tilespmem:s5], [sflag:$0x1], $0x90, s30, s4, $0xb8;
	[tilespmem:$0x1E500] =	vst v63  }
0xfb: {  	_ =	swait.ge [sflag:s2], $0x4800  }
0xfc: {  	s23 =	smov.u32 s24;
	[sflag:s2] =	ssyncset.done $0x0  }
0xfd: {  	s23 =	sadd.s32 s22, s16;
	[sflag:s2] =	ssyncadd.s32 $0xFFFFB800  }
0xfe: {  	[tilespmem:s1], [sflag:$0x1] =	stream.linear.gather [hbm4b:s23+s1], $0x400, $0x38;
	[tilespmem:$0x1E500] =	vst v63  }
0xff: {  	_ =	swait.ge [sflag:s2], $0x400  }
0x100: {  	[sflag:s2] =	ssyncset.done $0x0  }
0x101: {  	s25 =	sadd.s32 s22, s31;
	[sflag:s2] =	ssyncadd.s32 $0xFFFFFC00  }
0x102: {  	[tilespmem:s3], [sflag:$0x1] =	stream.linear.gather [hbm4b:s25+s1], $0x400, $0x38;
	[tilespmem:$0x1E500] =	vst v63  }
0x103: {  	_ =	swait.ge [sflag:s2], $0x400  }
0x104: {  	[sflag:s2] =	ssyncset.done $0x0  }
0x105: {  	[sflag:s2] =	ssyncadd.s32 $0xFFFFFC00  }
0x106: {  	[tilespmem:s5], [sflag:$0x1] =	stream.indirect.gather [hbm4b:s20+s4], $0x90, s1, s4, $0xb8;
	[tilespmem:$0x1E500] =	vst v63  }
0x107: {  	_ =	swait.ge [sflag:s2], $0x4800  }
0x108: {  	[sflag:s2] =	ssyncset.done $0x0  }
0x109: {  	[sflag:s2] =	ssyncadd.s32 $0xFFFFB800  }
0x10a: {  	[spmem:s18] =	stream.indirect.scatter.add.f32 [tilespmem:s5], [sflag:$0x1], $0x90, s3, s4, $0xb8;
	[tilespmem:$0x1E500] =	vst v63  }
0x10b: {  	_ =	swait.ge [sflag:s2], $0x4800  }
0x10c: {  	[sflag:s2] =	ssyncset.done $0x0  }
0x10d: {  	[sflag:s2] =	ssyncadd.s32 $0xFFFFB800  }
0x10e: {  	[tilespmem:s5], [sflag:$0x1] =	stream.indirect.gather [hbm4b:s20+s4], $0x90, s4, s4, $0xb8;
	[tilespmem:$0x1E500] =	vst v63  }
0x10f: {  	_ =	swait.ge [sflag:s2], $0x4800  }
0x110: {  	[sflag:s2] =	ssyncset.done $0x0  }
0x111: {  	[sflag:s2] =	ssyncadd.s32 $0xFFFFB800  }
0x112: {  	[spmem:s18] =	stream.indirect.scatter.add.f32 [tilespmem:s5], [sflag:$0x1], $0x90, s6, s4, $0xb8;
	[tilespmem:$0x1E500] =	vst v63  }
0x113: {  	_ =	swait.ge [sflag:s2], $0x4800  }
0x114: {  	[sflag:s2] =	ssyncset.done $0x0  }
0x115: {  	[sflag:s2] =	ssyncadd.s32 $0xFFFFB800  }
0x116: {  	[tilespmem:s5], [sflag:$0x1] =	stream.indirect.gather [hbm4b:s20+s4], $0x90, s7, s4, $0xb8;
	[tilespmem:$0x1E500] =	vst v63  }
0x117: {  	_ =	swait.ge [sflag:s2], $0x4800  }
0x118: {  	[sflag:s2] =	ssyncset.done $0x0  }
0x119: {  	[sflag:s2] =	ssyncadd.s32 $0xFFFFB800  }
0x11a: {  	[spmem:s18] =	stream.indirect.scatter.add.f32 [tilespmem:s5], [sflag:$0x1], $0x90, s8, s4, $0xb8;
	[tilespmem:$0x1E500] =	vst v63  }
0x11b: {  	_ =	swait.ge [sflag:s2], $0x4800  }
0x11c: {  	[sflag:s2] =	ssyncset.done $0x0  }
0x11d: {  	[sflag:s2] =	ssyncadd.s32 $0xFFFFB800  }
0x11e: {  	[tilespmem:s5], [sflag:$0x1] =	stream.indirect.gather [hbm4b:s20+s4], $0x90, s9, s4, $0xb8;
	[tilespmem:$0x1E500] =	vst v63  }
0x11f: {  	_ =	swait.ge [sflag:s2], $0x4800  }
0x120: {  	[sflag:s2] =	ssyncset.done $0x0  }
0x121: {  	[sflag:s2] =	ssyncadd.s32 $0xFFFFB800  }
0x122: {  	[spmem:s18] =	stream.indirect.scatter.add.f32 [tilespmem:s5], [sflag:$0x1], $0x90, s10, s4, $0xb8;
	[tilespmem:$0x1E500] =	vst v63  }
0x123: {  	_ =	swait.ge [sflag:s2], $0x4800  }
0x124: {  	[sflag:s2] =	ssyncset.done $0x0  }
0x125: {  	[sflag:s2] =	ssyncadd.s32 $0xFFFFB800  }
0x126: {  	[tilespmem:s5], [sflag:$0x1] =	stream.indirect.gather [hbm4b:s20+s4], $0x90, s11, s4, $0xb8;
	[tilespmem:$0x1E500] =	vst v63  }
0x127: {  	_ =	swait.ge [sflag:s2], $0x4800  }
0x128: {  	[sflag:s2] =	ssyncset.done $0x0  }
0x129: {  	[sflag:s2] =	ssyncadd.s32 $0xFFFFB800  }
0x12a: {  	[spmem:s18] =	stream.indirect.scatter.add.f32 [tilespmem:s5], [sflag:$0x1], $0x90, s12, s4, $0xb8;
	[tilespmem:$0x1E500] =	vst v63  }
0x12b: {  	_ =	swait.ge [sflag:s2], $0x4800  }
0x12c: {  	[sflag:s2] =	ssyncset.done $0x0  }
0x12d: {  	[sflag:s2] =	ssyncadd.s32 $0xFFFFB800  }
0x12e: {  	[tilespmem:s5], [sflag:$0x1] =	stream.indirect.gather [hbm4b:s20+s4], $0x90, s13, s4, $0xb8;
	[tilespmem:$0x1E500] =	vst v63  }
0x12f: {  	_ =	swait.ge [sflag:s2], $0x4800  }
0x130: {  	[sflag:s2] =	ssyncset.done $0x0  }
0x131: {  	[sflag:s2] =	ssyncadd.s32 $0xFFFFB800  }
0x132: {  	[spmem:s18] =	stream.indirect.scatter.add.f32 [tilespmem:s5], [sflag:$0x1], $0x90, s14, s4, $0xb8;
	[tilespmem:$0x1E500] =	vst v63  }
0x133: {  	_ =	swait.ge [sflag:s2], $0x4800  }
0x134: {  	[sflag:s2] =	ssyncset.done $0x0  }
0x135: {  	[sflag:s2] =	ssyncadd.s32 $0xFFFFB800  }
0x136: {  	[tilespmem:s5], [sflag:$0x1] =	stream.indirect.gather [hbm4b:s20+s4], $0x90, s15, s4, $0xb8;
	[tilespmem:$0x1E500] =	vst v63  }
0x137: {  	_ =	swait.ge [sflag:s2], $0x4800  }
0x138: {  	[sflag:s2] =	ssyncset.done $0x0  }
0x139: {  	[sflag:s2] =	ssyncadd.s32 $0xFFFFB800  }
0x13a: {  	[spmem:s18] =	stream.indirect.scatter.add.f32 [tilespmem:s5], [sflag:$0x1], $0x90, s17, s4, $0xb8;
	[tilespmem:$0x1E500] =	vst v63  }
0x13b: {  	_ =	swait.ge [sflag:s2], $0x4800  }
0x13c: {  	[sflag:s2] =	ssyncset.done $0x0  }
0x13d: {  	[sflag:s2] =	ssyncadd.s32 $0xFFFFB800  }
0x13e: {  	[tilespmem:s5], [sflag:$0x1] =	stream.indirect.gather [hbm4b:s20+s4], $0x90, s19, s4, $0xb8;
	[tilespmem:$0x1E500] =	vst v63  }
0x13f: {  	_ =	swait.ge [sflag:s2], $0x4800  }
0x140: {  	[sflag:s2] =	ssyncset.done $0x0  }
0x141: {  	[sflag:s2] =	ssyncadd.s32 $0xFFFFB800  }
0x142: {  	[spmem:s18] =	stream.indirect.scatter.add.f32 [tilespmem:s5], [sflag:$0x1], $0x90, s30, s4, $0xb8;
	[tilespmem:$0x1E500] =	vst v63  }
0x143: {  	_ =	swait.ge [sflag:s2], $0x4800  }
0x144: {  	[sflag:s2] =	ssyncset.done $0x0  }
0x145: {  	[sflag:s2] =	ssyncadd.s32 $0xFFFFB800  }
0x146: {  	[bflag:$0x0] =	sbarrier.arrive $0xFFFF  }
0x147: {  	s21 =	rddreg [dreg:$0x16]  }
0x148: {  	[tilespmem:s0], [sflag:$0x1] =	stream.linear.gather [spmem:s21], $0x2D00, $0x38;
	[tilespmem:$0x1E500] =	vst v63  }
0x149: {  	_ =	swait.ge [sflag:s2], $0x2D00  }
0x14a: {  	[sflag:s2] =	ssyncset.done $0x0  }
0x14b: {  	s26 =	rddreg [dreg:$0xb];
	[sflag:s2] =	ssyncadd.s32 $0xFFFFD300  }
0x14c: {  	[hbm4b:s26+s1] =	stream.linear.scatter [tilespmem:s0], [sflag:$0x1], $0x2D00, $0x38;
	[tilespmem:$0x1E500] =	vst v63  }
0x14d: {  	_ =	swait.ge [sflag:s2], $0x2D00  }
0x14e: {  	[sflag:s2] =	ssyncset.done $0x0  }
0x14f: {  	[sflag:s2] =	ssyncadd.s32 $0xFFFFD300  }
0x150: {  	[tilespmem:s0], [sflag:$0x1] =	stream.linear.gather [spmem:s29], $0x2D00, $0x38;
	[tilespmem:$0x1E500] =	vst v63  }
0x151: {  	_ =	swait.ge [sflag:s2], $0x2D00  }
0x152: {  	[sflag:s2] =	ssyncset.done $0x0  }
0x153: {  	s21 =	rddreg [dreg:$0xc];
	[sflag:s2] =	ssyncadd.s32 $0xFFFFD300  }
0x154: {  	[hbm4b:s21+s1] =	stream.linear.scatter [tilespmem:s0], [sflag:$0x1], $0x2D00, $0x38;
	[tilespmem:$0x1E500] =	vst v63  }
0x155: {  	_ =	swait.ge [sflag:s2], $0x2D00  }
0x156: {  	[sflag:s2] =	ssyncset.done $0x0  }
0x157: {  	s25 =	rddreg [dreg:$0x13];
	[sflag:s2] =	ssyncadd.s32 $0xFFFFD300  }
0x158: {  	[tilespmem:s0], [sflag:$0x1] =	stream.linear.gather [spmem:s25], $0x2D00, $0x38;
	[tilespmem:$0x1E500] =	vst v63  }
0x159: {  	_ =	swait.ge [sflag:s2], $0x2D00  }
0x15a: {  	[sflag:s2] =	ssyncset.done $0x0  }
0x15b: {  	s23 =	rddreg [dreg:$0xd];
	[sflag:s2] =	ssyncadd.s32 $0xFFFFD300  }
0x15c: {  	[hbm4b:s23+s1] =	stream.linear.scatter [tilespmem:s0], [sflag:$0x1], $0x2D00, $0x38;
	[tilespmem:$0x1E500] =	vst v63  }
0x15d: {  	_ =	swait.ge [sflag:s2], $0x2D00  }
0x15e: {  	[sflag:s2] =	ssyncset.done $0x0  }
0x15f: {  	s26 =	rddreg [dreg:$0x14];
	[sflag:s2] =	ssyncadd.s32 $0xFFFFD300  }
0x160: {  	[tilespmem:s0], [sflag:$0x1] =	stream.linear.gather [spmem:s26], $0x2D00, $0x38;
	[tilespmem:$0x1E500] =	vst v63  }
0x161: {  	_ =	swait.ge [sflag:s2], $0x2D00  }
0x162: {  	[sflag:s2] =	ssyncset.done $0x0  }
0x163: {  	s24 =	rddreg [dreg:$0xe];
	[sflag:s2] =	ssyncadd.s32 $0xFFFFD300  }
0x164: {  	[hbm4b:s24+s1] =	stream.linear.scatter [tilespmem:s0], [sflag:$0x1], $0x2D00, $0x38;
	[tilespmem:$0x1E500] =	vst v63  }
0x165: {  	_ =	swait.ge [sflag:s2], $0x2D00  }
0x166: {  	[sflag:s2] =	ssyncset.done $0x0  }
0x167: {  	s28 =	rddreg [dreg:$0x15];
	[sflag:s2] =	ssyncadd.s32 $0xFFFFD300  }
0x168: {  	[tilespmem:s0], [sflag:$0x1] =	stream.linear.gather [spmem:s28], $0x2D00, $0x38;
	[tilespmem:$0x1E500] =	vst v63  }
0x169: {  	_ =	swait.ge [sflag:s2], $0x2D00  }
0x16a: {  	[sflag:s2] =	ssyncset.done $0x0  }
0x16b: {  	s21 =	rddreg [dreg:$0xf];
	[sflag:s2] =	ssyncadd.s32 $0xFFFFD300  }
0x16c: {  	[hbm4b:s21+s1] =	stream.linear.scatter [tilespmem:s0], [sflag:$0x1], $0x2D00, $0x38;
	[tilespmem:$0x1E500] =	vst v63  }
0x16d: {  	_ =	swait.ge [sflag:s2], $0x2D00  }
0x16e: {  	[sflag:s2] =	ssyncset.done $0x0  }
0x16f: {  	s29 =	rddreg [dreg:$0x17];
	[sflag:s2] =	ssyncadd.s32 $0xFFFFD300  }
0x170: {  	[tilespmem:s0], [sflag:$0x1] =	stream.linear.gather [spmem:s29], $0x2D00, $0x38;
	[tilespmem:$0x1E500] =	vst v63  }
0x171: {  	_ =	swait.ge [sflag:s2], $0x2D00  }
0x172: {  	[sflag:s2] =	ssyncset.done $0x0  }
0x173: {  	s23 =	rddreg [dreg:$0x10];
	[sflag:s2] =	ssyncadd.s32 $0xFFFFD300  }
0x174: {  	[hbm4b:s23+s1] =	stream.linear.scatter [tilespmem:s0], [sflag:$0x1], $0x2D00, $0x38;
	[tilespmem:$0x1E500] =	vst v63  }
0x175: {  	_ =	swait.ge [sflag:s2], $0x2D00  }
0x176: {  	[sflag:s2] =	ssyncset.done $0x0  }
0x177: {  	s21 =	rddreg [dreg:$0x18];
	[sflag:s2] =	ssyncadd.s32 $0xFFFFD300  }
0x178: {  	[tilespmem:s0], [sflag:$0x1] =	stream.linear.gather [spmem:s21], $0x2D00, $0x38;
	[tilespmem:$0x1E500] =	vst v63  }
0x179: {  	_ =	swait.ge [sflag:s2], $0x2D00  }
0x17a: {  	[sflag:s2] =	ssyncset.done $0x0  }
0x17b: {  	s24 =	rddreg [dreg:$0x11];
	[sflag:s2] =	ssyncadd.s32 $0xFFFFD300  }
0x17c: {  	[hbm4b:s24+s1] =	stream.linear.scatter [tilespmem:s0], [sflag:$0x1], $0x2D00, $0x38;
	[tilespmem:$0x1E500] =	vst v63  }
0x17d: {  	_ =	swait.ge [sflag:s2], $0x2D00  }
0x17e: {  	[sflag:s2] =	ssyncset.done $0x0  }
0x17f: {  	s24 =	simm.s32 $0x5000;
	s0 =	rddreg [dreg:$0x19];
	[sflag:s2] =	ssyncadd.s32 $0xFFFFD300  }
0x180: {  	[tilespmem:s24], [sflag:$0x1] =	stream.linear.gather [spmem:s0], $0x2D00, $0x38;
	[tilespmem:$0x1E500] =	vst v63  }
0x181: {  	_ =	swait.ge [sflag:s2], $0x2D00  }
0x182: {  	[sflag:s2] =	ssyncset.done $0x0  }
0x183: {  	s23 =	rddreg [dreg:$0x12];
	[sflag:s2] =	ssyncadd.s32 $0xFFFFD300  }
0x184: {  	[hbm4b:s23+s1] =	stream.linear.scatter [tilespmem:s24], [sflag:$0x1], $0x2D00, $0x38;
	[tilespmem:$0x1E500] =	vst v63  }
0x185: {  	_ =	swait.ge [sflag:s2], $0x2D00  }
0x186: {  	s22 =	rddreg [dreg:$0x1b]  }
0x187: {  	s23 =	sadd.s32 $0x1, s22;
	s22 =	rddreg [dreg:$0x1a]  }
0x188: {  	p0 =	sne.s32 s23, s22  }
.Ltmp1:
0x189: {  	_ = 	snop;
	(pc) =	sbr.rel @p0 .LBB2_1-.Ltmp1, $3  }
0x18a: {  	_ =	sdelay $0x1  }
0x18b: {  	[sflag:s2] =	ssyncset.done $0x0;
	[dreg:$0x1b] =	wrdreg s23  }
0x18c: {  	[sflag:s2] =	ssyncadd.s32 $0xFFFFD300;
	s23 =	rddreg [dreg:$0x16]  }
0x18d: {  	_ =	sfence.sel $0x180000  }
0x18e: {  	[bflag:$0x0] =	sbarrier.arrive $0xFFFF  }
0x18f: {  	_ =	strace $0x90000047  }
0x190: {  	s0 =	stileid.u32;
	[bflag:$0x2] =	sbarrier.arrive $0xFFFF  }
0x191: {  	p0 =	sne.s32 s0, $0x0;
	s0 =	rddreg [dreg:$0x2]  }
0x192: {  	s0 =	sadd.s32 @!p0 $0x100000, s0  }
0x193: {  	[sflag:s0] =	ssyncadd.tile.s32 @!p0 $0x1;
	_ =	shalt  }
.Lfunc_end2:
_tile_overlayer_lowered:
.L_overlay_start_2:
0x194: {  	(tag) =	ssettag $0x2  }
0x195: {  	s0 =	rddreg [dreg:$0x0];
	s2 =	stileid.u32  }
0x196: {  	s1 =	rddreg [dreg:$0x1];
	p0 =	sne.s32 s2, $0x0  }
0x197: {  	s3 =	rddreg [dreg:$0x2];
	[bflag:$0x3] =	sbarrier.arrive $0xFFFF;
	s2 =	simm.s32 @!p0 $0x1C01  }
0x198: {  	[timem:s3], [sflag:s2] =	dma.local @!p0 [hbm:s0], s1  }
0x199: {  	s0 =	simm.s32 @!p0 $0x1  }
0x19a: {  	_ =	swait.ge @!p0 [sflag:s0], s1  }
0x19b: {  	s1 =	ssub.s32 @!p0 $0x0, s1;
	[sflag:s0] =	ssyncset.done @!p0 $0x0  }
0x19c: {  	[sflag:s0] =	ssyncadd.s32 @!p0 s1  }
0x19d: {  	[bflag:$0x3] =	sbarrier.arrive $0xFFFF  }
0x19e: {  	_ =	shalt  }

</sc_bundles>
